<compile_context>
chip_gen: v7x
topology: tpu7x:2x2x1
jax: 0.10.2.dev20260603
libtpu: 0.0.44.dev20260713+nightly
codegen_flags: <defaults>
</compile_context>

<pallas_src>
import dataclasses

import jax
import jax.numpy as jnp
from jax import lax
from jax.experimental import pallas as pl
from jax.experimental.pallas import tpu as pltpu
from jax.experimental.pallas import tpu_sc as plsc

_VOCAB = 100000
_DIM = 128
_B = 16384
_NEG = 20
_K = _NEG + 1
_NC = 2
_NS = 16
_NW = _NC * _NS
_BW = _B // _NW
_G = 16
_NCHUNK = _BW // _G
_DOTS = _G * _K
_L = 16
_L2 = 32
_NCH = _DIM // _L
_NCH2 = _DIM // _L2
_GRPS = ((0, 128), (128, 128), (256, 80))


def _sc_scores_body(v_hbm, u_hbm, cidx_hbm, uidx_hbm, scores_hbm,
                    cidx0_v, cidx1_v, uidx0_v, uidx1_v, vc0_v, vc1_v,
                    u0_v, u1_v, acc_v, sc0_v, sc1_v,
                    semv0, semv1, semu0, semu1, sems0, sems1):
    wid = lax.axis_index("s") * _NC + lax.axis_index("c")
    cidx = (cidx0_v, cidx1_v)
    uidx = (uidx0_v, uidx1_v)
    vc = (vc0_v, vc1_v)
    uu = (u0_v, u1_v)
    scv = (sc0_v, sc1_v)
    semv = (semv0, semv1)
    semu = (semu0, semu1)
    sems = (sems0, sems1)

    def stage(b, j):
        cb = wid * _BW + j * _G
        pltpu.sync_copy(cidx_hbm.at[pl.ds(cb, _G)], cidx[b])
        pltpu.sync_copy(uidx_hbm.at[pl.ds(cb * _K, _DOTS)], uidx[b])

    def fire(b):
        pltpu.async_copy(v_hbm.at[cidx[b]], vc[b], semv[b])
        for off, sz in _GRPS:
            pltpu.async_copy(
                u_hbm.at[uidx[b].at[pl.ds(off, sz)]],
                uu[b].at[pl.ds(off, sz)], semu[b])

    def drain(b):
        pltpu.make_async_copy(v_hbm.at[cidx[b]], vc[b], semv[b]).wait()
        for off, sz in _GRPS:
            pltpu.make_async_copy(
                u_hbm.at[uidx[b].at[pl.ds(off, sz)]],
                uu[b].at[pl.ds(off, sz)], semu[b]).wait()

    def drain_scores(b, j):
        pltpu.make_async_copy(
            scv[b],
            scores_hbm.at[pl.ds((wid * _BW + j * _G) * _K, _DOTS)],
            sems[b]).wait()

    def compute(b, j):
        cb = wid * _BW + j * _G
        vc_b, u_b, sc_b = vc[b], uu[b], scv[b]

        @plsc.parallel_loop(0, _G, 1, unroll=2)
        def _per_b(g):
            vcc = [vc_b[g, pl.ds(c * _L, _L)] for c in range(_NCH)]
            for k in range(_K):
                r = g * _K + k
                acc = vcc[0] * u_b[r, pl.ds(0, _L)]
                for c in range(1, _NCH):
                    acc = acc + vcc[c] * u_b[r, pl.ds(c * _L, _L)]
                acc_v[pl.ds(r * _L, _L)] = acc

        @pl.when(j >= 2)
        def _():
            drain_scores(b, j - 2)

        @plsc.parallel_loop(0, _K, 1, unroll=2)
        def _reduce(t):
            tot = None
            for l in range(_L):
                gi = lax.iota(jnp.int32, _L) * _L + (t * (_L * _L) + l)
                gl = plsc.load_gather(acc_v, [gi])
                tot = gl if tot is None else tot + gl
            sc_b[pl.ds(t * _L, _L)] = tot

        pltpu.async_copy(sc_b, scores_hbm.at[pl.ds(cb * _K, _DOTS)],
                         sems[b])

    stage(0, 0)
    fire(0)

    @pl.loop(0, _NCHUNK, step=2)
    def _chunks(j):
        stage(1, j + 1)
        fire(1)
        drain(0)
        compute(0, j)

        @pl.when(j + 2 < _NCHUNK)
        def _():
            stage(0, j + 2)
            fire(0)

        drain(1)
        compute(1, j + 1)

    drain_scores(0, _NCHUNK - 2)
    drain_scores(1, _NCHUNK - 1)


def _tc_loss_body(s_ref, o_ref):
    s = s_ref[...]
    n_rows = _B * _K // 128
    rows = lax.broadcasted_iota(jnp.int32, (n_rows, 128), 0)
    cols = lax.broadcasted_iota(jnp.int32, (n_rows, 128), 1)
    didx = rows * 128 + cols
    x = jnp.where(didx % _K == 0, s, -s)
    term = jnp.log(jax.nn.sigmoid(x) + 1e-10)
    o_ref[0, 0] = -jnp.sum(term) / _B


def kernel(center, context, negatives, V, U):
    center = center.astype(jnp.int32)
    uidx = jnp.concatenate([context[:, None], negatives], axis=1)
    uidx = uidx.reshape(_B * _K).astype(jnp.int32)

    cp = pltpu.CompilerParams()
    if "needs_layout_passes" in pltpu.CompilerParams.__dataclass_fields__:
        cp = dataclasses.replace(cp, needs_layout_passes=False)
    if "use_tc_tiling_on_sc" in pltpu.CompilerParams.__dataclass_fields__:
        cp = dataclasses.replace(cp, use_tc_tiling_on_sc=False)
    mesh = plsc.VectorSubcoreMesh(core_axis_name="c", subcore_axis_name="s")
    sc = pl.kernel(
        _sc_scores_body,
        out_type=jax.ShapeDtypeStruct((_B * _K,), jnp.float32),
        mesh=mesh,
        compiler_params=cp,
        scratch_types=[
            pltpu.VMEM((_G,), jnp.int32),
            pltpu.VMEM((_G,), jnp.int32),
            pltpu.VMEM((_DOTS,), jnp.int32),
            pltpu.VMEM((_DOTS,), jnp.int32),
            pltpu.VMEM((_G, _DIM), jnp.float32),
            pltpu.VMEM((_G, _DIM), jnp.float32),
            pltpu.VMEM((_DOTS, _DIM), jnp.float32),
            pltpu.VMEM((_DOTS, _DIM), jnp.float32),
            pltpu.VMEM((_DOTS * _L,), jnp.float32),
            pltpu.VMEM((_DOTS,), jnp.float32),
            pltpu.VMEM((_DOTS,), jnp.float32),
            pltpu.SemaphoreType.DMA,
            pltpu.SemaphoreType.DMA,
            pltpu.SemaphoreType.DMA,
            pltpu.SemaphoreType.DMA,
            pltpu.SemaphoreType.DMA,
            pltpu.SemaphoreType.DMA,
        ],
    )
    scores = sc(V, U, center, uidx)

    s2 = scores.reshape(_B * _K // 128, 128)
    out = pl.pallas_call(
        _tc_loss_body,
        out_shape=jax.ShapeDtypeStruct((1, 1), jnp.float32),
        out_specs=pl.BlockSpec(memory_space=pltpu.SMEM),
    )(s2)
    return out[0, 0]

# --- scband reference (transcript-rebuilt; emitter-appended) ---
"""Pipeline reference for scband-skip-gram-model-24232205484473 (READ-ONLY COPY).

The authoritative reference and input builder live on the scoring server;
editing this copy changes nothing except your own understanding.
"""

import jax, jax.numpy as jnp
import numpy as np

VOCAB = 100000
DIM = 128
BATCH = 16384
NEG = 20

def setup_inputs(seed: int = 0) -> dict:
    key = jax.random.key(seed)
    k1, k2, k3, k4, k5 = jax.random.split(key, 5)
    center = jax.random.randint(k1, (BATCH,), 0, VOCAB, dtype=jnp.int64 if jax.config.jax_enable_x64 else jnp.int32).astype(jnp.int32)
    context = jax.random.randint(k2, (BATCH,), 0, VOCAB).astype(jnp.int32)
    negatives = jax.random.randint(k3, (BATCH, NEG), 0, VOCAB).astype(jnp.int32)
    # Parameters: V ~ uniform(-0.5/dim, 0.5/dim) per torch init; U given small random values
    # instead of exact zeros to avoid degenerate (all-zero) scores/grads.
    V = jax.random.uniform(k4, (VOCAB, DIM), dtype=jnp.float32, minval=-0.5 / DIM, maxval=0.5 / DIM)
    U = jax.random.normal(k5, (VOCAB, DIM), dtype=jnp.float32) * (0.5 / DIM)
    return {"center": center, "context": context, "negatives": negatives, "V": V, "U": U}

def reference(center, context, negatives, V, U):
    vc = jnp.take(V, center, axis=0)                 # [B, D]
    uo = jnp.take(U, context, axis=0)                # [B, D]
    u_neg = jnp.take(U, negatives, axis=0)           # [B, K, D]
    pos_score = jnp.sum(uo * vc, axis=1)             # [B]
    neg_score = jnp.einsum('bkd,bd->bk', u_neg, vc)  # [B, K] == bmm(u_neg, vc[:, :, None]).squeeze
    loss = -jnp.mean(
        jnp.log(jax.nn.sigmoid(pos_score) + 1e-10)
        + jnp.sum(jnp.log(jax.nn.sigmoid(-neg_score) + 1e-10), axis=1)
    )
    return loss

if __name__ == "__main__":
    import jax
    _d = setup_inputs()
    print(jax.jit(kernel)(*tuple(_d.values())))

</pallas_src>

<mosaic_0001>
#map = affine_map<(d0, d1) -> (0, 0)>
#map1 = affine_map<(d0, d1) -> (0)>
module attributes {stable_mosaic.version = 14 : i64} {
  func.func @_sc_scores_body(%arg0: i32, %arg1: i32, %arg2: memref<100000x128xf32, #tpu.memory_space<hbm>>, %arg3: memref<100000x128xf32, #tpu.memory_space<hbm>>, %arg4: memref<16384xi32, #tpu.memory_space<hbm>>, %arg5: memref<344064xi32, #tpu.memory_space<hbm>>, %arg6: memref<344064xf32, #tpu.memory_space<hbm>>, %arg7: memref<16xi32, #tpu.memory_space<vmem>>, %arg8: memref<16xi32, #tpu.memory_space<vmem>>, %arg9: memref<336xi32, #tpu.memory_space<vmem>>, %arg10: memref<336xi32, #tpu.memory_space<vmem>>, %arg11: memref<16x128xf32, #tpu.memory_space<vmem>>, %arg12: memref<16x128xf32, #tpu.memory_space<vmem>>, %arg13: memref<336x128xf32, #tpu.memory_space<vmem>>, %arg14: memref<336x128xf32, #tpu.memory_space<vmem>>, %arg15: memref<5376xf32, #tpu.memory_space<vmem>>, %arg16: memref<336xf32, #tpu.memory_space<vmem>>, %arg17: memref<336xf32, #tpu.memory_space<vmem>>, %arg18: memref<!tpu.dma_semaphore, #tpu.memory_space<semaphore_mem>>, %arg19: memref<!tpu.dma_semaphore, #tpu.memory_space<semaphore_mem>>, %arg20: memref<!tpu.dma_semaphore, #tpu.memory_space<semaphore_mem>>, %arg21: memref<!tpu.dma_semaphore, #tpu.memory_space<semaphore_mem>>, %arg22: memref<!tpu.dma_semaphore, #tpu.memory_space<semaphore_mem>>, %arg23: memref<!tpu.dma_semaphore, #tpu.memory_space<semaphore_mem>>) attributes {dimension_semantics = [#tpu.dimension_semantics<core_parallel>, #tpu.dimension_semantics<subcore_parallel>], iteration_bounds = array<i64: 2, 16>, scalar_prefetch = 0 : i64, scratch_operands = 17 : i64, tpu.core_type = #tpu.core_type<sc_vector_subcore>, window_params = [{transform_indices = #map}, {transform_indices = #map}, {transform_indices = #map1}, {transform_indices = #map1}, {transform_indices = #map1}]} {
    %mul3A = arith.constant 2 : i32
    %mul3A_0 = arith.muli %arg1, %mul3A : i32
    %add3A = arith.addi %mul3A_0, %arg0 : i32
    %mul3A_1 = arith.constant 512 : i32
    %mul3A_2 = arith.muli %add3A, %mul3A_1 : i32
    %add3A_3 = arith.constant 0 : i32
    %add3A_4 = arith.addi %mul3A_2, %add3A_3 : i32
    "tpu.region"() ({
      %run_scoped3A = tpu.sem_alloc : memref<!tpu.dma_semaphore, #tpu.memory_space<semaphore_mem>>
      %dma_start3A_52 = tpu.memref_slice %arg4[%add3A_4] : memref<16384xi32, #tpu.memory_space<hbm>> -> memref<16xi32, #tpu.memory_space<hbm>>
      %dma_start3A_53 = tpu.memref_slice %arg4[%add3A_4] : memref<16384xi32, #tpu.memory_space<hbm>> -> memref<16xi32, #tpu.memory_space<hbm>>
      tpu.enqueue_dma source(%dma_start3A_53 : memref<16xi32, #tpu.memory_space<hbm>>) target(%arg7 : memref<16xi32, #tpu.memory_space<vmem>>) target_semaphore(%run_scoped3A : memref<!tpu.dma_semaphore, #tpu.memory_space<semaphore_mem>>)
      %dma_wait3A_54 = tpu.memref_slice %arg4[%add3A_4] : memref<16384xi32, #tpu.memory_space<hbm>> -> memref<16xi32, #tpu.memory_space<hbm>>
      %dma_wait3A_55 = tpu.memref_slice %arg4[%add3A_4] : memref<16384xi32, #tpu.memory_space<hbm>> -> memref<16xi32, #tpu.memory_space<hbm>>
      tpu.wait_dma2 semaphore(%run_scoped3A : memref<!tpu.dma_semaphore, #tpu.memory_space<semaphore_mem>>) src(%dma_wait3A_55 : memref<16xi32, #tpu.memory_space<hbm>>) dst(%arg7 : memref<16xi32, #tpu.memory_space<vmem>>)
      tpu.yield
    }) : () -> ()
    %mul3A_5 = arith.constant 21 : i32
    %mul3A_6 = arith.muli %add3A_4, %mul3A_5 : i32
    "tpu.region"() ({
      %run_scoped3A = tpu.sem_alloc : memref<!tpu.dma_semaphore, #tpu.memory_space<semaphore_mem>>
      %dma_start3A_52 = tpu.memref_slice %arg5[%mul3A_6] : memref<344064xi32, #tpu.memory_space<hbm>> -> memref<336xi32, #tpu.memory_space<hbm>>
      %dma_start3A_53 = tpu.memref_slice %arg5[%mul3A_6] : memref<344064xi32, #tpu.memory_space<hbm>> -> memref<336xi32, #tpu.memory_space<hbm>>
      tpu.enqueue_dma source(%dma_start3A_53 : memref<336xi32, #tpu.memory_space<hbm>>) target(%arg9 : memref<336xi32, #tpu.memory_space<vmem>>) target_semaphore(%run_scoped3A : memref<!tpu.dma_semaphore, #tpu.memory_space<semaphore_mem>>)
      %dma_wait3A_54 = tpu.memref_slice %arg5[%mul3A_6] : memref<344064xi32, #tpu.memory_space<hbm>> -> memref<336xi32, #tpu.memory_space<hbm>>
      %dma_wait3A_55 = tpu.memref_slice %arg5[%mul3A_6] : memref<344064xi32, #tpu.memory_space<hbm>> -> memref<336xi32, #tpu.memory_space<hbm>>
      tpu.wait_dma2 semaphore(%run_scoped3A : memref<!tpu.dma_semaphore, #tpu.memory_space<semaphore_mem>>) src(%dma_wait3A_55 : memref<336xi32, #tpu.memory_space<hbm>>) dst(%arg9 : memref<336xi32, #tpu.memory_space<vmem>>)
      tpu.yield
    }) : () -> ()
    %dma_start3A = arith.constant 0 : i32
    %dma_start3A_7 = arith.constant 0 : i32
    %dma_start3A_8 = tpu.memref_slice %arg2[%dma_start3A, %dma_start3A_7] : memref<100000x128xf32, #tpu.memory_space<hbm>> -> memref<100000x128xf32, #tpu.memory_space<hbm>>
    tpu.enqueue_indirect_dma source(%dma_start3A_8 : memref<100000x128xf32, #tpu.memory_space<hbm>>) target(%arg11 : memref<16x128xf32, #tpu.memory_space<vmem>>) offsets(%arg7 : memref<16xi32, #tpu.memory_space<vmem>>) semaphore(%arg18 : memref<!tpu.dma_semaphore, #tpu.memory_space<semaphore_mem>>)
    %dma_start3A_9 = arith.constant 0 : i32
    %dma_start3A_10 = arith.constant 0 : i32
    %dma_start3A_11 = tpu.memref_slice %arg13[%dma_start3A_9, %dma_start3A_10] : memref<336x128xf32, #tpu.memory_space<vmem>> -> memref<128x128xf32, #tpu.memory_space<vmem>>
    %dma_start3A_12 = arith.constant 0 : i32
    %dma_start3A_13 = tpu.memref_slice %arg9[%dma_start3A_12] : memref<336xi32, #tpu.memory_space<vmem>> -> memref<128xi32, #tpu.memory_space<vmem>>
    %dma_start3A_14 = arith.constant 0 : i32
    %dma_start3A_15 = arith.constant 0 : i32
    %dma_start3A_16 = tpu.memref_slice %arg3[%dma_start3A_14, %dma_start3A_15] : memref<100000x128xf32, #tpu.memory_space<hbm>> -> memref<100000x128xf32, #tpu.memory_space<hbm>>
    tpu.enqueue_indirect_dma source(%dma_start3A_16 : memref<100000x128xf32, #tpu.memory_space<hbm>>) target(%dma_start3A_11 : memref<128x128xf32, #tpu.memory_space<vmem>>) offsets(%dma_start3A_13 : memref<128xi32, #tpu.memory_space<vmem>>) semaphore(%arg20 : memref<!tpu.dma_semaphore, #tpu.memory_space<semaphore_mem>>)
    %dma_start3A_17 = arith.constant 128 : i32
    %dma_start3A_18 = arith.constant 0 : i32
    %dma_start3A_19 = tpu.memref_slice %arg13[%dma_start3A_17, %dma_start3A_18] : memref<336x128xf32, #tpu.memory_space<vmem>> -> memref<128x128xf32, #tpu.memory_space<vmem>>
    %dma_start3A_20 = arith.constant 128 : i32
    %dma_start3A_21 = tpu.memref_slice %arg9[%dma_start3A_20] : memref<336xi32, #tpu.memory_space<vmem>> -> memref<128xi32, #tpu.memory_space<vmem>>
    %dma_start3A_22 = arith.constant 0 : i32
    %dma_start3A_23 = arith.constant 0 : i32
    %dma_start3A_24 = tpu.memref_slice %arg3[%dma_start3A_22, %dma_start3A_23] : memref<100000x128xf32, #tpu.memory_space<hbm>> -> memref<100000x128xf32, #tpu.memory_space<hbm>>
    tpu.enqueue_indirect_dma source(%dma_start3A_24 : memref<100000x128xf32, #tpu.memory_space<hbm>>) target(%dma_start3A_19 : memref<128x128xf32, #tpu.memory_space<vmem>>) offsets(%dma_start3A_21 : memref<128xi32, #tpu.memory_space<vmem>>) semaphore(%arg20 : memref<!tpu.dma_semaphore, #tpu.memory_space<semaphore_mem>>)
    %dma_start3A_25 = arith.constant 256 : i32
    %dma_start3A_26 = arith.constant 0 : i32
    %dma_start3A_27 = tpu.memref_slice %arg13[%dma_start3A_25, %dma_start3A_26] : memref<336x128xf32, #tpu.memory_space<vmem>> -> memref<80x128xf32, #tpu.memory_space<vmem>>
    %dma_start3A_28 = arith.constant 256 : i32
    %dma_start3A_29 = tpu.memref_slice %arg9[%dma_start3A_28] : memref<336xi32, #tpu.memory_space<vmem>> -> memref<80xi32, #tpu.memory_space<vmem>>
    %dma_start3A_30 = arith.constant 0 : i32
    %dma_start3A_31 = arith.constant 0 : i32
    %dma_start3A_32 = tpu.memref_slice %arg3[%dma_start3A_30, %dma_start3A_31] : memref<100000x128xf32, #tpu.memory_space<hbm>> -> memref<100000x128xf32, #tpu.memory_space<hbm>>
    tpu.enqueue_indirect_dma source(%dma_start3A_32 : memref<100000x128xf32, #tpu.memory_space<hbm>>) target(%dma_start3A_27 : memref<80x128xf32, #tpu.memory_space<vmem>>) offsets(%dma_start3A_29 : memref<80xi32, #tpu.memory_space<vmem>>) semaphore(%arg20 : memref<!tpu.dma_semaphore, #tpu.memory_space<semaphore_mem>>)
    %scan3A = arith.constant 0 : i32
    %scan3A_33 = arith.constant 16 : i32
    %scan3A_34 = arith.addi %scan3A, %scan3A_33 : i32
    %scan3A_35 = arith.constant 1 : i32
    scf.for %scan3A_52 = %scan3A to %scan3A_34 step %scan3A_35  : i32 {
      %mul3A_53 = arith.constant 2 : i32
      %mul3A_54 = arith.muli %scan3A_52, %mul3A_53 : i32
      %add3A_55 = arith.constant 0 : i32
      %add3A_56 = arith.addi %add3A_55, %mul3A_54 : i32
      %add3A_57 = arith.constant 1 : i32
      %add3A_58 = arith.addi %add3A_56, %add3A_57 : i32
      %mul3A_59 = arith.constant 512 : i32
      %mul3A_60 = arith.muli %add3A, %mul3A_59 : i32
      %mul3A_61 = arith.constant 16 : i32
      %mul3A_62 = arith.muli %add3A_58, %mul3A_61 : i32
      %add3A_63 = arith.addi %mul3A_60, %mul3A_62 : i32
      "tpu.region"() ({
        %run_scoped3A = tpu.sem_alloc : memref<!tpu.dma_semaphore, #tpu.memory_space<semaphore_mem>>
        %dma_start3A_191 = tpu.memref_slice %arg4[%add3A_63] : memref<16384xi32, #tpu.memory_space<hbm>> -> memref<16xi32, #tpu.memory_space<hbm>>
        %dma_start3A_192 = tpu.memref_slice %arg4[%add3A_63] : memref<16384xi32, #tpu.memory_space<hbm>> -> memref<16xi32, #tpu.memory_space<hbm>>
        tpu.enqueue_dma source(%dma_start3A_192 : memref<16xi32, #tpu.memory_space<hbm>>) target(%arg8 : memref<16xi32, #tpu.memory_space<vmem>>) target_semaphore(%run_scoped3A : memref<!tpu.dma_semaphore, #tpu.memory_space<semaphore_mem>>)
        %dma_wait3A_193 = tpu.memref_slice %arg4[%add3A_63] : memref<16384xi32, #tpu.memory_space<hbm>> -> memref<16xi32, #tpu.memory_space<hbm>>
        %dma_wait3A_194 = tpu.memref_slice %arg4[%add3A_63] : memref<16384xi32, #tpu.memory_space<hbm>> -> memref<16xi32, #tpu.memory_space<hbm>>
        tpu.wait_dma2 semaphore(%run_scoped3A : memref<!tpu.dma_semaphore, #tpu.memory_space<semaphore_mem>>) src(%dma_wait3A_194 : memref<16xi32, #tpu.memory_space<hbm>>) dst(%arg8 : memref<16xi32, #tpu.memory_space<vmem>>)
        tpu.yield
      }) : () -> ()
      %mul3A_64 = arith.constant 21 : i32
      %mul3A_65 = arith.muli %add3A_63, %mul3A_64 : i32
      "tpu.region"() ({
        %run_scoped3A = tpu.sem_alloc : memref<!tpu.dma_semaphore, #tpu.memory_space<semaphore_mem>>
        %dma_start3A_191 = tpu.memref_slice %arg5[%mul3A_65] : memref<344064xi32, #tpu.memory_space<hbm>> -> memref<336xi32, #tpu.memory_space<hbm>>
        %dma_start3A_192 = tpu.memref_slice %arg5[%mul3A_65] : memref<344064xi32, #tpu.memory_space<hbm>> -> memref<336xi32, #tpu.memory_space<hbm>>
        tpu.enqueue_dma source(%dma_start3A_192 : memref<336xi32, #tpu.memory_space<hbm>>) target(%arg10 : memref<336xi32, #tpu.memory_space<vmem>>) target_semaphore(%run_scoped3A : memref<!tpu.dma_semaphore, #tpu.memory_space<semaphore_mem>>)
        %dma_wait3A_193 = tpu.memref_slice %arg5[%mul3A_65] : memref<344064xi32, #tpu.memory_space<hbm>> -> memref<336xi32, #tpu.memory_space<hbm>>
        %dma_wait3A_194 = tpu.memref_slice %arg5[%mul3A_65] : memref<344064xi32, #tpu.memory_space<hbm>> -> memref<336xi32, #tpu.memory_space<hbm>>
        tpu.wait_dma2 semaphore(%run_scoped3A : memref<!tpu.dma_semaphore, #tpu.memory_space<semaphore_mem>>) src(%dma_wait3A_194 : memref<336xi32, #tpu.memory_space<hbm>>) dst(%arg10 : memref<336xi32, #tpu.memory_space<vmem>>)
        tpu.yield
      }) : () -> ()
      %dma_start3A_66 = arith.constant 0 : i32
      %dma_start3A_67 = arith.constant 0 : i32
      %dma_start3A_68 = tpu.memref_slice %arg2[%dma_start3A_66, %dma_start3A_67] : memref<100000x128xf32, #tpu.memory_space<hbm>> -> memref<100000x128xf32, #tpu.memory_space<hbm>>
      tpu.enqueue_indirect_dma source(%dma_start3A_68 : memref<100000x128xf32, #tpu.memory_space<hbm>>) target(%arg12 : memref<16x128xf32, #tpu.memory_space<vmem>>) offsets(%arg8 : memref<16xi32, #tpu.memory_space<vmem>>) semaphore(%arg19 : memref<!tpu.dma_semaphore, #tpu.memory_space<semaphore_mem>>)
      %dma_start3A_69 = arith.constant 0 : i32
      %dma_start3A_70 = arith.constant 0 : i32
      %dma_start3A_71 = tpu.memref_slice %arg14[%dma_start3A_69, %dma_start3A_70] : memref<336x128xf32, #tpu.memory_space<vmem>> -> memref<128x128xf32, #tpu.memory_space<vmem>>
      %dma_start3A_72 = arith.constant 0 : i32
      %dma_start3A_73 = tpu.memref_slice %arg10[%dma_start3A_72] : memref<336xi32, #tpu.memory_space<vmem>> -> memref<128xi32, #tpu.memory_space<vmem>>
      %dma_start3A_74 = arith.constant 0 : i32
      %dma_start3A_75 = arith.constant 0 : i32
      %dma_start3A_76 = tpu.memref_slice %arg3[%dma_start3A_74, %dma_start3A_75] : memref<100000x128xf32, #tpu.memory_space<hbm>> -> memref<100000x128xf32, #tpu.memory_space<hbm>>
      tpu.enqueue_indirect_dma source(%dma_start3A_76 : memref<100000x128xf32, #tpu.memory_space<hbm>>) target(%dma_start3A_71 : memref<128x128xf32, #tpu.memory_space<vmem>>) offsets(%dma_start3A_73 : memref<128xi32, #tpu.memory_space<vmem>>) semaphore(%arg21 : memref<!tpu.dma_semaphore, #tpu.memory_space<semaphore_mem>>)
      %dma_start3A_77 = arith.constant 128 : i32
      %dma_start3A_78 = arith.constant 0 : i32
      %dma_start3A_79 = tpu.memref_slice %arg14[%dma_start3A_77, %dma_start3A_78] : memref<336x128xf32, #tpu.memory_space<vmem>> -> memref<128x128xf32, #tpu.memory_space<vmem>>
      %dma_start3A_80 = arith.constant 128 : i32
      %dma_start3A_81 = tpu.memref_slice %arg10[%dma_start3A_80] : memref<336xi32, #tpu.memory_space<vmem>> -> memref<128xi32, #tpu.memory_space<vmem>>
      %dma_start3A_82 = arith.constant 0 : i32
      %dma_start3A_83 = arith.constant 0 : i32
      %dma_start3A_84 = tpu.memref_slice %arg3[%dma_start3A_82, %dma_start3A_83] : memref<100000x128xf32, #tpu.memory_space<hbm>> -> memref<100000x128xf32, #tpu.memory_space<hbm>>
      tpu.enqueue_indirect_dma source(%dma_start3A_84 : memref<100000x128xf32, #tpu.memory_space<hbm>>) target(%dma_start3A_79 : memref<128x128xf32, #tpu.memory_space<vmem>>) offsets(%dma_start3A_81 : memref<128xi32, #tpu.memory_space<vmem>>) semaphore(%arg21 : memref<!tpu.dma_semaphore, #tpu.memory_space<semaphore_mem>>)
      %dma_start3A_85 = arith.constant 256 : i32
      %dma_start3A_86 = arith.constant 0 : i32
      %dma_start3A_87 = tpu.memref_slice %arg14[%dma_start3A_85, %dma_start3A_86] : memref<336x128xf32, #tpu.memory_space<vmem>> -> memref<80x128xf32, #tpu.memory_space<vmem>>
      %dma_start3A_88 = arith.constant 256 : i32
      %dma_start3A_89 = tpu.memref_slice %arg10[%dma_start3A_88] : memref<336xi32, #tpu.memory_space<vmem>> -> memref<80xi32, #tpu.memory_space<vmem>>
      %dma_start3A_90 = arith.constant 0 : i32
      %dma_start3A_91 = arith.constant 0 : i32
      %dma_start3A_92 = tpu.memref_slice %arg3[%dma_start3A_90, %dma_start3A_91] : memref<100000x128xf32, #tpu.memory_space<hbm>> -> memref<100000x128xf32, #tpu.memory_space<hbm>>
      tpu.enqueue_indirect_dma source(%dma_start3A_92 : memref<100000x128xf32, #tpu.memory_space<hbm>>) target(%dma_start3A_87 : memref<80x128xf32, #tpu.memory_space<vmem>>) offsets(%dma_start3A_89 : memref<80xi32, #tpu.memory_space<vmem>>) semaphore(%arg21 : memref<!tpu.dma_semaphore, #tpu.memory_space<semaphore_mem>>)
      %dma_wait3A_93 = arith.constant 0 : i32
      %dma_wait3A_94 = arith.constant 0 : i32
      %dma_wait3A_95 = tpu.memref_slice %arg2[%dma_wait3A_93, %dma_wait3A_94] : memref<100000x128xf32, #tpu.memory_space<hbm>> -> memref<100000x128xf32, #tpu.memory_space<hbm>>
      tpu.wait_indirect_dma semaphore(%arg18 : memref<!tpu.dma_semaphore, #tpu.memory_space<semaphore_mem>>) src(%dma_wait3A_95 : memref<100000x128xf32, #tpu.memory_space<hbm>>) dst(%arg11 : memref<16x128xf32, #tpu.memory_space<vmem>>)
      %dma_wait3A_96 = arith.constant 0 : i32
      %dma_wait3A_97 = arith.constant 0 : i32
      %dma_wait3A_98 = tpu.memref_slice %arg13[%dma_wait3A_96, %dma_wait3A_97] : memref<336x128xf32, #tpu.memory_space<vmem>> -> memref<128x128xf32, #tpu.memory_space<vmem>>
      %dma_wait3A_99 = arith.constant 0 : i32
      %dma_wait3A_100 = tpu.memref_slice %arg9[%dma_wait3A_99] : memref<336xi32, #tpu.memory_space<vmem>> -> memref<128xi32, #tpu.memory_space<vmem>>
      %dma_wait3A_101 = arith.constant 0 : i32
      %dma_wait3A_102 = arith.constant 0 : i32
      %dma_wait3A_103 = tpu.memref_slice %arg3[%dma_wait3A_101, %dma_wait3A_102] : memref<100000x128xf32, #tpu.memory_space<hbm>> -> memref<100000x128xf32, #tpu.memory_space<hbm>>
      tpu.wait_indirect_dma semaphore(%arg20 : memref<!tpu.dma_semaphore, #tpu.memory_space<semaphore_mem>>) src(%dma_wait3A_103 : memref<100000x128xf32, #tpu.memory_space<hbm>>) dst(%dma_wait3A_98 : memref<128x128xf32, #tpu.memory_space<vmem>>)
      %dma_wait3A_104 = arith.constant 128 : i32
      %dma_wait3A_105 = arith.constant 0 : i32
      %dma_wait3A_106 = tpu.memref_slice %arg13[%dma_wait3A_104, %dma_wait3A_105] : memref<336x128xf32, #tpu.memory_space<vmem>> -> memref<128x128xf32, #tpu.memory_space<vmem>>
      %dma_wait3A_107 = arith.constant 128 : i32
      %dma_wait3A_108 = tpu.memref_slice %arg9[%dma_wait3A_107] : memref<336xi32, #tpu.memory_space<vmem>> -> memref<128xi32, #tpu.memory_space<vmem>>
      %dma_wait3A_109 = arith.constant 0 : i32
      %dma_wait3A_110 = arith.constant 0 : i32
      %dma_wait3A_111 = tpu.memref_slice %arg3[%dma_wait3A_109, %dma_wait3A_110] : memref<100000x128xf32, #tpu.memory_space<hbm>> -> memref<100000x128xf32, #tpu.memory_space<hbm>>
      tpu.wait_indirect_dma semaphore(%arg20 : memref<!tpu.dma_semaphore, #tpu.memory_space<semaphore_mem>>) src(%dma_wait3A_111 : memref<100000x128xf32, #tpu.memory_space<hbm>>) dst(%dma_wait3A_106 : memref<128x128xf32, #tpu.memory_space<vmem>>)
      %dma_wait3A_112 = arith.constant 256 : i32
      %dma_wait3A_113 = arith.constant 0 : i32
      %dma_wait3A_114 = tpu.memref_slice %arg13[%dma_wait3A_112, %dma_wait3A_113] : memref<336x128xf32, #tpu.memory_space<vmem>> -> memref<80x128xf32, #tpu.memory_space<vmem>>
      %dma_wait3A_115 = arith.constant 256 : i32
      %dma_wait3A_116 = tpu.memref_slice %arg9[%dma_wait3A_115] : memref<336xi32, #tpu.memory_space<vmem>> -> memref<80xi32, #tpu.memory_space<vmem>>
      %dma_wait3A_117 = arith.constant 0 : i32
      %dma_wait3A_118 = arith.constant 0 : i32
      %dma_wait3A_119 = tpu.memref_slice %arg3[%dma_wait3A_117, %dma_wait3A_118] : memref<100000x128xf32, #tpu.memory_space<hbm>> -> memref<100000x128xf32, #tpu.memory_space<hbm>>
      tpu.wait_indirect_dma semaphore(%arg20 : memref<!tpu.dma_semaphore, #tpu.memory_space<semaphore_mem>>) src(%dma_wait3A_119 : memref<100000x128xf32, #tpu.memory_space<hbm>>) dst(%dma_wait3A_114 : memref<80x128xf32, #tpu.memory_space<vmem>>)
      %mul3A_120 = arith.constant 512 : i32
      %mul3A_121 = arith.muli %add3A, %mul3A_120 : i32
      %mul3A_122 = arith.constant 16 : i32
      %mul3A_123 = arith.muli %add3A_56, %mul3A_122 : i32
      %add3A_124 = arith.addi %mul3A_121, %mul3A_123 : i32
      %parallel_loop3A = arith.constant 0 : i32
      %parallel_loop3A_125 = arith.constant 16 : i32
      %parallel_loop3A_126 = arith.constant 1 : i32
      scf.for %parallel_loop3A_191 = %parallel_loop3A to %parallel_loop3A_125 step %parallel_loop3A_126  : i32 {
        %parallel_loop3A_192 = arith.index_cast %parallel_loop3A_191 : i32 to index
        %parallel_loop3A_193 = arith.constant 0 : index
        %parallel_loop3A_194 = tpu.vector_load %arg11[%parallel_loop3A_192, %parallel_loop3A_193] {strides = array<i32>} : memref<16x128xf32, #tpu.memory_space<vmem>>, vector<16xf32>,
        %parallel_loop3A_195 = arith.index_cast %parallel_loop3A_191 : i32 to index
        %parallel_loop3A_196 = arith.constant 16 : index
        %parallel_loop3A_197 = tpu.vector_load %arg11[%parallel_loop3A_195, %parallel_loop3A_196] {strides = array<i32>} : memref<16x128xf32, #tpu.memory_space<vmem>>, vector<16xf32>,
        %parallel_loop3A_198 = arith.index_cast %parallel_loop3A_191 : i32 to index
        %parallel_loop3A_199 = arith.constant 32 : index
        %parallel_loop3A_200 = tpu.vector_load %arg11[%parallel_loop3A_198, %parallel_loop3A_199] {strides = array<i32>} : memref<16x128xf32, #tpu.memory_space<vmem>>, vector<16xf32>,
        %parallel_loop3A_201 = arith.index_cast %parallel_loop3A_191 : i32 to index
        %parallel_loop3A_202 = arith.constant 48 : index
        %parallel_loop3A_203 = tpu.vector_load %arg11[%parallel_loop3A_201, %parallel_loop3A_202] {strides = array<i32>} : memref<16x128xf32, #tpu.memory_space<vmem>>, vector<16xf32>,
        %parallel_loop3A_204 = arith.index_cast %parallel_loop3A_191 : i32 to index
        %parallel_loop3A_205 = arith.constant 64 : index
        %parallel_loop3A_206 = tpu.vector_load %arg11[%parallel_loop3A_204, %parallel_loop3A_205] {strides = array<i32>} : memref<16x128xf32, #tpu.memory_space<vmem>>, vector<16xf32>,
        %parallel_loop3A_207 = arith.index_cast %parallel_loop3A_191 : i32 to index
        %parallel_loop3A_208 = arith.constant 80 : index
        %parallel_loop3A_209 = tpu.vector_load %arg11[%parallel_loop3A_207, %parallel_loop3A_208] {strides = array<i32>} : memref<16x128xf32, #tpu.memory_space<vmem>>, vector<16xf32>,
        %parallel_loop3A_210 = arith.index_cast %parallel_loop3A_191 : i32 to index
        %parallel_loop3A_211 = arith.constant 96 : index
        %parallel_loop3A_212 = tpu.vector_load %arg11[%parallel_loop3A_210, %parallel_loop3A_211] {strides = array<i32>} : memref<16x128xf32, #tpu.memory_space<vmem>>, vector<16xf32>,
        %parallel_loop3A_213 = arith.index_cast %parallel_loop3A_191 : i32 to index
        %parallel_loop3A_214 = arith.constant 112 : index
        %parallel_loop3A_215 = tpu.vector_load %arg11[%parallel_loop3A_213, %parallel_loop3A_214] {strides = array<i32>} : memref<16x128xf32, #tpu.memory_space<vmem>>, vector<16xf32>,
        %parallel_loop3A_216 = arith.constant 21 : i32
        %parallel_loop3A_217 = arith.muli %parallel_loop3A_191, %parallel_loop3A_216 : i32
        %parallel_loop3A_218 = arith.constant 0 : i32
        %parallel_loop3A_219 = arith.addi %parallel_loop3A_217, %parallel_loop3A_218 : i32
        %parallel_loop3A_220 = arith.index_cast %parallel_loop3A_219 : i32 to index
        %parallel_loop3A_221 = arith.constant 0 : index
        %parallel_loop3A_222 = tpu.vector_load %arg13[%parallel_loop3A_220, %parallel_loop3A_221] {strides = array<i32>} : memref<336x128xf32, #tpu.memory_space<vmem>>, vector<16xf32>,
        %parallel_loop3A_223 = arith.mulf %parallel_loop3A_194, %parallel_loop3A_222 : vector<16xf32>
        %parallel_loop3A_224 = arith.index_cast %parallel_loop3A_219 : i32 to index
        %parallel_loop3A_225 = arith.constant 16 : index
        %parallel_loop3A_226 = tpu.vector_load %arg13[%parallel_loop3A_224, %parallel_loop3A_225] {strides = array<i32>} : memref<336x128xf32, #tpu.memory_space<vmem>>, vector<16xf32>,
        %parallel_loop3A_227 = arith.mulf %parallel_loop3A_197, %parallel_loop3A_226 : vector<16xf32>
        %parallel_loop3A_228 = arith.addf %parallel_loop3A_223, %parallel_loop3A_227 : vector<16xf32>
        %parallel_loop3A_229 = arith.index_cast %parallel_loop3A_219 : i32 to index
        %parallel_loop3A_230 = arith.constant 32 : index
        %parallel_loop3A_231 = tpu.vector_load %arg13[%parallel_loop3A_229, %parallel_loop3A_230] {strides = array<i32>} : memref<336x128xf32, #tpu.memory_space<vmem>>, vector<16xf32>,
        %parallel_loop3A_232 = arith.mulf %parallel_loop3A_200, %parallel_loop3A_231 : vector<16xf32>
        %parallel_loop3A_233 = arith.addf %parallel_loop3A_228, %parallel_loop3A_232 : vector<16xf32>
        %parallel_loop3A_234 = arith.index_cast %parallel_loop3A_219 : i32 to index
        %parallel_loop3A_235 = arith.constant 48 : index
        %parallel_loop3A_236 = tpu.vector_load %arg13[%parallel_loop3A_234, %parallel_loop3A_235] {strides = array<i32>} : memref<336x128xf32, #tpu.memory_space<vmem>>, vector<16xf32>,
        %parallel_loop3A_237 = arith.mulf %parallel_loop3A_203, %parallel_loop3A_236 : vector<16xf32>
        %parallel_loop3A_238 = arith.addf %parallel_loop3A_233, %parallel_loop3A_237 : vector<16xf32>
        %parallel_loop3A_239 = arith.index_cast %parallel_loop3A_219 : i32 to index
        %parallel_loop3A_240 = arith.constant 64 : index
        %parallel_loop3A_241 = tpu.vector_load %arg13[%parallel_loop3A_239, %parallel_loop3A_240] {strides = array<i32>} : memref<336x128xf32, #tpu.memory_space<vmem>>, vector<16xf32>,
        %parallel_loop3A_242 = arith.mulf %parallel_loop3A_206, %parallel_loop3A_241 : vector<16xf32>
        %parallel_loop3A_243 = arith.addf %parallel_loop3A_238, %parallel_loop3A_242 : vector<16xf32>
        %parallel_loop3A_244 = arith.index_cast %parallel_loop3A_219 : i32 to index
        %parallel_loop3A_245 = arith.constant 80 : index
        %parallel_loop3A_246 = tpu.vector_load %arg13[%parallel_loop3A_244, %parallel_loop3A_245] {strides = array<i32>} : memref<336x128xf32, #tpu.memory_space<vmem>>, vector<16xf32>,
        %parallel_loop3A_247 = arith.mulf %parallel_loop3A_209, %parallel_loop3A_246 : vector<16xf32>
        %parallel_loop3A_248 = arith.addf %parallel_loop3A_243, %parallel_loop3A_247 : vector<16xf32>
        %parallel_loop3A_249 = arith.index_cast %parallel_loop3A_219 : i32 to index
        %parallel_loop3A_250 = arith.constant 96 : index
        %parallel_loop3A_251 = tpu.vector_load %arg13[%parallel_loop3A_249, %parallel_loop3A_250] {strides = array<i32>} : memref<336x128xf32, #tpu.memory_space<vmem>>, vector<16xf32>,
        %parallel_loop3A_252 = arith.mulf %parallel_loop3A_212, %parallel_loop3A_251 : vector<16xf32>
        %parallel_loop3A_253 = arith.addf %parallel_loop3A_248, %parallel_loop3A_252 : vector<16xf32>
        %parallel_loop3A_254 = arith.index_cast %parallel_loop3A_219 : i32 to index
        %parallel_loop3A_255 = arith.constant 112 : index
        %parallel_loop3A_256 = tpu.vector_load %arg13[%parallel_loop3A_254, %parallel_loop3A_255] {strides = array<i32>} : memref<336x128xf32, #tpu.memory_space<vmem>>, vector<16xf32>,
        %parallel_loop3A_257 = arith.mulf %parallel_loop3A_215, %parallel_loop3A_256 : vector<16xf32>
        %parallel_loop3A_258 = arith.addf %parallel_loop3A_253, %parallel_loop3A_257 : vector<16xf32>
        %parallel_loop3A_259 = arith.constant 16 : i32
        %parallel_loop3A_260 = arith.muli %parallel_loop3A_219, %parallel_loop3A_259 : i32
        %parallel_loop3A_261 = arith.index_cast %parallel_loop3A_260 : i32 to index
        %parallel_loop3A_262 = tpu.vector_load %arg15[%parallel_loop3A_261] {strides = array<i32>} : memref<5376xf32, #tpu.memory_space<vmem>>, vector<16xf32>,
        tpu.vector_store %arg15[%parallel_loop3A_261], %parallel_loop3A_258 {strides = array<i32>} : memref<5376xf32, #tpu.memory_space<vmem>>, vector<16xf32>,
        %parallel_loop3A_263 = arith.constant 21 : i32
        %parallel_loop3A_264 = arith.muli %parallel_loop3A_191, %parallel_loop3A_263 : i32
        %parallel_loop3A_265 = arith.constant 1 : i32
        %parallel_loop3A_266 = arith.addi %parallel_loop3A_264, %parallel_loop3A_265 : i32
        %parallel_loop3A_267 = arith.index_cast %parallel_loop3A_266 : i32 to index
        %parallel_loop3A_268 = arith.constant 0 : index
        %parallel_loop3A_269 = tpu.vector_load %arg13[%parallel_loop3A_267, %parallel_loop3A_268] {strides = array<i32>} : memref<336x128xf32, #tpu.memory_space<vmem>>, vector<16xf32>,
        %parallel_loop3A_270 = arith.mulf %parallel_loop3A_194, %parallel_loop3A_269 : vector<16xf32>
        %parallel_loop3A_271 = arith.index_cast %parallel_loop3A_266 : i32 to index
        %parallel_loop3A_272 = arith.constant 16 : index
        %parallel_loop3A_273 = tpu.vector_load %arg13[%parallel_loop3A_271, %parallel_loop3A_272] {strides = array<i32>} : memref<336x128xf32, #tpu.memory_space<vmem>>, vector<16xf32>,
        %parallel_loop3A_274 = arith.mulf %parallel_loop3A_197, %parallel_loop3A_273 : vector<16xf32>
        %parallel_loop3A_275 = arith.addf %parallel_loop3A_270, %parallel_loop3A_274 : vector<16xf32>
        %parallel_loop3A_276 = arith.index_cast %parallel_loop3A_266 : i32 to index
        %parallel_loop3A_277 = arith.constant 32 : index
        %parallel_loop3A_278 = tpu.vector_load %arg13[%parallel_loop3A_276, %parallel_loop3A_277] {strides = array<i32>} : memref<336x128xf32, #tpu.memory_space<vmem>>, vector<16xf32>,
        %parallel_loop3A_279 = arith.mulf %parallel_loop3A_200, %parallel_loop3A_278 : vector<16xf32>
        %parallel_loop3A_280 = arith.addf %parallel_loop3A_275, %parallel_loop3A_279 : vector<16xf32>
        %parallel_loop3A_281 = arith.index_cast %parallel_loop3A_266 : i32 to index
        %parallel_loop3A_282 = arith.constant 48 : index
        %parallel_loop3A_283 = tpu.vector_load %arg13[%parallel_loop3A_281, %parallel_loop3A_282] {strides = array<i32>} : memref<336x128xf32, #tpu.memory_space<vmem>>, vector<16xf32>,
        %parallel_loop3A_284 = arith.mulf %parallel_loop3A_203, %parallel_loop3A_283 : vector<16xf32>
        %parallel_loop3A_285 = arith.addf %parallel_loop3A_280, %parallel_loop3A_284 : vector<16xf32>
        %parallel_loop3A_286 = arith.index_cast %parallel_loop3A_266 : i32 to index
        %parallel_loop3A_287 = arith.constant 64 : index
        %parallel_loop3A_288 = tpu.vector_load %arg13[%parallel_loop3A_286, %parallel_loop3A_287] {strides = array<i32>} : memref<336x128xf32, #tpu.memory_space<vmem>>, vector<16xf32>,
        %parallel_loop3A_289 = arith.mulf %parallel_loop3A_206, %parallel_loop3A_288 : vector<16xf32>
        %parallel_loop3A_290 = arith.addf %parallel_loop3A_285, %parallel_loop3A_289 : vector<16xf32>
        %parallel_loop3A_291 = arith.index_cast %parallel_loop3A_266 : i32 to index
        %parallel_loop3A_292 = arith.constant 80 : index
        %parallel_loop3A_293 = tpu.vector_load %arg13[%parallel_loop3A_291, %parallel_loop3A_292] {strides = array<i32>} : memref<336x128xf32, #tpu.memory_space<vmem>>, vector<16xf32>,
        %parallel_loop3A_294 = arith.mulf %parallel_loop3A_209, %parallel_loop3A_293 : vector<16xf32>
        %parallel_loop3A_295 = arith.addf %parallel_loop3A_290, %parallel_loop3A_294 : vector<16xf32>
        %parallel_loop3A_296 = arith.index_cast %parallel_loop3A_266 : i32 to index
        %parallel_loop3A_297 = arith.constant 96 : index
        %parallel_loop3A_298 = tpu.vector_load %arg13[%parallel_loop3A_296, %parallel_loop3A_297] {strides = array<i32>} : memref<336x128xf32, #tpu.memory_space<vmem>>, vector<16xf32>,
        %parallel_loop3A_299 = arith.mulf %parallel_loop3A_212, %parallel_loop3A_298 : vector<16xf32>
        %parallel_loop3A_300 = arith.addf %parallel_loop3A_295, %parallel_loop3A_299 : vector<16xf32>
        %parallel_loop3A_301 = arith.index_cast %parallel_loop3A_266 : i32 to index
        %parallel_loop3A_302 = arith.constant 112 : index
        %parallel_loop3A_303 = tpu.vector_load %arg13[%parallel_loop3A_301, %parallel_loop3A_302] {strides = array<i32>} : memref<336x128xf32, #tpu.memory_space<vmem>>, vector<16xf32>,
        %parallel_loop3A_304 = arith.mulf %parallel_loop3A_215, %parallel_loop3A_303 : vector<16xf32>
        %parallel_loop3A_305 = arith.addf %parallel_loop3A_300, %parallel_loop3A_304 : vector<16xf32>
        %parallel_loop3A_306 = arith.constant 16 : i32
        %parallel_loop3A_307 = arith.muli %parallel_loop3A_266, %parallel_loop3A_306 : i32
        %parallel_loop3A_308 = arith.index_cast %parallel_loop3A_307 : i32 to index
        %parallel_loop3A_309 = tpu.vector_load %arg15[%parallel_loop3A_308] {strides = array<i32>} : memref<5376xf32, #tpu.memory_space<vmem>>, vector<16xf32>,
        tpu.vector_store %arg15[%parallel_loop3A_308], %parallel_loop3A_305 {strides = array<i32>} : memref<5376xf32, #tpu.memory_space<vmem>>, vector<16xf32>,
        %parallel_loop3A_310 = arith.constant 21 : i32
        %parallel_loop3A_311 = arith.muli %parallel_loop3A_191, %parallel_loop3A_310 : i32
        %parallel_loop3A_312 = arith.constant 2 : i32
        %parallel_loop3A_313 = arith.addi %parallel_loop3A_311, %parallel_loop3A_312 : i32
        %parallel_loop3A_314 = arith.index_cast %parallel_loop3A_313 : i32 to index
        %parallel_loop3A_315 = arith.constant 0 : index
        %parallel_loop3A_316 = tpu.vector_load %arg13[%parallel_loop3A_314, %parallel_loop3A_315] {strides = array<i32>} : memref<336x128xf32, #tpu.memory_space<vmem>>, vector<16xf32>,
        %parallel_loop3A_317 = arith.mulf %parallel_loop3A_194, %parallel_loop3A_316 : vector<16xf32>
        %parallel_loop3A_318 = arith.index_cast %parallel_loop3A_313 : i32 to index
        %parallel_loop3A_319 = arith.constant 16 : index
        %parallel_loop3A_320 = tpu.vector_load %arg13[%parallel_loop3A_318, %parallel_loop3A_319] {strides = array<i32>} : memref<336x128xf32, #tpu.memory_space<vmem>>, vector<16xf32>,
        %parallel_loop3A_321 = arith.mulf %parallel_loop3A_197, %parallel_loop3A_320 : vector<16xf32>
        %parallel_loop3A_322 = arith.addf %parallel_loop3A_317, %parallel_loop3A_321 : vector<16xf32>
        %parallel_loop3A_323 = arith.index_cast %parallel_loop3A_313 : i32 to index
        %parallel_loop3A_324 = arith.constant 32 : index
        %parallel_loop3A_325 = tpu.vector_load %arg13[%parallel_loop3A_323, %parallel_loop3A_324] {strides = array<i32>} : memref<336x128xf32, #tpu.memory_space<vmem>>, vector<16xf32>,
        %parallel_loop3A_326 = arith.mulf %parallel_loop3A_200, %parallel_loop3A_325 : vector<16xf32>
        %parallel_loop3A_327 = arith.addf %parallel_loop3A_322, %parallel_loop3A_326 : vector<16xf32>
        %parallel_loop3A_328 = arith.index_cast %parallel_loop3A_313 : i32 to index
        %parallel_loop3A_329 = arith.constant 48 : index
        %parallel_loop3A_330 = tpu.vector_load %arg13[%parallel_loop3A_328, %parallel_loop3A_329] {strides = array<i32>} : memref<336x128xf32, #tpu.memory_space<vmem>>, vector<16xf32>,
        %parallel_loop3A_331 = arith.mulf %parallel_loop3A_203, %parallel_loop3A_330 : vector<16xf32>
        %parallel_loop3A_332 = arith.addf %parallel_loop3A_327, %parallel_loop3A_331 : vector<16xf32>
        %parallel_loop3A_333 = arith.index_cast %parallel_loop3A_313 : i32 to index
        %parallel_loop3A_334 = arith.constant 64 : index
        %parallel_loop3A_335 = tpu.vector_load %arg13[%parallel_loop3A_333, %parallel_loop3A_334] {strides = array<i32>} : memref<336x128xf32, #tpu.memory_space<vmem>>, vector<16xf32>,
        %parallel_loop3A_336 = arith.mulf %parallel_loop3A_206, %parallel_loop3A_335 : vector<16xf32>
        %parallel_loop3A_337 = arith.addf %parallel_loop3A_332, %parallel_loop3A_336 : vector<16xf32>
        %parallel_loop3A_338 = arith.index_cast %parallel_loop3A_313 : i32 to index
        %parallel_loop3A_339 = arith.constant 80 : index
        %parallel_loop3A_340 = tpu.vector_load %arg13[%parallel_loop3A_338, %parallel_loop3A_339] {strides = array<i32>} : memref<336x128xf32, #tpu.memory_space<vmem>>, vector<16xf32>,
        %parallel_loop3A_341 = arith.mulf %parallel_loop3A_209, %parallel_loop3A_340 : vector<16xf32>
        %parallel_loop3A_342 = arith.addf %parallel_loop3A_337, %parallel_loop3A_341 : vector<16xf32>
        %parallel_loop3A_343 = arith.index_cast %parallel_loop3A_313 : i32 to index
        %parallel_loop3A_344 = arith.constant 96 : index
        %parallel_loop3A_345 = tpu.vector_load %arg13[%parallel_loop3A_343, %parallel_loop3A_344] {strides = array<i32>} : memref<336x128xf32, #tpu.memory_space<vmem>>, vector<16xf32>,
        %parallel_loop3A_346 = arith.mulf %parallel_loop3A_212, %parallel_loop3A_345 : vector<16xf32>
        %parallel_loop3A_347 = arith.addf %parallel_loop3A_342, %parallel_loop3A_346 : vector<16xf32>
        %parallel_loop3A_348 = arith.index_cast %parallel_loop3A_313 : i32 to index
        %parallel_loop3A_349 = arith.constant 112 : index
        %parallel_loop3A_350 = tpu.vector_load %arg13[%parallel_loop3A_348, %parallel_loop3A_349] {strides = array<i32>} : memref<336x128xf32, #tpu.memory_space<vmem>>, vector<16xf32>,
        %parallel_loop3A_351 = arith.mulf %parallel_loop3A_215, %parallel_loop3A_350 : vector<16xf32>
        %parallel_loop3A_352 = arith.addf %parallel_loop3A_347, %parallel_loop3A_351 : vector<16xf32>
        %parallel_loop3A_353 = arith.constant 16 : i32
        %parallel_loop3A_354 = arith.muli %parallel_loop3A_313, %parallel_loop3A_353 : i32
        %parallel_loop3A_355 = arith.index_cast %parallel_loop3A_354 : i32 to index
        %parallel_loop3A_356 = tpu.vector_load %arg15[%parallel_loop3A_355] {strides = array<i32>} : memref<5376xf32, #tpu.memory_space<vmem>>, vector<16xf32>,
        tpu.vector_store %arg15[%parallel_loop3A_355], %parallel_loop3A_352 {strides = array<i32>} : memref<5376xf32, #tpu.memory_space<vmem>>, vector<16xf32>,
        %parallel_loop3A_357 = arith.constant 21 : i32
        %parallel_loop3A_358 = arith.muli %parallel_loop3A_191, %parallel_loop3A_357 : i32
        %parallel_loop3A_359 = arith.constant 3 : i32
        %parallel_loop3A_360 = arith.addi %parallel_loop3A_358, %parallel_loop3A_359 : i32
        %parallel_loop3A_361 = arith.index_cast %parallel_loop3A_360 : i32 to index
        %parallel_loop3A_362 = arith.constant 0 : index
        %parallel_loop3A_363 = tpu.vector_load %arg13[%parallel_loop3A_361, %parallel_loop3A_362] {strides = array<i32>} : memref<336x128xf32, #tpu.memory_space<vmem>>, vector<16xf32>,
        %parallel_loop3A_364 = arith.mulf %parallel_loop3A_194, %parallel_loop3A_363 : vector<16xf32>
        %parallel_loop3A_365 = arith.index_cast %parallel_loop3A_360 : i32 to index
        %parallel_loop3A_366 = arith.constant 16 : index
        %parallel_loop3A_367 = tpu.vector_load %arg13[%parallel_loop3A_365, %parallel_loop3A_366] {strides = array<i32>} : memref<336x128xf32, #tpu.memory_space<vmem>>, vector<16xf32>,
        %parallel_loop3A_368 = arith.mulf %parallel_loop3A_197, %parallel_loop3A_367 : vector<16xf32>
        %parallel_loop3A_369 = arith.addf %parallel_loop3A_364, %parallel_loop3A_368 : vector<16xf32>
        %parallel_loop3A_370 = arith.index_cast %parallel_loop3A_360 : i32 to index
        %parallel_loop3A_371 = arith.constant 32 : index
        %parallel_loop3A_372 = tpu.vector_load %arg13[%parallel_loop3A_370, %parallel_loop3A_371] {strides = array<i32>} : memref<336x128xf32, #tpu.memory_space<vmem>>, vector<16xf32>,
        %parallel_loop3A_373 = arith.mulf %parallel_loop3A_200, %parallel_loop3A_372 : vector<16xf32>
        %parallel_loop3A_374 = arith.addf %parallel_loop3A_369, %parallel_loop3A_373 : vector<16xf32>
        %parallel_loop3A_375 = arith.index_cast %parallel_loop3A_360 : i32 to index
        %parallel_loop3A_376 = arith.constant 48 : index
        %parallel_loop3A_377 = tpu.vector_load %arg13[%parallel_loop3A_375, %parallel_loop3A_376] {strides = array<i32>} : memref<336x128xf32, #tpu.memory_space<vmem>>, vector<16xf32>,
        %parallel_loop3A_378 = arith.mulf %parallel_loop3A_203, %parallel_loop3A_377 : vector<16xf32>
        %parallel_loop3A_379 = arith.addf %parallel_loop3A_374, %parallel_loop3A_378 : vector<16xf32>
        %parallel_loop3A_380 = arith.index_cast %parallel_loop3A_360 : i32 to index
        %parallel_loop3A_381 = arith.constant 64 : index
        %parallel_loop3A_382 = tpu.vector_load %arg13[%parallel_loop3A_380, %parallel_loop3A_381] {strides = array<i32>} : memref<336x128xf32, #tpu.memory_space<vmem>>, vector<16xf32>,
        %parallel_loop3A_383 = arith.mulf %parallel_loop3A_206, %parallel_loop3A_382 : vector<16xf32>
        %parallel_loop3A_384 = arith.addf %parallel_loop3A_379, %parallel_loop3A_383 : vector<16xf32>
        %parallel_loop3A_385 = arith.index_cast %parallel_loop3A_360 : i32 to index
        %parallel_loop3A_386 = arith.constant 80 : index
        %parallel_loop3A_387 = tpu.vector_load %arg13[%parallel_loop3A_385, %parallel_loop3A_386] {strides = array<i32>} : memref<336x128xf32, #tpu.memory_space<vmem>>, vector<16xf32>,
        %parallel_loop3A_388 = arith.mulf %parallel_loop3A_209, %parallel_loop3A_387 : vector<16xf32>
        %parallel_loop3A_389 = arith.addf %parallel_loop3A_384, %parallel_loop3A_388 : vector<16xf32>
        %parallel_loop3A_390 = arith.index_cast %parallel_loop3A_360 : i32 to index
        %parallel_loop3A_391 = arith.constant 96 : index
        %parallel_loop3A_392 = tpu.vector_load %arg13[%parallel_loop3A_390, %parallel_loop3A_391] {strides = array<i32>} : memref<336x128xf32, #tpu.memory_space<vmem>>, vector<16xf32>,
        %parallel_loop3A_393 = arith.mulf %parallel_loop3A_212, %parallel_loop3A_392 : vector<16xf32>
        %parallel_loop3A_394 = arith.addf %parallel_loop3A_389, %parallel_loop3A_393 : vector<16xf32>
        %parallel_loop3A_395 = arith.index_cast %parallel_loop3A_360 : i32 to index
        %parallel_loop3A_396 = arith.constant 112 : index
        %parallel_loop3A_397 = tpu.vector_load %arg13[%parallel_loop3A_395, %parallel_loop3A_396] {strides = array<i32>} : memref<336x128xf32, #tpu.memory_space<vmem>>, vector<16xf32>,
        %parallel_loop3A_398 = arith.mulf %parallel_loop3A_215, %parallel_loop3A_397 : vector<16xf32>
        %parallel_loop3A_399 = arith.addf %parallel_loop3A_394, %parallel_loop3A_398 : vector<16xf32>
        %parallel_loop3A_400 = arith.constant 16 : i32
        %parallel_loop3A_401 = arith.muli %parallel_loop3A_360, %parallel_loop3A_400 : i32
        %parallel_loop3A_402 = arith.index_cast %parallel_loop3A_401 : i32 to index
        %parallel_loop3A_403 = tpu.vector_load %arg15[%parallel_loop3A_402] {strides = array<i32>} : memref<5376xf32, #tpu.memory_space<vmem>>, vector<16xf32>,
        tpu.vector_store %arg15[%parallel_loop3A_402], %parallel_loop3A_399 {strides = array<i32>} : memref<5376xf32, #tpu.memory_space<vmem>>, vector<16xf32>,
        %parallel_loop3A_404 = arith.constant 21 : i32
        %parallel_loop3A_405 = arith.muli %parallel_loop3A_191, %parallel_loop3A_404 : i32
        %parallel_loop3A_406 = arith.constant 4 : i32
        %parallel_loop3A_407 = arith.addi %parallel_loop3A_405, %parallel_loop3A_406 : i32
        %parallel_loop3A_408 = arith.index_cast %parallel_loop3A_407 : i32 to index
        %parallel_loop3A_409 = arith.constant 0 : index
        %parallel_loop3A_410 = tpu.vector_load %arg13[%parallel_loop3A_408, %parallel_loop3A_409] {strides = array<i32>} : memref<336x128xf32, #tpu.memory_space<vmem>>, vector<16xf32>,
        %parallel_loop3A_411 = arith.mulf %parallel_loop3A_194, %parallel_loop3A_410 : vector<16xf32>
        %parallel_loop3A_412 = arith.index_cast %parallel_loop3A_407 : i32 to index
        %parallel_loop3A_413 = arith.constant 16 : index
        %parallel_loop3A_414 = tpu.vector_load %arg13[%parallel_loop3A_412, %parallel_loop3A_413] {strides = array<i32>} : memref<336x128xf32, #tpu.memory_space<vmem>>, vector<16xf32>,
        %parallel_loop3A_415 = arith.mulf %parallel_loop3A_197, %parallel_loop3A_414 : vector<16xf32>
        %parallel_loop3A_416 = arith.addf %parallel_loop3A_411, %parallel_loop3A_415 : vector<16xf32>
        %parallel_loop3A_417 = arith.index_cast %parallel_loop3A_407 : i32 to index
        %parallel_loop3A_418 = arith.constant 32 : index
        %parallel_loop3A_419 = tpu.vector_load %arg13[%parallel_loop3A_417, %parallel_loop3A_418] {strides = array<i32>} : memref<336x128xf32, #tpu.memory_space<vmem>>, vector<16xf32>,
        %parallel_loop3A_420 = arith.mulf %parallel_loop3A_200, %parallel_loop3A_419 : vector<16xf32>
        %parallel_loop3A_421 = arith.addf %parallel_loop3A_416, %parallel_loop3A_420 : vector<16xf32>
        %parallel_loop3A_422 = arith.index_cast %parallel_loop3A_407 : i32 to index
        %parallel_loop3A_423 = arith.constant 48 : index
        %parallel_loop3A_424 = tpu.vector_load %arg13[%parallel_loop3A_422, %parallel_loop3A_423] {strides = array<i32>} : memref<336x128xf32, #tpu.memory_space<vmem>>, vector<16xf32>,
        %parallel_loop3A_425 = arith.mulf %parallel_loop3A_203, %parallel_loop3A_424 : vector<16xf32>
        %parallel_loop3A_426 = arith.addf %parallel_loop3A_421, %parallel_loop3A_425 : vector<16xf32>
        %parallel_loop3A_427 = arith.index_cast %parallel_loop3A_407 : i32 to index
        %parallel_loop3A_428 = arith.constant 64 : index
        %parallel_loop3A_429 = tpu.vector_load %arg13[%parallel_loop3A_427, %parallel_loop3A_428] {strides = array<i32>} : memref<336x128xf32, #tpu.memory_space<vmem>>, vector<16xf32>,
        %parallel_loop3A_430 = arith.mulf %parallel_loop3A_206, %parallel_loop3A_429 : vector<16xf32>
        %parallel_loop3A_431 = arith.addf %parallel_loop3A_426, %parallel_loop3A_430 : vector<16xf32>
        %parallel_loop3A_432 = arith.index_cast %parallel_loop3A_407 : i32 to index
        %parallel_loop3A_433 = arith.constant 80 : index
        %parallel_loop3A_434 = tpu.vector_load %arg13[%parallel_loop3A_432, %parallel_loop3A_433] {strides = array<i32>} : memref<336x128xf32, #tpu.memory_space<vmem>>, vector<16xf32>,
        %parallel_loop3A_435 = arith.mulf %parallel_loop3A_209, %parallel_loop3A_434 : vector<16xf32>
        %parallel_loop3A_436 = arith.addf %parallel_loop3A_431, %parallel_loop3A_435 : vector<16xf32>
        %parallel_loop3A_437 = arith.index_cast %parallel_loop3A_407 : i32 to index
        %parallel_loop3A_438 = arith.constant 96 : index
        %parallel_loop3A_439 = tpu.vector_load %arg13[%parallel_loop3A_437, %parallel_loop3A_438] {strides = array<i32>} : memref<336x128xf32, #tpu.memory_space<vmem>>, vector<16xf32>,
        %parallel_loop3A_440 = arith.mulf %parallel_loop3A_212, %parallel_loop3A_439 : vector<16xf32>
        %parallel_loop3A_441 = arith.addf %parallel_loop3A_436, %parallel_loop3A_440 : vector<16xf32>
        %parallel_loop3A_442 = arith.index_cast %parallel_loop3A_407 : i32 to index
        %parallel_loop3A_443 = arith.constant 112 : index
        %parallel_loop3A_444 = tpu.vector_load %arg13[%parallel_loop3A_442, %parallel_loop3A_443] {strides = array<i32>} : memref<336x128xf32, #tpu.memory_space<vmem>>, vector<16xf32>,
        %parallel_loop3A_445 = arith.mulf %parallel_loop3A_215, %parallel_loop3A_444 : vector<16xf32>
        %parallel_loop3A_446 = arith.addf %parallel_loop3A_441, %parallel_loop3A_445 : vector<16xf32>
        %parallel_loop3A_447 = arith.constant 16 : i32
        %parallel_loop3A_448 = arith.muli %parallel_loop3A_407, %parallel_loop3A_447 : i32
        %parallel_loop3A_449 = arith.index_cast %parallel_loop3A_448 : i32 to index
        %parallel_loop3A_450 = tpu.vector_load %arg15[%parallel_loop3A_449] {strides = array<i32>} : memref<5376xf32, #tpu.memory_space<vmem>>, vector<16xf32>,
        tpu.vector_store %arg15[%parallel_loop3A_449], %parallel_loop3A_446 {strides = array<i32>} : memref<5376xf32, #tpu.memory_space<vmem>>, vector<16xf32>,
        %parallel_loop3A_451 = arith.constant 21 : i32
        %parallel_loop3A_452 = arith.muli %parallel_loop3A_191, %parallel_loop3A_451 : i32
        %parallel_loop3A_453 = arith.constant 5 : i32
        %parallel_loop3A_454 = arith.addi %parallel_loop3A_452, %parallel_loop3A_453 : i32
        %parallel_loop3A_455 = arith.index_cast %parallel_loop3A_454 : i32 to index
        %parallel_loop3A_456 = arith.constant 0 : index
        %parallel_loop3A_457 = tpu.vector_load %arg13[%parallel_loop3A_455, %parallel_loop3A_456] {strides = array<i32>} : memref<336x128xf32, #tpu.memory_space<vmem>>, vector<16xf32>,
        %parallel_loop3A_458 = arith.mulf %parallel_loop3A_194, %parallel_loop3A_457 : vector<16xf32>
        %parallel_loop3A_459 = arith.index_cast %parallel_loop3A_454 : i32 to index
        %parallel_loop3A_460 = arith.constant 16 : index
        %parallel_loop3A_461 = tpu.vector_load %arg13[%parallel_loop3A_459, %parallel_loop3A_460] {strides = array<i32>} : memref<336x128xf32, #tpu.memory_space<vmem>>, vector<16xf32>,
        %parallel_loop3A_462 = arith.mulf %parallel_loop3A_197, %parallel_loop3A_461 : vector<16xf32>
        %parallel_loop3A_463 = arith.addf %parallel_loop3A_458, %parallel_loop3A_462 : vector<16xf32>
        %parallel_loop3A_464 = arith.index_cast %parallel_loop3A_454 : i32 to index
        %parallel_loop3A_465 = arith.constant 32 : index
        %parallel_loop3A_466 = tpu.vector_load %arg13[%parallel_loop3A_464, %parallel_loop3A_465] {strides = array<i32>} : memref<336x128xf32, #tpu.memory_space<vmem>>, vector<16xf32>,
        %parallel_loop3A_467 = arith.mulf %parallel_loop3A_200, %parallel_loop3A_466 : vector<16xf32>
        %parallel_loop3A_468 = arith.addf %parallel_loop3A_463, %parallel_loop3A_467 : vector<16xf32>
        %parallel_loop3A_469 = arith.index_cast %parallel_loop3A_454 : i32 to index
        %parallel_loop3A_470 = arith.constant 48 : index
        %parallel_loop3A_471 = tpu.vector_load %arg13[%parallel_loop3A_469, %parallel_loop3A_470] {strides = array<i32>} : memref<336x128xf32, #tpu.memory_space<vmem>>, vector<16xf32>,
        %parallel_loop3A_472 = arith.mulf %parallel_loop3A_203, %parallel_loop3A_471 : vector<16xf32>
        %parallel_loop3A_473 = arith.addf %parallel_loop3A_468, %parallel_loop3A_472 : vector<16xf32>
        %parallel_loop3A_474 = arith.index_cast %parallel_loop3A_454 : i32 to index
        %parallel_loop3A_475 = arith.constant 64 : index
        %parallel_loop3A_476 = tpu.vector_load %arg13[%parallel_loop3A_474, %parallel_loop3A_475] {strides = array<i32>} : memref<336x128xf32, #tpu.memory_space<vmem>>, vector<16xf32>,
        %parallel_loop3A_477 = arith.mulf %parallel_loop3A_206, %parallel_loop3A_476 : vector<16xf32>
        %parallel_loop3A_478 = arith.addf %parallel_loop3A_473, %parallel_loop3A_477 : vector<16xf32>
        %parallel_loop3A_479 = arith.index_cast %parallel_loop3A_454 : i32 to index
        %parallel_loop3A_480 = arith.constant 80 : index
        %parallel_loop3A_481 = tpu.vector_load %arg13[%parallel_loop3A_479, %parallel_loop3A_480] {strides = array<i32>} : memref<336x128xf32, #tpu.memory_space<vmem>>, vector<16xf32>,
        %parallel_loop3A_482 = arith.mulf %parallel_loop3A_209, %parallel_loop3A_481 : vector<16xf32>
        %parallel_loop3A_483 = arith.addf %parallel_loop3A_478, %parallel_loop3A_482 : vector<16xf32>
        %parallel_loop3A_484 = arith.index_cast %parallel_loop3A_454 : i32 to index
        %parallel_loop3A_485 = arith.constant 96 : index
        %parallel_loop3A_486 = tpu.vector_load %arg13[%parallel_loop3A_484, %parallel_loop3A_485] {strides = array<i32>} : memref<336x128xf32, #tpu.memory_space<vmem>>, vector<16xf32>,
        %parallel_loop3A_487 = arith.mulf %parallel_loop3A_212, %parallel_loop3A_486 : vector<16xf32>
        %parallel_loop3A_488 = arith.addf %parallel_loop3A_483, %parallel_loop3A_487 : vector<16xf32>
        %parallel_loop3A_489 = arith.index_cast %parallel_loop3A_454 : i32 to index
        %parallel_loop3A_490 = arith.constant 112 : index
        %parallel_loop3A_491 = tpu.vector_load %arg13[%parallel_loop3A_489, %parallel_loop3A_490] {strides = array<i32>} : memref<336x128xf32, #tpu.memory_space<vmem>>, vector<16xf32>,
        %parallel_loop3A_492 = arith.mulf %parallel_loop3A_215, %parallel_loop3A_491 : vector<16xf32>
        %parallel_loop3A_493 = arith.addf %parallel_loop3A_488, %parallel_loop3A_492 : vector<16xf32>
        %parallel_loop3A_494 = arith.constant 16 : i32
        %parallel_loop3A_495 = arith.muli %parallel_loop3A_454, %parallel_loop3A_494 : i32
        %parallel_loop3A_496 = arith.index_cast %parallel_loop3A_495 : i32 to index
        %parallel_loop3A_497 = tpu.vector_load %arg15[%parallel_loop3A_496] {strides = array<i32>} : memref<5376xf32, #tpu.memory_space<vmem>>, vector<16xf32>,
        tpu.vector_store %arg15[%parallel_loop3A_496], %parallel_loop3A_493 {strides = array<i32>} : memref<5376xf32, #tpu.memory_space<vmem>>, vector<16xf32>,
        %parallel_loop3A_498 = arith.constant 21 : i32
        %parallel_loop3A_499 = arith.muli %parallel_loop3A_191, %parallel_loop3A_498 : i32
        %parallel_loop3A_500 = arith.constant 6 : i32
        %parallel_loop3A_501 = arith.addi %parallel_loop3A_499, %parallel_loop3A_500 : i32
        %parallel_loop3A_502 = arith.index_cast %parallel_loop3A_501 : i32 to index
        %parallel_loop3A_503 = arith.constant 0 : index
        %parallel_loop3A_504 = tpu.vector_load %arg13[%parallel_loop3A_502, %parallel_loop3A_503] {strides = array<i32>} : memref<336x128xf32, #tpu.memory_space<vmem>>, vector<16xf32>,
        %parallel_loop3A_505 = arith.mulf %parallel_loop3A_194, %parallel_loop3A_504 : vector<16xf32>
        %parallel_loop3A_506 = arith.index_cast %parallel_loop3A_501 : i32 to index
        %parallel_loop3A_507 = arith.constant 16 : index
        %parallel_loop3A_508 = tpu.vector_load %arg13[%parallel_loop3A_506, %parallel_loop3A_507] {strides = array<i32>} : memref<336x128xf32, #tpu.memory_space<vmem>>, vector<16xf32>,
        %parallel_loop3A_509 = arith.mulf %parallel_loop3A_197, %parallel_loop3A_508 : vector<16xf32>
        %parallel_loop3A_510 = arith.addf %parallel_loop3A_505, %parallel_loop3A_509 : vector<16xf32>
        %parallel_loop3A_511 = arith.index_cast %parallel_loop3A_501 : i32 to index
        %parallel_loop3A_512 = arith.constant 32 : index
        %parallel_loop3A_513 = tpu.vector_load %arg13[%parallel_loop3A_511, %parallel_loop3A_512] {strides = array<i32>} : memref<336x128xf32, #tpu.memory_space<vmem>>, vector<16xf32>,
        %parallel_loop3A_514 = arith.mulf %parallel_loop3A_200, %parallel_loop3A_513 : vector<16xf32>
        %parallel_loop3A_515 = arith.addf %parallel_loop3A_510, %parallel_loop3A_514 : vector<16xf32>
        %parallel_loop3A_516 = arith.index_cast %parallel_loop3A_501 : i32 to index
        %parallel_loop3A_517 = arith.constant 48 : index
        %parallel_loop3A_518 = tpu.vector_load %arg13[%parallel_loop3A_516, %parallel_loop3A_517] {strides = array<i32>} : memref<336x128xf32, #tpu.memory_space<vmem>>, vector<16xf32>,
        %parallel_loop3A_519 = arith.mulf %parallel_loop3A_203, %parallel_loop3A_518 : vector<16xf32>
        %parallel_loop3A_520 = arith.addf %parallel_loop3A_515, %parallel_loop3A_519 : vector<16xf32>
        %parallel_loop3A_521 = arith.index_cast %parallel_loop3A_501 : i32 to index
        %parallel_loop3A_522 = arith.constant 64 : index
        %parallel_loop3A_523 = tpu.vector_load %arg13[%parallel_loop3A_521, %parallel_loop3A_522] {strides = array<i32>} : memref<336x128xf32, #tpu.memory_space<vmem>>, vector<16xf32>,
        %parallel_loop3A_524 = arith.mulf %parallel_loop3A_206, %parallel_loop3A_523 : vector<16xf32>
        %parallel_loop3A_525 = arith.addf %parallel_loop3A_520, %parallel_loop3A_524 : vector<16xf32>
        %parallel_loop3A_526 = arith.index_cast %parallel_loop3A_501 : i32 to index
        %parallel_loop3A_527 = arith.constant 80 : index
        %parallel_loop3A_528 = tpu.vector_load %arg13[%parallel_loop3A_526, %parallel_loop3A_527] {strides = array<i32>} : memref<336x128xf32, #tpu.memory_space<vmem>>, vector<16xf32>,
        %parallel_loop3A_529 = arith.mulf %parallel_loop3A_209, %parallel_loop3A_528 : vector<16xf32>
        %parallel_loop3A_530 = arith.addf %parallel_loop3A_525, %parallel_loop3A_529 : vector<16xf32>
        %parallel_loop3A_531 = arith.index_cast %parallel_loop3A_501 : i32 to index
        %parallel_loop3A_532 = arith.constant 96 : index
        %parallel_loop3A_533 = tpu.vector_load %arg13[%parallel_loop3A_531, %parallel_loop3A_532] {strides = array<i32>} : memref<336x128xf32, #tpu.memory_space<vmem>>, vector<16xf32>,
        %parallel_loop3A_534 = arith.mulf %parallel_loop3A_212, %parallel_loop3A_533 : vector<16xf32>
        %parallel_loop3A_535 = arith.addf %parallel_loop3A_530, %parallel_loop3A_534 : vector<16xf32>
        %parallel_loop3A_536 = arith.index_cast %parallel_loop3A_501 : i32 to index
        %parallel_loop3A_537 = arith.constant 112 : index
        %parallel_loop3A_538 = tpu.vector_load %arg13[%parallel_loop3A_536, %parallel_loop3A_537] {strides = array<i32>} : memref<336x128xf32, #tpu.memory_space<vmem>>, vector<16xf32>,
        %parallel_loop3A_539 = arith.mulf %parallel_loop3A_215, %parallel_loop3A_538 : vector<16xf32>
        %parallel_loop3A_540 = arith.addf %parallel_loop3A_535, %parallel_loop3A_539 : vector<16xf32>
        %parallel_loop3A_541 = arith.constant 16 : i32
        %parallel_loop3A_542 = arith.muli %parallel_loop3A_501, %parallel_loop3A_541 : i32
        %parallel_loop3A_543 = arith.index_cast %parallel_loop3A_542 : i32 to index
        %parallel_loop3A_544 = tpu.vector_load %arg15[%parallel_loop3A_543] {strides = array<i32>} : memref<5376xf32, #tpu.memory_space<vmem>>, vector<16xf32>,
        tpu.vector_store %arg15[%parallel_loop3A_543], %parallel_loop3A_540 {strides = array<i32>} : memref<5376xf32, #tpu.memory_space<vmem>>, vector<16xf32>,
        %parallel_loop3A_545 = arith.constant 21 : i32
        %parallel_loop3A_546 = arith.muli %parallel_loop3A_191, %parallel_loop3A_545 : i32
        %parallel_loop3A_547 = arith.constant 7 : i32
        %parallel_loop3A_548 = arith.addi %parallel_loop3A_546, %parallel_loop3A_547 : i32
        %parallel_loop3A_549 = arith.index_cast %parallel_loop3A_548 : i32 to index
        %parallel_loop3A_550 = arith.constant 0 : index
        %parallel_loop3A_551 = tpu.vector_load %arg13[%parallel_loop3A_549, %parallel_loop3A_550] {strides = array<i32>} : memref<336x128xf32, #tpu.memory_space<vmem>>, vector<16xf32>,
        %parallel_loop3A_552 = arith.mulf %parallel_loop3A_194, %parallel_loop3A_551 : vector<16xf32>
        %parallel_loop3A_553 = arith.index_cast %parallel_loop3A_548 : i32 to index
        %parallel_loop3A_554 = arith.constant 16 : index
        %parallel_loop3A_555 = tpu.vector_load %arg13[%parallel_loop3A_553, %parallel_loop3A_554] {strides = array<i32>} : memref<336x128xf32, #tpu.memory_space<vmem>>, vector<16xf32>,
        %parallel_loop3A_556 = arith.mulf %parallel_loop3A_197, %parallel_loop3A_555 : vector<16xf32>
        %parallel_loop3A_557 = arith.addf %parallel_loop3A_552, %parallel_loop3A_556 : vector<16xf32>
        %parallel_loop3A_558 = arith.index_cast %parallel_loop3A_548 : i32 to index
        %parallel_loop3A_559 = arith.constant 32 : index
        %parallel_loop3A_560 = tpu.vector_load %arg13[%parallel_loop3A_558, %parallel_loop3A_559] {strides = array<i32>} : memref<336x128xf32, #tpu.memory_space<vmem>>, vector<16xf32>,
        %parallel_loop3A_561 = arith.mulf %parallel_loop3A_200, %parallel_loop3A_560 : vector<16xf32>
        %parallel_loop3A_562 = arith.addf %parallel_loop3A_557, %parallel_loop3A_561 : vector<16xf32>
        %parallel_loop3A_563 = arith.index_cast %parallel_loop3A_548 : i32 to index
        %parallel_loop3A_564 = arith.constant 48 : index
        %parallel_loop3A_565 = tpu.vector_load %arg13[%parallel_loop3A_563, %parallel_loop3A_564] {strides = array<i32>} : memref<336x128xf32, #tpu.memory_space<vmem>>, vector<16xf32>,
        %parallel_loop3A_566 = arith.mulf %parallel_loop3A_203, %parallel_loop3A_565 : vector<16xf32>
        %parallel_loop3A_567 = arith.addf %parallel_loop3A_562, %parallel_loop3A_566 : vector<16xf32>
        %parallel_loop3A_568 = arith.index_cast %parallel_loop3A_548 : i32 to index
        %parallel_loop3A_569 = arith.constant 64 : index
        %parallel_loop3A_570 = tpu.vector_load %arg13[%parallel_loop3A_568, %parallel_loop3A_569] {strides = array<i32>} : memref<336x128xf32, #tpu.memory_space<vmem>>, vector<16xf32>,
        %parallel_loop3A_571 = arith.mulf %parallel_loop3A_206, %parallel_loop3A_570 : vector<16xf32>
        %parallel_loop3A_572 = arith.addf %parallel_loop3A_567, %parallel_loop3A_571 : vector<16xf32>
        %parallel_loop3A_573 = arith.index_cast %parallel_loop3A_548 : i32 to index
        %parallel_loop3A_574 = arith.constant 80 : index
        %parallel_loop3A_575 = tpu.vector_load %arg13[%parallel_loop3A_573, %parallel_loop3A_574] {strides = array<i32>} : memref<336x128xf32, #tpu.memory_space<vmem>>, vector<16xf32>,
        %parallel_loop3A_576 = arith.mulf %parallel_loop3A_209, %parallel_loop3A_575 : vector<16xf32>
        %parallel_loop3A_577 = arith.addf %parallel_loop3A_572, %parallel_loop3A_576 : vector<16xf32>
        %parallel_loop3A_578 = arith.index_cast %parallel_loop3A_548 : i32 to index
        %parallel_loop3A_579 = arith.constant 96 : index
        %parallel_loop3A_580 = tpu.vector_load %arg13[%parallel_loop3A_578, %parallel_loop3A_579] {strides = array<i32>} : memref<336x128xf32, #tpu.memory_space<vmem>>, vector<16xf32>,
        %parallel_loop3A_581 = arith.mulf %parallel_loop3A_212, %parallel_loop3A_580 : vector<16xf32>
        %parallel_loop3A_582 = arith.addf %parallel_loop3A_577, %parallel_loop3A_581 : vector<16xf32>
        %parallel_loop3A_583 = arith.index_cast %parallel_loop3A_548 : i32 to index
        %parallel_loop3A_584 = arith.constant 112 : index
        %parallel_loop3A_585 = tpu.vector_load %arg13[%parallel_loop3A_583, %parallel_loop3A_584] {strides = array<i32>} : memref<336x128xf32, #tpu.memory_space<vmem>>, vector<16xf32>,
        %parallel_loop3A_586 = arith.mulf %parallel_loop3A_215, %parallel_loop3A_585 : vector<16xf32>
        %parallel_loop3A_587 = arith.addf %parallel_loop3A_582, %parallel_loop3A_586 : vector<16xf32>
        %parallel_loop3A_588 = arith.constant 16 : i32
        %parallel_loop3A_589 = arith.muli %parallel_loop3A_548, %parallel_loop3A_588 : i32
        %parallel_loop3A_590 = arith.index_cast %parallel_loop3A_589 : i32 to index
        %parallel_loop3A_591 = tpu.vector_load %arg15[%parallel_loop3A_590] {strides = array<i32>} : memref<5376xf32, #tpu.memory_space<vmem>>, vector<16xf32>,
        tpu.vector_store %arg15[%parallel_loop3A_590], %parallel_loop3A_587 {strides = array<i32>} : memref<5376xf32, #tpu.memory_space<vmem>>, vector<16xf32>,
        %parallel_loop3A_592 = arith.constant 21 : i32
        %parallel_loop3A_593 = arith.muli %parallel_loop3A_191, %parallel_loop3A_592 : i32
        %parallel_loop3A_594 = arith.constant 8 : i32
        %parallel_loop3A_595 = arith.addi %parallel_loop3A_593, %parallel_loop3A_594 : i32
        %parallel_loop3A_596 = arith.index_cast %parallel_loop3A_595 : i32 to index
        %parallel_loop3A_597 = arith.constant 0 : index
        %parallel_loop3A_598 = tpu.vector_load %arg13[%parallel_loop3A_596, %parallel_loop3A_597] {strides = array<i32>} : memref<336x128xf32, #tpu.memory_space<vmem>>, vector<16xf32>,
        %parallel_loop3A_599 = arith.mulf %parallel_loop3A_194, %parallel_loop3A_598 : vector<16xf32>
        %parallel_loop3A_600 = arith.index_cast %parallel_loop3A_595 : i32 to index
        %parallel_loop3A_601 = arith.constant 16 : index
        %parallel_loop3A_602 = tpu.vector_load %arg13[%parallel_loop3A_600, %parallel_loop3A_601] {strides = array<i32>} : memref<336x128xf32, #tpu.memory_space<vmem>>, vector<16xf32>,
        %parallel_loop3A_603 = arith.mulf %parallel_loop3A_197, %parallel_loop3A_602 : vector<16xf32>
        %parallel_loop3A_604 = arith.addf %parallel_loop3A_599, %parallel_loop3A_603 : vector<16xf32>
        %parallel_loop3A_605 = arith.index_cast %parallel_loop3A_595 : i32 to index
        %parallel_loop3A_606 = arith.constant 32 : index
        %parallel_loop3A_607 = tpu.vector_load %arg13[%parallel_loop3A_605, %parallel_loop3A_606] {strides = array<i32>} : memref<336x128xf32, #tpu.memory_space<vmem>>, vector<16xf32>,
        %parallel_loop3A_608 = arith.mulf %parallel_loop3A_200, %parallel_loop3A_607 : vector<16xf32>
        %parallel_loop3A_609 = arith.addf %parallel_loop3A_604, %parallel_loop3A_608 : vector<16xf32>
        %parallel_loop3A_610 = arith.index_cast %parallel_loop3A_595 : i32 to index
        %parallel_loop3A_611 = arith.constant 48 : index
        %parallel_loop3A_612 = tpu.vector_load %arg13[%parallel_loop3A_610, %parallel_loop3A_611] {strides = array<i32>} : memref<336x128xf32, #tpu.memory_space<vmem>>, vector<16xf32>,
        %parallel_loop3A_613 = arith.mulf %parallel_loop3A_203, %parallel_loop3A_612 : vector<16xf32>
        %parallel_loop3A_614 = arith.addf %parallel_loop3A_609, %parallel_loop3A_613 : vector<16xf32>
        %parallel_loop3A_615 = arith.index_cast %parallel_loop3A_595 : i32 to index
        %parallel_loop3A_616 = arith.constant 64 : index
        %parallel_loop3A_617 = tpu.vector_load %arg13[%parallel_loop3A_615, %parallel_loop3A_616] {strides = array<i32>} : memref<336x128xf32, #tpu.memory_space<vmem>>, vector<16xf32>,
        %parallel_loop3A_618 = arith.mulf %parallel_loop3A_206, %parallel_loop3A_617 : vector<16xf32>
        %parallel_loop3A_619 = arith.addf %parallel_loop3A_614, %parallel_loop3A_618 : vector<16xf32>
        %parallel_loop3A_620 = arith.index_cast %parallel_loop3A_595 : i32 to index
        %parallel_loop3A_621 = arith.constant 80 : index
        %parallel_loop3A_622 = tpu.vector_load %arg13[%parallel_loop3A_620, %parallel_loop3A_621] {strides = array<i32>} : memref<336x128xf32, #tpu.memory_space<vmem>>, vector<16xf32>,
        %parallel_loop3A_623 = arith.mulf %parallel_loop3A_209, %parallel_loop3A_622 : vector<16xf32>
        %parallel_loop3A_624 = arith.addf %parallel_loop3A_619, %parallel_loop3A_623 : vector<16xf32>
        %parallel_loop3A_625 = arith.index_cast %parallel_loop3A_595 : i32 to index
        %parallel_loop3A_626 = arith.constant 96 : index
        %parallel_loop3A_627 = tpu.vector_load %arg13[%parallel_loop3A_625, %parallel_loop3A_626] {strides = array<i32>} : memref<336x128xf32, #tpu.memory_space<vmem>>, vector<16xf32>,
        %parallel_loop3A_628 = arith.mulf %parallel_loop3A_212, %parallel_loop3A_627 : vector<16xf32>
        %parallel_loop3A_629 = arith.addf %parallel_loop3A_624, %parallel_loop3A_628 : vector<16xf32>
        %parallel_loop3A_630 = arith.index_cast %parallel_loop3A_595 : i32 to index
        %parallel_loop3A_631 = arith.constant 112 : index
        %parallel_loop3A_632 = tpu.vector_load %arg13[%parallel_loop3A_630, %parallel_loop3A_631] {strides = array<i32>} : memref<336x128xf32, #tpu.memory_space<vmem>>, vector<16xf32>,
        %parallel_loop3A_633 = arith.mulf %parallel_loop3A_215, %parallel_loop3A_632 : vector<16xf32>
        %parallel_loop3A_634 = arith.addf %parallel_loop3A_629, %parallel_loop3A_633 : vector<16xf32>
        %parallel_loop3A_635 = arith.constant 16 : i32
        %parallel_loop3A_636 = arith.muli %parallel_loop3A_595, %parallel_loop3A_635 : i32
        %parallel_loop3A_637 = arith.index_cast %parallel_loop3A_636 : i32 to index
        %parallel_loop3A_638 = tpu.vector_load %arg15[%parallel_loop3A_637] {strides = array<i32>} : memref<5376xf32, #tpu.memory_space<vmem>>, vector<16xf32>,
        tpu.vector_store %arg15[%parallel_loop3A_637], %parallel_loop3A_634 {strides = array<i32>} : memref<5376xf32, #tpu.memory_space<vmem>>, vector<16xf32>,
        %parallel_loop3A_639 = arith.constant 21 : i32
        %parallel_loop3A_640 = arith.muli %parallel_loop3A_191, %parallel_loop3A_639 : i32
        %parallel_loop3A_641 = arith.constant 9 : i32
        %parallel_loop3A_642 = arith.addi %parallel_loop3A_640, %parallel_loop3A_641 : i32
        %parallel_loop3A_643 = arith.index_cast %parallel_loop3A_642 : i32 to index
        %parallel_loop3A_644 = arith.constant 0 : index
        %parallel_loop3A_645 = tpu.vector_load %arg13[%parallel_loop3A_643, %parallel_loop3A_644] {strides = array<i32>} : memref<336x128xf32, #tpu.memory_space<vmem>>, vector<16xf32>,
        %parallel_loop3A_646 = arith.mulf %parallel_loop3A_194, %parallel_loop3A_645 : vector<16xf32>
        %parallel_loop3A_647 = arith.index_cast %parallel_loop3A_642 : i32 to index
        %parallel_loop3A_648 = arith.constant 16 : index
        %parallel_loop3A_649 = tpu.vector_load %arg13[%parallel_loop3A_647, %parallel_loop3A_648] {strides = array<i32>} : memref<336x128xf32, #tpu.memory_space<vmem>>, vector<16xf32>,
        %parallel_loop3A_650 = arith.mulf %parallel_loop3A_197, %parallel_loop3A_649 : vector<16xf32>
        %parallel_loop3A_651 = arith.addf %parallel_loop3A_646, %parallel_loop3A_650 : vector<16xf32>
        %parallel_loop3A_652 = arith.index_cast %parallel_loop3A_642 : i32 to index
        %parallel_loop3A_653 = arith.constant 32 : index
        %parallel_loop3A_654 = tpu.vector_load %arg13[%parallel_loop3A_652, %parallel_loop3A_653] {strides = array<i32>} : memref<336x128xf32, #tpu.memory_space<vmem>>, vector<16xf32>,
        %parallel_loop3A_655 = arith.mulf %parallel_loop3A_200, %parallel_loop3A_654 : vector<16xf32>
        %parallel_loop3A_656 = arith.addf %parallel_loop3A_651, %parallel_loop3A_655 : vector<16xf32>
        %parallel_loop3A_657 = arith.index_cast %parallel_loop3A_642 : i32 to index
        %parallel_loop3A_658 = arith.constant 48 : index
        %parallel_loop3A_659 = tpu.vector_load %arg13[%parallel_loop3A_657, %parallel_loop3A_658] {strides = array<i32>} : memref<336x128xf32, #tpu.memory_space<vmem>>, vector<16xf32>,
        %parallel_loop3A_660 = arith.mulf %parallel_loop3A_203, %parallel_loop3A_659 : vector<16xf32>
        %parallel_loop3A_661 = arith.addf %parallel_loop3A_656, %parallel_loop3A_660 : vector<16xf32>
        %parallel_loop3A_662 = arith.index_cast %parallel_loop3A_642 : i32 to index
        %parallel_loop3A_663 = arith.constant 64 : index
        %parallel_loop3A_664 = tpu.vector_load %arg13[%parallel_loop3A_662, %parallel_loop3A_663] {strides = array<i32>} : memref<336x128xf32, #tpu.memory_space<vmem>>, vector<16xf32>,
        %parallel_loop3A_665 = arith.mulf %parallel_loop3A_206, %parallel_loop3A_664 : vector<16xf32>
        %parallel_loop3A_666 = arith.addf %parallel_loop3A_661, %parallel_loop3A_665 : vector<16xf32>
        %parallel_loop3A_667 = arith.index_cast %parallel_loop3A_642 : i32 to index
        %parallel_loop3A_668 = arith.constant 80 : index
        %parallel_loop3A_669 = tpu.vector_load %arg13[%parallel_loop3A_667, %parallel_loop3A_668] {strides = array<i32>} : memref<336x128xf32, #tpu.memory_space<vmem>>, vector<16xf32>,
        %parallel_loop3A_670 = arith.mulf %parallel_loop3A_209, %parallel_loop3A_669 : vector<16xf32>
        %parallel_loop3A_671 = arith.addf %parallel_loop3A_666, %parallel_loop3A_670 : vector<16xf32>
        %parallel_loop3A_672 = arith.index_cast %parallel_loop3A_642 : i32 to index
        %parallel_loop3A_673 = arith.constant 96 : index
        %parallel_loop3A_674 = tpu.vector_load %arg13[%parallel_loop3A_672, %parallel_loop3A_673] {strides = array<i32>} : memref<336x128xf32, #tpu.memory_space<vmem>>, vector<16xf32>,
        %parallel_loop3A_675 = arith.mulf %parallel_loop3A_212, %parallel_loop3A_674 : vector<16xf32>
        %parallel_loop3A_676 = arith.addf %parallel_loop3A_671, %parallel_loop3A_675 : vector<16xf32>
        %parallel_loop3A_677 = arith.index_cast %parallel_loop3A_642 : i32 to index
        %parallel_loop3A_678 = arith.constant 112 : index
        %parallel_loop3A_679 = tpu.vector_load %arg13[%parallel_loop3A_677, %parallel_loop3A_678] {strides = array<i32>} : memref<336x128xf32, #tpu.memory_space<vmem>>, vector<16xf32>,
        %parallel_loop3A_680 = arith.mulf %parallel_loop3A_215, %parallel_loop3A_679 : vector<16xf32>
        %parallel_loop3A_681 = arith.addf %parallel_loop3A_676, %parallel_loop3A_680 : vector<16xf32>
        %parallel_loop3A_682 = arith.constant 16 : i32
        %parallel_loop3A_683 = arith.muli %parallel_loop3A_642, %parallel_loop3A_682 : i32
        %parallel_loop3A_684 = arith.index_cast %parallel_loop3A_683 : i32 to index
        %parallel_loop3A_685 = tpu.vector_load %arg15[%parallel_loop3A_684] {strides = array<i32>} : memref<5376xf32, #tpu.memory_space<vmem>>, vector<16xf32>,
        tpu.vector_store %arg15[%parallel_loop3A_684], %parallel_loop3A_681 {strides = array<i32>} : memref<5376xf32, #tpu.memory_space<vmem>>, vector<16xf32>,
        %parallel_loop3A_686 = arith.constant 21 : i32
        %parallel_loop3A_687 = arith.muli %parallel_loop3A_191, %parallel_loop3A_686 : i32
        %parallel_loop3A_688 = arith.constant 10 : i32
        %parallel_loop3A_689 = arith.addi %parallel_loop3A_687, %parallel_loop3A_688 : i32
        %parallel_loop3A_690 = arith.index_cast %parallel_loop3A_689 : i32 to index
        %parallel_loop3A_691 = arith.constant 0 : index
        %parallel_loop3A_692 = tpu.vector_load %arg13[%parallel_loop3A_690, %parallel_loop3A_691] {strides = array<i32>} : memref<336x128xf32, #tpu.memory_space<vmem>>, vector<16xf32>,
        %parallel_loop3A_693 = arith.mulf %parallel_loop3A_194, %parallel_loop3A_692 : vector<16xf32>
        %parallel_loop3A_694 = arith.index_cast %parallel_loop3A_689 : i32 to index
        %parallel_loop3A_695 = arith.constant 16 : index
        %parallel_loop3A_696 = tpu.vector_load %arg13[%parallel_loop3A_694, %parallel_loop3A_695] {strides = array<i32>} : memref<336x128xf32, #tpu.memory_space<vmem>>, vector<16xf32>,
        %parallel_loop3A_697 = arith.mulf %parallel_loop3A_197, %parallel_loop3A_696 : vector<16xf32>
        %parallel_loop3A_698 = arith.addf %parallel_loop3A_693, %parallel_loop3A_697 : vector<16xf32>
        %parallel_loop3A_699 = arith.index_cast %parallel_loop3A_689 : i32 to index
        %parallel_loop3A_700 = arith.constant 32 : index
        %parallel_loop3A_701 = tpu.vector_load %arg13[%parallel_loop3A_699, %parallel_loop3A_700] {strides = array<i32>} : memref<336x128xf32, #tpu.memory_space<vmem>>, vector<16xf32>,
        %parallel_loop3A_702 = arith.mulf %parallel_loop3A_200, %parallel_loop3A_701 : vector<16xf32>
        %parallel_loop3A_703 = arith.addf %parallel_loop3A_698, %parallel_loop3A_702 : vector<16xf32>
        %parallel_loop3A_704 = arith.index_cast %parallel_loop3A_689 : i32 to index
        %parallel_loop3A_705 = arith.constant 48 : index
        %parallel_loop3A_706 = tpu.vector_load %arg13[%parallel_loop3A_704, %parallel_loop3A_705] {strides = array<i32>} : memref<336x128xf32, #tpu.memory_space<vmem>>, vector<16xf32>,
        %parallel_loop3A_707 = arith.mulf %parallel_loop3A_203, %parallel_loop3A_706 : vector<16xf32>
        %parallel_loop3A_708 = arith.addf %parallel_loop3A_703, %parallel_loop3A_707 : vector<16xf32>
        %parallel_loop3A_709 = arith.index_cast %parallel_loop3A_689 : i32 to index
        %parallel_loop3A_710 = arith.constant 64 : index
        %parallel_loop3A_711 = tpu.vector_load %arg13[%parallel_loop3A_709, %parallel_loop3A_710] {strides = array<i32>} : memref<336x128xf32, #tpu.memory_space<vmem>>, vector<16xf32>,
        %parallel_loop3A_712 = arith.mulf %parallel_loop3A_206, %parallel_loop3A_711 : vector<16xf32>
        %parallel_loop3A_713 = arith.addf %parallel_loop3A_708, %parallel_loop3A_712 : vector<16xf32>
        %parallel_loop3A_714 = arith.index_cast %parallel_loop3A_689 : i32 to index
        %parallel_loop3A_715 = arith.constant 80 : index
        %parallel_loop3A_716 = tpu.vector_load %arg13[%parallel_loop3A_714, %parallel_loop3A_715] {strides = array<i32>} : memref<336x128xf32, #tpu.memory_space<vmem>>, vector<16xf32>,
        %parallel_loop3A_717 = arith.mulf %parallel_loop3A_209, %parallel_loop3A_716 : vector<16xf32>
        %parallel_loop3A_718 = arith.addf %parallel_loop3A_713, %parallel_loop3A_717 : vector<16xf32>
        %parallel_loop3A_719 = arith.index_cast %parallel_loop3A_689 : i32 to index
        %parallel_loop3A_720 = arith.constant 96 : index
        %parallel_loop3A_721 = tpu.vector_load %arg13[%parallel_loop3A_719, %parallel_loop3A_720] {strides = array<i32>} : memref<336x128xf32, #tpu.memory_space<vmem>>, vector<16xf32>,
        %parallel_loop3A_722 = arith.mulf %parallel_loop3A_212, %parallel_loop3A_721 : vector<16xf32>
        %parallel_loop3A_723 = arith.addf %parallel_loop3A_718, %parallel_loop3A_722 : vector<16xf32>
        %parallel_loop3A_724 = arith.index_cast %parallel_loop3A_689 : i32 to index
        %parallel_loop3A_725 = arith.constant 112 : index
        %parallel_loop3A_726 = tpu.vector_load %arg13[%parallel_loop3A_724, %parallel_loop3A_725] {strides = array<i32>} : memref<336x128xf32, #tpu.memory_space<vmem>>, vector<16xf32>,
        %parallel_loop3A_727 = arith.mulf %parallel_loop3A_215, %parallel_loop3A_726 : vector<16xf32>
        %parallel_loop3A_728 = arith.addf %parallel_loop3A_723, %parallel_loop3A_727 : vector<16xf32>
        %parallel_loop3A_729 = arith.constant 16 : i32
        %parallel_loop3A_730 = arith.muli %parallel_loop3A_689, %parallel_loop3A_729 : i32
        %parallel_loop3A_731 = arith.index_cast %parallel_loop3A_730 : i32 to index
        %parallel_loop3A_732 = tpu.vector_load %arg15[%parallel_loop3A_731] {strides = array<i32>} : memref<5376xf32, #tpu.memory_space<vmem>>, vector<16xf32>,
        tpu.vector_store %arg15[%parallel_loop3A_731], %parallel_loop3A_728 {strides = array<i32>} : memref<5376xf32, #tpu.memory_space<vmem>>, vector<16xf32>,
        %parallel_loop3A_733 = arith.constant 21 : i32
        %parallel_loop3A_734 = arith.muli %parallel_loop3A_191, %parallel_loop3A_733 : i32
        %parallel_loop3A_735 = arith.constant 11 : i32
        %parallel_loop3A_736 = arith.addi %parallel_loop3A_734, %parallel_loop3A_735 : i32
        %parallel_loop3A_737 = arith.index_cast %parallel_loop3A_736 : i32 to index
        %parallel_loop3A_738 = arith.constant 0 : index
        %parallel_loop3A_739 = tpu.vector_load %arg13[%parallel_loop3A_737, %parallel_loop3A_738] {strides = array<i32>} : memref<336x128xf32, #tpu.memory_space<vmem>>, vector<16xf32>,
        %parallel_loop3A_740 = arith.mulf %parallel_loop3A_194, %parallel_loop3A_739 : vector<16xf32>
        %parallel_loop3A_741 = arith.index_cast %parallel_loop3A_736 : i32 to index
        %parallel_loop3A_742 = arith.constant 16 : index
        %parallel_loop3A_743 = tpu.vector_load %arg13[%parallel_loop3A_741, %parallel_loop3A_742] {strides = array<i32>} : memref<336x128xf32, #tpu.memory_space<vmem>>, vector<16xf32>,
        %parallel_loop3A_744 = arith.mulf %parallel_loop3A_197, %parallel_loop3A_743 : vector<16xf32>
        %parallel_loop3A_745 = arith.addf %parallel_loop3A_740, %parallel_loop3A_744 : vector<16xf32>
        %parallel_loop3A_746 = arith.index_cast %parallel_loop3A_736 : i32 to index
        %parallel_loop3A_747 = arith.constant 32 : index
        %parallel_loop3A_748 = tpu.vector_load %arg13[%parallel_loop3A_746, %parallel_loop3A_747] {strides = array<i32>} : memref<336x128xf32, #tpu.memory_space<vmem>>, vector<16xf32>,
        %parallel_loop3A_749 = arith.mulf %parallel_loop3A_200, %parallel_loop3A_748 : vector<16xf32>
        %parallel_loop3A_750 = arith.addf %parallel_loop3A_745, %parallel_loop3A_749 : vector<16xf32>
        %parallel_loop3A_751 = arith.index_cast %parallel_loop3A_736 : i32 to index
        %parallel_loop3A_752 = arith.constant 48 : index
        %parallel_loop3A_753 = tpu.vector_load %arg13[%parallel_loop3A_751, %parallel_loop3A_752] {strides = array<i32>} : memref<336x128xf32, #tpu.memory_space<vmem>>, vector<16xf32>,
        %parallel_loop3A_754 = arith.mulf %parallel_loop3A_203, %parallel_loop3A_753 : vector<16xf32>
        %parallel_loop3A_755 = arith.addf %parallel_loop3A_750, %parallel_loop3A_754 : vector<16xf32>
        %parallel_loop3A_756 = arith.index_cast %parallel_loop3A_736 : i32 to index
        %parallel_loop3A_757 = arith.constant 64 : index
        %parallel_loop3A_758 = tpu.vector_load %arg13[%parallel_loop3A_756, %parallel_loop3A_757] {strides = array<i32>} : memref<336x128xf32, #tpu.memory_space<vmem>>, vector<16xf32>,
        %parallel_loop3A_759 = arith.mulf %parallel_loop3A_206, %parallel_loop3A_758 : vector<16xf32>
        %parallel_loop3A_760 = arith.addf %parallel_loop3A_755, %parallel_loop3A_759 : vector<16xf32>
        %parallel_loop3A_761 = arith.index_cast %parallel_loop3A_736 : i32 to index
        %parallel_loop3A_762 = arith.constant 80 : index
        %parallel_loop3A_763 = tpu.vector_load %arg13[%parallel_loop3A_761, %parallel_loop3A_762] {strides = array<i32>} : memref<336x128xf32, #tpu.memory_space<vmem>>, vector<16xf32>,
        %parallel_loop3A_764 = arith.mulf %parallel_loop3A_209, %parallel_loop3A_763 : vector<16xf32>
        %parallel_loop3A_765 = arith.addf %parallel_loop3A_760, %parallel_loop3A_764 : vector<16xf32>
        %parallel_loop3A_766 = arith.index_cast %parallel_loop3A_736 : i32 to index
        %parallel_loop3A_767 = arith.constant 96 : index
        %parallel_loop3A_768 = tpu.vector_load %arg13[%parallel_loop3A_766, %parallel_loop3A_767] {strides = array<i32>} : memref<336x128xf32, #tpu.memory_space<vmem>>, vector<16xf32>,
        %parallel_loop3A_769 = arith.mulf %parallel_loop3A_212, %parallel_loop3A_768 : vector<16xf32>
        %parallel_loop3A_770 = arith.addf %parallel_loop3A_765, %parallel_loop3A_769 : vector<16xf32>
        %parallel_loop3A_771 = arith.index_cast %parallel_loop3A_736 : i32 to index
        %parallel_loop3A_772 = arith.constant 112 : index
        %parallel_loop3A_773 = tpu.vector_load %arg13[%parallel_loop3A_771, %parallel_loop3A_772] {strides = array<i32>} : memref<336x128xf32, #tpu.memory_space<vmem>>, vector<16xf32>,
        %parallel_loop3A_774 = arith.mulf %parallel_loop3A_215, %parallel_loop3A_773 : vector<16xf32>
        %parallel_loop3A_775 = arith.addf %parallel_loop3A_770, %parallel_loop3A_774 : vector<16xf32>
        %parallel_loop3A_776 = arith.constant 16 : i32
        %parallel_loop3A_777 = arith.muli %parallel_loop3A_736, %parallel_loop3A_776 : i32
        %parallel_loop3A_778 = arith.index_cast %parallel_loop3A_777 : i32 to index
        %parallel_loop3A_779 = tpu.vector_load %arg15[%parallel_loop3A_778] {strides = array<i32>} : memref<5376xf32, #tpu.memory_space<vmem>>, vector<16xf32>,
        tpu.vector_store %arg15[%parallel_loop3A_778], %parallel_loop3A_775 {strides = array<i32>} : memref<5376xf32, #tpu.memory_space<vmem>>, vector<16xf32>,
        %parallel_loop3A_780 = arith.constant 21 : i32
        %parallel_loop3A_781 = arith.muli %parallel_loop3A_191, %parallel_loop3A_780 : i32
        %parallel_loop3A_782 = arith.constant 12 : i32
        %parallel_loop3A_783 = arith.addi %parallel_loop3A_781, %parallel_loop3A_782 : i32
        %parallel_loop3A_784 = arith.index_cast %parallel_loop3A_783 : i32 to index
        %parallel_loop3A_785 = arith.constant 0 : index
        %parallel_loop3A_786 = tpu.vector_load %arg13[%parallel_loop3A_784, %parallel_loop3A_785] {strides = array<i32>} : memref<336x128xf32, #tpu.memory_space<vmem>>, vector<16xf32>,
        %parallel_loop3A_787 = arith.mulf %parallel_loop3A_194, %parallel_loop3A_786 : vector<16xf32>
        %parallel_loop3A_788 = arith.index_cast %parallel_loop3A_783 : i32 to index
        %parallel_loop3A_789 = arith.constant 16 : index
        %parallel_loop3A_790 = tpu.vector_load %arg13[%parallel_loop3A_788, %parallel_loop3A_789] {strides = array<i32>} : memref<336x128xf32, #tpu.memory_space<vmem>>, vector<16xf32>,
        %parallel_loop3A_791 = arith.mulf %parallel_loop3A_197, %parallel_loop3A_790 : vector<16xf32>
        %parallel_loop3A_792 = arith.addf %parallel_loop3A_787, %parallel_loop3A_791 : vector<16xf32>
        %parallel_loop3A_793 = arith.index_cast %parallel_loop3A_783 : i32 to index
        %parallel_loop3A_794 = arith.constant 32 : index
        %parallel_loop3A_795 = tpu.vector_load %arg13[%parallel_loop3A_793, %parallel_loop3A_794] {strides = array<i32>} : memref<336x128xf32, #tpu.memory_space<vmem>>, vector<16xf32>,
        %parallel_loop3A_796 = arith.mulf %parallel_loop3A_200, %parallel_loop3A_795 : vector<16xf32>
        %parallel_loop3A_797 = arith.addf %parallel_loop3A_792, %parallel_loop3A_796 : vector<16xf32>
        %parallel_loop3A_798 = arith.index_cast %parallel_loop3A_783 : i32 to index
        %parallel_loop3A_799 = arith.constant 48 : index
        %parallel_loop3A_800 = tpu.vector_load %arg13[%parallel_loop3A_798, %parallel_loop3A_799] {strides = array<i32>} : memref<336x128xf32, #tpu.memory_space<vmem>>, vector<16xf32>,
        %parallel_loop3A_801 = arith.mulf %parallel_loop3A_203, %parallel_loop3A_800 : vector<16xf32>
        %parallel_loop3A_802 = arith.addf %parallel_loop3A_797, %parallel_loop3A_801 : vector<16xf32>
        %parallel_loop3A_803 = arith.index_cast %parallel_loop3A_783 : i32 to index
        %parallel_loop3A_804 = arith.constant 64 : index
        %parallel_loop3A_805 = tpu.vector_load %arg13[%parallel_loop3A_803, %parallel_loop3A_804] {strides = array<i32>} : memref<336x128xf32, #tpu.memory_space<vmem>>, vector<16xf32>,
        %parallel_loop3A_806 = arith.mulf %parallel_loop3A_206, %parallel_loop3A_805 : vector<16xf32>
        %parallel_loop3A_807 = arith.addf %parallel_loop3A_802, %parallel_loop3A_806 : vector<16xf32>
        %parallel_loop3A_808 = arith.index_cast %parallel_loop3A_783 : i32 to index
        %parallel_loop3A_809 = arith.constant 80 : index
        %parallel_loop3A_810 = tpu.vector_load %arg13[%parallel_loop3A_808, %parallel_loop3A_809] {strides = array<i32>} : memref<336x128xf32, #tpu.memory_space<vmem>>, vector<16xf32>,
        %parallel_loop3A_811 = arith.mulf %parallel_loop3A_209, %parallel_loop3A_810 : vector<16xf32>
        %parallel_loop3A_812 = arith.addf %parallel_loop3A_807, %parallel_loop3A_811 : vector<16xf32>
        %parallel_loop3A_813 = arith.index_cast %parallel_loop3A_783 : i32 to index
        %parallel_loop3A_814 = arith.constant 96 : index
        %parallel_loop3A_815 = tpu.vector_load %arg13[%parallel_loop3A_813, %parallel_loop3A_814] {strides = array<i32>} : memref<336x128xf32, #tpu.memory_space<vmem>>, vector<16xf32>,
        %parallel_loop3A_816 = arith.mulf %parallel_loop3A_212, %parallel_loop3A_815 : vector<16xf32>
        %parallel_loop3A_817 = arith.addf %parallel_loop3A_812, %parallel_loop3A_816 : vector<16xf32>
        %parallel_loop3A_818 = arith.index_cast %parallel_loop3A_783 : i32 to index
        %parallel_loop3A_819 = arith.constant 112 : index
        %parallel_loop3A_820 = tpu.vector_load %arg13[%parallel_loop3A_818, %parallel_loop3A_819] {strides = array<i32>} : memref<336x128xf32, #tpu.memory_space<vmem>>, vector<16xf32>,
        %parallel_loop3A_821 = arith.mulf %parallel_loop3A_215, %parallel_loop3A_820 : vector<16xf32>
        %parallel_loop3A_822 = arith.addf %parallel_loop3A_817, %parallel_loop3A_821 : vector<16xf32>
        %parallel_loop3A_823 = arith.constant 16 : i32
        %parallel_loop3A_824 = arith.muli %parallel_loop3A_783, %parallel_loop3A_823 : i32
        %parallel_loop3A_825 = arith.index_cast %parallel_loop3A_824 : i32 to index
        %parallel_loop3A_826 = tpu.vector_load %arg15[%parallel_loop3A_825] {strides = array<i32>} : memref<5376xf32, #tpu.memory_space<vmem>>, vector<16xf32>,
        tpu.vector_store %arg15[%parallel_loop3A_825], %parallel_loop3A_822 {strides = array<i32>} : memref<5376xf32, #tpu.memory_space<vmem>>, vector<16xf32>,
        %parallel_loop3A_827 = arith.constant 21 : i32
        %parallel_loop3A_828 = arith.muli %parallel_loop3A_191, %parallel_loop3A_827 : i32
        %parallel_loop3A_829 = arith.constant 13 : i32
        %parallel_loop3A_830 = arith.addi %parallel_loop3A_828, %parallel_loop3A_829 : i32
        %parallel_loop3A_831 = arith.index_cast %parallel_loop3A_830 : i32 to index
        %parallel_loop3A_832 = arith.constant 0 : index
        %parallel_loop3A_833 = tpu.vector_load %arg13[%parallel_loop3A_831, %parallel_loop3A_832] {strides = array<i32>} : memref<336x128xf32, #tpu.memory_space<vmem>>, vector<16xf32>,
        %parallel_loop3A_834 = arith.mulf %parallel_loop3A_194, %parallel_loop3A_833 : vector<16xf32>
        %parallel_loop3A_835 = arith.index_cast %parallel_loop3A_830 : i32 to index
        %parallel_loop3A_836 = arith.constant 16 : index
        %parallel_loop3A_837 = tpu.vector_load %arg13[%parallel_loop3A_835, %parallel_loop3A_836] {strides = array<i32>} : memref<336x128xf32, #tpu.memory_space<vmem>>, vector<16xf32>,
        %parallel_loop3A_838 = arith.mulf %parallel_loop3A_197, %parallel_loop3A_837 : vector<16xf32>
        %parallel_loop3A_839 = arith.addf %parallel_loop3A_834, %parallel_loop3A_838 : vector<16xf32>
        %parallel_loop3A_840 = arith.index_cast %parallel_loop3A_830 : i32 to index
        %parallel_loop3A_841 = arith.constant 32 : index
        %parallel_loop3A_842 = tpu.vector_load %arg13[%parallel_loop3A_840, %parallel_loop3A_841] {strides = array<i32>} : memref<336x128xf32, #tpu.memory_space<vmem>>, vector<16xf32>,
        %parallel_loop3A_843 = arith.mulf %parallel_loop3A_200, %parallel_loop3A_842 : vector<16xf32>
        %parallel_loop3A_844 = arith.addf %parallel_loop3A_839, %parallel_loop3A_843 : vector<16xf32>
        %parallel_loop3A_845 = arith.index_cast %parallel_loop3A_830 : i32 to index
        %parallel_loop3A_846 = arith.constant 48 : index
        %parallel_loop3A_847 = tpu.vector_load %arg13[%parallel_loop3A_845, %parallel_loop3A_846] {strides = array<i32>} : memref<336x128xf32, #tpu.memory_space<vmem>>, vector<16xf32>,
        %parallel_loop3A_848 = arith.mulf %parallel_loop3A_203, %parallel_loop3A_847 : vector<16xf32>
        %parallel_loop3A_849 = arith.addf %parallel_loop3A_844, %parallel_loop3A_848 : vector<16xf32>
        %parallel_loop3A_850 = arith.index_cast %parallel_loop3A_830 : i32 to index
        %parallel_loop3A_851 = arith.constant 64 : index
        %parallel_loop3A_852 = tpu.vector_load %arg13[%parallel_loop3A_850, %parallel_loop3A_851] {strides = array<i32>} : memref<336x128xf32, #tpu.memory_space<vmem>>, vector<16xf32>,
        %parallel_loop3A_853 = arith.mulf %parallel_loop3A_206, %parallel_loop3A_852 : vector<16xf32>
        %parallel_loop3A_854 = arith.addf %parallel_loop3A_849, %parallel_loop3A_853 : vector<16xf32>
        %parallel_loop3A_855 = arith.index_cast %parallel_loop3A_830 : i32 to index
        %parallel_loop3A_856 = arith.constant 80 : index
        %parallel_loop3A_857 = tpu.vector_load %arg13[%parallel_loop3A_855, %parallel_loop3A_856] {strides = array<i32>} : memref<336x128xf32, #tpu.memory_space<vmem>>, vector<16xf32>,
        %parallel_loop3A_858 = arith.mulf %parallel_loop3A_209, %parallel_loop3A_857 : vector<16xf32>
        %parallel_loop3A_859 = arith.addf %parallel_loop3A_854, %parallel_loop3A_858 : vector<16xf32>
        %parallel_loop3A_860 = arith.index_cast %parallel_loop3A_830 : i32 to index
        %parallel_loop3A_861 = arith.constant 96 : index
        %parallel_loop3A_862 = tpu.vector_load %arg13[%parallel_loop3A_860, %parallel_loop3A_861] {strides = array<i32>} : memref<336x128xf32, #tpu.memory_space<vmem>>, vector<16xf32>,
        %parallel_loop3A_863 = arith.mulf %parallel_loop3A_212, %parallel_loop3A_862 : vector<16xf32>
        %parallel_loop3A_864 = arith.addf %parallel_loop3A_859, %parallel_loop3A_863 : vector<16xf32>
        %parallel_loop3A_865 = arith.index_cast %parallel_loop3A_830 : i32 to index
        %parallel_loop3A_866 = arith.constant 112 : index
        %parallel_loop3A_867 = tpu.vector_load %arg13[%parallel_loop3A_865, %parallel_loop3A_866] {strides = array<i32>} : memref<336x128xf32, #tpu.memory_space<vmem>>, vector<16xf32>,
        %parallel_loop3A_868 = arith.mulf %parallel_loop3A_215, %parallel_loop3A_867 : vector<16xf32>
        %parallel_loop3A_869 = arith.addf %parallel_loop3A_864, %parallel_loop3A_868 : vector<16xf32>
        %parallel_loop3A_870 = arith.constant 16 : i32
        %parallel_loop3A_871 = arith.muli %parallel_loop3A_830, %parallel_loop3A_870 : i32
        %parallel_loop3A_872 = arith.index_cast %parallel_loop3A_871 : i32 to index
        %parallel_loop3A_873 = tpu.vector_load %arg15[%parallel_loop3A_872] {strides = array<i32>} : memref<5376xf32, #tpu.memory_space<vmem>>, vector<16xf32>,
        tpu.vector_store %arg15[%parallel_loop3A_872], %parallel_loop3A_869 {strides = array<i32>} : memref<5376xf32, #tpu.memory_space<vmem>>, vector<16xf32>,
        %parallel_loop3A_874 = arith.constant 21 : i32
        %parallel_loop3A_875 = arith.muli %parallel_loop3A_191, %parallel_loop3A_874 : i32
        %parallel_loop3A_876 = arith.constant 14 : i32
        %parallel_loop3A_877 = arith.addi %parallel_loop3A_875, %parallel_loop3A_876 : i32
        %parallel_loop3A_878 = arith.index_cast %parallel_loop3A_877 : i32 to index
        %parallel_loop3A_879 = arith.constant 0 : index
        %parallel_loop3A_880 = tpu.vector_load %arg13[%parallel_loop3A_878, %parallel_loop3A_879] {strides = array<i32>} : memref<336x128xf32, #tpu.memory_space<vmem>>, vector<16xf32>,
        %parallel_loop3A_881 = arith.mulf %parallel_loop3A_194, %parallel_loop3A_880 : vector<16xf32>
        %parallel_loop3A_882 = arith.index_cast %parallel_loop3A_877 : i32 to index
        %parallel_loop3A_883 = arith.constant 16 : index
        %parallel_loop3A_884 = tpu.vector_load %arg13[%parallel_loop3A_882, %parallel_loop3A_883] {strides = array<i32>} : memref<336x128xf32, #tpu.memory_space<vmem>>, vector<16xf32>,
        %parallel_loop3A_885 = arith.mulf %parallel_loop3A_197, %parallel_loop3A_884 : vector<16xf32>
        %parallel_loop3A_886 = arith.addf %parallel_loop3A_881, %parallel_loop3A_885 : vector<16xf32>
        %parallel_loop3A_887 = arith.index_cast %parallel_loop3A_877 : i32 to index
        %parallel_loop3A_888 = arith.constant 32 : index
        %parallel_loop3A_889 = tpu.vector_load %arg13[%parallel_loop3A_887, %parallel_loop3A_888] {strides = array<i32>} : memref<336x128xf32, #tpu.memory_space<vmem>>, vector<16xf32>,
        %parallel_loop3A_890 = arith.mulf %parallel_loop3A_200, %parallel_loop3A_889 : vector<16xf32>
        %parallel_loop3A_891 = arith.addf %parallel_loop3A_886, %parallel_loop3A_890 : vector<16xf32>
        %parallel_loop3A_892 = arith.index_cast %parallel_loop3A_877 : i32 to index
        %parallel_loop3A_893 = arith.constant 48 : index
        %parallel_loop3A_894 = tpu.vector_load %arg13[%parallel_loop3A_892, %parallel_loop3A_893] {strides = array<i32>} : memref<336x128xf32, #tpu.memory_space<vmem>>, vector<16xf32>,
        %parallel_loop3A_895 = arith.mulf %parallel_loop3A_203, %parallel_loop3A_894 : vector<16xf32>
        %parallel_loop3A_896 = arith.addf %parallel_loop3A_891, %parallel_loop3A_895 : vector<16xf32>
        %parallel_loop3A_897 = arith.index_cast %parallel_loop3A_877 : i32 to index
        %parallel_loop3A_898 = arith.constant 64 : index
        %parallel_loop3A_899 = tpu.vector_load %arg13[%parallel_loop3A_897, %parallel_loop3A_898] {strides = array<i32>} : memref<336x128xf32, #tpu.memory_space<vmem>>, vector<16xf32>,
        %parallel_loop3A_900 = arith.mulf %parallel_loop3A_206, %parallel_loop3A_899 : vector<16xf32>
        %parallel_loop3A_901 = arith.addf %parallel_loop3A_896, %parallel_loop3A_900 : vector<16xf32>
        %parallel_loop3A_902 = arith.index_cast %parallel_loop3A_877 : i32 to index
        %parallel_loop3A_903 = arith.constant 80 : index
        %parallel_loop3A_904 = tpu.vector_load %arg13[%parallel_loop3A_902, %parallel_loop3A_903] {strides = array<i32>} : memref<336x128xf32, #tpu.memory_space<vmem>>, vector<16xf32>,
        %parallel_loop3A_905 = arith.mulf %parallel_loop3A_209, %parallel_loop3A_904 : vector<16xf32>
        %parallel_loop3A_906 = arith.addf %parallel_loop3A_901, %parallel_loop3A_905 : vector<16xf32>
        %parallel_loop3A_907 = arith.index_cast %parallel_loop3A_877 : i32 to index
        %parallel_loop3A_908 = arith.constant 96 : index
        %parallel_loop3A_909 = tpu.vector_load %arg13[%parallel_loop3A_907, %parallel_loop3A_908] {strides = array<i32>} : memref<336x128xf32, #tpu.memory_space<vmem>>, vector<16xf32>,
        %parallel_loop3A_910 = arith.mulf %parallel_loop3A_212, %parallel_loop3A_909 : vector<16xf32>
        %parallel_loop3A_911 = arith.addf %parallel_loop3A_906, %parallel_loop3A_910 : vector<16xf32>
        %parallel_loop3A_912 = arith.index_cast %parallel_loop3A_877 : i32 to index
        %parallel_loop3A_913 = arith.constant 112 : index
        %parallel_loop3A_914 = tpu.vector_load %arg13[%parallel_loop3A_912, %parallel_loop3A_913] {strides = array<i32>} : memref<336x128xf32, #tpu.memory_space<vmem>>, vector<16xf32>,
        %parallel_loop3A_915 = arith.mulf %parallel_loop3A_215, %parallel_loop3A_914 : vector<16xf32>
        %parallel_loop3A_916 = arith.addf %parallel_loop3A_911, %parallel_loop3A_915 : vector<16xf32>
        %parallel_loop3A_917 = arith.constant 16 : i32
        %parallel_loop3A_918 = arith.muli %parallel_loop3A_877, %parallel_loop3A_917 : i32
        %parallel_loop3A_919 = arith.index_cast %parallel_loop3A_918 : i32 to index
        %parallel_loop3A_920 = tpu.vector_load %arg15[%parallel_loop3A_919] {strides = array<i32>} : memref<5376xf32, #tpu.memory_space<vmem>>, vector<16xf32>,
        tpu.vector_store %arg15[%parallel_loop3A_919], %parallel_loop3A_916 {strides = array<i32>} : memref<5376xf32, #tpu.memory_space<vmem>>, vector<16xf32>,
        %parallel_loop3A_921 = arith.constant 21 : i32
        %parallel_loop3A_922 = arith.muli %parallel_loop3A_191, %parallel_loop3A_921 : i32
        %parallel_loop3A_923 = arith.constant 15 : i32
        %parallel_loop3A_924 = arith.addi %parallel_loop3A_922, %parallel_loop3A_923 : i32
        %parallel_loop3A_925 = arith.index_cast %parallel_loop3A_924 : i32 to index
        %parallel_loop3A_926 = arith.constant 0 : index
        %parallel_loop3A_927 = tpu.vector_load %arg13[%parallel_loop3A_925, %parallel_loop3A_926] {strides = array<i32>} : memref<336x128xf32, #tpu.memory_space<vmem>>, vector<16xf32>,
        %parallel_loop3A_928 = arith.mulf %parallel_loop3A_194, %parallel_loop3A_927 : vector<16xf32>
        %parallel_loop3A_929 = arith.index_cast %parallel_loop3A_924 : i32 to index
        %parallel_loop3A_930 = arith.constant 16 : index
        %parallel_loop3A_931 = tpu.vector_load %arg13[%parallel_loop3A_929, %parallel_loop3A_930] {strides = array<i32>} : memref<336x128xf32, #tpu.memory_space<vmem>>, vector<16xf32>,
        %parallel_loop3A_932 = arith.mulf %parallel_loop3A_197, %parallel_loop3A_931 : vector<16xf32>
        %parallel_loop3A_933 = arith.addf %parallel_loop3A_928, %parallel_loop3A_932 : vector<16xf32>
        %parallel_loop3A_934 = arith.index_cast %parallel_loop3A_924 : i32 to index
        %parallel_loop3A_935 = arith.constant 32 : index
        %parallel_loop3A_936 = tpu.vector_load %arg13[%parallel_loop3A_934, %parallel_loop3A_935] {strides = array<i32>} : memref<336x128xf32, #tpu.memory_space<vmem>>, vector<16xf32>,
        %parallel_loop3A_937 = arith.mulf %parallel_loop3A_200, %parallel_loop3A_936 : vector<16xf32>
        %parallel_loop3A_938 = arith.addf %parallel_loop3A_933, %parallel_loop3A_937 : vector<16xf32>
        %parallel_loop3A_939 = arith.index_cast %parallel_loop3A_924 : i32 to index
        %parallel_loop3A_940 = arith.constant 48 : index
        %parallel_loop3A_941 = tpu.vector_load %arg13[%parallel_loop3A_939, %parallel_loop3A_940] {strides = array<i32>} : memref<336x128xf32, #tpu.memory_space<vmem>>, vector<16xf32>,
        %parallel_loop3A_942 = arith.mulf %parallel_loop3A_203, %parallel_loop3A_941 : vector<16xf32>
        %parallel_loop3A_943 = arith.addf %parallel_loop3A_938, %parallel_loop3A_942 : vector<16xf32>
        %parallel_loop3A_944 = arith.index_cast %parallel_loop3A_924 : i32 to index
        %parallel_loop3A_945 = arith.constant 64 : index
        %parallel_loop3A_946 = tpu.vector_load %arg13[%parallel_loop3A_944, %parallel_loop3A_945] {strides = array<i32>} : memref<336x128xf32, #tpu.memory_space<vmem>>, vector<16xf32>,
        %parallel_loop3A_947 = arith.mulf %parallel_loop3A_206, %parallel_loop3A_946 : vector<16xf32>
        %parallel_loop3A_948 = arith.addf %parallel_loop3A_943, %parallel_loop3A_947 : vector<16xf32>
        %parallel_loop3A_949 = arith.index_cast %parallel_loop3A_924 : i32 to index
        %parallel_loop3A_950 = arith.constant 80 : index
        %parallel_loop3A_951 = tpu.vector_load %arg13[%parallel_loop3A_949, %parallel_loop3A_950] {strides = array<i32>} : memref<336x128xf32, #tpu.memory_space<vmem>>, vector<16xf32>,
        %parallel_loop3A_952 = arith.mulf %parallel_loop3A_209, %parallel_loop3A_951 : vector<16xf32>
        %parallel_loop3A_953 = arith.addf %parallel_loop3A_948, %parallel_loop3A_952 : vector<16xf32>
        %parallel_loop3A_954 = arith.index_cast %parallel_loop3A_924 : i32 to index
        %parallel_loop3A_955 = arith.constant 96 : index
        %parallel_loop3A_956 = tpu.vector_load %arg13[%parallel_loop3A_954, %parallel_loop3A_955] {strides = array<i32>} : memref<336x128xf32, #tpu.memory_space<vmem>>, vector<16xf32>,
        %parallel_loop3A_957 = arith.mulf %parallel_loop3A_212, %parallel_loop3A_956 : vector<16xf32>
        %parallel_loop3A_958 = arith.addf %parallel_loop3A_953, %parallel_loop3A_957 : vector<16xf32>
        %parallel_loop3A_959 = arith.index_cast %parallel_loop3A_924 : i32 to index
        %parallel_loop3A_960 = arith.constant 112 : index
        %parallel_loop3A_961 = tpu.vector_load %arg13[%parallel_loop3A_959, %parallel_loop3A_960] {strides = array<i32>} : memref<336x128xf32, #tpu.memory_space<vmem>>, vector<16xf32>,
        %parallel_loop3A_962 = arith.mulf %parallel_loop3A_215, %parallel_loop3A_961 : vector<16xf32>
        %parallel_loop3A_963 = arith.addf %parallel_loop3A_958, %parallel_loop3A_962 : vector<16xf32>
        %parallel_loop3A_964 = arith.constant 16 : i32
        %parallel_loop3A_965 = arith.muli %parallel_loop3A_924, %parallel_loop3A_964 : i32
        %parallel_loop3A_966 = arith.index_cast %parallel_loop3A_965 : i32 to index
        %parallel_loop3A_967 = tpu.vector_load %arg15[%parallel_loop3A_966] {strides = array<i32>} : memref<5376xf32, #tpu.memory_space<vmem>>, vector<16xf32>,
        tpu.vector_store %arg15[%parallel_loop3A_966], %parallel_loop3A_963 {strides = array<i32>} : memref<5376xf32, #tpu.memory_space<vmem>>, vector<16xf32>,
        %parallel_loop3A_968 = arith.constant 21 : i32
        %parallel_loop3A_969 = arith.muli %parallel_loop3A_191, %parallel_loop3A_968 : i32
        %parallel_loop3A_970 = arith.constant 16 : i32
        %parallel_loop3A_971 = arith.addi %parallel_loop3A_969, %parallel_loop3A_970 : i32
        %parallel_loop3A_972 = arith.index_cast %parallel_loop3A_971 : i32 to index
        %parallel_loop3A_973 = arith.constant 0 : index
        %parallel_loop3A_974 = tpu.vector_load %arg13[%parallel_loop3A_972, %parallel_loop3A_973] {strides = array<i32>} : memref<336x128xf32, #tpu.memory_space<vmem>>, vector<16xf32>,
        %parallel_loop3A_975 = arith.mulf %parallel_loop3A_194, %parallel_loop3A_974 : vector<16xf32>
        %parallel_loop3A_976 = arith.index_cast %parallel_loop3A_971 : i32 to index
        %parallel_loop3A_977 = arith.constant 16 : index
        %parallel_loop3A_978 = tpu.vector_load %arg13[%parallel_loop3A_976, %parallel_loop3A_977] {strides = array<i32>} : memref<336x128xf32, #tpu.memory_space<vmem>>, vector<16xf32>,
        %parallel_loop3A_979 = arith.mulf %parallel_loop3A_197, %parallel_loop3A_978 : vector<16xf32>
        %parallel_loop3A_980 = arith.addf %parallel_loop3A_975, %parallel_loop3A_979 : vector<16xf32>
        %parallel_loop3A_981 = arith.index_cast %parallel_loop3A_971 : i32 to index
        %parallel_loop3A_982 = arith.constant 32 : index
        %parallel_loop3A_983 = tpu.vector_load %arg13[%parallel_loop3A_981, %parallel_loop3A_982] {strides = array<i32>} : memref<336x128xf32, #tpu.memory_space<vmem>>, vector<16xf32>,
        %parallel_loop3A_984 = arith.mulf %parallel_loop3A_200, %parallel_loop3A_983 : vector<16xf32>
        %parallel_loop3A_985 = arith.addf %parallel_loop3A_980, %parallel_loop3A_984 : vector<16xf32>
        %parallel_loop3A_986 = arith.index_cast %parallel_loop3A_971 : i32 to index
        %parallel_loop3A_987 = arith.constant 48 : index
        %parallel_loop3A_988 = tpu.vector_load %arg13[%parallel_loop3A_986, %parallel_loop3A_987] {strides = array<i32>} : memref<336x128xf32, #tpu.memory_space<vmem>>, vector<16xf32>,
        %parallel_loop3A_989 = arith.mulf %parallel_loop3A_203, %parallel_loop3A_988 : vector<16xf32>
        %parallel_loop3A_990 = arith.addf %parallel_loop3A_985, %parallel_loop3A_989 : vector<16xf32>
        %parallel_loop3A_991 = arith.index_cast %parallel_loop3A_971 : i32 to index
        %parallel_loop3A_992 = arith.constant 64 : index
        %parallel_loop3A_993 = tpu.vector_load %arg13[%parallel_loop3A_991, %parallel_loop3A_992] {strides = array<i32>} : memref<336x128xf32, #tpu.memory_space<vmem>>, vector<16xf32>,
        %parallel_loop3A_994 = arith.mulf %parallel_loop3A_206, %parallel_loop3A_993 : vector<16xf32>
        %parallel_loop3A_995 = arith.addf %parallel_loop3A_990, %parallel_loop3A_994 : vector<16xf32>
        %parallel_loop3A_996 = arith.index_cast %parallel_loop3A_971 : i32 to index
        %parallel_loop3A_997 = arith.constant 80 : index
        %parallel_loop3A_998 = tpu.vector_load %arg13[%parallel_loop3A_996, %parallel_loop3A_997] {strides = array<i32>} : memref<336x128xf32, #tpu.memory_space<vmem>>, vector<16xf32>,
        %parallel_loop3A_999 = arith.mulf %parallel_loop3A_209, %parallel_loop3A_998 : vector<16xf32>
        %parallel_loop3A_1000 = arith.addf %parallel_loop3A_995, %parallel_loop3A_999 : vector<16xf32>
        %parallel_loop3A_1001 = arith.index_cast %parallel_loop3A_971 : i32 to index
        %parallel_loop3A_1002 = arith.constant 96 : index
        %parallel_loop3A_1003 = tpu.vector_load %arg13[%parallel_loop3A_1001, %parallel_loop3A_1002] {strides = array<i32>} : memref<336x128xf32, #tpu.memory_space<vmem>>, vector<16xf32>,
        %parallel_loop3A_1004 = arith.mulf %parallel_loop3A_212, %parallel_loop3A_1003 : vector<16xf32>
        %parallel_loop3A_1005 = arith.addf %parallel_loop3A_1000, %parallel_loop3A_1004 : vector<16xf32>
        %parallel_loop3A_1006 = arith.index_cast %parallel_loop3A_971 : i32 to index
        %parallel_loop3A_1007 = arith.constant 112 : index
        %parallel_loop3A_1008 = tpu.vector_load %arg13[%parallel_loop3A_1006, %parallel_loop3A_1007] {strides = array<i32>} : memref<336x128xf32, #tpu.memory_space<vmem>>, vector<16xf32>,
        %parallel_loop3A_1009 = arith.mulf %parallel_loop3A_215, %parallel_loop3A_1008 : vector<16xf32>
        %parallel_loop3A_1010 = arith.addf %parallel_loop3A_1005, %parallel_loop3A_1009 : vector<16xf32>
        %parallel_loop3A_1011 = arith.constant 16 : i32
        %parallel_loop3A_1012 = arith.muli %parallel_loop3A_971, %parallel_loop3A_1011 : i32
        %parallel_loop3A_1013 = arith.index_cast %parallel_loop3A_1012 : i32 to index
        %parallel_loop3A_1014 = tpu.vector_load %arg15[%parallel_loop3A_1013] {strides = array<i32>} : memref<5376xf32, #tpu.memory_space<vmem>>, vector<16xf32>,
        tpu.vector_store %arg15[%parallel_loop3A_1013], %parallel_loop3A_1010 {strides = array<i32>} : memref<5376xf32, #tpu.memory_space<vmem>>, vector<16xf32>,
        %parallel_loop3A_1015 = arith.constant 21 : i32
        %parallel_loop3A_1016 = arith.muli %parallel_loop3A_191, %parallel_loop3A_1015 : i32
        %parallel_loop3A_1017 = arith.constant 17 : i32
        %parallel_loop3A_1018 = arith.addi %parallel_loop3A_1016, %parallel_loop3A_1017 : i32
        %parallel_loop3A_1019 = arith.index_cast %parallel_loop3A_1018 : i32 to index
        %parallel_loop3A_1020 = arith.constant 0 : index
        %parallel_loop3A_1021 = tpu.vector_load %arg13[%parallel_loop3A_1019, %parallel_loop3A_1020] {strides = array<i32>} : memref<336x128xf32, #tpu.memory_space<vmem>>, vector<16xf32>,
        %parallel_loop3A_1022 = arith.mulf %parallel_loop3A_194, %parallel_loop3A_1021 : vector<16xf32>
        %parallel_loop3A_1023 = arith.index_cast %parallel_loop3A_1018 : i32 to index
        %parallel_loop3A_1024 = arith.constant 16 : index
        %parallel_loop3A_1025 = tpu.vector_load %arg13[%parallel_loop3A_1023, %parallel_loop3A_1024] {strides = array<i32>} : memref<336x128xf32, #tpu.memory_space<vmem>>, vector<16xf32>,
        %parallel_loop3A_1026 = arith.mulf %parallel_loop3A_197, %parallel_loop3A_1025 : vector<16xf32>
        %parallel_loop3A_1027 = arith.addf %parallel_loop3A_1022, %parallel_loop3A_1026 : vector<16xf32>
        %parallel_loop3A_1028 = arith.index_cast %parallel_loop3A_1018 : i32 to index
        %parallel_loop3A_1029 = arith.constant 32 : index
        %parallel_loop3A_1030 = tpu.vector_load %arg13[%parallel_loop3A_1028, %parallel_loop3A_1029] {strides = array<i32>} : memref<336x128xf32, #tpu.memory_space<vmem>>, vector<16xf32>,
        %parallel_loop3A_1031 = arith.mulf %parallel_loop3A_200, %parallel_loop3A_1030 : vector<16xf32>
        %parallel_loop3A_1032 = arith.addf %parallel_loop3A_1027, %parallel_loop3A_1031 : vector<16xf32>
        %parallel_loop3A_1033 = arith.index_cast %parallel_loop3A_1018 : i32 to index
        %parallel_loop3A_1034 = arith.constant 48 : index
        %parallel_loop3A_1035 = tpu.vector_load %arg13[%parallel_loop3A_1033, %parallel_loop3A_1034] {strides = array<i32>} : memref<336x128xf32, #tpu.memory_space<vmem>>, vector<16xf32>,
        %parallel_loop3A_1036 = arith.mulf %parallel_loop3A_203, %parallel_loop3A_1035 : vector<16xf32>
        %parallel_loop3A_1037 = arith.addf %parallel_loop3A_1032, %parallel_loop3A_1036 : vector<16xf32>
        %parallel_loop3A_1038 = arith.index_cast %parallel_loop3A_1018 : i32 to index
        %parallel_loop3A_1039 = arith.constant 64 : index
        %parallel_loop3A_1040 = tpu.vector_load %arg13[%parallel_loop3A_1038, %parallel_loop3A_1039] {strides = array<i32>} : memref<336x128xf32, #tpu.memory_space<vmem>>, vector<16xf32>,
        %parallel_loop3A_1041 = arith.mulf %parallel_loop3A_206, %parallel_loop3A_1040 : vector<16xf32>
        %parallel_loop3A_1042 = arith.addf %parallel_loop3A_1037, %parallel_loop3A_1041 : vector<16xf32>
        %parallel_loop3A_1043 = arith.index_cast %parallel_loop3A_1018 : i32 to index
        %parallel_loop3A_1044 = arith.constant 80 : index
        %parallel_loop3A_1045 = tpu.vector_load %arg13[%parallel_loop3A_1043, %parallel_loop3A_1044] {strides = array<i32>} : memref<336x128xf32, #tpu.memory_space<vmem>>, vector<16xf32>,
        %parallel_loop3A_1046 = arith.mulf %parallel_loop3A_209, %parallel_loop3A_1045 : vector<16xf32>
        %parallel_loop3A_1047 = arith.addf %parallel_loop3A_1042, %parallel_loop3A_1046 : vector<16xf32>
        %parallel_loop3A_1048 = arith.index_cast %parallel_loop3A_1018 : i32 to index
        %parallel_loop3A_1049 = arith.constant 96 : index
        %parallel_loop3A_1050 = tpu.vector_load %arg13[%parallel_loop3A_1048, %parallel_loop3A_1049] {strides = array<i32>} : memref<336x128xf32, #tpu.memory_space<vmem>>, vector<16xf32>,
        %parallel_loop3A_1051 = arith.mulf %parallel_loop3A_212, %parallel_loop3A_1050 : vector<16xf32>
        %parallel_loop3A_1052 = arith.addf %parallel_loop3A_1047, %parallel_loop3A_1051 : vector<16xf32>
        %parallel_loop3A_1053 = arith.index_cast %parallel_loop3A_1018 : i32 to index
        %parallel_loop3A_1054 = arith.constant 112 : index
        %parallel_loop3A_1055 = tpu.vector_load %arg13[%parallel_loop3A_1053, %parallel_loop3A_1054] {strides = array<i32>} : memref<336x128xf32, #tpu.memory_space<vmem>>, vector<16xf32>,
        %parallel_loop3A_1056 = arith.mulf %parallel_loop3A_215, %parallel_loop3A_1055 : vector<16xf32>
        %parallel_loop3A_1057 = arith.addf %parallel_loop3A_1052, %parallel_loop3A_1056 : vector<16xf32>
        %parallel_loop3A_1058 = arith.constant 16 : i32
        %parallel_loop3A_1059 = arith.muli %parallel_loop3A_1018, %parallel_loop3A_1058 : i32
        %parallel_loop3A_1060 = arith.index_cast %parallel_loop3A_1059 : i32 to index
        %parallel_loop3A_1061 = tpu.vector_load %arg15[%parallel_loop3A_1060] {strides = array<i32>} : memref<5376xf32, #tpu.memory_space<vmem>>, vector<16xf32>,
        tpu.vector_store %arg15[%parallel_loop3A_1060], %parallel_loop3A_1057 {strides = array<i32>} : memref<5376xf32, #tpu.memory_space<vmem>>, vector<16xf32>,
        %parallel_loop3A_1062 = arith.constant 21 : i32
        %parallel_loop3A_1063 = arith.muli %parallel_loop3A_191, %parallel_loop3A_1062 : i32
        %parallel_loop3A_1064 = arith.constant 18 : i32
        %parallel_loop3A_1065 = arith.addi %parallel_loop3A_1063, %parallel_loop3A_1064 : i32
        %parallel_loop3A_1066 = arith.index_cast %parallel_loop3A_1065 : i32 to index
        %parallel_loop3A_1067 = arith.constant 0 : index
        %parallel_loop3A_1068 = tpu.vector_load %arg13[%parallel_loop3A_1066, %parallel_loop3A_1067] {strides = array<i32>} : memref<336x128xf32, #tpu.memory_space<vmem>>, vector<16xf32>,
        %parallel_loop3A_1069 = arith.mulf %parallel_loop3A_194, %parallel_loop3A_1068 : vector<16xf32>
        %parallel_loop3A_1070 = arith.index_cast %parallel_loop3A_1065 : i32 to index
        %parallel_loop3A_1071 = arith.constant 16 : index
        %parallel_loop3A_1072 = tpu.vector_load %arg13[%parallel_loop3A_1070, %parallel_loop3A_1071] {strides = array<i32>} : memref<336x128xf32, #tpu.memory_space<vmem>>, vector<16xf32>,
        %parallel_loop3A_1073 = arith.mulf %parallel_loop3A_197, %parallel_loop3A_1072 : vector<16xf32>
        %parallel_loop3A_1074 = arith.addf %parallel_loop3A_1069, %parallel_loop3A_1073 : vector<16xf32>
        %parallel_loop3A_1075 = arith.index_cast %parallel_loop3A_1065 : i32 to index
        %parallel_loop3A_1076 = arith.constant 32 : index
        %parallel_loop3A_1077 = tpu.vector_load %arg13[%parallel_loop3A_1075, %parallel_loop3A_1076] {strides = array<i32>} : memref<336x128xf32, #tpu.memory_space<vmem>>, vector<16xf32>,
        %parallel_loop3A_1078 = arith.mulf %parallel_loop3A_200, %parallel_loop3A_1077 : vector<16xf32>
        %parallel_loop3A_1079 = arith.addf %parallel_loop3A_1074, %parallel_loop3A_1078 : vector<16xf32>
        %parallel_loop3A_1080 = arith.index_cast %parallel_loop3A_1065 : i32 to index
        %parallel_loop3A_1081 = arith.constant 48 : index
        %parallel_loop3A_1082 = tpu.vector_load %arg13[%parallel_loop3A_1080, %parallel_loop3A_1081] {strides = array<i32>} : memref<336x128xf32, #tpu.memory_space<vmem>>, vector<16xf32>,
        %parallel_loop3A_1083 = arith.mulf %parallel_loop3A_203, %parallel_loop3A_1082 : vector<16xf32>
        %parallel_loop3A_1084 = arith.addf %parallel_loop3A_1079, %parallel_loop3A_1083 : vector<16xf32>
        %parallel_loop3A_1085 = arith.index_cast %parallel_loop3A_1065 : i32 to index
        %parallel_loop3A_1086 = arith.constant 64 : index
        %parallel_loop3A_1087 = tpu.vector_load %arg13[%parallel_loop3A_1085, %parallel_loop3A_1086] {strides = array<i32>} : memref<336x128xf32, #tpu.memory_space<vmem>>, vector<16xf32>,
        %parallel_loop3A_1088 = arith.mulf %parallel_loop3A_206, %parallel_loop3A_1087 : vector<16xf32>
        %parallel_loop3A_1089 = arith.addf %parallel_loop3A_1084, %parallel_loop3A_1088 : vector<16xf32>
        %parallel_loop3A_1090 = arith.index_cast %parallel_loop3A_1065 : i32 to index
        %parallel_loop3A_1091 = arith.constant 80 : index
        %parallel_loop3A_1092 = tpu.vector_load %arg13[%parallel_loop3A_1090, %parallel_loop3A_1091] {strides = array<i32>} : memref<336x128xf32, #tpu.memory_space<vmem>>, vector<16xf32>,
        %parallel_loop3A_1093 = arith.mulf %parallel_loop3A_209, %parallel_loop3A_1092 : vector<16xf32>
        %parallel_loop3A_1094 = arith.addf %parallel_loop3A_1089, %parallel_loop3A_1093 : vector<16xf32>
        %parallel_loop3A_1095 = arith.index_cast %parallel_loop3A_1065 : i32 to index
        %parallel_loop3A_1096 = arith.constant 96 : index
        %parallel_loop3A_1097 = tpu.vector_load %arg13[%parallel_loop3A_1095, %parallel_loop3A_1096] {strides = array<i32>} : memref<336x128xf32, #tpu.memory_space<vmem>>, vector<16xf32>,
        %parallel_loop3A_1098 = arith.mulf %parallel_loop3A_212, %parallel_loop3A_1097 : vector<16xf32>
        %parallel_loop3A_1099 = arith.addf %parallel_loop3A_1094, %parallel_loop3A_1098 : vector<16xf32>
        %parallel_loop3A_1100 = arith.index_cast %parallel_loop3A_1065 : i32 to index
        %parallel_loop3A_1101 = arith.constant 112 : index
        %parallel_loop3A_1102 = tpu.vector_load %arg13[%parallel_loop3A_1100, %parallel_loop3A_1101] {strides = array<i32>} : memref<336x128xf32, #tpu.memory_space<vmem>>, vector<16xf32>,
        %parallel_loop3A_1103 = arith.mulf %parallel_loop3A_215, %parallel_loop3A_1102 : vector<16xf32>
        %parallel_loop3A_1104 = arith.addf %parallel_loop3A_1099, %parallel_loop3A_1103 : vector<16xf32>
        %parallel_loop3A_1105 = arith.constant 16 : i32
        %parallel_loop3A_1106 = arith.muli %parallel_loop3A_1065, %parallel_loop3A_1105 : i32
        %parallel_loop3A_1107 = arith.index_cast %parallel_loop3A_1106 : i32 to index
        %parallel_loop3A_1108 = tpu.vector_load %arg15[%parallel_loop3A_1107] {strides = array<i32>} : memref<5376xf32, #tpu.memory_space<vmem>>, vector<16xf32>,
        tpu.vector_store %arg15[%parallel_loop3A_1107], %parallel_loop3A_1104 {strides = array<i32>} : memref<5376xf32, #tpu.memory_space<vmem>>, vector<16xf32>,
        %parallel_loop3A_1109 = arith.constant 21 : i32
        %parallel_loop3A_1110 = arith.muli %parallel_loop3A_191, %parallel_loop3A_1109 : i32
        %parallel_loop3A_1111 = arith.constant 19 : i32
        %parallel_loop3A_1112 = arith.addi %parallel_loop3A_1110, %parallel_loop3A_1111 : i32
        %parallel_loop3A_1113 = arith.index_cast %parallel_loop3A_1112 : i32 to index
        %parallel_loop3A_1114 = arith.constant 0 : index
        %parallel_loop3A_1115 = tpu.vector_load %arg13[%parallel_loop3A_1113, %parallel_loop3A_1114] {strides = array<i32>} : memref<336x128xf32, #tpu.memory_space<vmem>>, vector<16xf32>,
        %parallel_loop3A_1116 = arith.mulf %parallel_loop3A_194, %parallel_loop3A_1115 : vector<16xf32>
        %parallel_loop3A_1117 = arith.index_cast %parallel_loop3A_1112 : i32 to index
        %parallel_loop3A_1118 = arith.constant 16 : index
        %parallel_loop3A_1119 = tpu.vector_load %arg13[%parallel_loop3A_1117, %parallel_loop3A_1118] {strides = array<i32>} : memref<336x128xf32, #tpu.memory_space<vmem>>, vector<16xf32>,
        %parallel_loop3A_1120 = arith.mulf %parallel_loop3A_197, %parallel_loop3A_1119 : vector<16xf32>
        %parallel_loop3A_1121 = arith.addf %parallel_loop3A_1116, %parallel_loop3A_1120 : vector<16xf32>
        %parallel_loop3A_1122 = arith.index_cast %parallel_loop3A_1112 : i32 to index
        %parallel_loop3A_1123 = arith.constant 32 : index
        %parallel_loop3A_1124 = tpu.vector_load %arg13[%parallel_loop3A_1122, %parallel_loop3A_1123] {strides = array<i32>} : memref<336x128xf32, #tpu.memory_space<vmem>>, vector<16xf32>,
        %parallel_loop3A_1125 = arith.mulf %parallel_loop3A_200, %parallel_loop3A_1124 : vector<16xf32>
        %parallel_loop3A_1126 = arith.addf %parallel_loop3A_1121, %parallel_loop3A_1125 : vector<16xf32>
        %parallel_loop3A_1127 = arith.index_cast %parallel_loop3A_1112 : i32 to index
        %parallel_loop3A_1128 = arith.constant 48 : index
        %parallel_loop3A_1129 = tpu.vector_load %arg13[%parallel_loop3A_1127, %parallel_loop3A_1128] {strides = array<i32>} : memref<336x128xf32, #tpu.memory_space<vmem>>, vector<16xf32>,
        %parallel_loop3A_1130 = arith.mulf %parallel_loop3A_203, %parallel_loop3A_1129 : vector<16xf32>
        %parallel_loop3A_1131 = arith.addf %parallel_loop3A_1126, %parallel_loop3A_1130 : vector<16xf32>
        %parallel_loop3A_1132 = arith.index_cast %parallel_loop3A_1112 : i32 to index
        %parallel_loop3A_1133 = arith.constant 64 : index
        %parallel_loop3A_1134 = tpu.vector_load %arg13[%parallel_loop3A_1132, %parallel_loop3A_1133] {strides = array<i32>} : memref<336x128xf32, #tpu.memory_space<vmem>>, vector<16xf32>,
        %parallel_loop3A_1135 = arith.mulf %parallel_loop3A_206, %parallel_loop3A_1134 : vector<16xf32>
        %parallel_loop3A_1136 = arith.addf %parallel_loop3A_1131, %parallel_loop3A_1135 : vector<16xf32>
        %parallel_loop3A_1137 = arith.index_cast %parallel_loop3A_1112 : i32 to index
        %parallel_loop3A_1138 = arith.constant 80 : index
        %parallel_loop3A_1139 = tpu.vector_load %arg13[%parallel_loop3A_1137, %parallel_loop3A_1138] {strides = array<i32>} : memref<336x128xf32, #tpu.memory_space<vmem>>, vector<16xf32>,
        %parallel_loop3A_1140 = arith.mulf %parallel_loop3A_209, %parallel_loop3A_1139 : vector<16xf32>
        %parallel_loop3A_1141 = arith.addf %parallel_loop3A_1136, %parallel_loop3A_1140 : vector<16xf32>
        %parallel_loop3A_1142 = arith.index_cast %parallel_loop3A_1112 : i32 to index
        %parallel_loop3A_1143 = arith.constant 96 : index
        %parallel_loop3A_1144 = tpu.vector_load %arg13[%parallel_loop3A_1142, %parallel_loop3A_1143] {strides = array<i32>} : memref<336x128xf32, #tpu.memory_space<vmem>>, vector<16xf32>,
        %parallel_loop3A_1145 = arith.mulf %parallel_loop3A_212, %parallel_loop3A_1144 : vector<16xf32>
        %parallel_loop3A_1146 = arith.addf %parallel_loop3A_1141, %parallel_loop3A_1145 : vector<16xf32>
        %parallel_loop3A_1147 = arith.index_cast %parallel_loop3A_1112 : i32 to index
        %parallel_loop3A_1148 = arith.constant 112 : index
        %parallel_loop3A_1149 = tpu.vector_load %arg13[%parallel_loop3A_1147, %parallel_loop3A_1148] {strides = array<i32>} : memref<336x128xf32, #tpu.memory_space<vmem>>, vector<16xf32>,
        %parallel_loop3A_1150 = arith.mulf %parallel_loop3A_215, %parallel_loop3A_1149 : vector<16xf32>
        %parallel_loop3A_1151 = arith.addf %parallel_loop3A_1146, %parallel_loop3A_1150 : vector<16xf32>
        %parallel_loop3A_1152 = arith.constant 16 : i32
        %parallel_loop3A_1153 = arith.muli %parallel_loop3A_1112, %parallel_loop3A_1152 : i32
        %parallel_loop3A_1154 = arith.index_cast %parallel_loop3A_1153 : i32 to index
        %parallel_loop3A_1155 = tpu.vector_load %arg15[%parallel_loop3A_1154] {strides = array<i32>} : memref<5376xf32, #tpu.memory_space<vmem>>, vector<16xf32>,
        tpu.vector_store %arg15[%parallel_loop3A_1154], %parallel_loop3A_1151 {strides = array<i32>} : memref<5376xf32, #tpu.memory_space<vmem>>, vector<16xf32>,
        %parallel_loop3A_1156 = arith.constant 21 : i32
        %parallel_loop3A_1157 = arith.muli %parallel_loop3A_191, %parallel_loop3A_1156 : i32
        %parallel_loop3A_1158 = arith.constant 20 : i32
        %parallel_loop3A_1159 = arith.addi %parallel_loop3A_1157, %parallel_loop3A_1158 : i32
        %parallel_loop3A_1160 = arith.index_cast %parallel_loop3A_1159 : i32 to index
        %parallel_loop3A_1161 = arith.constant 0 : index
        %parallel_loop3A_1162 = tpu.vector_load %arg13[%parallel_loop3A_1160, %parallel_loop3A_1161] {strides = array<i32>} : memref<336x128xf32, #tpu.memory_space<vmem>>, vector<16xf32>,
        %parallel_loop3A_1163 = arith.mulf %parallel_loop3A_194, %parallel_loop3A_1162 : vector<16xf32>
        %parallel_loop3A_1164 = arith.index_cast %parallel_loop3A_1159 : i32 to index
        %parallel_loop3A_1165 = arith.constant 16 : index
        %parallel_loop3A_1166 = tpu.vector_load %arg13[%parallel_loop3A_1164, %parallel_loop3A_1165] {strides = array<i32>} : memref<336x128xf32, #tpu.memory_space<vmem>>, vector<16xf32>,
        %parallel_loop3A_1167 = arith.mulf %parallel_loop3A_197, %parallel_loop3A_1166 : vector<16xf32>
        %parallel_loop3A_1168 = arith.addf %parallel_loop3A_1163, %parallel_loop3A_1167 : vector<16xf32>
        %parallel_loop3A_1169 = arith.index_cast %parallel_loop3A_1159 : i32 to index
        %parallel_loop3A_1170 = arith.constant 32 : index
        %parallel_loop3A_1171 = tpu.vector_load %arg13[%parallel_loop3A_1169, %parallel_loop3A_1170] {strides = array<i32>} : memref<336x128xf32, #tpu.memory_space<vmem>>, vector<16xf32>,
        %parallel_loop3A_1172 = arith.mulf %parallel_loop3A_200, %parallel_loop3A_1171 : vector<16xf32>
        %parallel_loop3A_1173 = arith.addf %parallel_loop3A_1168, %parallel_loop3A_1172 : vector<16xf32>
        %parallel_loop3A_1174 = arith.index_cast %parallel_loop3A_1159 : i32 to index
        %parallel_loop3A_1175 = arith.constant 48 : index
        %parallel_loop3A_1176 = tpu.vector_load %arg13[%parallel_loop3A_1174, %parallel_loop3A_1175] {strides = array<i32>} : memref<336x128xf32, #tpu.memory_space<vmem>>, vector<16xf32>,
        %parallel_loop3A_1177 = arith.mulf %parallel_loop3A_203, %parallel_loop3A_1176 : vector<16xf32>
        %parallel_loop3A_1178 = arith.addf %parallel_loop3A_1173, %parallel_loop3A_1177 : vector<16xf32>
        %parallel_loop3A_1179 = arith.index_cast %parallel_loop3A_1159 : i32 to index
        %parallel_loop3A_1180 = arith.constant 64 : index
        %parallel_loop3A_1181 = tpu.vector_load %arg13[%parallel_loop3A_1179, %parallel_loop3A_1180] {strides = array<i32>} : memref<336x128xf32, #tpu.memory_space<vmem>>, vector<16xf32>,
        %parallel_loop3A_1182 = arith.mulf %parallel_loop3A_206, %parallel_loop3A_1181 : vector<16xf32>
        %parallel_loop3A_1183 = arith.addf %parallel_loop3A_1178, %parallel_loop3A_1182 : vector<16xf32>
        %parallel_loop3A_1184 = arith.index_cast %parallel_loop3A_1159 : i32 to index
        %parallel_loop3A_1185 = arith.constant 80 : index
        %parallel_loop3A_1186 = tpu.vector_load %arg13[%parallel_loop3A_1184, %parallel_loop3A_1185] {strides = array<i32>} : memref<336x128xf32, #tpu.memory_space<vmem>>, vector<16xf32>,
        %parallel_loop3A_1187 = arith.mulf %parallel_loop3A_209, %parallel_loop3A_1186 : vector<16xf32>
        %parallel_loop3A_1188 = arith.addf %parallel_loop3A_1183, %parallel_loop3A_1187 : vector<16xf32>
        %parallel_loop3A_1189 = arith.index_cast %parallel_loop3A_1159 : i32 to index
        %parallel_loop3A_1190 = arith.constant 96 : index
        %parallel_loop3A_1191 = tpu.vector_load %arg13[%parallel_loop3A_1189, %parallel_loop3A_1190] {strides = array<i32>} : memref<336x128xf32, #tpu.memory_space<vmem>>, vector<16xf32>,
        %parallel_loop3A_1192 = arith.mulf %parallel_loop3A_212, %parallel_loop3A_1191 : vector<16xf32>
        %parallel_loop3A_1193 = arith.addf %parallel_loop3A_1188, %parallel_loop3A_1192 : vector<16xf32>
        %parallel_loop3A_1194 = arith.index_cast %parallel_loop3A_1159 : i32 to index
        %parallel_loop3A_1195 = arith.constant 112 : index
        %parallel_loop3A_1196 = tpu.vector_load %arg13[%parallel_loop3A_1194, %parallel_loop3A_1195] {strides = array<i32>} : memref<336x128xf32, #tpu.memory_space<vmem>>, vector<16xf32>,
        %parallel_loop3A_1197 = arith.mulf %parallel_loop3A_215, %parallel_loop3A_1196 : vector<16xf32>
        %parallel_loop3A_1198 = arith.addf %parallel_loop3A_1193, %parallel_loop3A_1197 : vector<16xf32>
        %parallel_loop3A_1199 = arith.constant 16 : i32
        %parallel_loop3A_1200 = arith.muli %parallel_loop3A_1159, %parallel_loop3A_1199 : i32
        %parallel_loop3A_1201 = arith.index_cast %parallel_loop3A_1200 : i32 to index
        %parallel_loop3A_1202 = tpu.vector_load %arg15[%parallel_loop3A_1201] {strides = array<i32>} : memref<5376xf32, #tpu.memory_space<vmem>>, vector<16xf32>,
        tpu.vector_store %arg15[%parallel_loop3A_1201], %parallel_loop3A_1198 {strides = array<i32>} : memref<5376xf32, #tpu.memory_space<vmem>>, vector<16xf32>,
      } {sc.loop_unroll_factor = 2 : i64, sc.parallel_access}
      %ge3A = arith.constant 2 : i32
      %ge3A_127 = arith.cmpi sge, %add3A_56, %ge3A : i32
      %convert_element_type3A = arith.extui %ge3A_127 : i1 to i32
      %cond3A = arith.constant 0 : i32
      %cond3A_128 = arith.cmpi ne, %convert_element_type3A, %cond3A : i32
      scf.if %cond3A_128 {
        %sub3A = arith.constant 2 : i32
        %sub3A_191 = arith.subi %add3A_56, %sub3A : i32
        %mul3A_192 = arith.constant 512 : i32
        %mul3A_193 = arith.muli %add3A, %mul3A_192 : i32
        %mul3A_194 = arith.constant 16 : i32
        %mul3A_195 = arith.muli %sub3A_191, %mul3A_194 : i32
        %add3A_196 = arith.addi %mul3A_193, %mul3A_195 : i32
        %mul3A_197 = arith.constant 21 : i32
        %mul3A_198 = arith.muli %add3A_196, %mul3A_197 : i32
        %dma_wait3A_199 = tpu.memref_slice %arg6[%mul3A_198] : memref<344064xf32, #tpu.memory_space<hbm>> -> memref<336xf32, #tpu.memory_space<hbm>>
        %dma_wait3A_200 = tpu.memref_slice %arg6[%mul3A_198] : memref<344064xf32, #tpu.memory_space<hbm>> -> memref<336xf32, #tpu.memory_space<hbm>>
        tpu.wait_dma2 semaphore(%arg22 : memref<!tpu.dma_semaphore, #tpu.memory_space<semaphore_mem>>) src(%arg16 : memref<336xf32, #tpu.memory_space<vmem>>) dst(%dma_wait3A_200 : memref<336xf32, #tpu.memory_space<hbm>>)
      } else {
      }
      %parallel_loop3A_129 = arith.constant 0 : i32
      %parallel_loop3A_130 = arith.constant 21 : i32
      %parallel_loop3A_131 = arith.constant 1 : i32
      scf.for %parallel_loop3A_191 = %parallel_loop3A_129 to %parallel_loop3A_130 step %parallel_loop3A_131  : i32 {
        %parallel_loop3A_192 = tpu.iota {dimensions = array<i32: 0>} : vector<16xi32>
        %parallel_loop3A_193 = arith.constant 16 : i32
        %parallel_loop3A_194 = vector.broadcast %parallel_loop3A_193 : i32 to vector<16xi32>
        %parallel_loop3A_195 = arith.muli %parallel_loop3A_192, %parallel_loop3A_194 : vector<16xi32>
        %parallel_loop3A_196 = arith.constant 256 : i32
        %parallel_loop3A_197 = arith.muli %parallel_loop3A_191, %parallel_loop3A_196 : i32
        %parallel_loop3A_198 = arith.constant 0 : i32
        %parallel_loop3A_199 = arith.addi %parallel_loop3A_197, %parallel_loop3A_198 : i32
        %parallel_loop3A_200 = vector.broadcast %parallel_loop3A_199 : i32 to vector<16xi32>
        %parallel_loop3A_201 = arith.addi %parallel_loop3A_195, %parallel_loop3A_200 : vector<16xi32>
        %parallel_loop3A_202 = tpu.vector_load_idx %arg15[%parallel_loop3A_201] : memref<5376xf32, #tpu.memory_space<vmem>>[vector<16xi32>], vector<16xf32>,
        %parallel_loop3A_203 = tpu.iota {dimensions = array<i32: 0>} : vector<16xi32>
        %parallel_loop3A_204 = arith.constant 16 : i32
        %parallel_loop3A_205 = vector.broadcast %parallel_loop3A_204 : i32 to vector<16xi32>
        %parallel_loop3A_206 = arith.muli %parallel_loop3A_203, %parallel_loop3A_205 : vector<16xi32>
        %parallel_loop3A_207 = arith.constant 256 : i32
        %parallel_loop3A_208 = arith.muli %parallel_loop3A_191, %parallel_loop3A_207 : i32
        %parallel_loop3A_209 = arith.constant 1 : i32
        %parallel_loop3A_210 = arith.addi %parallel_loop3A_208, %parallel_loop3A_209 : i32
        %parallel_loop3A_211 = vector.broadcast %parallel_loop3A_210 : i32 to vector<16xi32>
        %parallel_loop3A_212 = arith.addi %parallel_loop3A_206, %parallel_loop3A_211 : vector<16xi32>
        %parallel_loop3A_213 = tpu.vector_load_idx %arg15[%parallel_loop3A_212] : memref<5376xf32, #tpu.memory_space<vmem>>[vector<16xi32>], vector<16xf32>,
        %parallel_loop3A_214 = arith.addf %parallel_loop3A_202, %parallel_loop3A_213 : vector<16xf32>
        %parallel_loop3A_215 = tpu.iota {dimensions = array<i32: 0>} : vector<16xi32>
        %parallel_loop3A_216 = arith.constant 16 : i32
        %parallel_loop3A_217 = vector.broadcast %parallel_loop3A_216 : i32 to vector<16xi32>
        %parallel_loop3A_218 = arith.muli %parallel_loop3A_215, %parallel_loop3A_217 : vector<16xi32>
        %parallel_loop3A_219 = arith.constant 256 : i32
        %parallel_loop3A_220 = arith.muli %parallel_loop3A_191, %parallel_loop3A_219 : i32
        %parallel_loop3A_221 = arith.constant 2 : i32
        %parallel_loop3A_222 = arith.addi %parallel_loop3A_220, %parallel_loop3A_221 : i32
        %parallel_loop3A_223 = vector.broadcast %parallel_loop3A_222 : i32 to vector<16xi32>
        %parallel_loop3A_224 = arith.addi %parallel_loop3A_218, %parallel_loop3A_223 : vector<16xi32>
        %parallel_loop3A_225 = tpu.vector_load_idx %arg15[%parallel_loop3A_224] : memref<5376xf32, #tpu.memory_space<vmem>>[vector<16xi32>], vector<16xf32>,
        %parallel_loop3A_226 = arith.addf %parallel_loop3A_214, %parallel_loop3A_225 : vector<16xf32>
        %parallel_loop3A_227 = tpu.iota {dimensions = array<i32: 0>} : vector<16xi32>
        %parallel_loop3A_228 = arith.constant 16 : i32
        %parallel_loop3A_229 = vector.broadcast %parallel_loop3A_228 : i32 to vector<16xi32>
        %parallel_loop3A_230 = arith.muli %parallel_loop3A_227, %parallel_loop3A_229 : vector<16xi32>
        %parallel_loop3A_231 = arith.constant 256 : i32
        %parallel_loop3A_232 = arith.muli %parallel_loop3A_191, %parallel_loop3A_231 : i32
        %parallel_loop3A_233 = arith.constant 3 : i32
        %parallel_loop3A_234 = arith.addi %parallel_loop3A_232, %parallel_loop3A_233 : i32
        %parallel_loop3A_235 = vector.broadcast %parallel_loop3A_234 : i32 to vector<16xi32>
        %parallel_loop3A_236 = arith.addi %parallel_loop3A_230, %parallel_loop3A_235 : vector<16xi32>
        %parallel_loop3A_237 = tpu.vector_load_idx %arg15[%parallel_loop3A_236] : memref<5376xf32, #tpu.memory_space<vmem>>[vector<16xi32>], vector<16xf32>,
        %parallel_loop3A_238 = arith.addf %parallel_loop3A_226, %parallel_loop3A_237 : vector<16xf32>
        %parallel_loop3A_239 = tpu.iota {dimensions = array<i32: 0>} : vector<16xi32>
        %parallel_loop3A_240 = arith.constant 16 : i32
        %parallel_loop3A_241 = vector.broadcast %parallel_loop3A_240 : i32 to vector<16xi32>
        %parallel_loop3A_242 = arith.muli %parallel_loop3A_239, %parallel_loop3A_241 : vector<16xi32>
        %parallel_loop3A_243 = arith.constant 256 : i32
        %parallel_loop3A_244 = arith.muli %parallel_loop3A_191, %parallel_loop3A_243 : i32
        %parallel_loop3A_245 = arith.constant 4 : i32
        %parallel_loop3A_246 = arith.addi %parallel_loop3A_244, %parallel_loop3A_245 : i32
        %parallel_loop3A_247 = vector.broadcast %parallel_loop3A_246 : i32 to vector<16xi32>
        %parallel_loop3A_248 = arith.addi %parallel_loop3A_242, %parallel_loop3A_247 : vector<16xi32>
        %parallel_loop3A_249 = tpu.vector_load_idx %arg15[%parallel_loop3A_248] : memref<5376xf32, #tpu.memory_space<vmem>>[vector<16xi32>], vector<16xf32>,
        %parallel_loop3A_250 = arith.addf %parallel_loop3A_238, %parallel_loop3A_249 : vector<16xf32>
        %parallel_loop3A_251 = tpu.iota {dimensions = array<i32: 0>} : vector<16xi32>
        %parallel_loop3A_252 = arith.constant 16 : i32
        %parallel_loop3A_253 = vector.broadcast %parallel_loop3A_252 : i32 to vector<16xi32>
        %parallel_loop3A_254 = arith.muli %parallel_loop3A_251, %parallel_loop3A_253 : vector<16xi32>
        %parallel_loop3A_255 = arith.constant 256 : i32
        %parallel_loop3A_256 = arith.muli %parallel_loop3A_191, %parallel_loop3A_255 : i32
        %parallel_loop3A_257 = arith.constant 5 : i32
        %parallel_loop3A_258 = arith.addi %parallel_loop3A_256, %parallel_loop3A_257 : i32
        %parallel_loop3A_259 = vector.broadcast %parallel_loop3A_258 : i32 to vector<16xi32>
        %parallel_loop3A_260 = arith.addi %parallel_loop3A_254, %parallel_loop3A_259 : vector<16xi32>
        %parallel_loop3A_261 = tpu.vector_load_idx %arg15[%parallel_loop3A_260] : memref<5376xf32, #tpu.memory_space<vmem>>[vector<16xi32>], vector<16xf32>,
        %parallel_loop3A_262 = arith.addf %parallel_loop3A_250, %parallel_loop3A_261 : vector<16xf32>
        %parallel_loop3A_263 = tpu.iota {dimensions = array<i32: 0>} : vector<16xi32>
        %parallel_loop3A_264 = arith.constant 16 : i32
        %parallel_loop3A_265 = vector.broadcast %parallel_loop3A_264 : i32 to vector<16xi32>
        %parallel_loop3A_266 = arith.muli %parallel_loop3A_263, %parallel_loop3A_265 : vector<16xi32>
        %parallel_loop3A_267 = arith.constant 256 : i32
        %parallel_loop3A_268 = arith.muli %parallel_loop3A_191, %parallel_loop3A_267 : i32
        %parallel_loop3A_269 = arith.constant 6 : i32
        %parallel_loop3A_270 = arith.addi %parallel_loop3A_268, %parallel_loop3A_269 : i32
        %parallel_loop3A_271 = vector.broadcast %parallel_loop3A_270 : i32 to vector<16xi32>
        %parallel_loop3A_272 = arith.addi %parallel_loop3A_266, %parallel_loop3A_271 : vector<16xi32>
        %parallel_loop3A_273 = tpu.vector_load_idx %arg15[%parallel_loop3A_272] : memref<5376xf32, #tpu.memory_space<vmem>>[vector<16xi32>], vector<16xf32>,
        %parallel_loop3A_274 = arith.addf %parallel_loop3A_262, %parallel_loop3A_273 : vector<16xf32>
        %parallel_loop3A_275 = tpu.iota {dimensions = array<i32: 0>} : vector<16xi32>
        %parallel_loop3A_276 = arith.constant 16 : i32
        %parallel_loop3A_277 = vector.broadcast %parallel_loop3A_276 : i32 to vector<16xi32>
        %parallel_loop3A_278 = arith.muli %parallel_loop3A_275, %parallel_loop3A_277 : vector<16xi32>
        %parallel_loop3A_279 = arith.constant 256 : i32
        %parallel_loop3A_280 = arith.muli %parallel_loop3A_191, %parallel_loop3A_279 : i32
        %parallel_loop3A_281 = arith.constant 7 : i32
        %parallel_loop3A_282 = arith.addi %parallel_loop3A_280, %parallel_loop3A_281 : i32
        %parallel_loop3A_283 = vector.broadcast %parallel_loop3A_282 : i32 to vector<16xi32>
        %parallel_loop3A_284 = arith.addi %parallel_loop3A_278, %parallel_loop3A_283 : vector<16xi32>
        %parallel_loop3A_285 = tpu.vector_load_idx %arg15[%parallel_loop3A_284] : memref<5376xf32, #tpu.memory_space<vmem>>[vector<16xi32>], vector<16xf32>,
        %parallel_loop3A_286 = arith.addf %parallel_loop3A_274, %parallel_loop3A_285 : vector<16xf32>
        %parallel_loop3A_287 = tpu.iota {dimensions = array<i32: 0>} : vector<16xi32>
        %parallel_loop3A_288 = arith.constant 16 : i32
        %parallel_loop3A_289 = vector.broadcast %parallel_loop3A_288 : i32 to vector<16xi32>
        %parallel_loop3A_290 = arith.muli %parallel_loop3A_287, %parallel_loop3A_289 : vector<16xi32>
        %parallel_loop3A_291 = arith.constant 256 : i32
        %parallel_loop3A_292 = arith.muli %parallel_loop3A_191, %parallel_loop3A_291 : i32
        %parallel_loop3A_293 = arith.constant 8 : i32
        %parallel_loop3A_294 = arith.addi %parallel_loop3A_292, %parallel_loop3A_293 : i32
        %parallel_loop3A_295 = vector.broadcast %parallel_loop3A_294 : i32 to vector<16xi32>
        %parallel_loop3A_296 = arith.addi %parallel_loop3A_290, %parallel_loop3A_295 : vector<16xi32>
        %parallel_loop3A_297 = tpu.vector_load_idx %arg15[%parallel_loop3A_296] : memref<5376xf32, #tpu.memory_space<vmem>>[vector<16xi32>], vector<16xf32>,
        %parallel_loop3A_298 = arith.addf %parallel_loop3A_286, %parallel_loop3A_297 : vector<16xf32>
        %parallel_loop3A_299 = tpu.iota {dimensions = array<i32: 0>} : vector<16xi32>
        %parallel_loop3A_300 = arith.constant 16 : i32
        %parallel_loop3A_301 = vector.broadcast %parallel_loop3A_300 : i32 to vector<16xi32>
        %parallel_loop3A_302 = arith.muli %parallel_loop3A_299, %parallel_loop3A_301 : vector<16xi32>
        %parallel_loop3A_303 = arith.constant 256 : i32
        %parallel_loop3A_304 = arith.muli %parallel_loop3A_191, %parallel_loop3A_303 : i32
        %parallel_loop3A_305 = arith.constant 9 : i32
        %parallel_loop3A_306 = arith.addi %parallel_loop3A_304, %parallel_loop3A_305 : i32
        %parallel_loop3A_307 = vector.broadcast %parallel_loop3A_306 : i32 to vector<16xi32>
        %parallel_loop3A_308 = arith.addi %parallel_loop3A_302, %parallel_loop3A_307 : vector<16xi32>
        %parallel_loop3A_309 = tpu.vector_load_idx %arg15[%parallel_loop3A_308] : memref<5376xf32, #tpu.memory_space<vmem>>[vector<16xi32>], vector<16xf32>,
        %parallel_loop3A_310 = arith.addf %parallel_loop3A_298, %parallel_loop3A_309 : vector<16xf32>
        %parallel_loop3A_311 = tpu.iota {dimensions = array<i32: 0>} : vector<16xi32>
        %parallel_loop3A_312 = arith.constant 16 : i32
        %parallel_loop3A_313 = vector.broadcast %parallel_loop3A_312 : i32 to vector<16xi32>
        %parallel_loop3A_314 = arith.muli %parallel_loop3A_311, %parallel_loop3A_313 : vector<16xi32>
        %parallel_loop3A_315 = arith.constant 256 : i32
        %parallel_loop3A_316 = arith.muli %parallel_loop3A_191, %parallel_loop3A_315 : i32
        %parallel_loop3A_317 = arith.constant 10 : i32
        %parallel_loop3A_318 = arith.addi %parallel_loop3A_316, %parallel_loop3A_317 : i32
        %parallel_loop3A_319 = vector.broadcast %parallel_loop3A_318 : i32 to vector<16xi32>
        %parallel_loop3A_320 = arith.addi %parallel_loop3A_314, %parallel_loop3A_319 : vector<16xi32>
        %parallel_loop3A_321 = tpu.vector_load_idx %arg15[%parallel_loop3A_320] : memref<5376xf32, #tpu.memory_space<vmem>>[vector<16xi32>], vector<16xf32>,
        %parallel_loop3A_322 = arith.addf %parallel_loop3A_310, %parallel_loop3A_321 : vector<16xf32>
        %parallel_loop3A_323 = tpu.iota {dimensions = array<i32: 0>} : vector<16xi32>
        %parallel_loop3A_324 = arith.constant 16 : i32
        %parallel_loop3A_325 = vector.broadcast %parallel_loop3A_324 : i32 to vector<16xi32>
        %parallel_loop3A_326 = arith.muli %parallel_loop3A_323, %parallel_loop3A_325 : vector<16xi32>
        %parallel_loop3A_327 = arith.constant 256 : i32
        %parallel_loop3A_328 = arith.muli %parallel_loop3A_191, %parallel_loop3A_327 : i32
        %parallel_loop3A_329 = arith.constant 11 : i32
        %parallel_loop3A_330 = arith.addi %parallel_loop3A_328, %parallel_loop3A_329 : i32
        %parallel_loop3A_331 = vector.broadcast %parallel_loop3A_330 : i32 to vector<16xi32>
        %parallel_loop3A_332 = arith.addi %parallel_loop3A_326, %parallel_loop3A_331 : vector<16xi32>
        %parallel_loop3A_333 = tpu.vector_load_idx %arg15[%parallel_loop3A_332] : memref<5376xf32, #tpu.memory_space<vmem>>[vector<16xi32>], vector<16xf32>,
        %parallel_loop3A_334 = arith.addf %parallel_loop3A_322, %parallel_loop3A_333 : vector<16xf32>
        %parallel_loop3A_335 = tpu.iota {dimensions = array<i32: 0>} : vector<16xi32>
        %parallel_loop3A_336 = arith.constant 16 : i32
        %parallel_loop3A_337 = vector.broadcast %parallel_loop3A_336 : i32 to vector<16xi32>
        %parallel_loop3A_338 = arith.muli %parallel_loop3A_335, %parallel_loop3A_337 : vector<16xi32>
        %parallel_loop3A_339 = arith.constant 256 : i32
        %parallel_loop3A_340 = arith.muli %parallel_loop3A_191, %parallel_loop3A_339 : i32
        %parallel_loop3A_341 = arith.constant 12 : i32
        %parallel_loop3A_342 = arith.addi %parallel_loop3A_340, %parallel_loop3A_341 : i32
        %parallel_loop3A_343 = vector.broadcast %parallel_loop3A_342 : i32 to vector<16xi32>
        %parallel_loop3A_344 = arith.addi %parallel_loop3A_338, %parallel_loop3A_343 : vector<16xi32>
        %parallel_loop3A_345 = tpu.vector_load_idx %arg15[%parallel_loop3A_344] : memref<5376xf32, #tpu.memory_space<vmem>>[vector<16xi32>], vector<16xf32>,
        %parallel_loop3A_346 = arith.addf %parallel_loop3A_334, %parallel_loop3A_345 : vector<16xf32>
        %parallel_loop3A_347 = tpu.iota {dimensions = array<i32: 0>} : vector<16xi32>
        %parallel_loop3A_348 = arith.constant 16 : i32
        %parallel_loop3A_349 = vector.broadcast %parallel_loop3A_348 : i32 to vector<16xi32>
        %parallel_loop3A_350 = arith.muli %parallel_loop3A_347, %parallel_loop3A_349 : vector<16xi32>
        %parallel_loop3A_351 = arith.constant 256 : i32
        %parallel_loop3A_352 = arith.muli %parallel_loop3A_191, %parallel_loop3A_351 : i32
        %parallel_loop3A_353 = arith.constant 13 : i32
        %parallel_loop3A_354 = arith.addi %parallel_loop3A_352, %parallel_loop3A_353 : i32
        %parallel_loop3A_355 = vector.broadcast %parallel_loop3A_354 : i32 to vector<16xi32>
        %parallel_loop3A_356 = arith.addi %parallel_loop3A_350, %parallel_loop3A_355 : vector<16xi32>
        %parallel_loop3A_357 = tpu.vector_load_idx %arg15[%parallel_loop3A_356] : memref<5376xf32, #tpu.memory_space<vmem>>[vector<16xi32>], vector<16xf32>,
        %parallel_loop3A_358 = arith.addf %parallel_loop3A_346, %parallel_loop3A_357 : vector<16xf32>
        %parallel_loop3A_359 = tpu.iota {dimensions = array<i32: 0>} : vector<16xi32>
        %parallel_loop3A_360 = arith.constant 16 : i32
        %parallel_loop3A_361 = vector.broadcast %parallel_loop3A_360 : i32 to vector<16xi32>
        %parallel_loop3A_362 = arith.muli %parallel_loop3A_359, %parallel_loop3A_361 : vector<16xi32>
        %parallel_loop3A_363 = arith.constant 256 : i32
        %parallel_loop3A_364 = arith.muli %parallel_loop3A_191, %parallel_loop3A_363 : i32
        %parallel_loop3A_365 = arith.constant 14 : i32
        %parallel_loop3A_366 = arith.addi %parallel_loop3A_364, %parallel_loop3A_365 : i32
        %parallel_loop3A_367 = vector.broadcast %parallel_loop3A_366 : i32 to vector<16xi32>
        %parallel_loop3A_368 = arith.addi %parallel_loop3A_362, %parallel_loop3A_367 : vector<16xi32>
        %parallel_loop3A_369 = tpu.vector_load_idx %arg15[%parallel_loop3A_368] : memref<5376xf32, #tpu.memory_space<vmem>>[vector<16xi32>], vector<16xf32>,
        %parallel_loop3A_370 = arith.addf %parallel_loop3A_358, %parallel_loop3A_369 : vector<16xf32>
        %parallel_loop3A_371 = tpu.iota {dimensions = array<i32: 0>} : vector<16xi32>
        %parallel_loop3A_372 = arith.constant 16 : i32
        %parallel_loop3A_373 = vector.broadcast %parallel_loop3A_372 : i32 to vector<16xi32>
        %parallel_loop3A_374 = arith.muli %parallel_loop3A_371, %parallel_loop3A_373 : vector<16xi32>
        %parallel_loop3A_375 = arith.constant 256 : i32
        %parallel_loop3A_376 = arith.muli %parallel_loop3A_191, %parallel_loop3A_375 : i32
        %parallel_loop3A_377 = arith.constant 15 : i32
        %parallel_loop3A_378 = arith.addi %parallel_loop3A_376, %parallel_loop3A_377 : i32
        %parallel_loop3A_379 = vector.broadcast %parallel_loop3A_378 : i32 to vector<16xi32>
        %parallel_loop3A_380 = arith.addi %parallel_loop3A_374, %parallel_loop3A_379 : vector<16xi32>
        %parallel_loop3A_381 = tpu.vector_load_idx %arg15[%parallel_loop3A_380] : memref<5376xf32, #tpu.memory_space<vmem>>[vector<16xi32>], vector<16xf32>,
        %parallel_loop3A_382 = arith.addf %parallel_loop3A_370, %parallel_loop3A_381 : vector<16xf32>
        %parallel_loop3A_383 = arith.constant 16 : i32
        %parallel_loop3A_384 = arith.muli %parallel_loop3A_191, %parallel_loop3A_383 : i32
        %parallel_loop3A_385 = arith.index_cast %parallel_loop3A_384 : i32 to index
        %parallel_loop3A_386 = tpu.vector_load %arg16[%parallel_loop3A_385] {strides = array<i32>} : memref<336xf32, #tpu.memory_space<vmem>>, vector<16xf32>,
        tpu.vector_store %arg16[%parallel_loop3A_385], %parallel_loop3A_382 {strides = array<i32>} : memref<336xf32, #tpu.memory_space<vmem>>, vector<16xf32>,
      } {sc.loop_unroll_factor = 2 : i64, sc.parallel_access}
      %mul3A_132 = arith.constant 21 : i32
      %mul3A_133 = arith.muli %add3A_124, %mul3A_132 : i32
      %dma_start3A_134 = tpu.memref_slice %arg6[%mul3A_133] : memref<344064xf32, #tpu.memory_space<hbm>> -> memref<336xf32, #tpu.memory_space<hbm>>
      %dma_start3A_135 = tpu.memref_slice %arg6[%mul3A_133] : memref<344064xf32, #tpu.memory_space<hbm>> -> memref<336xf32, #tpu.memory_space<hbm>>
      tpu.enqueue_dma source(%arg16 : memref<336xf32, #tpu.memory_space<vmem>>) target(%dma_start3A_135 : memref<336xf32, #tpu.memory_space<hbm>>) target_semaphore(%arg22 : memref<!tpu.dma_semaphore, #tpu.memory_space<semaphore_mem>>)
      %add3A_136 = arith.constant 2 : i32
      %add3A_137 = arith.addi %add3A_56, %add3A_136 : i32
      %lt3A = arith.constant 32 : i32
      %lt3A_138 = arith.cmpi slt, %add3A_137, %lt3A : i32
      %convert_element_type3A_139 = arith.extui %lt3A_138 : i1 to i32
      %cond3A_140 = arith.constant 0 : i32
      %cond3A_141 = arith.cmpi ne, %convert_element_type3A_139, %cond3A_140 : i32
      scf.if %cond3A_141 {
        %add3A_191 = arith.constant 2 : i32
        %add3A_192 = arith.addi %add3A_56, %add3A_191 : i32
        %mul3A_193 = arith.constant 512 : i32
        %mul3A_194 = arith.muli %add3A, %mul3A_193 : i32
        %mul3A_195 = arith.constant 16 : i32
        %mul3A_196 = arith.muli %add3A_192, %mul3A_195 : i32
        %add3A_197 = arith.addi %mul3A_194, %mul3A_196 : i32
        "tpu.region"() ({
          %run_scoped3A = tpu.sem_alloc : memref<!tpu.dma_semaphore, #tpu.memory_space<semaphore_mem>>
          %dma_start3A_227 = tpu.memref_slice %arg4[%add3A_197] : memref<16384xi32, #tpu.memory_space<hbm>> -> memref<16xi32, #tpu.memory_space<hbm>>
          %dma_start3A_228 = tpu.memref_slice %arg4[%add3A_197] : memref<16384xi32, #tpu.memory_space<hbm>> -> memref<16xi32, #tpu.memory_space<hbm>>
          tpu.enqueue_dma source(%dma_start3A_228 : memref<16xi32, #tpu.memory_space<hbm>>) target(%arg7 : memref<16xi32, #tpu.memory_space<vmem>>) target_semaphore(%run_scoped3A : memref<!tpu.dma_semaphore, #tpu.memory_space<semaphore_mem>>)
          %dma_wait3A_229 = tpu.memref_slice %arg4[%add3A_197] : memref<16384xi32, #tpu.memory_space<hbm>> -> memref<16xi32, #tpu.memory_space<hbm>>
          %dma_wait3A_230 = tpu.memref_slice %arg4[%add3A_197] : memref<16384xi32, #tpu.memory_space<hbm>> -> memref<16xi32, #tpu.memory_space<hbm>>
          tpu.wait_dma2 semaphore(%run_scoped3A : memref<!tpu.dma_semaphore, #tpu.memory_space<semaphore_mem>>) src(%dma_wait3A_230 : memref<16xi32, #tpu.memory_space<hbm>>) dst(%arg7 : memref<16xi32, #tpu.memory_space<vmem>>)
          tpu.yield
        }) : () -> ()
        %mul3A_198 = arith.constant 21 : i32
        %mul3A_199 = arith.muli %add3A_197, %mul3A_198 : i32
        "tpu.region"() ({
          %run_scoped3A = tpu.sem_alloc : memref<!tpu.dma_semaphore, #tpu.memory_space<semaphore_mem>>
          %dma_start3A_227 = tpu.memref_slice %arg5[%mul3A_199] : memref<344064xi32, #tpu.memory_space<hbm>> -> memref<336xi32, #tpu.memory_space<hbm>>
          %dma_start3A_228 = tpu.memref_slice %arg5[%mul3A_199] : memref<344064xi32, #tpu.memory_space<hbm>> -> memref<336xi32, #tpu.memory_space<hbm>>
          tpu.enqueue_dma source(%dma_start3A_228 : memref<336xi32, #tpu.memory_space<hbm>>) target(%arg9 : memref<336xi32, #tpu.memory_space<vmem>>) target_semaphore(%run_scoped3A : memref<!tpu.dma_semaphore, #tpu.memory_space<semaphore_mem>>)
          %dma_wait3A_229 = tpu.memref_slice %arg5[%mul3A_199] : memref<344064xi32, #tpu.memory_space<hbm>> -> memref<336xi32, #tpu.memory_space<hbm>>
          %dma_wait3A_230 = tpu.memref_slice %arg5[%mul3A_199] : memref<344064xi32, #tpu.memory_space<hbm>> -> memref<336xi32, #tpu.memory_space<hbm>>
          tpu.wait_dma2 semaphore(%run_scoped3A : memref<!tpu.dma_semaphore, #tpu.memory_space<semaphore_mem>>) src(%dma_wait3A_230 : memref<336xi32, #tpu.memory_space<hbm>>) dst(%arg9 : memref<336xi32, #tpu.memory_space<vmem>>)
          tpu.yield
        }) : () -> ()
        %dma_start3A_200 = arith.constant 0 : i32
        %dma_start3A_201 = arith.constant 0 : i32
        %dma_start3A_202 = tpu.memref_slice %arg2[%dma_start3A_200, %dma_start3A_201] : memref<100000x128xf32, #tpu.memory_space<hbm>> -> memref<100000x128xf32, #tpu.memory_space<hbm>>
        tpu.enqueue_indirect_dma source(%dma_start3A_202 : memref<100000x128xf32, #tpu.memory_space<hbm>>) target(%arg11 : memref<16x128xf32, #tpu.memory_space<vmem>>) offsets(%arg7 : memref<16xi32, #tpu.memory_space<vmem>>) semaphore(%arg18 : memref<!tpu.dma_semaphore, #tpu.memory_space<semaphore_mem>>)
        %dma_start3A_203 = arith.constant 0 : i32
        %dma_start3A_204 = arith.constant 0 : i32
        %dma_start3A_205 = tpu.memref_slice %arg13[%dma_start3A_203, %dma_start3A_204] : memref<336x128xf32, #tpu.memory_space<vmem>> -> memref<128x128xf32, #tpu.memory_space<vmem>>
        %dma_start3A_206 = arith.constant 0 : i32
        %dma_start3A_207 = tpu.memref_slice %arg9[%dma_start3A_206] : memref<336xi32, #tpu.memory_space<vmem>> -> memref<128xi32, #tpu.memory_space<vmem>>
        %dma_start3A_208 = arith.constant 0 : i32
        %dma_start3A_209 = arith.constant 0 : i32
        %dma_start3A_210 = tpu.memref_slice %arg3[%dma_start3A_208, %dma_start3A_209] : memref<100000x128xf32, #tpu.memory_space<hbm>> -> memref<100000x128xf32, #tpu.memory_space<hbm>>
        tpu.enqueue_indirect_dma source(%dma_start3A_210 : memref<100000x128xf32, #tpu.memory_space<hbm>>) target(%dma_start3A_205 : memref<128x128xf32, #tpu.memory_space<vmem>>) offsets(%dma_start3A_207 : memref<128xi32, #tpu.memory_space<vmem>>) semaphore(%arg20 : memref<!tpu.dma_semaphore, #tpu.memory_space<semaphore_mem>>)
        %dma_start3A_211 = arith.constant 128 : i32
        %dma_start3A_212 = arith.constant 0 : i32
        %dma_start3A_213 = tpu.memref_slice %arg13[%dma_start3A_211, %dma_start3A_212] : memref<336x128xf32, #tpu.memory_space<vmem>> -> memref<128x128xf32, #tpu.memory_space<vmem>>
        %dma_start3A_214 = arith.constant 128 : i32
        %dma_start3A_215 = tpu.memref_slice %arg9[%dma_start3A_214] : memref<336xi32, #tpu.memory_space<vmem>> -> memref<128xi32, #tpu.memory_space<vmem>>
        %dma_start3A_216 = arith.constant 0 : i32
        %dma_start3A_217 = arith.constant 0 : i32
        %dma_start3A_218 = tpu.memref_slice %arg3[%dma_start3A_216, %dma_start3A_217] : memref<100000x128xf32, #tpu.memory_space<hbm>> -> memref<100000x128xf32, #tpu.memory_space<hbm>>
        tpu.enqueue_indirect_dma source(%dma_start3A_218 : memref<100000x128xf32, #tpu.memory_space<hbm>>) target(%dma_start3A_213 : memref<128x128xf32, #tpu.memory_space<vmem>>) offsets(%dma_start3A_215 : memref<128xi32, #tpu.memory_space<vmem>>) semaphore(%arg20 : memref<!tpu.dma_semaphore, #tpu.memory_space<semaphore_mem>>)
        %dma_start3A_219 = arith.constant 256 : i32
        %dma_start3A_220 = arith.constant 0 : i32
        %dma_start3A_221 = tpu.memref_slice %arg13[%dma_start3A_219, %dma_start3A_220] : memref<336x128xf32, #tpu.memory_space<vmem>> -> memref<80x128xf32, #tpu.memory_space<vmem>>
        %dma_start3A_222 = arith.constant 256 : i32
        %dma_start3A_223 = tpu.memref_slice %arg9[%dma_start3A_222] : memref<336xi32, #tpu.memory_space<vmem>> -> memref<80xi32, #tpu.memory_space<vmem>>
        %dma_start3A_224 = arith.constant 0 : i32
        %dma_start3A_225 = arith.constant 0 : i32
        %dma_start3A_226 = tpu.memref_slice %arg3[%dma_start3A_224, %dma_start3A_225] : memref<100000x128xf32, #tpu.memory_space<hbm>> -> memref<100000x128xf32, #tpu.memory_space<hbm>>
        tpu.enqueue_indirect_dma source(%dma_start3A_226 : memref<100000x128xf32, #tpu.memory_space<hbm>>) target(%dma_start3A_221 : memref<80x128xf32, #tpu.memory_space<vmem>>) offsets(%dma_start3A_223 : memref<80xi32, #tpu.memory_space<vmem>>) semaphore(%arg20 : memref<!tpu.dma_semaphore, #tpu.memory_space<semaphore_mem>>)
      } else {
      }
      %dma_wait3A_142 = arith.constant 0 : i32
      %dma_wait3A_143 = arith.constant 0 : i32
      %dma_wait3A_144 = tpu.memref_slice %arg2[%dma_wait3A_142, %dma_wait3A_143] : memref<100000x128xf32, #tpu.memory_space<hbm>> -> memref<100000x128xf32, #tpu.memory_space<hbm>>
      tpu.wait_indirect_dma semaphore(%arg19 : memref<!tpu.dma_semaphore, #tpu.memory_space<semaphore_mem>>) src(%dma_wait3A_144 : memref<100000x128xf32, #tpu.memory_space<hbm>>) dst(%arg12 : memref<16x128xf32, #tpu.memory_space<vmem>>)
      %dma_wait3A_145 = arith.constant 0 : i32
      %dma_wait3A_146 = arith.constant 0 : i32
      %dma_wait3A_147 = tpu.memref_slice %arg14[%dma_wait3A_145, %dma_wait3A_146] : memref<336x128xf32, #tpu.memory_space<vmem>> -> memref<128x128xf32, #tpu.memory_space<vmem>>
      %dma_wait3A_148 = arith.constant 0 : i32
      %dma_wait3A_149 = tpu.memref_slice %arg10[%dma_wait3A_148] : memref<336xi32, #tpu.memory_space<vmem>> -> memref<128xi32, #tpu.memory_space<vmem>>
      %dma_wait3A_150 = arith.constant 0 : i32
      %dma_wait3A_151 = arith.constant 0 : i32
      %dma_wait3A_152 = tpu.memref_slice %arg3[%dma_wait3A_150, %dma_wait3A_151] : memref<100000x128xf32, #tpu.memory_space<hbm>> -> memref<100000x128xf32, #tpu.memory_space<hbm>>
      tpu.wait_indirect_dma semaphore(%arg21 : memref<!tpu.dma_semaphore, #tpu.memory_space<semaphore_mem>>) src(%dma_wait3A_152 : memref<100000x128xf32, #tpu.memory_space<hbm>>) dst(%dma_wait3A_147 : memref<128x128xf32, #tpu.memory_space<vmem>>)
      %dma_wait3A_153 = arith.constant 128 : i32
      %dma_wait3A_154 = arith.constant 0 : i32
      %dma_wait3A_155 = tpu.memref_slice %arg14[%dma_wait3A_153, %dma_wait3A_154] : memref<336x128xf32, #tpu.memory_space<vmem>> -> memref<128x128xf32, #tpu.memory_space<vmem>>
      %dma_wait3A_156 = arith.constant 128 : i32
      %dma_wait3A_157 = tpu.memref_slice %arg10[%dma_wait3A_156] : memref<336xi32, #tpu.memory_space<vmem>> -> memref<128xi32, #tpu.memory_space<vmem>>
      %dma_wait3A_158 = arith.constant 0 : i32
      %dma_wait3A_159 = arith.constant 0 : i32
      %dma_wait3A_160 = tpu.memref_slice %arg3[%dma_wait3A_158, %dma_wait3A_159] : memref<100000x128xf32, #tpu.memory_space<hbm>> -> memref<100000x128xf32, #tpu.memory_space<hbm>>
      tpu.wait_indirect_dma semaphore(%arg21 : memref<!tpu.dma_semaphore, #tpu.memory_space<semaphore_mem>>) src(%dma_wait3A_160 : memref<100000x128xf32, #tpu.memory_space<hbm>>) dst(%dma_wait3A_155 : memref<128x128xf32, #tpu.memory_space<vmem>>)
      %dma_wait3A_161 = arith.constant 256 : i32
      %dma_wait3A_162 = arith.constant 0 : i32
      %dma_wait3A_163 = tpu.memref_slice %arg14[%dma_wait3A_161, %dma_wait3A_162] : memref<336x128xf32, #tpu.memory_space<vmem>> -> memref<80x128xf32, #tpu.memory_space<vmem>>
      %dma_wait3A_164 = arith.constant 256 : i32
      %dma_wait3A_165 = tpu.memref_slice %arg10[%dma_wait3A_164] : memref<336xi32, #tpu.memory_space<vmem>> -> memref<80xi32, #tpu.memory_space<vmem>>
      %dma_wait3A_166 = arith.constant 0 : i32
      %dma_wait3A_167 = arith.constant 0 : i32
      %dma_wait3A_168 = tpu.memref_slice %arg3[%dma_wait3A_166, %dma_wait3A_167] : memref<100000x128xf32, #tpu.memory_space<hbm>> -> memref<100000x128xf32, #tpu.memory_space<hbm>>
      tpu.wait_indirect_dma semaphore(%arg21 : memref<!tpu.dma_semaphore, #tpu.memory_space<semaphore_mem>>) src(%dma_wait3A_168 : memref<100000x128xf32, #tpu.memory_space<hbm>>) dst(%dma_wait3A_163 : memref<80x128xf32, #tpu.memory_space<vmem>>)
      %add3A_169 = arith.constant 1 : i32
      %add3A_170 = arith.addi %add3A_56, %add3A_169 : i32
      %mul3A_171 = arith.constant 512 : i32
      %mul3A_172 = arith.muli %add3A, %mul3A_171 : i32
      %mul3A_173 = arith.constant 16 : i32
      %mul3A_174 = arith.muli %add3A_170, %mul3A_173 : i32
      %add3A_175 = arith.addi %mul3A_172, %mul3A_174 : i32
      %parallel_loop3A_176 = arith.constant 0 : i32
      %parallel_loop3A_177 = arith.constant 16 : i32
      %parallel_loop3A_178 = arith.constant 1 : i32
      scf.for %parallel_loop3A_191 = %parallel_loop3A_176 to %parallel_loop3A_177 step %parallel_loop3A_178  : i32 {
        %parallel_loop3A_192 = arith.index_cast %parallel_loop3A_191 : i32 to index
        %parallel_loop3A_193 = arith.constant 0 : index
        %parallel_loop3A_194 = tpu.vector_load %arg12[%parallel_loop3A_192, %parallel_loop3A_193] {strides = array<i32>} : memref<16x128xf32, #tpu.memory_space<vmem>>, vector<16xf32>,
        %parallel_loop3A_195 = arith.index_cast %parallel_loop3A_191 : i32 to index
        %parallel_loop3A_196 = arith.constant 16 : index
        %parallel_loop3A_197 = tpu.vector_load %arg12[%parallel_loop3A_195, %parallel_loop3A_196] {strides = array<i32>} : memref<16x128xf32, #tpu.memory_space<vmem>>, vector<16xf32>,
        %parallel_loop3A_198 = arith.index_cast %parallel_loop3A_191 : i32 to index
        %parallel_loop3A_199 = arith.constant 32 : index
        %parallel_loop3A_200 = tpu.vector_load %arg12[%parallel_loop3A_198, %parallel_loop3A_199] {strides = array<i32>} : memref<16x128xf32, #tpu.memory_space<vmem>>, vector<16xf32>,
        %parallel_loop3A_201 = arith.index_cast %parallel_loop3A_191 : i32 to index
        %parallel_loop3A_202 = arith.constant 48 : index
        %parallel_loop3A_203 = tpu.vector_load %arg12[%parallel_loop3A_201, %parallel_loop3A_202] {strides = array<i32>} : memref<16x128xf32, #tpu.memory_space<vmem>>, vector<16xf32>,
        %parallel_loop3A_204 = arith.index_cast %parallel_loop3A_191 : i32 to index
        %parallel_loop3A_205 = arith.constant 64 : index
        %parallel_loop3A_206 = tpu.vector_load %arg12[%parallel_loop3A_204, %parallel_loop3A_205] {strides = array<i32>} : memref<16x128xf32, #tpu.memory_space<vmem>>, vector<16xf32>,
        %parallel_loop3A_207 = arith.index_cast %parallel_loop3A_191 : i32 to index
        %parallel_loop3A_208 = arith.constant 80 : index
        %parallel_loop3A_209 = tpu.vector_load %arg12[%parallel_loop3A_207, %parallel_loop3A_208] {strides = array<i32>} : memref<16x128xf32, #tpu.memory_space<vmem>>, vector<16xf32>,
        %parallel_loop3A_210 = arith.index_cast %parallel_loop3A_191 : i32 to index
        %parallel_loop3A_211 = arith.constant 96 : index
        %parallel_loop3A_212 = tpu.vector_load %arg12[%parallel_loop3A_210, %parallel_loop3A_211] {strides = array<i32>} : memref<16x128xf32, #tpu.memory_space<vmem>>, vector<16xf32>,
        %parallel_loop3A_213 = arith.index_cast %parallel_loop3A_191 : i32 to index
        %parallel_loop3A_214 = arith.constant 112 : index
        %parallel_loop3A_215 = tpu.vector_load %arg12[%parallel_loop3A_213, %parallel_loop3A_214] {strides = array<i32>} : memref<16x128xf32, #tpu.memory_space<vmem>>, vector<16xf32>,
        %parallel_loop3A_216 = arith.constant 21 : i32
        %parallel_loop3A_217 = arith.muli %parallel_loop3A_191, %parallel_loop3A_216 : i32
        %parallel_loop3A_218 = arith.constant 0 : i32
        %parallel_loop3A_219 = arith.addi %parallel_loop3A_217, %parallel_loop3A_218 : i32
        %parallel_loop3A_220 = arith.index_cast %parallel_loop3A_219 : i32 to index
        %parallel_loop3A_221 = arith.constant 0 : index
        %parallel_loop3A_222 = tpu.vector_load %arg14[%parallel_loop3A_220, %parallel_loop3A_221] {strides = array<i32>} : memref<336x128xf32, #tpu.memory_space<vmem>>, vector<16xf32>,
        %parallel_loop3A_223 = arith.mulf %parallel_loop3A_194, %parallel_loop3A_222 : vector<16xf32>
        %parallel_loop3A_224 = arith.index_cast %parallel_loop3A_219 : i32 to index
        %parallel_loop3A_225 = arith.constant 16 : index
        %parallel_loop3A_226 = tpu.vector_load %arg14[%parallel_loop3A_224, %parallel_loop3A_225] {strides = array<i32>} : memref<336x128xf32, #tpu.memory_space<vmem>>, vector<16xf32>,
        %parallel_loop3A_227 = arith.mulf %parallel_loop3A_197, %parallel_loop3A_226 : vector<16xf32>
        %parallel_loop3A_228 = arith.addf %parallel_loop3A_223, %parallel_loop3A_227 : vector<16xf32>
        %parallel_loop3A_229 = arith.index_cast %parallel_loop3A_219 : i32 to index
        %parallel_loop3A_230 = arith.constant 32 : index
        %parallel_loop3A_231 = tpu.vector_load %arg14[%parallel_loop3A_229, %parallel_loop3A_230] {strides = array<i32>} : memref<336x128xf32, #tpu.memory_space<vmem>>, vector<16xf32>,
        %parallel_loop3A_232 = arith.mulf %parallel_loop3A_200, %parallel_loop3A_231 : vector<16xf32>
        %parallel_loop3A_233 = arith.addf %parallel_loop3A_228, %parallel_loop3A_232 : vector<16xf32>
        %parallel_loop3A_234 = arith.index_cast %parallel_loop3A_219 : i32 to index
        %parallel_loop3A_235 = arith.constant 48 : index
        %parallel_loop3A_236 = tpu.vector_load %arg14[%parallel_loop3A_234, %parallel_loop3A_235] {strides = array<i32>} : memref<336x128xf32, #tpu.memory_space<vmem>>, vector<16xf32>,
        %parallel_loop3A_237 = arith.mulf %parallel_loop3A_203, %parallel_loop3A_236 : vector<16xf32>
        %parallel_loop3A_238 = arith.addf %parallel_loop3A_233, %parallel_loop3A_237 : vector<16xf32>
        %parallel_loop3A_239 = arith.index_cast %parallel_loop3A_219 : i32 to index
        %parallel_loop3A_240 = arith.constant 64 : index
        %parallel_loop3A_241 = tpu.vector_load %arg14[%parallel_loop3A_239, %parallel_loop3A_240] {strides = array<i32>} : memref<336x128xf32, #tpu.memory_space<vmem>>, vector<16xf32>,
        %parallel_loop3A_242 = arith.mulf %parallel_loop3A_206, %parallel_loop3A_241 : vector<16xf32>
        %parallel_loop3A_243 = arith.addf %parallel_loop3A_238, %parallel_loop3A_242 : vector<16xf32>
        %parallel_loop3A_244 = arith.index_cast %parallel_loop3A_219 : i32 to index
        %parallel_loop3A_245 = arith.constant 80 : index
        %parallel_loop3A_246 = tpu.vector_load %arg14[%parallel_loop3A_244, %parallel_loop3A_245] {strides = array<i32>} : memref<336x128xf32, #tpu.memory_space<vmem>>, vector<16xf32>,
        %parallel_loop3A_247 = arith.mulf %parallel_loop3A_209, %parallel_loop3A_246 : vector<16xf32>
        %parallel_loop3A_248 = arith.addf %parallel_loop3A_243, %parallel_loop3A_247 : vector<16xf32>
        %parallel_loop3A_249 = arith.index_cast %parallel_loop3A_219 : i32 to index
        %parallel_loop3A_250 = arith.constant 96 : index
        %parallel_loop3A_251 = tpu.vector_load %arg14[%parallel_loop3A_249, %parallel_loop3A_250] {strides = array<i32>} : memref<336x128xf32, #tpu.memory_space<vmem>>, vector<16xf32>,
        %parallel_loop3A_252 = arith.mulf %parallel_loop3A_212, %parallel_loop3A_251 : vector<16xf32>
        %parallel_loop3A_253 = arith.addf %parallel_loop3A_248, %parallel_loop3A_252 : vector<16xf32>
        %parallel_loop3A_254 = arith.index_cast %parallel_loop3A_219 : i32 to index
        %parallel_loop3A_255 = arith.constant 112 : index
        %parallel_loop3A_256 = tpu.vector_load %arg14[%parallel_loop3A_254, %parallel_loop3A_255] {strides = array<i32>} : memref<336x128xf32, #tpu.memory_space<vmem>>, vector<16xf32>,
        %parallel_loop3A_257 = arith.mulf %parallel_loop3A_215, %parallel_loop3A_256 : vector<16xf32>
        %parallel_loop3A_258 = arith.addf %parallel_loop3A_253, %parallel_loop3A_257 : vector<16xf32>
        %parallel_loop3A_259 = arith.constant 16 : i32
        %parallel_loop3A_260 = arith.muli %parallel_loop3A_219, %parallel_loop3A_259 : i32
        %parallel_loop3A_261 = arith.index_cast %parallel_loop3A_260 : i32 to index
        %parallel_loop3A_262 = tpu.vector_load %arg15[%parallel_loop3A_261] {strides = array<i32>} : memref<5376xf32, #tpu.memory_space<vmem>>, vector<16xf32>,
        tpu.vector_store %arg15[%parallel_loop3A_261], %parallel_loop3A_258 {strides = array<i32>} : memref<5376xf32, #tpu.memory_space<vmem>>, vector<16xf32>,
        %parallel_loop3A_263 = arith.constant 21 : i32
        %parallel_loop3A_264 = arith.muli %parallel_loop3A_191, %parallel_loop3A_263 : i32
        %parallel_loop3A_265 = arith.constant 1 : i32
        %parallel_loop3A_266 = arith.addi %parallel_loop3A_264, %parallel_loop3A_265 : i32
        %parallel_loop3A_267 = arith.index_cast %parallel_loop3A_266 : i32 to index
        %parallel_loop3A_268 = arith.constant 0 : index
        %parallel_loop3A_269 = tpu.vector_load %arg14[%parallel_loop3A_267, %parallel_loop3A_268] {strides = array<i32>} : memref<336x128xf32, #tpu.memory_space<vmem>>, vector<16xf32>,
        %parallel_loop3A_270 = arith.mulf %parallel_loop3A_194, %parallel_loop3A_269 : vector<16xf32>
        %parallel_loop3A_271 = arith.index_cast %parallel_loop3A_266 : i32 to index
        %parallel_loop3A_272 = arith.constant 16 : index
        %parallel_loop3A_273 = tpu.vector_load %arg14[%parallel_loop3A_271, %parallel_loop3A_272] {strides = array<i32>} : memref<336x128xf32, #tpu.memory_space<vmem>>, vector<16xf32>,
        %parallel_loop3A_274 = arith.mulf %parallel_loop3A_197, %parallel_loop3A_273 : vector<16xf32>
        %parallel_loop3A_275 = arith.addf %parallel_loop3A_270, %parallel_loop3A_274 : vector<16xf32>
        %parallel_loop3A_276 = arith.index_cast %parallel_loop3A_266 : i32 to index
        %parallel_loop3A_277 = arith.constant 32 : index
        %parallel_loop3A_278 = tpu.vector_load %arg14[%parallel_loop3A_276, %parallel_loop3A_277] {strides = array<i32>} : memref<336x128xf32, #tpu.memory_space<vmem>>, vector<16xf32>,
        %parallel_loop3A_279 = arith.mulf %parallel_loop3A_200, %parallel_loop3A_278 : vector<16xf32>
        %parallel_loop3A_280 = arith.addf %parallel_loop3A_275, %parallel_loop3A_279 : vector<16xf32>
        %parallel_loop3A_281 = arith.index_cast %parallel_loop3A_266 : i32 to index
        %parallel_loop3A_282 = arith.constant 48 : index
        %parallel_loop3A_283 = tpu.vector_load %arg14[%parallel_loop3A_281, %parallel_loop3A_282] {strides = array<i32>} : memref<336x128xf32, #tpu.memory_space<vmem>>, vector<16xf32>,
        %parallel_loop3A_284 = arith.mulf %parallel_loop3A_203, %parallel_loop3A_283 : vector<16xf32>
        %parallel_loop3A_285 = arith.addf %parallel_loop3A_280, %parallel_loop3A_284 : vector<16xf32>
        %parallel_loop3A_286 = arith.index_cast %parallel_loop3A_266 : i32 to index
        %parallel_loop3A_287 = arith.constant 64 : index
        %parallel_loop3A_288 = tpu.vector_load %arg14[%parallel_loop3A_286, %parallel_loop3A_287] {strides = array<i32>} : memref<336x128xf32, #tpu.memory_space<vmem>>, vector<16xf32>,
        %parallel_loop3A_289 = arith.mulf %parallel_loop3A_206, %parallel_loop3A_288 : vector<16xf32>
        %parallel_loop3A_290 = arith.addf %parallel_loop3A_285, %parallel_loop3A_289 : vector<16xf32>
        %parallel_loop3A_291 = arith.index_cast %parallel_loop3A_266 : i32 to index
        %parallel_loop3A_292 = arith.constant 80 : index
        %parallel_loop3A_293 = tpu.vector_load %arg14[%parallel_loop3A_291, %parallel_loop3A_292] {strides = array<i32>} : memref<336x128xf32, #tpu.memory_space<vmem>>, vector<16xf32>,
        %parallel_loop3A_294 = arith.mulf %parallel_loop3A_209, %parallel_loop3A_293 : vector<16xf32>
        %parallel_loop3A_295 = arith.addf %parallel_loop3A_290, %parallel_loop3A_294 : vector<16xf32>
        %parallel_loop3A_296 = arith.index_cast %parallel_loop3A_266 : i32 to index
        %parallel_loop3A_297 = arith.constant 96 : index
        %parallel_loop3A_298 = tpu.vector_load %arg14[%parallel_loop3A_296, %parallel_loop3A_297] {strides = array<i32>} : memref<336x128xf32, #tpu.memory_space<vmem>>, vector<16xf32>,
        %parallel_loop3A_299 = arith.mulf %parallel_loop3A_212, %parallel_loop3A_298 : vector<16xf32>
        %parallel_loop3A_300 = arith.addf %parallel_loop3A_295, %parallel_loop3A_299 : vector<16xf32>
        %parallel_loop3A_301 = arith.index_cast %parallel_loop3A_266 : i32 to index
        %parallel_loop3A_302 = arith.constant 112 : index
        %parallel_loop3A_303 = tpu.vector_load %arg14[%parallel_loop3A_301, %parallel_loop3A_302] {strides = array<i32>} : memref<336x128xf32, #tpu.memory_space<vmem>>, vector<16xf32>,
        %parallel_loop3A_304 = arith.mulf %parallel_loop3A_215, %parallel_loop3A_303 : vector<16xf32>
        %parallel_loop3A_305 = arith.addf %parallel_loop3A_300, %parallel_loop3A_304 : vector<16xf32>
        %parallel_loop3A_306 = arith.constant 16 : i32
        %parallel_loop3A_307 = arith.muli %parallel_loop3A_266, %parallel_loop3A_306 : i32
        %parallel_loop3A_308 = arith.index_cast %parallel_loop3A_307 : i32 to index
        %parallel_loop3A_309 = tpu.vector_load %arg15[%parallel_loop3A_308] {strides = array<i32>} : memref<5376xf32, #tpu.memory_space<vmem>>, vector<16xf32>,
        tpu.vector_store %arg15[%parallel_loop3A_308], %parallel_loop3A_305 {strides = array<i32>} : memref<5376xf32, #tpu.memory_space<vmem>>, vector<16xf32>,
        %parallel_loop3A_310 = arith.constant 21 : i32
        %parallel_loop3A_311 = arith.muli %parallel_loop3A_191, %parallel_loop3A_310 : i32
        %parallel_loop3A_312 = arith.constant 2 : i32
        %parallel_loop3A_313 = arith.addi %parallel_loop3A_311, %parallel_loop3A_312 : i32
        %parallel_loop3A_314 = arith.index_cast %parallel_loop3A_313 : i32 to index
        %parallel_loop3A_315 = arith.constant 0 : index
        %parallel_loop3A_316 = tpu.vector_load %arg14[%parallel_loop3A_314, %parallel_loop3A_315] {strides = array<i32>} : memref<336x128xf32, #tpu.memory_space<vmem>>, vector<16xf32>,
        %parallel_loop3A_317 = arith.mulf %parallel_loop3A_194, %parallel_loop3A_316 : vector<16xf32>
        %parallel_loop3A_318 = arith.index_cast %parallel_loop3A_313 : i32 to index
        %parallel_loop3A_319 = arith.constant 16 : index
        %parallel_loop3A_320 = tpu.vector_load %arg14[%parallel_loop3A_318, %parallel_loop3A_319] {strides = array<i32>} : memref<336x128xf32, #tpu.memory_space<vmem>>, vector<16xf32>,
        %parallel_loop3A_321 = arith.mulf %parallel_loop3A_197, %parallel_loop3A_320 : vector<16xf32>
        %parallel_loop3A_322 = arith.addf %parallel_loop3A_317, %parallel_loop3A_321 : vector<16xf32>
        %parallel_loop3A_323 = arith.index_cast %parallel_loop3A_313 : i32 to index
        %parallel_loop3A_324 = arith.constant 32 : index
        %parallel_loop3A_325 = tpu.vector_load %arg14[%parallel_loop3A_323, %parallel_loop3A_324] {strides = array<i32>} : memref<336x128xf32, #tpu.memory_space<vmem>>, vector<16xf32>,
        %parallel_loop3A_326 = arith.mulf %parallel_loop3A_200, %parallel_loop3A_325 : vector<16xf32>
        %parallel_loop3A_327 = arith.addf %parallel_loop3A_322, %parallel_loop3A_326 : vector<16xf32>
        %parallel_loop3A_328 = arith.index_cast %parallel_loop3A_313 : i32 to index
        %parallel_loop3A_329 = arith.constant 48 : index
        %parallel_loop3A_330 = tpu.vector_load %arg14[%parallel_loop3A_328, %parallel_loop3A_329] {strides = array<i32>} : memref<336x128xf32, #tpu.memory_space<vmem>>, vector<16xf32>,
        %parallel_loop3A_331 = arith.mulf %parallel_loop3A_203, %parallel_loop3A_330 : vector<16xf32>
        %parallel_loop3A_332 = arith.addf %parallel_loop3A_327, %parallel_loop3A_331 : vector<16xf32>
        %parallel_loop3A_333 = arith.index_cast %parallel_loop3A_313 : i32 to index
        %parallel_loop3A_334 = arith.constant 64 : index
        %parallel_loop3A_335 = tpu.vector_load %arg14[%parallel_loop3A_333, %parallel_loop3A_334] {strides = array<i32>} : memref<336x128xf32, #tpu.memory_space<vmem>>, vector<16xf32>,
        %parallel_loop3A_336 = arith.mulf %parallel_loop3A_206, %parallel_loop3A_335 : vector<16xf32>
        %parallel_loop3A_337 = arith.addf %parallel_loop3A_332, %parallel_loop3A_336 : vector<16xf32>
        %parallel_loop3A_338 = arith.index_cast %parallel_loop3A_313 : i32 to index
        %parallel_loop3A_339 = arith.constant 80 : index
        %parallel_loop3A_340 = tpu.vector_load %arg14[%parallel_loop3A_338, %parallel_loop3A_339] {strides = array<i32>} : memref<336x128xf32, #tpu.memory_space<vmem>>, vector<16xf32>,
        %parallel_loop3A_341 = arith.mulf %parallel_loop3A_209, %parallel_loop3A_340 : vector<16xf32>
        %parallel_loop3A_342 = arith.addf %parallel_loop3A_337, %parallel_loop3A_341 : vector<16xf32>
        %parallel_loop3A_343 = arith.index_cast %parallel_loop3A_313 : i32 to index
        %parallel_loop3A_344 = arith.constant 96 : index
        %parallel_loop3A_345 = tpu.vector_load %arg14[%parallel_loop3A_343, %parallel_loop3A_344] {strides = array<i32>} : memref<336x128xf32, #tpu.memory_space<vmem>>, vector<16xf32>,
        %parallel_loop3A_346 = arith.mulf %parallel_loop3A_212, %parallel_loop3A_345 : vector<16xf32>
        %parallel_loop3A_347 = arith.addf %parallel_loop3A_342, %parallel_loop3A_346 : vector<16xf32>
        %parallel_loop3A_348 = arith.index_cast %parallel_loop3A_313 : i32 to index
        %parallel_loop3A_349 = arith.constant 112 : index
        %parallel_loop3A_350 = tpu.vector_load %arg14[%parallel_loop3A_348, %parallel_loop3A_349] {strides = array<i32>} : memref<336x128xf32, #tpu.memory_space<vmem>>, vector<16xf32>,
        %parallel_loop3A_351 = arith.mulf %parallel_loop3A_215, %parallel_loop3A_350 : vector<16xf32>
        %parallel_loop3A_352 = arith.addf %parallel_loop3A_347, %parallel_loop3A_351 : vector<16xf32>
        %parallel_loop3A_353 = arith.constant 16 : i32
        %parallel_loop3A_354 = arith.muli %parallel_loop3A_313, %parallel_loop3A_353 : i32
        %parallel_loop3A_355 = arith.index_cast %parallel_loop3A_354 : i32 to index
        %parallel_loop3A_356 = tpu.vector_load %arg15[%parallel_loop3A_355] {strides = array<i32>} : memref<5376xf32, #tpu.memory_space<vmem>>, vector<16xf32>,
        tpu.vector_store %arg15[%parallel_loop3A_355], %parallel_loop3A_352 {strides = array<i32>} : memref<5376xf32, #tpu.memory_space<vmem>>, vector<16xf32>,
        %parallel_loop3A_357 = arith.constant 21 : i32
        %parallel_loop3A_358 = arith.muli %parallel_loop3A_191, %parallel_loop3A_357 : i32
        %parallel_loop3A_359 = arith.constant 3 : i32
        %parallel_loop3A_360 = arith.addi %parallel_loop3A_358, %parallel_loop3A_359 : i32
        %parallel_loop3A_361 = arith.index_cast %parallel_loop3A_360 : i32 to index
        %parallel_loop3A_362 = arith.constant 0 : index
        %parallel_loop3A_363 = tpu.vector_load %arg14[%parallel_loop3A_361, %parallel_loop3A_362] {strides = array<i32>} : memref<336x128xf32, #tpu.memory_space<vmem>>, vector<16xf32>,
        %parallel_loop3A_364 = arith.mulf %parallel_loop3A_194, %parallel_loop3A_363 : vector<16xf32>
        %parallel_loop3A_365 = arith.index_cast %parallel_loop3A_360 : i32 to index
        %parallel_loop3A_366 = arith.constant 16 : index
        %parallel_loop3A_367 = tpu.vector_load %arg14[%parallel_loop3A_365, %parallel_loop3A_366] {strides = array<i32>} : memref<336x128xf32, #tpu.memory_space<vmem>>, vector<16xf32>,
        %parallel_loop3A_368 = arith.mulf %parallel_loop3A_197, %parallel_loop3A_367 : vector<16xf32>
        %parallel_loop3A_369 = arith.addf %parallel_loop3A_364, %parallel_loop3A_368 : vector<16xf32>
        %parallel_loop3A_370 = arith.index_cast %parallel_loop3A_360 : i32 to index
        %parallel_loop3A_371 = arith.constant 32 : index
        %parallel_loop3A_372 = tpu.vector_load %arg14[%parallel_loop3A_370, %parallel_loop3A_371] {strides = array<i32>} : memref<336x128xf32, #tpu.memory_space<vmem>>, vector<16xf32>,
        %parallel_loop3A_373 = arith.mulf %parallel_loop3A_200, %parallel_loop3A_372 : vector<16xf32>
        %parallel_loop3A_374 = arith.addf %parallel_loop3A_369, %parallel_loop3A_373 : vector<16xf32>
        %parallel_loop3A_375 = arith.index_cast %parallel_loop3A_360 : i32 to index
        %parallel_loop3A_376 = arith.constant 48 : index
        %parallel_loop3A_377 = tpu.vector_load %arg14[%parallel_loop3A_375, %parallel_loop3A_376] {strides = array<i32>} : memref<336x128xf32, #tpu.memory_space<vmem>>, vector<16xf32>,
        %parallel_loop3A_378 = arith.mulf %parallel_loop3A_203, %parallel_loop3A_377 : vector<16xf32>
        %parallel_loop3A_379 = arith.addf %parallel_loop3A_374, %parallel_loop3A_378 : vector<16xf32>
        %parallel_loop3A_380 = arith.index_cast %parallel_loop3A_360 : i32 to index
        %parallel_loop3A_381 = arith.constant 64 : index
        %parallel_loop3A_382 = tpu.vector_load %arg14[%parallel_loop3A_380, %parallel_loop3A_381] {strides = array<i32>} : memref<336x128xf32, #tpu.memory_space<vmem>>, vector<16xf32>,
        %parallel_loop3A_383 = arith.mulf %parallel_loop3A_206, %parallel_loop3A_382 : vector<16xf32>
        %parallel_loop3A_384 = arith.addf %parallel_loop3A_379, %parallel_loop3A_383 : vector<16xf32>
        %parallel_loop3A_385 = arith.index_cast %parallel_loop3A_360 : i32 to index
        %parallel_loop3A_386 = arith.constant 80 : index
        %parallel_loop3A_387 = tpu.vector_load %arg14[%parallel_loop3A_385, %parallel_loop3A_386] {strides = array<i32>} : memref<336x128xf32, #tpu.memory_space<vmem>>, vector<16xf32>,
        %parallel_loop3A_388 = arith.mulf %parallel_loop3A_209, %parallel_loop3A_387 : vector<16xf32>
        %parallel_loop3A_389 = arith.addf %parallel_loop3A_384, %parallel_loop3A_388 : vector<16xf32>
        %parallel_loop3A_390 = arith.index_cast %parallel_loop3A_360 : i32 to index
        %parallel_loop3A_391 = arith.constant 96 : index
        %parallel_loop3A_392 = tpu.vector_load %arg14[%parallel_loop3A_390, %parallel_loop3A_391] {strides = array<i32>} : memref<336x128xf32, #tpu.memory_space<vmem>>, vector<16xf32>,
        %parallel_loop3A_393 = arith.mulf %parallel_loop3A_212, %parallel_loop3A_392 : vector<16xf32>
        %parallel_loop3A_394 = arith.addf %parallel_loop3A_389, %parallel_loop3A_393 : vector<16xf32>
        %parallel_loop3A_395 = arith.index_cast %parallel_loop3A_360 : i32 to index
        %parallel_loop3A_396 = arith.constant 112 : index
        %parallel_loop3A_397 = tpu.vector_load %arg14[%parallel_loop3A_395, %parallel_loop3A_396] {strides = array<i32>} : memref<336x128xf32, #tpu.memory_space<vmem>>, vector<16xf32>,
        %parallel_loop3A_398 = arith.mulf %parallel_loop3A_215, %parallel_loop3A_397 : vector<16xf32>
        %parallel_loop3A_399 = arith.addf %parallel_loop3A_394, %parallel_loop3A_398 : vector<16xf32>
        %parallel_loop3A_400 = arith.constant 16 : i32
        %parallel_loop3A_401 = arith.muli %parallel_loop3A_360, %parallel_loop3A_400 : i32
        %parallel_loop3A_402 = arith.index_cast %parallel_loop3A_401 : i32 to index
        %parallel_loop3A_403 = tpu.vector_load %arg15[%parallel_loop3A_402] {strides = array<i32>} : memref<5376xf32, #tpu.memory_space<vmem>>, vector<16xf32>,
        tpu.vector_store %arg15[%parallel_loop3A_402], %parallel_loop3A_399 {strides = array<i32>} : memref<5376xf32, #tpu.memory_space<vmem>>, vector<16xf32>,
        %parallel_loop3A_404 = arith.constant 21 : i32
        %parallel_loop3A_405 = arith.muli %parallel_loop3A_191, %parallel_loop3A_404 : i32
        %parallel_loop3A_406 = arith.constant 4 : i32
        %parallel_loop3A_407 = arith.addi %parallel_loop3A_405, %parallel_loop3A_406 : i32
        %parallel_loop3A_408 = arith.index_cast %parallel_loop3A_407 : i32 to index
        %parallel_loop3A_409 = arith.constant 0 : index
        %parallel_loop3A_410 = tpu.vector_load %arg14[%parallel_loop3A_408, %parallel_loop3A_409] {strides = array<i32>} : memref<336x128xf32, #tpu.memory_space<vmem>>, vector<16xf32>,
        %parallel_loop3A_411 = arith.mulf %parallel_loop3A_194, %parallel_loop3A_410 : vector<16xf32>
        %parallel_loop3A_412 = arith.index_cast %parallel_loop3A_407 : i32 to index
        %parallel_loop3A_413 = arith.constant 16 : index
        %parallel_loop3A_414 = tpu.vector_load %arg14[%parallel_loop3A_412, %parallel_loop3A_413] {strides = array<i32>} : memref<336x128xf32, #tpu.memory_space<vmem>>, vector<16xf32>,
        %parallel_loop3A_415 = arith.mulf %parallel_loop3A_197, %parallel_loop3A_414 : vector<16xf32>
        %parallel_loop3A_416 = arith.addf %parallel_loop3A_411, %parallel_loop3A_415 : vector<16xf32>
        %parallel_loop3A_417 = arith.index_cast %parallel_loop3A_407 : i32 to index
        %parallel_loop3A_418 = arith.constant 32 : index
        %parallel_loop3A_419 = tpu.vector_load %arg14[%parallel_loop3A_417, %parallel_loop3A_418] {strides = array<i32>} : memref<336x128xf32, #tpu.memory_space<vmem>>, vector<16xf32>,
        %parallel_loop3A_420 = arith.mulf %parallel_loop3A_200, %parallel_loop3A_419 : vector<16xf32>
        %parallel_loop3A_421 = arith.addf %parallel_loop3A_416, %parallel_loop3A_420 : vector<16xf32>
        %parallel_loop3A_422 = arith.index_cast %parallel_loop3A_407 : i32 to index
        %parallel_loop3A_423 = arith.constant 48 : index
        %parallel_loop3A_424 = tpu.vector_load %arg14[%parallel_loop3A_422, %parallel_loop3A_423] {strides = array<i32>} : memref<336x128xf32, #tpu.memory_space<vmem>>, vector<16xf32>,
        %parallel_loop3A_425 = arith.mulf %parallel_loop3A_203, %parallel_loop3A_424 : vector<16xf32>
        %parallel_loop3A_426 = arith.addf %parallel_loop3A_421, %parallel_loop3A_425 : vector<16xf32>
        %parallel_loop3A_427 = arith.index_cast %parallel_loop3A_407 : i32 to index
        %parallel_loop3A_428 = arith.constant 64 : index
        %parallel_loop3A_429 = tpu.vector_load %arg14[%parallel_loop3A_427, %parallel_loop3A_428] {strides = array<i32>} : memref<336x128xf32, #tpu.memory_space<vmem>>, vector<16xf32>,
        %parallel_loop3A_430 = arith.mulf %parallel_loop3A_206, %parallel_loop3A_429 : vector<16xf32>
        %parallel_loop3A_431 = arith.addf %parallel_loop3A_426, %parallel_loop3A_430 : vector<16xf32>
        %parallel_loop3A_432 = arith.index_cast %parallel_loop3A_407 : i32 to index
        %parallel_loop3A_433 = arith.constant 80 : index
        %parallel_loop3A_434 = tpu.vector_load %arg14[%parallel_loop3A_432, %parallel_loop3A_433] {strides = array<i32>} : memref<336x128xf32, #tpu.memory_space<vmem>>, vector<16xf32>,
        %parallel_loop3A_435 = arith.mulf %parallel_loop3A_209, %parallel_loop3A_434 : vector<16xf32>
        %parallel_loop3A_436 = arith.addf %parallel_loop3A_431, %parallel_loop3A_435 : vector<16xf32>
        %parallel_loop3A_437 = arith.index_cast %parallel_loop3A_407 : i32 to index
        %parallel_loop3A_438 = arith.constant 96 : index
        %parallel_loop3A_439 = tpu.vector_load %arg14[%parallel_loop3A_437, %parallel_loop3A_438] {strides = array<i32>} : memref<336x128xf32, #tpu.memory_space<vmem>>, vector<16xf32>,
        %parallel_loop3A_440 = arith.mulf %parallel_loop3A_212, %parallel_loop3A_439 : vector<16xf32>
        %parallel_loop3A_441 = arith.addf %parallel_loop3A_436, %parallel_loop3A_440 : vector<16xf32>
        %parallel_loop3A_442 = arith.index_cast %parallel_loop3A_407 : i32 to index
        %parallel_loop3A_443 = arith.constant 112 : index
        %parallel_loop3A_444 = tpu.vector_load %arg14[%parallel_loop3A_442, %parallel_loop3A_443] {strides = array<i32>} : memref<336x128xf32, #tpu.memory_space<vmem>>, vector<16xf32>,
        %parallel_loop3A_445 = arith.mulf %parallel_loop3A_215, %parallel_loop3A_444 : vector<16xf32>
        %parallel_loop3A_446 = arith.addf %parallel_loop3A_441, %parallel_loop3A_445 : vector<16xf32>
        %parallel_loop3A_447 = arith.constant 16 : i32
        %parallel_loop3A_448 = arith.muli %parallel_loop3A_407, %parallel_loop3A_447 : i32
        %parallel_loop3A_449 = arith.index_cast %parallel_loop3A_448 : i32 to index
        %parallel_loop3A_450 = tpu.vector_load %arg15[%parallel_loop3A_449] {strides = array<i32>} : memref<5376xf32, #tpu.memory_space<vmem>>, vector<16xf32>,
        tpu.vector_store %arg15[%parallel_loop3A_449], %parallel_loop3A_446 {strides = array<i32>} : memref<5376xf32, #tpu.memory_space<vmem>>, vector<16xf32>,
        %parallel_loop3A_451 = arith.constant 21 : i32
        %parallel_loop3A_452 = arith.muli %parallel_loop3A_191, %parallel_loop3A_451 : i32
        %parallel_loop3A_453 = arith.constant 5 : i32
        %parallel_loop3A_454 = arith.addi %parallel_loop3A_452, %parallel_loop3A_453 : i32
        %parallel_loop3A_455 = arith.index_cast %parallel_loop3A_454 : i32 to index
        %parallel_loop3A_456 = arith.constant 0 : index
        %parallel_loop3A_457 = tpu.vector_load %arg14[%parallel_loop3A_455, %parallel_loop3A_456] {strides = array<i32>} : memref<336x128xf32, #tpu.memory_space<vmem>>, vector<16xf32>,
        %parallel_loop3A_458 = arith.mulf %parallel_loop3A_194, %parallel_loop3A_457 : vector<16xf32>
        %parallel_loop3A_459 = arith.index_cast %parallel_loop3A_454 : i32 to index
        %parallel_loop3A_460 = arith.constant 16 : index
        %parallel_loop3A_461 = tpu.vector_load %arg14[%parallel_loop3A_459, %parallel_loop3A_460] {strides = array<i32>} : memref<336x128xf32, #tpu.memory_space<vmem>>, vector<16xf32>,
        %parallel_loop3A_462 = arith.mulf %parallel_loop3A_197, %parallel_loop3A_461 : vector<16xf32>
        %parallel_loop3A_463 = arith.addf %parallel_loop3A_458, %parallel_loop3A_462 : vector<16xf32>
        %parallel_loop3A_464 = arith.index_cast %parallel_loop3A_454 : i32 to index
        %parallel_loop3A_465 = arith.constant 32 : index
        %parallel_loop3A_466 = tpu.vector_load %arg14[%parallel_loop3A_464, %parallel_loop3A_465] {strides = array<i32>} : memref<336x128xf32, #tpu.memory_space<vmem>>, vector<16xf32>,
        %parallel_loop3A_467 = arith.mulf %parallel_loop3A_200, %parallel_loop3A_466 : vector<16xf32>
        %parallel_loop3A_468 = arith.addf %parallel_loop3A_463, %parallel_loop3A_467 : vector<16xf32>
        %parallel_loop3A_469 = arith.index_cast %parallel_loop3A_454 : i32 to index
        %parallel_loop3A_470 = arith.constant 48 : index
        %parallel_loop3A_471 = tpu.vector_load %arg14[%parallel_loop3A_469, %parallel_loop3A_470] {strides = array<i32>} : memref<336x128xf32, #tpu.memory_space<vmem>>, vector<16xf32>,
        %parallel_loop3A_472 = arith.mulf %parallel_loop3A_203, %parallel_loop3A_471 : vector<16xf32>
        %parallel_loop3A_473 = arith.addf %parallel_loop3A_468, %parallel_loop3A_472 : vector<16xf32>
        %parallel_loop3A_474 = arith.index_cast %parallel_loop3A_454 : i32 to index
        %parallel_loop3A_475 = arith.constant 64 : index
        %parallel_loop3A_476 = tpu.vector_load %arg14[%parallel_loop3A_474, %parallel_loop3A_475] {strides = array<i32>} : memref<336x128xf32, #tpu.memory_space<vmem>>, vector<16xf32>,
        %parallel_loop3A_477 = arith.mulf %parallel_loop3A_206, %parallel_loop3A_476 : vector<16xf32>
        %parallel_loop3A_478 = arith.addf %parallel_loop3A_473, %parallel_loop3A_477 : vector<16xf32>
        %parallel_loop3A_479 = arith.index_cast %parallel_loop3A_454 : i32 to index
        %parallel_loop3A_480 = arith.constant 80 : index
        %parallel_loop3A_481 = tpu.vector_load %arg14[%parallel_loop3A_479, %parallel_loop3A_480] {strides = array<i32>} : memref<336x128xf32, #tpu.memory_space<vmem>>, vector<16xf32>,
        %parallel_loop3A_482 = arith.mulf %parallel_loop3A_209, %parallel_loop3A_481 : vector<16xf32>
        %parallel_loop3A_483 = arith.addf %parallel_loop3A_478, %parallel_loop3A_482 : vector<16xf32>
        %parallel_loop3A_484 = arith.index_cast %parallel_loop3A_454 : i32 to index
        %parallel_loop3A_485 = arith.constant 96 : index
        %parallel_loop3A_486 = tpu.vector_load %arg14[%parallel_loop3A_484, %parallel_loop3A_485] {strides = array<i32>} : memref<336x128xf32, #tpu.memory_space<vmem>>, vector<16xf32>,
        %parallel_loop3A_487 = arith.mulf %parallel_loop3A_212, %parallel_loop3A_486 : vector<16xf32>
        %parallel_loop3A_488 = arith.addf %parallel_loop3A_483, %parallel_loop3A_487 : vector<16xf32>
        %parallel_loop3A_489 = arith.index_cast %parallel_loop3A_454 : i32 to index
        %parallel_loop3A_490 = arith.constant 112 : index
        %parallel_loop3A_491 = tpu.vector_load %arg14[%parallel_loop3A_489, %parallel_loop3A_490] {strides = array<i32>} : memref<336x128xf32, #tpu.memory_space<vmem>>, vector<16xf32>,
        %parallel_loop3A_492 = arith.mulf %parallel_loop3A_215, %parallel_loop3A_491 : vector<16xf32>
        %parallel_loop3A_493 = arith.addf %parallel_loop3A_488, %parallel_loop3A_492 : vector<16xf32>
        %parallel_loop3A_494 = arith.constant 16 : i32
        %parallel_loop3A_495 = arith.muli %parallel_loop3A_454, %parallel_loop3A_494 : i32
        %parallel_loop3A_496 = arith.index_cast %parallel_loop3A_495 : i32 to index
        %parallel_loop3A_497 = tpu.vector_load %arg15[%parallel_loop3A_496] {strides = array<i32>} : memref<5376xf32, #tpu.memory_space<vmem>>, vector<16xf32>,
        tpu.vector_store %arg15[%parallel_loop3A_496], %parallel_loop3A_493 {strides = array<i32>} : memref<5376xf32, #tpu.memory_space<vmem>>, vector<16xf32>,
        %parallel_loop3A_498 = arith.constant 21 : i32
        %parallel_loop3A_499 = arith.muli %parallel_loop3A_191, %parallel_loop3A_498 : i32
        %parallel_loop3A_500 = arith.constant 6 : i32
        %parallel_loop3A_501 = arith.addi %parallel_loop3A_499, %parallel_loop3A_500 : i32
        %parallel_loop3A_502 = arith.index_cast %parallel_loop3A_501 : i32 to index
        %parallel_loop3A_503 = arith.constant 0 : index
        %parallel_loop3A_504 = tpu.vector_load %arg14[%parallel_loop3A_502, %parallel_loop3A_503] {strides = array<i32>} : memref<336x128xf32, #tpu.memory_space<vmem>>, vector<16xf32>,
        %parallel_loop3A_505 = arith.mulf %parallel_loop3A_194, %parallel_loop3A_504 : vector<16xf32>
        %parallel_loop3A_506 = arith.index_cast %parallel_loop3A_501 : i32 to index
        %parallel_loop3A_507 = arith.constant 16 : index
        %parallel_loop3A_508 = tpu.vector_load %arg14[%parallel_loop3A_506, %parallel_loop3A_507] {strides = array<i32>} : memref<336x128xf32, #tpu.memory_space<vmem>>, vector<16xf32>,
        %parallel_loop3A_509 = arith.mulf %parallel_loop3A_197, %parallel_loop3A_508 : vector<16xf32>
        %parallel_loop3A_510 = arith.addf %parallel_loop3A_505, %parallel_loop3A_509 : vector<16xf32>
        %parallel_loop3A_511 = arith.index_cast %parallel_loop3A_501 : i32 to index
        %parallel_loop3A_512 = arith.constant 32 : index
        %parallel_loop3A_513 = tpu.vector_load %arg14[%parallel_loop3A_511, %parallel_loop3A_512] {strides = array<i32>} : memref<336x128xf32, #tpu.memory_space<vmem>>, vector<16xf32>,
        %parallel_loop3A_514 = arith.mulf %parallel_loop3A_200, %parallel_loop3A_513 : vector<16xf32>
        %parallel_loop3A_515 = arith.addf %parallel_loop3A_510, %parallel_loop3A_514 : vector<16xf32>
        %parallel_loop3A_516 = arith.index_cast %parallel_loop3A_501 : i32 to index
        %parallel_loop3A_517 = arith.constant 48 : index
        %parallel_loop3A_518 = tpu.vector_load %arg14[%parallel_loop3A_516, %parallel_loop3A_517] {strides = array<i32>} : memref<336x128xf32, #tpu.memory_space<vmem>>, vector<16xf32>,
        %parallel_loop3A_519 = arith.mulf %parallel_loop3A_203, %parallel_loop3A_518 : vector<16xf32>
        %parallel_loop3A_520 = arith.addf %parallel_loop3A_515, %parallel_loop3A_519 : vector<16xf32>
        %parallel_loop3A_521 = arith.index_cast %parallel_loop3A_501 : i32 to index
        %parallel_loop3A_522 = arith.constant 64 : index
        %parallel_loop3A_523 = tpu.vector_load %arg14[%parallel_loop3A_521, %parallel_loop3A_522] {strides = array<i32>} : memref<336x128xf32, #tpu.memory_space<vmem>>, vector<16xf32>,
        %parallel_loop3A_524 = arith.mulf %parallel_loop3A_206, %parallel_loop3A_523 : vector<16xf32>
        %parallel_loop3A_525 = arith.addf %parallel_loop3A_520, %parallel_loop3A_524 : vector<16xf32>
        %parallel_loop3A_526 = arith.index_cast %parallel_loop3A_501 : i32 to index
        %parallel_loop3A_527 = arith.constant 80 : index
        %parallel_loop3A_528 = tpu.vector_load %arg14[%parallel_loop3A_526, %parallel_loop3A_527] {strides = array<i32>} : memref<336x128xf32, #tpu.memory_space<vmem>>, vector<16xf32>,
        %parallel_loop3A_529 = arith.mulf %parallel_loop3A_209, %parallel_loop3A_528 : vector<16xf32>
        %parallel_loop3A_530 = arith.addf %parallel_loop3A_525, %parallel_loop3A_529 : vector<16xf32>
        %parallel_loop3A_531 = arith.index_cast %parallel_loop3A_501 : i32 to index
        %parallel_loop3A_532 = arith.constant 96 : index
        %parallel_loop3A_533 = tpu.vector_load %arg14[%parallel_loop3A_531, %parallel_loop3A_532] {strides = array<i32>} : memref<336x128xf32, #tpu.memory_space<vmem>>, vector<16xf32>,
        %parallel_loop3A_534 = arith.mulf %parallel_loop3A_212, %parallel_loop3A_533 : vector<16xf32>
        %parallel_loop3A_535 = arith.addf %parallel_loop3A_530, %parallel_loop3A_534 : vector<16xf32>
        %parallel_loop3A_536 = arith.index_cast %parallel_loop3A_501 : i32 to index
        %parallel_loop3A_537 = arith.constant 112 : index
        %parallel_loop3A_538 = tpu.vector_load %arg14[%parallel_loop3A_536, %parallel_loop3A_537] {strides = array<i32>} : memref<336x128xf32, #tpu.memory_space<vmem>>, vector<16xf32>,
        %parallel_loop3A_539 = arith.mulf %parallel_loop3A_215, %parallel_loop3A_538 : vector<16xf32>
        %parallel_loop3A_540 = arith.addf %parallel_loop3A_535, %parallel_loop3A_539 : vector<16xf32>
        %parallel_loop3A_541 = arith.constant 16 : i32
        %parallel_loop3A_542 = arith.muli %parallel_loop3A_501, %parallel_loop3A_541 : i32
        %parallel_loop3A_543 = arith.index_cast %parallel_loop3A_542 : i32 to index
        %parallel_loop3A_544 = tpu.vector_load %arg15[%parallel_loop3A_543] {strides = array<i32>} : memref<5376xf32, #tpu.memory_space<vmem>>, vector<16xf32>,
        tpu.vector_store %arg15[%parallel_loop3A_543], %parallel_loop3A_540 {strides = array<i32>} : memref<5376xf32, #tpu.memory_space<vmem>>, vector<16xf32>,
        %parallel_loop3A_545 = arith.constant 21 : i32
        %parallel_loop3A_546 = arith.muli %parallel_loop3A_191, %parallel_loop3A_545 : i32
        %parallel_loop3A_547 = arith.constant 7 : i32
        %parallel_loop3A_548 = arith.addi %parallel_loop3A_546, %parallel_loop3A_547 : i32
        %parallel_loop3A_549 = arith.index_cast %parallel_loop3A_548 : i32 to index
        %parallel_loop3A_550 = arith.constant 0 : index
        %parallel_loop3A_551 = tpu.vector_load %arg14[%parallel_loop3A_549, %parallel_loop3A_550] {strides = array<i32>} : memref<336x128xf32, #tpu.memory_space<vmem>>, vector<16xf32>,
        %parallel_loop3A_552 = arith.mulf %parallel_loop3A_194, %parallel_loop3A_551 : vector<16xf32>
        %parallel_loop3A_553 = arith.index_cast %parallel_loop3A_548 : i32 to index
        %parallel_loop3A_554 = arith.constant 16 : index
        %parallel_loop3A_555 = tpu.vector_load %arg14[%parallel_loop3A_553, %parallel_loop3A_554] {strides = array<i32>} : memref<336x128xf32, #tpu.memory_space<vmem>>, vector<16xf32>,
        %parallel_loop3A_556 = arith.mulf %parallel_loop3A_197, %parallel_loop3A_555 : vector<16xf32>
        %parallel_loop3A_557 = arith.addf %parallel_loop3A_552, %parallel_loop3A_556 : vector<16xf32>
        %parallel_loop3A_558 = arith.index_cast %parallel_loop3A_548 : i32 to index
        %parallel_loop3A_559 = arith.constant 32 : index
        %parallel_loop3A_560 = tpu.vector_load %arg14[%parallel_loop3A_558, %parallel_loop3A_559] {strides = array<i32>} : memref<336x128xf32, #tpu.memory_space<vmem>>, vector<16xf32>,
        %parallel_loop3A_561 = arith.mulf %parallel_loop3A_200, %parallel_loop3A_560 : vector<16xf32>
        %parallel_loop3A_562 = arith.addf %parallel_loop3A_557, %parallel_loop3A_561 : vector<16xf32>
        %parallel_loop3A_563 = arith.index_cast %parallel_loop3A_548 : i32 to index
        %parallel_loop3A_564 = arith.constant 48 : index
        %parallel_loop3A_565 = tpu.vector_load %arg14[%parallel_loop3A_563, %parallel_loop3A_564] {strides = array<i32>} : memref<336x128xf32, #tpu.memory_space<vmem>>, vector<16xf32>,
        %parallel_loop3A_566 = arith.mulf %parallel_loop3A_203, %parallel_loop3A_565 : vector<16xf32>
        %parallel_loop3A_567 = arith.addf %parallel_loop3A_562, %parallel_loop3A_566 : vector<16xf32>
        %parallel_loop3A_568 = arith.index_cast %parallel_loop3A_548 : i32 to index
        %parallel_loop3A_569 = arith.constant 64 : index
        %parallel_loop3A_570 = tpu.vector_load %arg14[%parallel_loop3A_568, %parallel_loop3A_569] {strides = array<i32>} : memref<336x128xf32, #tpu.memory_space<vmem>>, vector<16xf32>,
        %parallel_loop3A_571 = arith.mulf %parallel_loop3A_206, %parallel_loop3A_570 : vector<16xf32>
        %parallel_loop3A_572 = arith.addf %parallel_loop3A_567, %parallel_loop3A_571 : vector<16xf32>
        %parallel_loop3A_573 = arith.index_cast %parallel_loop3A_548 : i32 to index
        %parallel_loop3A_574 = arith.constant 80 : index
        %parallel_loop3A_575 = tpu.vector_load %arg14[%parallel_loop3A_573, %parallel_loop3A_574] {strides = array<i32>} : memref<336x128xf32, #tpu.memory_space<vmem>>, vector<16xf32>,
        %parallel_loop3A_576 = arith.mulf %parallel_loop3A_209, %parallel_loop3A_575 : vector<16xf32>
        %parallel_loop3A_577 = arith.addf %parallel_loop3A_572, %parallel_loop3A_576 : vector<16xf32>
        %parallel_loop3A_578 = arith.index_cast %parallel_loop3A_548 : i32 to index
        %parallel_loop3A_579 = arith.constant 96 : index
        %parallel_loop3A_580 = tpu.vector_load %arg14[%parallel_loop3A_578, %parallel_loop3A_579] {strides = array<i32>} : memref<336x128xf32, #tpu.memory_space<vmem>>, vector<16xf32>,
        %parallel_loop3A_581 = arith.mulf %parallel_loop3A_212, %parallel_loop3A_580 : vector<16xf32>
        %parallel_loop3A_582 = arith.addf %parallel_loop3A_577, %parallel_loop3A_581 : vector<16xf32>
        %parallel_loop3A_583 = arith.index_cast %parallel_loop3A_548 : i32 to index
        %parallel_loop3A_584 = arith.constant 112 : index
        %parallel_loop3A_585 = tpu.vector_load %arg14[%parallel_loop3A_583, %parallel_loop3A_584] {strides = array<i32>} : memref<336x128xf32, #tpu.memory_space<vmem>>, vector<16xf32>,
        %parallel_loop3A_586 = arith.mulf %parallel_loop3A_215, %parallel_loop3A_585 : vector<16xf32>
        %parallel_loop3A_587 = arith.addf %parallel_loop3A_582, %parallel_loop3A_586 : vector<16xf32>
        %parallel_loop3A_588 = arith.constant 16 : i32
        %parallel_loop3A_589 = arith.muli %parallel_loop3A_548, %parallel_loop3A_588 : i32
        %parallel_loop3A_590 = arith.index_cast %parallel_loop3A_589 : i32 to index
        %parallel_loop3A_591 = tpu.vector_load %arg15[%parallel_loop3A_590] {strides = array<i32>} : memref<5376xf32, #tpu.memory_space<vmem>>, vector<16xf32>,
        tpu.vector_store %arg15[%parallel_loop3A_590], %parallel_loop3A_587 {strides = array<i32>} : memref<5376xf32, #tpu.memory_space<vmem>>, vector<16xf32>,
        %parallel_loop3A_592 = arith.constant 21 : i32
        %parallel_loop3A_593 = arith.muli %parallel_loop3A_191, %parallel_loop3A_592 : i32
        %parallel_loop3A_594 = arith.constant 8 : i32
        %parallel_loop3A_595 = arith.addi %parallel_loop3A_593, %parallel_loop3A_594 : i32
        %parallel_loop3A_596 = arith.index_cast %parallel_loop3A_595 : i32 to index
        %parallel_loop3A_597 = arith.constant 0 : index
        %parallel_loop3A_598 = tpu.vector_load %arg14[%parallel_loop3A_596, %parallel_loop3A_597] {strides = array<i32>} : memref<336x128xf32, #tpu.memory_space<vmem>>, vector<16xf32>,
        %parallel_loop3A_599 = arith.mulf %parallel_loop3A_194, %parallel_loop3A_598 : vector<16xf32>
        %parallel_loop3A_600 = arith.index_cast %parallel_loop3A_595 : i32 to index
        %parallel_loop3A_601 = arith.constant 16 : index
        %parallel_loop3A_602 = tpu.vector_load %arg14[%parallel_loop3A_600, %parallel_loop3A_601] {strides = array<i32>} : memref<336x128xf32, #tpu.memory_space<vmem>>, vector<16xf32>,
        %parallel_loop3A_603 = arith.mulf %parallel_loop3A_197, %parallel_loop3A_602 : vector<16xf32>
        %parallel_loop3A_604 = arith.addf %parallel_loop3A_599, %parallel_loop3A_603 : vector<16xf32>
        %parallel_loop3A_605 = arith.index_cast %parallel_loop3A_595 : i32 to index
        %parallel_loop3A_606 = arith.constant 32 : index
        %parallel_loop3A_607 = tpu.vector_load %arg14[%parallel_loop3A_605, %parallel_loop3A_606] {strides = array<i32>} : memref<336x128xf32, #tpu.memory_space<vmem>>, vector<16xf32>,
        %parallel_loop3A_608 = arith.mulf %parallel_loop3A_200, %parallel_loop3A_607 : vector<16xf32>
        %parallel_loop3A_609 = arith.addf %parallel_loop3A_604, %parallel_loop3A_608 : vector<16xf32>
        %parallel_loop3A_610 = arith.index_cast %parallel_loop3A_595 : i32 to index
        %parallel_loop3A_611 = arith.constant 48 : index
        %parallel_loop3A_612 = tpu.vector_load %arg14[%parallel_loop3A_610, %parallel_loop3A_611] {strides = array<i32>} : memref<336x128xf32, #tpu.memory_space<vmem>>, vector<16xf32>,
        %parallel_loop3A_613 = arith.mulf %parallel_loop3A_203, %parallel_loop3A_612 : vector<16xf32>
        %parallel_loop3A_614 = arith.addf %parallel_loop3A_609, %parallel_loop3A_613 : vector<16xf32>
        %parallel_loop3A_615 = arith.index_cast %parallel_loop3A_595 : i32 to index
        %parallel_loop3A_616 = arith.constant 64 : index
        %parallel_loop3A_617 = tpu.vector_load %arg14[%parallel_loop3A_615, %parallel_loop3A_616] {strides = array<i32>} : memref<336x128xf32, #tpu.memory_space<vmem>>, vector<16xf32>,
        %parallel_loop3A_618 = arith.mulf %parallel_loop3A_206, %parallel_loop3A_617 : vector<16xf32>
        %parallel_loop3A_619 = arith.addf %parallel_loop3A_614, %parallel_loop3A_618 : vector<16xf32>
        %parallel_loop3A_620 = arith.index_cast %parallel_loop3A_595 : i32 to index
        %parallel_loop3A_621 = arith.constant 80 : index
        %parallel_loop3A_622 = tpu.vector_load %arg14[%parallel_loop3A_620, %parallel_loop3A_621] {strides = array<i32>} : memref<336x128xf32, #tpu.memory_space<vmem>>, vector<16xf32>,
        %parallel_loop3A_623 = arith.mulf %parallel_loop3A_209, %parallel_loop3A_622 : vector<16xf32>
        %parallel_loop3A_624 = arith.addf %parallel_loop3A_619, %parallel_loop3A_623 : vector<16xf32>
        %parallel_loop3A_625 = arith.index_cast %parallel_loop3A_595 : i32 to index
        %parallel_loop3A_626 = arith.constant 96 : index
        %parallel_loop3A_627 = tpu.vector_load %arg14[%parallel_loop3A_625, %parallel_loop3A_626] {strides = array<i32>} : memref<336x128xf32, #tpu.memory_space<vmem>>, vector<16xf32>,
        %parallel_loop3A_628 = arith.mulf %parallel_loop3A_212, %parallel_loop3A_627 : vector<16xf32>
        %parallel_loop3A_629 = arith.addf %parallel_loop3A_624, %parallel_loop3A_628 : vector<16xf32>
        %parallel_loop3A_630 = arith.index_cast %parallel_loop3A_595 : i32 to index
        %parallel_loop3A_631 = arith.constant 112 : index
        %parallel_loop3A_632 = tpu.vector_load %arg14[%parallel_loop3A_630, %parallel_loop3A_631] {strides = array<i32>} : memref<336x128xf32, #tpu.memory_space<vmem>>, vector<16xf32>,
        %parallel_loop3A_633 = arith.mulf %parallel_loop3A_215, %parallel_loop3A_632 : vector<16xf32>
        %parallel_loop3A_634 = arith.addf %parallel_loop3A_629, %parallel_loop3A_633 : vector<16xf32>
        %parallel_loop3A_635 = arith.constant 16 : i32
        %parallel_loop3A_636 = arith.muli %parallel_loop3A_595, %parallel_loop3A_635 : i32
        %parallel_loop3A_637 = arith.index_cast %parallel_loop3A_636 : i32 to index
        %parallel_loop3A_638 = tpu.vector_load %arg15[%parallel_loop3A_637] {strides = array<i32>} : memref<5376xf32, #tpu.memory_space<vmem>>, vector<16xf32>,
        tpu.vector_store %arg15[%parallel_loop3A_637], %parallel_loop3A_634 {strides = array<i32>} : memref<5376xf32, #tpu.memory_space<vmem>>, vector<16xf32>,
        %parallel_loop3A_639 = arith.constant 21 : i32
        %parallel_loop3A_640 = arith.muli %parallel_loop3A_191, %parallel_loop3A_639 : i32
        %parallel_loop3A_641 = arith.constant 9 : i32
        %parallel_loop3A_642 = arith.addi %parallel_loop3A_640, %parallel_loop3A_641 : i32
        %parallel_loop3A_643 = arith.index_cast %parallel_loop3A_642 : i32 to index
        %parallel_loop3A_644 = arith.constant 0 : index
        %parallel_loop3A_645 = tpu.vector_load %arg14[%parallel_loop3A_643, %parallel_loop3A_644] {strides = array<i32>} : memref<336x128xf32, #tpu.memory_space<vmem>>, vector<16xf32>,
        %parallel_loop3A_646 = arith.mulf %parallel_loop3A_194, %parallel_loop3A_645 : vector<16xf32>
        %parallel_loop3A_647 = arith.index_cast %parallel_loop3A_642 : i32 to index
        %parallel_loop3A_648 = arith.constant 16 : index
        %parallel_loop3A_649 = tpu.vector_load %arg14[%parallel_loop3A_647, %parallel_loop3A_648] {strides = array<i32>} : memref<336x128xf32, #tpu.memory_space<vmem>>, vector<16xf32>,
        %parallel_loop3A_650 = arith.mulf %parallel_loop3A_197, %parallel_loop3A_649 : vector<16xf32>
        %parallel_loop3A_651 = arith.addf %parallel_loop3A_646, %parallel_loop3A_650 : vector<16xf32>
        %parallel_loop3A_652 = arith.index_cast %parallel_loop3A_642 : i32 to index
        %parallel_loop3A_653 = arith.constant 32 : index
        %parallel_loop3A_654 = tpu.vector_load %arg14[%parallel_loop3A_652, %parallel_loop3A_653] {strides = array<i32>} : memref<336x128xf32, #tpu.memory_space<vmem>>, vector<16xf32>,
        %parallel_loop3A_655 = arith.mulf %parallel_loop3A_200, %parallel_loop3A_654 : vector<16xf32>
        %parallel_loop3A_656 = arith.addf %parallel_loop3A_651, %parallel_loop3A_655 : vector<16xf32>
        %parallel_loop3A_657 = arith.index_cast %parallel_loop3A_642 : i32 to index
        %parallel_loop3A_658 = arith.constant 48 : index
        %parallel_loop3A_659 = tpu.vector_load %arg14[%parallel_loop3A_657, %parallel_loop3A_658] {strides = array<i32>} : memref<336x128xf32, #tpu.memory_space<vmem>>, vector<16xf32>,
        %parallel_loop3A_660 = arith.mulf %parallel_loop3A_203, %parallel_loop3A_659 : vector<16xf32>
        %parallel_loop3A_661 = arith.addf %parallel_loop3A_656, %parallel_loop3A_660 : vector<16xf32>
        %parallel_loop3A_662 = arith.index_cast %parallel_loop3A_642 : i32 to index
        %parallel_loop3A_663 = arith.constant 64 : index
        %parallel_loop3A_664 = tpu.vector_load %arg14[%parallel_loop3A_662, %parallel_loop3A_663] {strides = array<i32>} : memref<336x128xf32, #tpu.memory_space<vmem>>, vector<16xf32>,
        %parallel_loop3A_665 = arith.mulf %parallel_loop3A_206, %parallel_loop3A_664 : vector<16xf32>
        %parallel_loop3A_666 = arith.addf %parallel_loop3A_661, %parallel_loop3A_665 : vector<16xf32>
        %parallel_loop3A_667 = arith.index_cast %parallel_loop3A_642 : i32 to index
        %parallel_loop3A_668 = arith.constant 80 : index
        %parallel_loop3A_669 = tpu.vector_load %arg14[%parallel_loop3A_667, %parallel_loop3A_668] {strides = array<i32>} : memref<336x128xf32, #tpu.memory_space<vmem>>, vector<16xf32>,
        %parallel_loop3A_670 = arith.mulf %parallel_loop3A_209, %parallel_loop3A_669 : vector<16xf32>
        %parallel_loop3A_671 = arith.addf %parallel_loop3A_666, %parallel_loop3A_670 : vector<16xf32>
        %parallel_loop3A_672 = arith.index_cast %parallel_loop3A_642 : i32 to index
        %parallel_loop3A_673 = arith.constant 96 : index
        %parallel_loop3A_674 = tpu.vector_load %arg14[%parallel_loop3A_672, %parallel_loop3A_673] {strides = array<i32>} : memref<336x128xf32, #tpu.memory_space<vmem>>, vector<16xf32>,
        %parallel_loop3A_675 = arith.mulf %parallel_loop3A_212, %parallel_loop3A_674 : vector<16xf32>
        %parallel_loop3A_676 = arith.addf %parallel_loop3A_671, %parallel_loop3A_675 : vector<16xf32>
        %parallel_loop3A_677 = arith.index_cast %parallel_loop3A_642 : i32 to index
        %parallel_loop3A_678 = arith.constant 112 : index
        %parallel_loop3A_679 = tpu.vector_load %arg14[%parallel_loop3A_677, %parallel_loop3A_678] {strides = array<i32>} : memref<336x128xf32, #tpu.memory_space<vmem>>, vector<16xf32>,
        %parallel_loop3A_680 = arith.mulf %parallel_loop3A_215, %parallel_loop3A_679 : vector<16xf32>
        %parallel_loop3A_681 = arith.addf %parallel_loop3A_676, %parallel_loop3A_680 : vector<16xf32>
        %parallel_loop3A_682 = arith.constant 16 : i32
        %parallel_loop3A_683 = arith.muli %parallel_loop3A_642, %parallel_loop3A_682 : i32
        %parallel_loop3A_684 = arith.index_cast %parallel_loop3A_683 : i32 to index
        %parallel_loop3A_685 = tpu.vector_load %arg15[%parallel_loop3A_684] {strides = array<i32>} : memref<5376xf32, #tpu.memory_space<vmem>>, vector<16xf32>,
        tpu.vector_store %arg15[%parallel_loop3A_684], %parallel_loop3A_681 {strides = array<i32>} : memref<5376xf32, #tpu.memory_space<vmem>>, vector<16xf32>,
        %parallel_loop3A_686 = arith.constant 21 : i32
        %parallel_loop3A_687 = arith.muli %parallel_loop3A_191, %parallel_loop3A_686 : i32
        %parallel_loop3A_688 = arith.constant 10 : i32
        %parallel_loop3A_689 = arith.addi %parallel_loop3A_687, %parallel_loop3A_688 : i32
        %parallel_loop3A_690 = arith.index_cast %parallel_loop3A_689 : i32 to index
        %parallel_loop3A_691 = arith.constant 0 : index
        %parallel_loop3A_692 = tpu.vector_load %arg14[%parallel_loop3A_690, %parallel_loop3A_691] {strides = array<i32>} : memref<336x128xf32, #tpu.memory_space<vmem>>, vector<16xf32>,
        %parallel_loop3A_693 = arith.mulf %parallel_loop3A_194, %parallel_loop3A_692 : vector<16xf32>
        %parallel_loop3A_694 = arith.index_cast %parallel_loop3A_689 : i32 to index
        %parallel_loop3A_695 = arith.constant 16 : index
        %parallel_loop3A_696 = tpu.vector_load %arg14[%parallel_loop3A_694, %parallel_loop3A_695] {strides = array<i32>} : memref<336x128xf32, #tpu.memory_space<vmem>>, vector<16xf32>,
        %parallel_loop3A_697 = arith.mulf %parallel_loop3A_197, %parallel_loop3A_696 : vector<16xf32>
        %parallel_loop3A_698 = arith.addf %parallel_loop3A_693, %parallel_loop3A_697 : vector<16xf32>
        %parallel_loop3A_699 = arith.index_cast %parallel_loop3A_689 : i32 to index
        %parallel_loop3A_700 = arith.constant 32 : index
        %parallel_loop3A_701 = tpu.vector_load %arg14[%parallel_loop3A_699, %parallel_loop3A_700] {strides = array<i32>} : memref<336x128xf32, #tpu.memory_space<vmem>>, vector<16xf32>,
        %parallel_loop3A_702 = arith.mulf %parallel_loop3A_200, %parallel_loop3A_701 : vector<16xf32>
        %parallel_loop3A_703 = arith.addf %parallel_loop3A_698, %parallel_loop3A_702 : vector<16xf32>
        %parallel_loop3A_704 = arith.index_cast %parallel_loop3A_689 : i32 to index
        %parallel_loop3A_705 = arith.constant 48 : index
        %parallel_loop3A_706 = tpu.vector_load %arg14[%parallel_loop3A_704, %parallel_loop3A_705] {strides = array<i32>} : memref<336x128xf32, #tpu.memory_space<vmem>>, vector<16xf32>,
        %parallel_loop3A_707 = arith.mulf %parallel_loop3A_203, %parallel_loop3A_706 : vector<16xf32>
        %parallel_loop3A_708 = arith.addf %parallel_loop3A_703, %parallel_loop3A_707 : vector<16xf32>
        %parallel_loop3A_709 = arith.index_cast %parallel_loop3A_689 : i32 to index
        %parallel_loop3A_710 = arith.constant 64 : index
        %parallel_loop3A_711 = tpu.vector_load %arg14[%parallel_loop3A_709, %parallel_loop3A_710] {strides = array<i32>} : memref<336x128xf32, #tpu.memory_space<vmem>>, vector<16xf32>,
        %parallel_loop3A_712 = arith.mulf %parallel_loop3A_206, %parallel_loop3A_711 : vector<16xf32>
        %parallel_loop3A_713 = arith.addf %parallel_loop3A_708, %parallel_loop3A_712 : vector<16xf32>
        %parallel_loop3A_714 = arith.index_cast %parallel_loop3A_689 : i32 to index
        %parallel_loop3A_715 = arith.constant 80 : index
        %parallel_loop3A_716 = tpu.vector_load %arg14[%parallel_loop3A_714, %parallel_loop3A_715] {strides = array<i32>} : memref<336x128xf32, #tpu.memory_space<vmem>>, vector<16xf32>,
        %parallel_loop3A_717 = arith.mulf %parallel_loop3A_209, %parallel_loop3A_716 : vector<16xf32>
        %parallel_loop3A_718 = arith.addf %parallel_loop3A_713, %parallel_loop3A_717 : vector<16xf32>
        %parallel_loop3A_719 = arith.index_cast %parallel_loop3A_689 : i32 to index
        %parallel_loop3A_720 = arith.constant 96 : index
        %parallel_loop3A_721 = tpu.vector_load %arg14[%parallel_loop3A_719, %parallel_loop3A_720] {strides = array<i32>} : memref<336x128xf32, #tpu.memory_space<vmem>>, vector<16xf32>,
        %parallel_loop3A_722 = arith.mulf %parallel_loop3A_212, %parallel_loop3A_721 : vector<16xf32>
        %parallel_loop3A_723 = arith.addf %parallel_loop3A_718, %parallel_loop3A_722 : vector<16xf32>
        %parallel_loop3A_724 = arith.index_cast %parallel_loop3A_689 : i32 to index
        %parallel_loop3A_725 = arith.constant 112 : index
        %parallel_loop3A_726 = tpu.vector_load %arg14[%parallel_loop3A_724, %parallel_loop3A_725] {strides = array<i32>} : memref<336x128xf32, #tpu.memory_space<vmem>>, vector<16xf32>,
        %parallel_loop3A_727 = arith.mulf %parallel_loop3A_215, %parallel_loop3A_726 : vector<16xf32>
        %parallel_loop3A_728 = arith.addf %parallel_loop3A_723, %parallel_loop3A_727 : vector<16xf32>
        %parallel_loop3A_729 = arith.constant 16 : i32
        %parallel_loop3A_730 = arith.muli %parallel_loop3A_689, %parallel_loop3A_729 : i32
        %parallel_loop3A_731 = arith.index_cast %parallel_loop3A_730 : i32 to index
        %parallel_loop3A_732 = tpu.vector_load %arg15[%parallel_loop3A_731] {strides = array<i32>} : memref<5376xf32, #tpu.memory_space<vmem>>, vector<16xf32>,
        tpu.vector_store %arg15[%parallel_loop3A_731], %parallel_loop3A_728 {strides = array<i32>} : memref<5376xf32, #tpu.memory_space<vmem>>, vector<16xf32>,
        %parallel_loop3A_733 = arith.constant 21 : i32
        %parallel_loop3A_734 = arith.muli %parallel_loop3A_191, %parallel_loop3A_733 : i32
        %parallel_loop3A_735 = arith.constant 11 : i32
        %parallel_loop3A_736 = arith.addi %parallel_loop3A_734, %parallel_loop3A_735 : i32
        %parallel_loop3A_737 = arith.index_cast %parallel_loop3A_736 : i32 to index
        %parallel_loop3A_738 = arith.constant 0 : index
        %parallel_loop3A_739 = tpu.vector_load %arg14[%parallel_loop3A_737, %parallel_loop3A_738] {strides = array<i32>} : memref<336x128xf32, #tpu.memory_space<vmem>>, vector<16xf32>,
        %parallel_loop3A_740 = arith.mulf %parallel_loop3A_194, %parallel_loop3A_739 : vector<16xf32>
        %parallel_loop3A_741 = arith.index_cast %parallel_loop3A_736 : i32 to index
        %parallel_loop3A_742 = arith.constant 16 : index
        %parallel_loop3A_743 = tpu.vector_load %arg14[%parallel_loop3A_741, %parallel_loop3A_742] {strides = array<i32>} : memref<336x128xf32, #tpu.memory_space<vmem>>, vector<16xf32>,
        %parallel_loop3A_744 = arith.mulf %parallel_loop3A_197, %parallel_loop3A_743 : vector<16xf32>
        %parallel_loop3A_745 = arith.addf %parallel_loop3A_740, %parallel_loop3A_744 : vector<16xf32>
        %parallel_loop3A_746 = arith.index_cast %parallel_loop3A_736 : i32 to index
        %parallel_loop3A_747 = arith.constant 32 : index
        %parallel_loop3A_748 = tpu.vector_load %arg14[%parallel_loop3A_746, %parallel_loop3A_747] {strides = array<i32>} : memref<336x128xf32, #tpu.memory_space<vmem>>, vector<16xf32>,
        %parallel_loop3A_749 = arith.mulf %parallel_loop3A_200, %parallel_loop3A_748 : vector<16xf32>
        %parallel_loop3A_750 = arith.addf %parallel_loop3A_745, %parallel_loop3A_749 : vector<16xf32>
        %parallel_loop3A_751 = arith.index_cast %parallel_loop3A_736 : i32 to index
        %parallel_loop3A_752 = arith.constant 48 : index
        %parallel_loop3A_753 = tpu.vector_load %arg14[%parallel_loop3A_751, %parallel_loop3A_752] {strides = array<i32>} : memref<336x128xf32, #tpu.memory_space<vmem>>, vector<16xf32>,
        %parallel_loop3A_754 = arith.mulf %parallel_loop3A_203, %parallel_loop3A_753 : vector<16xf32>
        %parallel_loop3A_755 = arith.addf %parallel_loop3A_750, %parallel_loop3A_754 : vector<16xf32>
        %parallel_loop3A_756 = arith.index_cast %parallel_loop3A_736 : i32 to index
        %parallel_loop3A_757 = arith.constant 64 : index
        %parallel_loop3A_758 = tpu.vector_load %arg14[%parallel_loop3A_756, %parallel_loop3A_757] {strides = array<i32>} : memref<336x128xf32, #tpu.memory_space<vmem>>, vector<16xf32>,
        %parallel_loop3A_759 = arith.mulf %parallel_loop3A_206, %parallel_loop3A_758 : vector<16xf32>
        %parallel_loop3A_760 = arith.addf %parallel_loop3A_755, %parallel_loop3A_759 : vector<16xf32>
        %parallel_loop3A_761 = arith.index_cast %parallel_loop3A_736 : i32 to index
        %parallel_loop3A_762 = arith.constant 80 : index
        %parallel_loop3A_763 = tpu.vector_load %arg14[%parallel_loop3A_761, %parallel_loop3A_762] {strides = array<i32>} : memref<336x128xf32, #tpu.memory_space<vmem>>, vector<16xf32>,
        %parallel_loop3A_764 = arith.mulf %parallel_loop3A_209, %parallel_loop3A_763 : vector<16xf32>
        %parallel_loop3A_765 = arith.addf %parallel_loop3A_760, %parallel_loop3A_764 : vector<16xf32>
        %parallel_loop3A_766 = arith.index_cast %parallel_loop3A_736 : i32 to index
        %parallel_loop3A_767 = arith.constant 96 : index
        %parallel_loop3A_768 = tpu.vector_load %arg14[%parallel_loop3A_766, %parallel_loop3A_767] {strides = array<i32>} : memref<336x128xf32, #tpu.memory_space<vmem>>, vector<16xf32>,
        %parallel_loop3A_769 = arith.mulf %parallel_loop3A_212, %parallel_loop3A_768 : vector<16xf32>
        %parallel_loop3A_770 = arith.addf %parallel_loop3A_765, %parallel_loop3A_769 : vector<16xf32>
        %parallel_loop3A_771 = arith.index_cast %parallel_loop3A_736 : i32 to index
        %parallel_loop3A_772 = arith.constant 112 : index
        %parallel_loop3A_773 = tpu.vector_load %arg14[%parallel_loop3A_771, %parallel_loop3A_772] {strides = array<i32>} : memref<336x128xf32, #tpu.memory_space<vmem>>, vector<16xf32>,
        %parallel_loop3A_774 = arith.mulf %parallel_loop3A_215, %parallel_loop3A_773 : vector<16xf32>
        %parallel_loop3A_775 = arith.addf %parallel_loop3A_770, %parallel_loop3A_774 : vector<16xf32>
        %parallel_loop3A_776 = arith.constant 16 : i32
        %parallel_loop3A_777 = arith.muli %parallel_loop3A_736, %parallel_loop3A_776 : i32
        %parallel_loop3A_778 = arith.index_cast %parallel_loop3A_777 : i32 to index
        %parallel_loop3A_779 = tpu.vector_load %arg15[%parallel_loop3A_778] {strides = array<i32>} : memref<5376xf32, #tpu.memory_space<vmem>>, vector<16xf32>,
        tpu.vector_store %arg15[%parallel_loop3A_778], %parallel_loop3A_775 {strides = array<i32>} : memref<5376xf32, #tpu.memory_space<vmem>>, vector<16xf32>,
        %parallel_loop3A_780 = arith.constant 21 : i32
        %parallel_loop3A_781 = arith.muli %parallel_loop3A_191, %parallel_loop3A_780 : i32
        %parallel_loop3A_782 = arith.constant 12 : i32
        %parallel_loop3A_783 = arith.addi %parallel_loop3A_781, %parallel_loop3A_782 : i32
        %parallel_loop3A_784 = arith.index_cast %parallel_loop3A_783 : i32 to index
        %parallel_loop3A_785 = arith.constant 0 : index
        %parallel_loop3A_786 = tpu.vector_load %arg14[%parallel_loop3A_784, %parallel_loop3A_785] {strides = array<i32>} : memref<336x128xf32, #tpu.memory_space<vmem>>, vector<16xf32>,
        %parallel_loop3A_787 = arith.mulf %parallel_loop3A_194, %parallel_loop3A_786 : vector<16xf32>
        %parallel_loop3A_788 = arith.index_cast %parallel_loop3A_783 : i32 to index
        %parallel_loop3A_789 = arith.constant 16 : index
        %parallel_loop3A_790 = tpu.vector_load %arg14[%parallel_loop3A_788, %parallel_loop3A_789] {strides = array<i32>} : memref<336x128xf32, #tpu.memory_space<vmem>>, vector<16xf32>,
        %parallel_loop3A_791 = arith.mulf %parallel_loop3A_197, %parallel_loop3A_790 : vector<16xf32>
        %parallel_loop3A_792 = arith.addf %parallel_loop3A_787, %parallel_loop3A_791 : vector<16xf32>
        %parallel_loop3A_793 = arith.index_cast %parallel_loop3A_783 : i32 to index
        %parallel_loop3A_794 = arith.constant 32 : index
        %parallel_loop3A_795 = tpu.vector_load %arg14[%parallel_loop3A_793, %parallel_loop3A_794] {strides = array<i32>} : memref<336x128xf32, #tpu.memory_space<vmem>>, vector<16xf32>,
        %parallel_loop3A_796 = arith.mulf %parallel_loop3A_200, %parallel_loop3A_795 : vector<16xf32>
        %parallel_loop3A_797 = arith.addf %parallel_loop3A_792, %parallel_loop3A_796 : vector<16xf32>
        %parallel_loop3A_798 = arith.index_cast %parallel_loop3A_783 : i32 to index
        %parallel_loop3A_799 = arith.constant 48 : index
        %parallel_loop3A_800 = tpu.vector_load %arg14[%parallel_loop3A_798, %parallel_loop3A_799] {strides = array<i32>} : memref<336x128xf32, #tpu.memory_space<vmem>>, vector<16xf32>,
        %parallel_loop3A_801 = arith.mulf %parallel_loop3A_203, %parallel_loop3A_800 : vector<16xf32>
        %parallel_loop3A_802 = arith.addf %parallel_loop3A_797, %parallel_loop3A_801 : vector<16xf32>
        %parallel_loop3A_803 = arith.index_cast %parallel_loop3A_783 : i32 to index
        %parallel_loop3A_804 = arith.constant 64 : index
        %parallel_loop3A_805 = tpu.vector_load %arg14[%parallel_loop3A_803, %parallel_loop3A_804] {strides = array<i32>} : memref<336x128xf32, #tpu.memory_space<vmem>>, vector<16xf32>,
        %parallel_loop3A_806 = arith.mulf %parallel_loop3A_206, %parallel_loop3A_805 : vector<16xf32>
        %parallel_loop3A_807 = arith.addf %parallel_loop3A_802, %parallel_loop3A_806 : vector<16xf32>
        %parallel_loop3A_808 = arith.index_cast %parallel_loop3A_783 : i32 to index
        %parallel_loop3A_809 = arith.constant 80 : index
        %parallel_loop3A_810 = tpu.vector_load %arg14[%parallel_loop3A_808, %parallel_loop3A_809] {strides = array<i32>} : memref<336x128xf32, #tpu.memory_space<vmem>>, vector<16xf32>,
        %parallel_loop3A_811 = arith.mulf %parallel_loop3A_209, %parallel_loop3A_810 : vector<16xf32>
        %parallel_loop3A_812 = arith.addf %parallel_loop3A_807, %parallel_loop3A_811 : vector<16xf32>
        %parallel_loop3A_813 = arith.index_cast %parallel_loop3A_783 : i32 to index
        %parallel_loop3A_814 = arith.constant 96 : index
        %parallel_loop3A_815 = tpu.vector_load %arg14[%parallel_loop3A_813, %parallel_loop3A_814] {strides = array<i32>} : memref<336x128xf32, #tpu.memory_space<vmem>>, vector<16xf32>,
        %parallel_loop3A_816 = arith.mulf %parallel_loop3A_212, %parallel_loop3A_815 : vector<16xf32>
        %parallel_loop3A_817 = arith.addf %parallel_loop3A_812, %parallel_loop3A_816 : vector<16xf32>
        %parallel_loop3A_818 = arith.index_cast %parallel_loop3A_783 : i32 to index
        %parallel_loop3A_819 = arith.constant 112 : index
        %parallel_loop3A_820 = tpu.vector_load %arg14[%parallel_loop3A_818, %parallel_loop3A_819] {strides = array<i32>} : memref<336x128xf32, #tpu.memory_space<vmem>>, vector<16xf32>,
        %parallel_loop3A_821 = arith.mulf %parallel_loop3A_215, %parallel_loop3A_820 : vector<16xf32>
        %parallel_loop3A_822 = arith.addf %parallel_loop3A_817, %parallel_loop3A_821 : vector<16xf32>
        %parallel_loop3A_823 = arith.constant 16 : i32
        %parallel_loop3A_824 = arith.muli %parallel_loop3A_783, %parallel_loop3A_823 : i32
        %parallel_loop3A_825 = arith.index_cast %parallel_loop3A_824 : i32 to index
        %parallel_loop3A_826 = tpu.vector_load %arg15[%parallel_loop3A_825] {strides = array<i32>} : memref<5376xf32, #tpu.memory_space<vmem>>, vector<16xf32>,
        tpu.vector_store %arg15[%parallel_loop3A_825], %parallel_loop3A_822 {strides = array<i32>} : memref<5376xf32, #tpu.memory_space<vmem>>, vector<16xf32>,
        %parallel_loop3A_827 = arith.constant 21 : i32
        %parallel_loop3A_828 = arith.muli %parallel_loop3A_191, %parallel_loop3A_827 : i32
        %parallel_loop3A_829 = arith.constant 13 : i32
        %parallel_loop3A_830 = arith.addi %parallel_loop3A_828, %parallel_loop3A_829 : i32
        %parallel_loop3A_831 = arith.index_cast %parallel_loop3A_830 : i32 to index
        %parallel_loop3A_832 = arith.constant 0 : index
        %parallel_loop3A_833 = tpu.vector_load %arg14[%parallel_loop3A_831, %parallel_loop3A_832] {strides = array<i32>} : memref<336x128xf32, #tpu.memory_space<vmem>>, vector<16xf32>,
        %parallel_loop3A_834 = arith.mulf %parallel_loop3A_194, %parallel_loop3A_833 : vector<16xf32>
        %parallel_loop3A_835 = arith.index_cast %parallel_loop3A_830 : i32 to index
        %parallel_loop3A_836 = arith.constant 16 : index
        %parallel_loop3A_837 = tpu.vector_load %arg14[%parallel_loop3A_835, %parallel_loop3A_836] {strides = array<i32>} : memref<336x128xf32, #tpu.memory_space<vmem>>, vector<16xf32>,
        %parallel_loop3A_838 = arith.mulf %parallel_loop3A_197, %parallel_loop3A_837 : vector<16xf32>
        %parallel_loop3A_839 = arith.addf %parallel_loop3A_834, %parallel_loop3A_838 : vector<16xf32>
        %parallel_loop3A_840 = arith.index_cast %parallel_loop3A_830 : i32 to index
        %parallel_loop3A_841 = arith.constant 32 : index
        %parallel_loop3A_842 = tpu.vector_load %arg14[%parallel_loop3A_840, %parallel_loop3A_841] {strides = array<i32>} : memref<336x128xf32, #tpu.memory_space<vmem>>, vector<16xf32>,
        %parallel_loop3A_843 = arith.mulf %parallel_loop3A_200, %parallel_loop3A_842 : vector<16xf32>
        %parallel_loop3A_844 = arith.addf %parallel_loop3A_839, %parallel_loop3A_843 : vector<16xf32>
        %parallel_loop3A_845 = arith.index_cast %parallel_loop3A_830 : i32 to index
        %parallel_loop3A_846 = arith.constant 48 : index
        %parallel_loop3A_847 = tpu.vector_load %arg14[%parallel_loop3A_845, %parallel_loop3A_846] {strides = array<i32>} : memref<336x128xf32, #tpu.memory_space<vmem>>, vector<16xf32>,
        %parallel_loop3A_848 = arith.mulf %parallel_loop3A_203, %parallel_loop3A_847 : vector<16xf32>
        %parallel_loop3A_849 = arith.addf %parallel_loop3A_844, %parallel_loop3A_848 : vector<16xf32>
        %parallel_loop3A_850 = arith.index_cast %parallel_loop3A_830 : i32 to index
        %parallel_loop3A_851 = arith.constant 64 : index
        %parallel_loop3A_852 = tpu.vector_load %arg14[%parallel_loop3A_850, %parallel_loop3A_851] {strides = array<i32>} : memref<336x128xf32, #tpu.memory_space<vmem>>, vector<16xf32>,
        %parallel_loop3A_853 = arith.mulf %parallel_loop3A_206, %parallel_loop3A_852 : vector<16xf32>
        %parallel_loop3A_854 = arith.addf %parallel_loop3A_849, %parallel_loop3A_853 : vector<16xf32>
        %parallel_loop3A_855 = arith.index_cast %parallel_loop3A_830 : i32 to index
        %parallel_loop3A_856 = arith.constant 80 : index
        %parallel_loop3A_857 = tpu.vector_load %arg14[%parallel_loop3A_855, %parallel_loop3A_856] {strides = array<i32>} : memref<336x128xf32, #tpu.memory_space<vmem>>, vector<16xf32>,
        %parallel_loop3A_858 = arith.mulf %parallel_loop3A_209, %parallel_loop3A_857 : vector<16xf32>
        %parallel_loop3A_859 = arith.addf %parallel_loop3A_854, %parallel_loop3A_858 : vector<16xf32>
        %parallel_loop3A_860 = arith.index_cast %parallel_loop3A_830 : i32 to index
        %parallel_loop3A_861 = arith.constant 96 : index
        %parallel_loop3A_862 = tpu.vector_load %arg14[%parallel_loop3A_860, %parallel_loop3A_861] {strides = array<i32>} : memref<336x128xf32, #tpu.memory_space<vmem>>, vector<16xf32>,
        %parallel_loop3A_863 = arith.mulf %parallel_loop3A_212, %parallel_loop3A_862 : vector<16xf32>
        %parallel_loop3A_864 = arith.addf %parallel_loop3A_859, %parallel_loop3A_863 : vector<16xf32>
        %parallel_loop3A_865 = arith.index_cast %parallel_loop3A_830 : i32 to index
        %parallel_loop3A_866 = arith.constant 112 : index
        %parallel_loop3A_867 = tpu.vector_load %arg14[%parallel_loop3A_865, %parallel_loop3A_866] {strides = array<i32>} : memref<336x128xf32, #tpu.memory_space<vmem>>, vector<16xf32>,
        %parallel_loop3A_868 = arith.mulf %parallel_loop3A_215, %parallel_loop3A_867 : vector<16xf32>
        %parallel_loop3A_869 = arith.addf %parallel_loop3A_864, %parallel_loop3A_868 : vector<16xf32>
        %parallel_loop3A_870 = arith.constant 16 : i32
        %parallel_loop3A_871 = arith.muli %parallel_loop3A_830, %parallel_loop3A_870 : i32
        %parallel_loop3A_872 = arith.index_cast %parallel_loop3A_871 : i32 to index
        %parallel_loop3A_873 = tpu.vector_load %arg15[%parallel_loop3A_872] {strides = array<i32>} : memref<5376xf32, #tpu.memory_space<vmem>>, vector<16xf32>,
        tpu.vector_store %arg15[%parallel_loop3A_872], %parallel_loop3A_869 {strides = array<i32>} : memref<5376xf32, #tpu.memory_space<vmem>>, vector<16xf32>,
        %parallel_loop3A_874 = arith.constant 21 : i32
        %parallel_loop3A_875 = arith.muli %parallel_loop3A_191, %parallel_loop3A_874 : i32
        %parallel_loop3A_876 = arith.constant 14 : i32
        %parallel_loop3A_877 = arith.addi %parallel_loop3A_875, %parallel_loop3A_876 : i32
        %parallel_loop3A_878 = arith.index_cast %parallel_loop3A_877 : i32 to index
        %parallel_loop3A_879 = arith.constant 0 : index
        %parallel_loop3A_880 = tpu.vector_load %arg14[%parallel_loop3A_878, %parallel_loop3A_879] {strides = array<i32>} : memref<336x128xf32, #tpu.memory_space<vmem>>, vector<16xf32>,
        %parallel_loop3A_881 = arith.mulf %parallel_loop3A_194, %parallel_loop3A_880 : vector<16xf32>
        %parallel_loop3A_882 = arith.index_cast %parallel_loop3A_877 : i32 to index
        %parallel_loop3A_883 = arith.constant 16 : index
        %parallel_loop3A_884 = tpu.vector_load %arg14[%parallel_loop3A_882, %parallel_loop3A_883] {strides = array<i32>} : memref<336x128xf32, #tpu.memory_space<vmem>>, vector<16xf32>,
        %parallel_loop3A_885 = arith.mulf %parallel_loop3A_197, %parallel_loop3A_884 : vector<16xf32>
        %parallel_loop3A_886 = arith.addf %parallel_loop3A_881, %parallel_loop3A_885 : vector<16xf32>
        %parallel_loop3A_887 = arith.index_cast %parallel_loop3A_877 : i32 to index
        %parallel_loop3A_888 = arith.constant 32 : index
        %parallel_loop3A_889 = tpu.vector_load %arg14[%parallel_loop3A_887, %parallel_loop3A_888] {strides = array<i32>} : memref<336x128xf32, #tpu.memory_space<vmem>>, vector<16xf32>,
        %parallel_loop3A_890 = arith.mulf %parallel_loop3A_200, %parallel_loop3A_889 : vector<16xf32>
        %parallel_loop3A_891 = arith.addf %parallel_loop3A_886, %parallel_loop3A_890 : vector<16xf32>
        %parallel_loop3A_892 = arith.index_cast %parallel_loop3A_877 : i32 to index
        %parallel_loop3A_893 = arith.constant 48 : index
        %parallel_loop3A_894 = tpu.vector_load %arg14[%parallel_loop3A_892, %parallel_loop3A_893] {strides = array<i32>} : memref<336x128xf32, #tpu.memory_space<vmem>>, vector<16xf32>,
        %parallel_loop3A_895 = arith.mulf %parallel_loop3A_203, %parallel_loop3A_894 : vector<16xf32>
        %parallel_loop3A_896 = arith.addf %parallel_loop3A_891, %parallel_loop3A_895 : vector<16xf32>
        %parallel_loop3A_897 = arith.index_cast %parallel_loop3A_877 : i32 to index
        %parallel_loop3A_898 = arith.constant 64 : index
        %parallel_loop3A_899 = tpu.vector_load %arg14[%parallel_loop3A_897, %parallel_loop3A_898] {strides = array<i32>} : memref<336x128xf32, #tpu.memory_space<vmem>>, vector<16xf32>,
        %parallel_loop3A_900 = arith.mulf %parallel_loop3A_206, %parallel_loop3A_899 : vector<16xf32>
        %parallel_loop3A_901 = arith.addf %parallel_loop3A_896, %parallel_loop3A_900 : vector<16xf32>
        %parallel_loop3A_902 = arith.index_cast %parallel_loop3A_877 : i32 to index
        %parallel_loop3A_903 = arith.constant 80 : index
        %parallel_loop3A_904 = tpu.vector_load %arg14[%parallel_loop3A_902, %parallel_loop3A_903] {strides = array<i32>} : memref<336x128xf32, #tpu.memory_space<vmem>>, vector<16xf32>,
        %parallel_loop3A_905 = arith.mulf %parallel_loop3A_209, %parallel_loop3A_904 : vector<16xf32>
        %parallel_loop3A_906 = arith.addf %parallel_loop3A_901, %parallel_loop3A_905 : vector<16xf32>
        %parallel_loop3A_907 = arith.index_cast %parallel_loop3A_877 : i32 to index
        %parallel_loop3A_908 = arith.constant 96 : index
        %parallel_loop3A_909 = tpu.vector_load %arg14[%parallel_loop3A_907, %parallel_loop3A_908] {strides = array<i32>} : memref<336x128xf32, #tpu.memory_space<vmem>>, vector<16xf32>,
        %parallel_loop3A_910 = arith.mulf %parallel_loop3A_212, %parallel_loop3A_909 : vector<16xf32>
        %parallel_loop3A_911 = arith.addf %parallel_loop3A_906, %parallel_loop3A_910 : vector<16xf32>
        %parallel_loop3A_912 = arith.index_cast %parallel_loop3A_877 : i32 to index
        %parallel_loop3A_913 = arith.constant 112 : index
        %parallel_loop3A_914 = tpu.vector_load %arg14[%parallel_loop3A_912, %parallel_loop3A_913] {strides = array<i32>} : memref<336x128xf32, #tpu.memory_space<vmem>>, vector<16xf32>,
        %parallel_loop3A_915 = arith.mulf %parallel_loop3A_215, %parallel_loop3A_914 : vector<16xf32>
        %parallel_loop3A_916 = arith.addf %parallel_loop3A_911, %parallel_loop3A_915 : vector<16xf32>
        %parallel_loop3A_917 = arith.constant 16 : i32
        %parallel_loop3A_918 = arith.muli %parallel_loop3A_877, %parallel_loop3A_917 : i32
        %parallel_loop3A_919 = arith.index_cast %parallel_loop3A_918 : i32 to index
        %parallel_loop3A_920 = tpu.vector_load %arg15[%parallel_loop3A_919] {strides = array<i32>} : memref<5376xf32, #tpu.memory_space<vmem>>, vector<16xf32>,
        tpu.vector_store %arg15[%parallel_loop3A_919], %parallel_loop3A_916 {strides = array<i32>} : memref<5376xf32, #tpu.memory_space<vmem>>, vector<16xf32>,
        %parallel_loop3A_921 = arith.constant 21 : i32
        %parallel_loop3A_922 = arith.muli %parallel_loop3A_191, %parallel_loop3A_921 : i32
        %parallel_loop3A_923 = arith.constant 15 : i32
        %parallel_loop3A_924 = arith.addi %parallel_loop3A_922, %parallel_loop3A_923 : i32
        %parallel_loop3A_925 = arith.index_cast %parallel_loop3A_924 : i32 to index
        %parallel_loop3A_926 = arith.constant 0 : index
        %parallel_loop3A_927 = tpu.vector_load %arg14[%parallel_loop3A_925, %parallel_loop3A_926] {strides = array<i32>} : memref<336x128xf32, #tpu.memory_space<vmem>>, vector<16xf32>,
        %parallel_loop3A_928 = arith.mulf %parallel_loop3A_194, %parallel_loop3A_927 : vector<16xf32>
        %parallel_loop3A_929 = arith.index_cast %parallel_loop3A_924 : i32 to index
        %parallel_loop3A_930 = arith.constant 16 : index
        %parallel_loop3A_931 = tpu.vector_load %arg14[%parallel_loop3A_929, %parallel_loop3A_930] {strides = array<i32>} : memref<336x128xf32, #tpu.memory_space<vmem>>, vector<16xf32>,
        %parallel_loop3A_932 = arith.mulf %parallel_loop3A_197, %parallel_loop3A_931 : vector<16xf32>
        %parallel_loop3A_933 = arith.addf %parallel_loop3A_928, %parallel_loop3A_932 : vector<16xf32>
        %parallel_loop3A_934 = arith.index_cast %parallel_loop3A_924 : i32 to index
        %parallel_loop3A_935 = arith.constant 32 : index
        %parallel_loop3A_936 = tpu.vector_load %arg14[%parallel_loop3A_934, %parallel_loop3A_935] {strides = array<i32>} : memref<336x128xf32, #tpu.memory_space<vmem>>, vector<16xf32>,
        %parallel_loop3A_937 = arith.mulf %parallel_loop3A_200, %parallel_loop3A_936 : vector<16xf32>
        %parallel_loop3A_938 = arith.addf %parallel_loop3A_933, %parallel_loop3A_937 : vector<16xf32>
        %parallel_loop3A_939 = arith.index_cast %parallel_loop3A_924 : i32 to index
        %parallel_loop3A_940 = arith.constant 48 : index
        %parallel_loop3A_941 = tpu.vector_load %arg14[%parallel_loop3A_939, %parallel_loop3A_940] {strides = array<i32>} : memref<336x128xf32, #tpu.memory_space<vmem>>, vector<16xf32>,
        %parallel_loop3A_942 = arith.mulf %parallel_loop3A_203, %parallel_loop3A_941 : vector<16xf32>
        %parallel_loop3A_943 = arith.addf %parallel_loop3A_938, %parallel_loop3A_942 : vector<16xf32>
        %parallel_loop3A_944 = arith.index_cast %parallel_loop3A_924 : i32 to index
        %parallel_loop3A_945 = arith.constant 64 : index
        %parallel_loop3A_946 = tpu.vector_load %arg14[%parallel_loop3A_944, %parallel_loop3A_945] {strides = array<i32>} : memref<336x128xf32, #tpu.memory_space<vmem>>, vector<16xf32>,
        %parallel_loop3A_947 = arith.mulf %parallel_loop3A_206, %parallel_loop3A_946 : vector<16xf32>
        %parallel_loop3A_948 = arith.addf %parallel_loop3A_943, %parallel_loop3A_947 : vector<16xf32>
        %parallel_loop3A_949 = arith.index_cast %parallel_loop3A_924 : i32 to index
        %parallel_loop3A_950 = arith.constant 80 : index
        %parallel_loop3A_951 = tpu.vector_load %arg14[%parallel_loop3A_949, %parallel_loop3A_950] {strides = array<i32>} : memref<336x128xf32, #tpu.memory_space<vmem>>, vector<16xf32>,
        %parallel_loop3A_952 = arith.mulf %parallel_loop3A_209, %parallel_loop3A_951 : vector<16xf32>
        %parallel_loop3A_953 = arith.addf %parallel_loop3A_948, %parallel_loop3A_952 : vector<16xf32>
        %parallel_loop3A_954 = arith.index_cast %parallel_loop3A_924 : i32 to index
        %parallel_loop3A_955 = arith.constant 96 : index
        %parallel_loop3A_956 = tpu.vector_load %arg14[%parallel_loop3A_954, %parallel_loop3A_955] {strides = array<i32>} : memref<336x128xf32, #tpu.memory_space<vmem>>, vector<16xf32>,
        %parallel_loop3A_957 = arith.mulf %parallel_loop3A_212, %parallel_loop3A_956 : vector<16xf32>
        %parallel_loop3A_958 = arith.addf %parallel_loop3A_953, %parallel_loop3A_957 : vector<16xf32>
        %parallel_loop3A_959 = arith.index_cast %parallel_loop3A_924 : i32 to index
        %parallel_loop3A_960 = arith.constant 112 : index
        %parallel_loop3A_961 = tpu.vector_load %arg14[%parallel_loop3A_959, %parallel_loop3A_960] {strides = array<i32>} : memref<336x128xf32, #tpu.memory_space<vmem>>, vector<16xf32>,
        %parallel_loop3A_962 = arith.mulf %parallel_loop3A_215, %parallel_loop3A_961 : vector<16xf32>
        %parallel_loop3A_963 = arith.addf %parallel_loop3A_958, %parallel_loop3A_962 : vector<16xf32>
        %parallel_loop3A_964 = arith.constant 16 : i32
        %parallel_loop3A_965 = arith.muli %parallel_loop3A_924, %parallel_loop3A_964 : i32
        %parallel_loop3A_966 = arith.index_cast %parallel_loop3A_965 : i32 to index
        %parallel_loop3A_967 = tpu.vector_load %arg15[%parallel_loop3A_966] {strides = array<i32>} : memref<5376xf32, #tpu.memory_space<vmem>>, vector<16xf32>,
        tpu.vector_store %arg15[%parallel_loop3A_966], %parallel_loop3A_963 {strides = array<i32>} : memref<5376xf32, #tpu.memory_space<vmem>>, vector<16xf32>,
        %parallel_loop3A_968 = arith.constant 21 : i32
        %parallel_loop3A_969 = arith.muli %parallel_loop3A_191, %parallel_loop3A_968 : i32
        %parallel_loop3A_970 = arith.constant 16 : i32
        %parallel_loop3A_971 = arith.addi %parallel_loop3A_969, %parallel_loop3A_970 : i32
        %parallel_loop3A_972 = arith.index_cast %parallel_loop3A_971 : i32 to index
        %parallel_loop3A_973 = arith.constant 0 : index
        %parallel_loop3A_974 = tpu.vector_load %arg14[%parallel_loop3A_972, %parallel_loop3A_973] {strides = array<i32>} : memref<336x128xf32, #tpu.memory_space<vmem>>, vector<16xf32>,
        %parallel_loop3A_975 = arith.mulf %parallel_loop3A_194, %parallel_loop3A_974 : vector<16xf32>
        %parallel_loop3A_976 = arith.index_cast %parallel_loop3A_971 : i32 to index
        %parallel_loop3A_977 = arith.constant 16 : index
        %parallel_loop3A_978 = tpu.vector_load %arg14[%parallel_loop3A_976, %parallel_loop3A_977] {strides = array<i32>} : memref<336x128xf32, #tpu.memory_space<vmem>>, vector<16xf32>,
        %parallel_loop3A_979 = arith.mulf %parallel_loop3A_197, %parallel_loop3A_978 : vector<16xf32>
        %parallel_loop3A_980 = arith.addf %parallel_loop3A_975, %parallel_loop3A_979 : vector<16xf32>
        %parallel_loop3A_981 = arith.index_cast %parallel_loop3A_971 : i32 to index
        %parallel_loop3A_982 = arith.constant 32 : index
        %parallel_loop3A_983 = tpu.vector_load %arg14[%parallel_loop3A_981, %parallel_loop3A_982] {strides = array<i32>} : memref<336x128xf32, #tpu.memory_space<vmem>>, vector<16xf32>,
        %parallel_loop3A_984 = arith.mulf %parallel_loop3A_200, %parallel_loop3A_983 : vector<16xf32>
        %parallel_loop3A_985 = arith.addf %parallel_loop3A_980, %parallel_loop3A_984 : vector<16xf32>
        %parallel_loop3A_986 = arith.index_cast %parallel_loop3A_971 : i32 to index
        %parallel_loop3A_987 = arith.constant 48 : index
        %parallel_loop3A_988 = tpu.vector_load %arg14[%parallel_loop3A_986, %parallel_loop3A_987] {strides = array<i32>} : memref<336x128xf32, #tpu.memory_space<vmem>>, vector<16xf32>,
        %parallel_loop3A_989 = arith.mulf %parallel_loop3A_203, %parallel_loop3A_988 : vector<16xf32>
        %parallel_loop3A_990 = arith.addf %parallel_loop3A_985, %parallel_loop3A_989 : vector<16xf32>
        %parallel_loop3A_991 = arith.index_cast %parallel_loop3A_971 : i32 to index
        %parallel_loop3A_992 = arith.constant 64 : index
        %parallel_loop3A_993 = tpu.vector_load %arg14[%parallel_loop3A_991, %parallel_loop3A_992] {strides = array<i32>} : memref<336x128xf32, #tpu.memory_space<vmem>>, vector<16xf32>,
        %parallel_loop3A_994 = arith.mulf %parallel_loop3A_206, %parallel_loop3A_993 : vector<16xf32>
        %parallel_loop3A_995 = arith.addf %parallel_loop3A_990, %parallel_loop3A_994 : vector<16xf32>
        %parallel_loop3A_996 = arith.index_cast %parallel_loop3A_971 : i32 to index
        %parallel_loop3A_997 = arith.constant 80 : index
        %parallel_loop3A_998 = tpu.vector_load %arg14[%parallel_loop3A_996, %parallel_loop3A_997] {strides = array<i32>} : memref<336x128xf32, #tpu.memory_space<vmem>>, vector<16xf32>,
        %parallel_loop3A_999 = arith.mulf %parallel_loop3A_209, %parallel_loop3A_998 : vector<16xf32>
        %parallel_loop3A_1000 = arith.addf %parallel_loop3A_995, %parallel_loop3A_999 : vector<16xf32>
        %parallel_loop3A_1001 = arith.index_cast %parallel_loop3A_971 : i32 to index
        %parallel_loop3A_1002 = arith.constant 96 : index
        %parallel_loop3A_1003 = tpu.vector_load %arg14[%parallel_loop3A_1001, %parallel_loop3A_1002] {strides = array<i32>} : memref<336x128xf32, #tpu.memory_space<vmem>>, vector<16xf32>,
        %parallel_loop3A_1004 = arith.mulf %parallel_loop3A_212, %parallel_loop3A_1003 : vector<16xf32>
        %parallel_loop3A_1005 = arith.addf %parallel_loop3A_1000, %parallel_loop3A_1004 : vector<16xf32>
        %parallel_loop3A_1006 = arith.index_cast %parallel_loop3A_971 : i32 to index
        %parallel_loop3A_1007 = arith.constant 112 : index
        %parallel_loop3A_1008 = tpu.vector_load %arg14[%parallel_loop3A_1006, %parallel_loop3A_1007] {strides = array<i32>} : memref<336x128xf32, #tpu.memory_space<vmem>>, vector<16xf32>,
        %parallel_loop3A_1009 = arith.mulf %parallel_loop3A_215, %parallel_loop3A_1008 : vector<16xf32>
        %parallel_loop3A_1010 = arith.addf %parallel_loop3A_1005, %parallel_loop3A_1009 : vector<16xf32>
        %parallel_loop3A_1011 = arith.constant 16 : i32
        %parallel_loop3A_1012 = arith.muli %parallel_loop3A_971, %parallel_loop3A_1011 : i32
        %parallel_loop3A_1013 = arith.index_cast %parallel_loop3A_1012 : i32 to index
        %parallel_loop3A_1014 = tpu.vector_load %arg15[%parallel_loop3A_1013] {strides = array<i32>} : memref<5376xf32, #tpu.memory_space<vmem>>, vector<16xf32>,
        tpu.vector_store %arg15[%parallel_loop3A_1013], %parallel_loop3A_1010 {strides = array<i32>} : memref<5376xf32, #tpu.memory_space<vmem>>, vector<16xf32>,
        %parallel_loop3A_1015 = arith.constant 21 : i32
        %parallel_loop3A_1016 = arith.muli %parallel_loop3A_191, %parallel_loop3A_1015 : i32
        %parallel_loop3A_1017 = arith.constant 17 : i32
        %parallel_loop3A_1018 = arith.addi %parallel_loop3A_1016, %parallel_loop3A_1017 : i32
        %parallel_loop3A_1019 = arith.index_cast %parallel_loop3A_1018 : i32 to index
        %parallel_loop3A_1020 = arith.constant 0 : index
        %parallel_loop3A_1021 = tpu.vector_load %arg14[%parallel_loop3A_1019, %parallel_loop3A_1020] {strides = array<i32>} : memref<336x128xf32, #tpu.memory_space<vmem>>, vector<16xf32>,
        %parallel_loop3A_1022 = arith.mulf %parallel_loop3A_194, %parallel_loop3A_1021 : vector<16xf32>
        %parallel_loop3A_1023 = arith.index_cast %parallel_loop3A_1018 : i32 to index
        %parallel_loop3A_1024 = arith.constant 16 : index
        %parallel_loop3A_1025 = tpu.vector_load %arg14[%parallel_loop3A_1023, %parallel_loop3A_1024] {strides = array<i32>} : memref<336x128xf32, #tpu.memory_space<vmem>>, vector<16xf32>,
        %parallel_loop3A_1026 = arith.mulf %parallel_loop3A_197, %parallel_loop3A_1025 : vector<16xf32>
        %parallel_loop3A_1027 = arith.addf %parallel_loop3A_1022, %parallel_loop3A_1026 : vector<16xf32>
        %parallel_loop3A_1028 = arith.index_cast %parallel_loop3A_1018 : i32 to index
        %parallel_loop3A_1029 = arith.constant 32 : index
        %parallel_loop3A_1030 = tpu.vector_load %arg14[%parallel_loop3A_1028, %parallel_loop3A_1029] {strides = array<i32>} : memref<336x128xf32, #tpu.memory_space<vmem>>, vector<16xf32>,
        %parallel_loop3A_1031 = arith.mulf %parallel_loop3A_200, %parallel_loop3A_1030 : vector<16xf32>
        %parallel_loop3A_1032 = arith.addf %parallel_loop3A_1027, %parallel_loop3A_1031 : vector<16xf32>
        %parallel_loop3A_1033 = arith.index_cast %parallel_loop3A_1018 : i32 to index
        %parallel_loop3A_1034 = arith.constant 48 : index
        %parallel_loop3A_1035 = tpu.vector_load %arg14[%parallel_loop3A_1033, %parallel_loop3A_1034] {strides = array<i32>} : memref<336x128xf32, #tpu.memory_space<vmem>>, vector<16xf32>,
        %parallel_loop3A_1036 = arith.mulf %parallel_loop3A_203, %parallel_loop3A_1035 : vector<16xf32>
        %parallel_loop3A_1037 = arith.addf %parallel_loop3A_1032, %parallel_loop3A_1036 : vector<16xf32>
        %parallel_loop3A_1038 = arith.index_cast %parallel_loop3A_1018 : i32 to index
        %parallel_loop3A_1039 = arith.constant 64 : index
        %parallel_loop3A_1040 = tpu.vector_load %arg14[%parallel_loop3A_1038, %parallel_loop3A_1039] {strides = array<i32>} : memref<336x128xf32, #tpu.memory_space<vmem>>, vector<16xf32>,
        %parallel_loop3A_1041 = arith.mulf %parallel_loop3A_206, %parallel_loop3A_1040 : vector<16xf32>
        %parallel_loop3A_1042 = arith.addf %parallel_loop3A_1037, %parallel_loop3A_1041 : vector<16xf32>
        %parallel_loop3A_1043 = arith.index_cast %parallel_loop3A_1018 : i32 to index
        %parallel_loop3A_1044 = arith.constant 80 : index
        %parallel_loop3A_1045 = tpu.vector_load %arg14[%parallel_loop3A_1043, %parallel_loop3A_1044] {strides = array<i32>} : memref<336x128xf32, #tpu.memory_space<vmem>>, vector<16xf32>,
        %parallel_loop3A_1046 = arith.mulf %parallel_loop3A_209, %parallel_loop3A_1045 : vector<16xf32>
        %parallel_loop3A_1047 = arith.addf %parallel_loop3A_1042, %parallel_loop3A_1046 : vector<16xf32>
        %parallel_loop3A_1048 = arith.index_cast %parallel_loop3A_1018 : i32 to index
        %parallel_loop3A_1049 = arith.constant 96 : index
        %parallel_loop3A_1050 = tpu.vector_load %arg14[%parallel_loop3A_1048, %parallel_loop3A_1049] {strides = array<i32>} : memref<336x128xf32, #tpu.memory_space<vmem>>, vector<16xf32>,
        %parallel_loop3A_1051 = arith.mulf %parallel_loop3A_212, %parallel_loop3A_1050 : vector<16xf32>
        %parallel_loop3A_1052 = arith.addf %parallel_loop3A_1047, %parallel_loop3A_1051 : vector<16xf32>
        %parallel_loop3A_1053 = arith.index_cast %parallel_loop3A_1018 : i32 to index
        %parallel_loop3A_1054 = arith.constant 112 : index
        %parallel_loop3A_1055 = tpu.vector_load %arg14[%parallel_loop3A_1053, %parallel_loop3A_1054] {strides = array<i32>} : memref<336x128xf32, #tpu.memory_space<vmem>>, vector<16xf32>,
        %parallel_loop3A_1056 = arith.mulf %parallel_loop3A_215, %parallel_loop3A_1055 : vector<16xf32>
        %parallel_loop3A_1057 = arith.addf %parallel_loop3A_1052, %parallel_loop3A_1056 : vector<16xf32>
        %parallel_loop3A_1058 = arith.constant 16 : i32
        %parallel_loop3A_1059 = arith.muli %parallel_loop3A_1018, %parallel_loop3A_1058 : i32
        %parallel_loop3A_1060 = arith.index_cast %parallel_loop3A_1059 : i32 to index
        %parallel_loop3A_1061 = tpu.vector_load %arg15[%parallel_loop3A_1060] {strides = array<i32>} : memref<5376xf32, #tpu.memory_space<vmem>>, vector<16xf32>,
        tpu.vector_store %arg15[%parallel_loop3A_1060], %parallel_loop3A_1057 {strides = array<i32>} : memref<5376xf32, #tpu.memory_space<vmem>>, vector<16xf32>,
        %parallel_loop3A_1062 = arith.constant 21 : i32
        %parallel_loop3A_1063 = arith.muli %parallel_loop3A_191, %parallel_loop3A_1062 : i32
        %parallel_loop3A_1064 = arith.constant 18 : i32
        %parallel_loop3A_1065 = arith.addi %parallel_loop3A_1063, %parallel_loop3A_1064 : i32
        %parallel_loop3A_1066 = arith.index_cast %parallel_loop3A_1065 : i32 to index
        %parallel_loop3A_1067 = arith.constant 0 : index
        %parallel_loop3A_1068 = tpu.vector_load %arg14[%parallel_loop3A_1066, %parallel_loop3A_1067] {strides = array<i32>} : memref<336x128xf32, #tpu.memory_space<vmem>>, vector<16xf32>,
        %parallel_loop3A_1069 = arith.mulf %parallel_loop3A_194, %parallel_loop3A_1068 : vector<16xf32>
        %parallel_loop3A_1070 = arith.index_cast %parallel_loop3A_1065 : i32 to index
        %parallel_loop3A_1071 = arith.constant 16 : index
        %parallel_loop3A_1072 = tpu.vector_load %arg14[%parallel_loop3A_1070, %parallel_loop3A_1071] {strides = array<i32>} : memref<336x128xf32, #tpu.memory_space<vmem>>, vector<16xf32>,
        %parallel_loop3A_1073 = arith.mulf %parallel_loop3A_197, %parallel_loop3A_1072 : vector<16xf32>
        %parallel_loop3A_1074 = arith.addf %parallel_loop3A_1069, %parallel_loop3A_1073 : vector<16xf32>
        %parallel_loop3A_1075 = arith.index_cast %parallel_loop3A_1065 : i32 to index
        %parallel_loop3A_1076 = arith.constant 32 : index
        %parallel_loop3A_1077 = tpu.vector_load %arg14[%parallel_loop3A_1075, %parallel_loop3A_1076] {strides = array<i32>} : memref<336x128xf32, #tpu.memory_space<vmem>>, vector<16xf32>,
        %parallel_loop3A_1078 = arith.mulf %parallel_loop3A_200, %parallel_loop3A_1077 : vector<16xf32>
        %parallel_loop3A_1079 = arith.addf %parallel_loop3A_1074, %parallel_loop3A_1078 : vector<16xf32>
        %parallel_loop3A_1080 = arith.index_cast %parallel_loop3A_1065 : i32 to index
        %parallel_loop3A_1081 = arith.constant 48 : index
        %parallel_loop3A_1082 = tpu.vector_load %arg14[%parallel_loop3A_1080, %parallel_loop3A_1081] {strides = array<i32>} : memref<336x128xf32, #tpu.memory_space<vmem>>, vector<16xf32>,
        %parallel_loop3A_1083 = arith.mulf %parallel_loop3A_203, %parallel_loop3A_1082 : vector<16xf32>
        %parallel_loop3A_1084 = arith.addf %parallel_loop3A_1079, %parallel_loop3A_1083 : vector<16xf32>
        %parallel_loop3A_1085 = arith.index_cast %parallel_loop3A_1065 : i32 to index
        %parallel_loop3A_1086 = arith.constant 64 : index
        %parallel_loop3A_1087 = tpu.vector_load %arg14[%parallel_loop3A_1085, %parallel_loop3A_1086] {strides = array<i32>} : memref<336x128xf32, #tpu.memory_space<vmem>>, vector<16xf32>,
        %parallel_loop3A_1088 = arith.mulf %parallel_loop3A_206, %parallel_loop3A_1087 : vector<16xf32>
        %parallel_loop3A_1089 = arith.addf %parallel_loop3A_1084, %parallel_loop3A_1088 : vector<16xf32>
        %parallel_loop3A_1090 = arith.index_cast %parallel_loop3A_1065 : i32 to index
        %parallel_loop3A_1091 = arith.constant 80 : index
        %parallel_loop3A_1092 = tpu.vector_load %arg14[%parallel_loop3A_1090, %parallel_loop3A_1091] {strides = array<i32>} : memref<336x128xf32, #tpu.memory_space<vmem>>, vector<16xf32>,
        %parallel_loop3A_1093 = arith.mulf %parallel_loop3A_209, %parallel_loop3A_1092 : vector<16xf32>
        %parallel_loop3A_1094 = arith.addf %parallel_loop3A_1089, %parallel_loop3A_1093 : vector<16xf32>
        %parallel_loop3A_1095 = arith.index_cast %parallel_loop3A_1065 : i32 to index
        %parallel_loop3A_1096 = arith.constant 96 : index
        %parallel_loop3A_1097 = tpu.vector_load %arg14[%parallel_loop3A_1095, %parallel_loop3A_1096] {strides = array<i32>} : memref<336x128xf32, #tpu.memory_space<vmem>>, vector<16xf32>,
        %parallel_loop3A_1098 = arith.mulf %parallel_loop3A_212, %parallel_loop3A_1097 : vector<16xf32>
        %parallel_loop3A_1099 = arith.addf %parallel_loop3A_1094, %parallel_loop3A_1098 : vector<16xf32>
        %parallel_loop3A_1100 = arith.index_cast %parallel_loop3A_1065 : i32 to index
        %parallel_loop3A_1101 = arith.constant 112 : index
        %parallel_loop3A_1102 = tpu.vector_load %arg14[%parallel_loop3A_1100, %parallel_loop3A_1101] {strides = array<i32>} : memref<336x128xf32, #tpu.memory_space<vmem>>, vector<16xf32>,
        %parallel_loop3A_1103 = arith.mulf %parallel_loop3A_215, %parallel_loop3A_1102 : vector<16xf32>
        %parallel_loop3A_1104 = arith.addf %parallel_loop3A_1099, %parallel_loop3A_1103 : vector<16xf32>
        %parallel_loop3A_1105 = arith.constant 16 : i32
        %parallel_loop3A_1106 = arith.muli %parallel_loop3A_1065, %parallel_loop3A_1105 : i32
        %parallel_loop3A_1107 = arith.index_cast %parallel_loop3A_1106 : i32 to index
        %parallel_loop3A_1108 = tpu.vector_load %arg15[%parallel_loop3A_1107] {strides = array<i32>} : memref<5376xf32, #tpu.memory_space<vmem>>, vector<16xf32>,
        tpu.vector_store %arg15[%parallel_loop3A_1107], %parallel_loop3A_1104 {strides = array<i32>} : memref<5376xf32, #tpu.memory_space<vmem>>, vector<16xf32>,
        %parallel_loop3A_1109 = arith.constant 21 : i32
        %parallel_loop3A_1110 = arith.muli %parallel_loop3A_191, %parallel_loop3A_1109 : i32
        %parallel_loop3A_1111 = arith.constant 19 : i32
        %parallel_loop3A_1112 = arith.addi %parallel_loop3A_1110, %parallel_loop3A_1111 : i32
        %parallel_loop3A_1113 = arith.index_cast %parallel_loop3A_1112 : i32 to index
        %parallel_loop3A_1114 = arith.constant 0 : index
        %parallel_loop3A_1115 = tpu.vector_load %arg14[%parallel_loop3A_1113, %parallel_loop3A_1114] {strides = array<i32>} : memref<336x128xf32, #tpu.memory_space<vmem>>, vector<16xf32>,
        %parallel_loop3A_1116 = arith.mulf %parallel_loop3A_194, %parallel_loop3A_1115 : vector<16xf32>
        %parallel_loop3A_1117 = arith.index_cast %parallel_loop3A_1112 : i32 to index
        %parallel_loop3A_1118 = arith.constant 16 : index
        %parallel_loop3A_1119 = tpu.vector_load %arg14[%parallel_loop3A_1117, %parallel_loop3A_1118] {strides = array<i32>} : memref<336x128xf32, #tpu.memory_space<vmem>>, vector<16xf32>,
        %parallel_loop3A_1120 = arith.mulf %parallel_loop3A_197, %parallel_loop3A_1119 : vector<16xf32>
        %parallel_loop3A_1121 = arith.addf %parallel_loop3A_1116, %parallel_loop3A_1120 : vector<16xf32>
        %parallel_loop3A_1122 = arith.index_cast %parallel_loop3A_1112 : i32 to index
        %parallel_loop3A_1123 = arith.constant 32 : index
        %parallel_loop3A_1124 = tpu.vector_load %arg14[%parallel_loop3A_1122, %parallel_loop3A_1123] {strides = array<i32>} : memref<336x128xf32, #tpu.memory_space<vmem>>, vector<16xf32>,
        %parallel_loop3A_1125 = arith.mulf %parallel_loop3A_200, %parallel_loop3A_1124 : vector<16xf32>
        %parallel_loop3A_1126 = arith.addf %parallel_loop3A_1121, %parallel_loop3A_1125 : vector<16xf32>
        %parallel_loop3A_1127 = arith.index_cast %parallel_loop3A_1112 : i32 to index
        %parallel_loop3A_1128 = arith.constant 48 : index
        %parallel_loop3A_1129 = tpu.vector_load %arg14[%parallel_loop3A_1127, %parallel_loop3A_1128] {strides = array<i32>} : memref<336x128xf32, #tpu.memory_space<vmem>>, vector<16xf32>,
        %parallel_loop3A_1130 = arith.mulf %parallel_loop3A_203, %parallel_loop3A_1129 : vector<16xf32>
        %parallel_loop3A_1131 = arith.addf %parallel_loop3A_1126, %parallel_loop3A_1130 : vector<16xf32>
        %parallel_loop3A_1132 = arith.index_cast %parallel_loop3A_1112 : i32 to index
        %parallel_loop3A_1133 = arith.constant 64 : index
        %parallel_loop3A_1134 = tpu.vector_load %arg14[%parallel_loop3A_1132, %parallel_loop3A_1133] {strides = array<i32>} : memref<336x128xf32, #tpu.memory_space<vmem>>, vector<16xf32>,
        %parallel_loop3A_1135 = arith.mulf %parallel_loop3A_206, %parallel_loop3A_1134 : vector<16xf32>
        %parallel_loop3A_1136 = arith.addf %parallel_loop3A_1131, %parallel_loop3A_1135 : vector<16xf32>
        %parallel_loop3A_1137 = arith.index_cast %parallel_loop3A_1112 : i32 to index
        %parallel_loop3A_1138 = arith.constant 80 : index
        %parallel_loop3A_1139 = tpu.vector_load %arg14[%parallel_loop3A_1137, %parallel_loop3A_1138] {strides = array<i32>} : memref<336x128xf32, #tpu.memory_space<vmem>>, vector<16xf32>,
        %parallel_loop3A_1140 = arith.mulf %parallel_loop3A_209, %parallel_loop3A_1139 : vector<16xf32>
        %parallel_loop3A_1141 = arith.addf %parallel_loop3A_1136, %parallel_loop3A_1140 : vector<16xf32>
        %parallel_loop3A_1142 = arith.index_cast %parallel_loop3A_1112 : i32 to index
        %parallel_loop3A_1143 = arith.constant 96 : index
        %parallel_loop3A_1144 = tpu.vector_load %arg14[%parallel_loop3A_1142, %parallel_loop3A_1143] {strides = array<i32>} : memref<336x128xf32, #tpu.memory_space<vmem>>, vector<16xf32>,
        %parallel_loop3A_1145 = arith.mulf %parallel_loop3A_212, %parallel_loop3A_1144 : vector<16xf32>
        %parallel_loop3A_1146 = arith.addf %parallel_loop3A_1141, %parallel_loop3A_1145 : vector<16xf32>
        %parallel_loop3A_1147 = arith.index_cast %parallel_loop3A_1112 : i32 to index
        %parallel_loop3A_1148 = arith.constant 112 : index
        %parallel_loop3A_1149 = tpu.vector_load %arg14[%parallel_loop3A_1147, %parallel_loop3A_1148] {strides = array<i32>} : memref<336x128xf32, #tpu.memory_space<vmem>>, vector<16xf32>,
        %parallel_loop3A_1150 = arith.mulf %parallel_loop3A_215, %parallel_loop3A_1149 : vector<16xf32>
        %parallel_loop3A_1151 = arith.addf %parallel_loop3A_1146, %parallel_loop3A_1150 : vector<16xf32>
        %parallel_loop3A_1152 = arith.constant 16 : i32
        %parallel_loop3A_1153 = arith.muli %parallel_loop3A_1112, %parallel_loop3A_1152 : i32
        %parallel_loop3A_1154 = arith.index_cast %parallel_loop3A_1153 : i32 to index
        %parallel_loop3A_1155 = tpu.vector_load %arg15[%parallel_loop3A_1154] {strides = array<i32>} : memref<5376xf32, #tpu.memory_space<vmem>>, vector<16xf32>,
        tpu.vector_store %arg15[%parallel_loop3A_1154], %parallel_loop3A_1151 {strides = array<i32>} : memref<5376xf32, #tpu.memory_space<vmem>>, vector<16xf32>,
        %parallel_loop3A_1156 = arith.constant 21 : i32
        %parallel_loop3A_1157 = arith.muli %parallel_loop3A_191, %parallel_loop3A_1156 : i32
        %parallel_loop3A_1158 = arith.constant 20 : i32
        %parallel_loop3A_1159 = arith.addi %parallel_loop3A_1157, %parallel_loop3A_1158 : i32
        %parallel_loop3A_1160 = arith.index_cast %parallel_loop3A_1159 : i32 to index
        %parallel_loop3A_1161 = arith.constant 0 : index
        %parallel_loop3A_1162 = tpu.vector_load %arg14[%parallel_loop3A_1160, %parallel_loop3A_1161] {strides = array<i32>} : memref<336x128xf32, #tpu.memory_space<vmem>>, vector<16xf32>,
        %parallel_loop3A_1163 = arith.mulf %parallel_loop3A_194, %parallel_loop3A_1162 : vector<16xf32>
        %parallel_loop3A_1164 = arith.index_cast %parallel_loop3A_1159 : i32 to index
        %parallel_loop3A_1165 = arith.constant 16 : index
        %parallel_loop3A_1166 = tpu.vector_load %arg14[%parallel_loop3A_1164, %parallel_loop3A_1165] {strides = array<i32>} : memref<336x128xf32, #tpu.memory_space<vmem>>, vector<16xf32>,
        %parallel_loop3A_1167 = arith.mulf %parallel_loop3A_197, %parallel_loop3A_1166 : vector<16xf32>
        %parallel_loop3A_1168 = arith.addf %parallel_loop3A_1163, %parallel_loop3A_1167 : vector<16xf32>
        %parallel_loop3A_1169 = arith.index_cast %parallel_loop3A_1159 : i32 to index
        %parallel_loop3A_1170 = arith.constant 32 : index
        %parallel_loop3A_1171 = tpu.vector_load %arg14[%parallel_loop3A_1169, %parallel_loop3A_1170] {strides = array<i32>} : memref<336x128xf32, #tpu.memory_space<vmem>>, vector<16xf32>,
        %parallel_loop3A_1172 = arith.mulf %parallel_loop3A_200, %parallel_loop3A_1171 : vector<16xf32>
        %parallel_loop3A_1173 = arith.addf %parallel_loop3A_1168, %parallel_loop3A_1172 : vector<16xf32>
        %parallel_loop3A_1174 = arith.index_cast %parallel_loop3A_1159 : i32 to index
        %parallel_loop3A_1175 = arith.constant 48 : index
        %parallel_loop3A_1176 = tpu.vector_load %arg14[%parallel_loop3A_1174, %parallel_loop3A_1175] {strides = array<i32>} : memref<336x128xf32, #tpu.memory_space<vmem>>, vector<16xf32>,
        %parallel_loop3A_1177 = arith.mulf %parallel_loop3A_203, %parallel_loop3A_1176 : vector<16xf32>
        %parallel_loop3A_1178 = arith.addf %parallel_loop3A_1173, %parallel_loop3A_1177 : vector<16xf32>
        %parallel_loop3A_1179 = arith.index_cast %parallel_loop3A_1159 : i32 to index
        %parallel_loop3A_1180 = arith.constant 64 : index
        %parallel_loop3A_1181 = tpu.vector_load %arg14[%parallel_loop3A_1179, %parallel_loop3A_1180] {strides = array<i32>} : memref<336x128xf32, #tpu.memory_space<vmem>>, vector<16xf32>,
        %parallel_loop3A_1182 = arith.mulf %parallel_loop3A_206, %parallel_loop3A_1181 : vector<16xf32>
        %parallel_loop3A_1183 = arith.addf %parallel_loop3A_1178, %parallel_loop3A_1182 : vector<16xf32>
        %parallel_loop3A_1184 = arith.index_cast %parallel_loop3A_1159 : i32 to index
        %parallel_loop3A_1185 = arith.constant 80 : index
        %parallel_loop3A_1186 = tpu.vector_load %arg14[%parallel_loop3A_1184, %parallel_loop3A_1185] {strides = array<i32>} : memref<336x128xf32, #tpu.memory_space<vmem>>, vector<16xf32>,
        %parallel_loop3A_1187 = arith.mulf %parallel_loop3A_209, %parallel_loop3A_1186 : vector<16xf32>
        %parallel_loop3A_1188 = arith.addf %parallel_loop3A_1183, %parallel_loop3A_1187 : vector<16xf32>
        %parallel_loop3A_1189 = arith.index_cast %parallel_loop3A_1159 : i32 to index
        %parallel_loop3A_1190 = arith.constant 96 : index
        %parallel_loop3A_1191 = tpu.vector_load %arg14[%parallel_loop3A_1189, %parallel_loop3A_1190] {strides = array<i32>} : memref<336x128xf32, #tpu.memory_space<vmem>>, vector<16xf32>,
        %parallel_loop3A_1192 = arith.mulf %parallel_loop3A_212, %parallel_loop3A_1191 : vector<16xf32>
        %parallel_loop3A_1193 = arith.addf %parallel_loop3A_1188, %parallel_loop3A_1192 : vector<16xf32>
        %parallel_loop3A_1194 = arith.index_cast %parallel_loop3A_1159 : i32 to index
        %parallel_loop3A_1195 = arith.constant 112 : index
        %parallel_loop3A_1196 = tpu.vector_load %arg14[%parallel_loop3A_1194, %parallel_loop3A_1195] {strides = array<i32>} : memref<336x128xf32, #tpu.memory_space<vmem>>, vector<16xf32>,
        %parallel_loop3A_1197 = arith.mulf %parallel_loop3A_215, %parallel_loop3A_1196 : vector<16xf32>
        %parallel_loop3A_1198 = arith.addf %parallel_loop3A_1193, %parallel_loop3A_1197 : vector<16xf32>
        %parallel_loop3A_1199 = arith.constant 16 : i32
        %parallel_loop3A_1200 = arith.muli %parallel_loop3A_1159, %parallel_loop3A_1199 : i32
        %parallel_loop3A_1201 = arith.index_cast %parallel_loop3A_1200 : i32 to index
        %parallel_loop3A_1202 = tpu.vector_load %arg15[%parallel_loop3A_1201] {strides = array<i32>} : memref<5376xf32, #tpu.memory_space<vmem>>, vector<16xf32>,
        tpu.vector_store %arg15[%parallel_loop3A_1201], %parallel_loop3A_1198 {strides = array<i32>} : memref<5376xf32, #tpu.memory_space<vmem>>, vector<16xf32>,
      } {sc.loop_unroll_factor = 2 : i64, sc.parallel_access}
      %ge3A_179 = arith.constant 2 : i32
      %ge3A_180 = arith.cmpi sge, %add3A_170, %ge3A_179 : i32
      %convert_element_type3A_181 = arith.extui %ge3A_180 : i1 to i32
      %cond3A_182 = arith.constant 0 : i32
      %cond3A_183 = arith.cmpi ne, %convert_element_type3A_181, %cond3A_182 : i32
      scf.if %cond3A_183 {
        %sub3A = arith.constant 2 : i32
        %sub3A_191 = arith.subi %add3A_170, %sub3A : i32
        %mul3A_192 = arith.constant 512 : i32
        %mul3A_193 = arith.muli %add3A, %mul3A_192 : i32
        %mul3A_194 = arith.constant 16 : i32
        %mul3A_195 = arith.muli %sub3A_191, %mul3A_194 : i32
        %add3A_196 = arith.addi %mul3A_193, %mul3A_195 : i32
        %mul3A_197 = arith.constant 21 : i32
        %mul3A_198 = arith.muli %add3A_196, %mul3A_197 : i32
        %dma_wait3A_199 = tpu.memref_slice %arg6[%mul3A_198] : memref<344064xf32, #tpu.memory_space<hbm>> -> memref<336xf32, #tpu.memory_space<hbm>>
        %dma_wait3A_200 = tpu.memref_slice %arg6[%mul3A_198] : memref<344064xf32, #tpu.memory_space<hbm>> -> memref<336xf32, #tpu.memory_space<hbm>>
        tpu.wait_dma2 semaphore(%arg23 : memref<!tpu.dma_semaphore, #tpu.memory_space<semaphore_mem>>) src(%arg17 : memref<336xf32, #tpu.memory_space<vmem>>) dst(%dma_wait3A_200 : memref<336xf32, #tpu.memory_space<hbm>>)
      } else {
      }
      %parallel_loop3A_184 = arith.constant 0 : i32
      %parallel_loop3A_185 = arith.constant 21 : i32
      %parallel_loop3A_186 = arith.constant 1 : i32
      scf.for %parallel_loop3A_191 = %parallel_loop3A_184 to %parallel_loop3A_185 step %parallel_loop3A_186  : i32 {
        %parallel_loop3A_192 = tpu.iota {dimensions = array<i32: 0>} : vector<16xi32>
        %parallel_loop3A_193 = arith.constant 16 : i32
        %parallel_loop3A_194 = vector.broadcast %parallel_loop3A_193 : i32 to vector<16xi32>
        %parallel_loop3A_195 = arith.muli %parallel_loop3A_192, %parallel_loop3A_194 : vector<16xi32>
        %parallel_loop3A_196 = arith.constant 256 : i32
        %parallel_loop3A_197 = arith.muli %parallel_loop3A_191, %parallel_loop3A_196 : i32
        %parallel_loop3A_198 = arith.constant 0 : i32
        %parallel_loop3A_199 = arith.addi %parallel_loop3A_197, %parallel_loop3A_198 : i32
        %parallel_loop3A_200 = vector.broadcast %parallel_loop3A_199 : i32 to vector<16xi32>
        %parallel_loop3A_201 = arith.addi %parallel_loop3A_195, %parallel_loop3A_200 : vector<16xi32>
        %parallel_loop3A_202 = tpu.vector_load_idx %arg15[%parallel_loop3A_201] : memref<5376xf32, #tpu.memory_space<vmem>>[vector<16xi32>], vector<16xf32>,
        %parallel_loop3A_203 = tpu.iota {dimensions = array<i32: 0>} : vector<16xi32>
        %parallel_loop3A_204 = arith.constant 16 : i32
        %parallel_loop3A_205 = vector.broadcast %parallel_loop3A_204 : i32 to vector<16xi32>
        %parallel_loop3A_206 = arith.muli %parallel_loop3A_203, %parallel_loop3A_205 : vector<16xi32>
        %parallel_loop3A_207 = arith.constant 256 : i32
        %parallel_loop3A_208 = arith.muli %parallel_loop3A_191, %parallel_loop3A_207 : i32
        %parallel_loop3A_209 = arith.constant 1 : i32
        %parallel_loop3A_210 = arith.addi %parallel_loop3A_208, %parallel_loop3A_209 : i32
        %parallel_loop3A_211 = vector.broadcast %parallel_loop3A_210 : i32 to vector<16xi32>
        %parallel_loop3A_212 = arith.addi %parallel_loop3A_206, %parallel_loop3A_211 : vector<16xi32>
        %parallel_loop3A_213 = tpu.vector_load_idx %arg15[%parallel_loop3A_212] : memref<5376xf32, #tpu.memory_space<vmem>>[vector<16xi32>], vector<16xf32>,
        %parallel_loop3A_214 = arith.addf %parallel_loop3A_202, %parallel_loop3A_213 : vector<16xf32>
        %parallel_loop3A_215 = tpu.iota {dimensions = array<i32: 0>} : vector<16xi32>
        %parallel_loop3A_216 = arith.constant 16 : i32
        %parallel_loop3A_217 = vector.broadcast %parallel_loop3A_216 : i32 to vector<16xi32>
        %parallel_loop3A_218 = arith.muli %parallel_loop3A_215, %parallel_loop3A_217 : vector<16xi32>
        %parallel_loop3A_219 = arith.constant 256 : i32
        %parallel_loop3A_220 = arith.muli %parallel_loop3A_191, %parallel_loop3A_219 : i32
        %parallel_loop3A_221 = arith.constant 2 : i32
        %parallel_loop3A_222 = arith.addi %parallel_loop3A_220, %parallel_loop3A_221 : i32
        %parallel_loop3A_223 = vector.broadcast %parallel_loop3A_222 : i32 to vector<16xi32>
        %parallel_loop3A_224 = arith.addi %parallel_loop3A_218, %parallel_loop3A_223 : vector<16xi32>
        %parallel_loop3A_225 = tpu.vector_load_idx %arg15[%parallel_loop3A_224] : memref<5376xf32, #tpu.memory_space<vmem>>[vector<16xi32>], vector<16xf32>,
        %parallel_loop3A_226 = arith.addf %parallel_loop3A_214, %parallel_loop3A_225 : vector<16xf32>
        %parallel_loop3A_227 = tpu.iota {dimensions = array<i32: 0>} : vector<16xi32>
        %parallel_loop3A_228 = arith.constant 16 : i32
        %parallel_loop3A_229 = vector.broadcast %parallel_loop3A_228 : i32 to vector<16xi32>
        %parallel_loop3A_230 = arith.muli %parallel_loop3A_227, %parallel_loop3A_229 : vector<16xi32>
        %parallel_loop3A_231 = arith.constant 256 : i32
        %parallel_loop3A_232 = arith.muli %parallel_loop3A_191, %parallel_loop3A_231 : i32
        %parallel_loop3A_233 = arith.constant 3 : i32
        %parallel_loop3A_234 = arith.addi %parallel_loop3A_232, %parallel_loop3A_233 : i32
        %parallel_loop3A_235 = vector.broadcast %parallel_loop3A_234 : i32 to vector<16xi32>
        %parallel_loop3A_236 = arith.addi %parallel_loop3A_230, %parallel_loop3A_235 : vector<16xi32>
        %parallel_loop3A_237 = tpu.vector_load_idx %arg15[%parallel_loop3A_236] : memref<5376xf32, #tpu.memory_space<vmem>>[vector<16xi32>], vector<16xf32>,
        %parallel_loop3A_238 = arith.addf %parallel_loop3A_226, %parallel_loop3A_237 : vector<16xf32>
        %parallel_loop3A_239 = tpu.iota {dimensions = array<i32: 0>} : vector<16xi32>
        %parallel_loop3A_240 = arith.constant 16 : i32
        %parallel_loop3A_241 = vector.broadcast %parallel_loop3A_240 : i32 to vector<16xi32>
        %parallel_loop3A_242 = arith.muli %parallel_loop3A_239, %parallel_loop3A_241 : vector<16xi32>
        %parallel_loop3A_243 = arith.constant 256 : i32
        %parallel_loop3A_244 = arith.muli %parallel_loop3A_191, %parallel_loop3A_243 : i32
        %parallel_loop3A_245 = arith.constant 4 : i32
        %parallel_loop3A_246 = arith.addi %parallel_loop3A_244, %parallel_loop3A_245 : i32
        %parallel_loop3A_247 = vector.broadcast %parallel_loop3A_246 : i32 to vector<16xi32>
        %parallel_loop3A_248 = arith.addi %parallel_loop3A_242, %parallel_loop3A_247 : vector<16xi32>
        %parallel_loop3A_249 = tpu.vector_load_idx %arg15[%parallel_loop3A_248] : memref<5376xf32, #tpu.memory_space<vmem>>[vector<16xi32>], vector<16xf32>,
        %parallel_loop3A_250 = arith.addf %parallel_loop3A_238, %parallel_loop3A_249 : vector<16xf32>
        %parallel_loop3A_251 = tpu.iota {dimensions = array<i32: 0>} : vector<16xi32>
        %parallel_loop3A_252 = arith.constant 16 : i32
        %parallel_loop3A_253 = vector.broadcast %parallel_loop3A_252 : i32 to vector<16xi32>
        %parallel_loop3A_254 = arith.muli %parallel_loop3A_251, %parallel_loop3A_253 : vector<16xi32>
        %parallel_loop3A_255 = arith.constant 256 : i32
        %parallel_loop3A_256 = arith.muli %parallel_loop3A_191, %parallel_loop3A_255 : i32
        %parallel_loop3A_257 = arith.constant 5 : i32
        %parallel_loop3A_258 = arith.addi %parallel_loop3A_256, %parallel_loop3A_257 : i32
        %parallel_loop3A_259 = vector.broadcast %parallel_loop3A_258 : i32 to vector<16xi32>
        %parallel_loop3A_260 = arith.addi %parallel_loop3A_254, %parallel_loop3A_259 : vector<16xi32>
        %parallel_loop3A_261 = tpu.vector_load_idx %arg15[%parallel_loop3A_260] : memref<5376xf32, #tpu.memory_space<vmem>>[vector<16xi32>], vector<16xf32>,
        %parallel_loop3A_262 = arith.addf %parallel_loop3A_250, %parallel_loop3A_261 : vector<16xf32>
        %parallel_loop3A_263 = tpu.iota {dimensions = array<i32: 0>} : vector<16xi32>
        %parallel_loop3A_264 = arith.constant 16 : i32
        %parallel_loop3A_265 = vector.broadcast %parallel_loop3A_264 : i32 to vector<16xi32>
        %parallel_loop3A_266 = arith.muli %parallel_loop3A_263, %parallel_loop3A_265 : vector<16xi32>
        %parallel_loop3A_267 = arith.constant 256 : i32
        %parallel_loop3A_268 = arith.muli %parallel_loop3A_191, %parallel_loop3A_267 : i32
        %parallel_loop3A_269 = arith.constant 6 : i32
        %parallel_loop3A_270 = arith.addi %parallel_loop3A_268, %parallel_loop3A_269 : i32
        %parallel_loop3A_271 = vector.broadcast %parallel_loop3A_270 : i32 to vector<16xi32>
        %parallel_loop3A_272 = arith.addi %parallel_loop3A_266, %parallel_loop3A_271 : vector<16xi32>
        %parallel_loop3A_273 = tpu.vector_load_idx %arg15[%parallel_loop3A_272] : memref<5376xf32, #tpu.memory_space<vmem>>[vector<16xi32>], vector<16xf32>,
        %parallel_loop3A_274 = arith.addf %parallel_loop3A_262, %parallel_loop3A_273 : vector<16xf32>
        %parallel_loop3A_275 = tpu.iota {dimensions = array<i32: 0>} : vector<16xi32>
        %parallel_loop3A_276 = arith.constant 16 : i32
        %parallel_loop3A_277 = vector.broadcast %parallel_loop3A_276 : i32 to vector<16xi32>
        %parallel_loop3A_278 = arith.muli %parallel_loop3A_275, %parallel_loop3A_277 : vector<16xi32>
        %parallel_loop3A_279 = arith.constant 256 : i32
        %parallel_loop3A_280 = arith.muli %parallel_loop3A_191, %parallel_loop3A_279 : i32
        %parallel_loop3A_281 = arith.constant 7 : i32
        %parallel_loop3A_282 = arith.addi %parallel_loop3A_280, %parallel_loop3A_281 : i32
        %parallel_loop3A_283 = vector.broadcast %parallel_loop3A_282 : i32 to vector<16xi32>
        %parallel_loop3A_284 = arith.addi %parallel_loop3A_278, %parallel_loop3A_283 : vector<16xi32>
        %parallel_loop3A_285 = tpu.vector_load_idx %arg15[%parallel_loop3A_284] : memref<5376xf32, #tpu.memory_space<vmem>>[vector<16xi32>], vector<16xf32>,
        %parallel_loop3A_286 = arith.addf %parallel_loop3A_274, %parallel_loop3A_285 : vector<16xf32>
        %parallel_loop3A_287 = tpu.iota {dimensions = array<i32: 0>} : vector<16xi32>
        %parallel_loop3A_288 = arith.constant 16 : i32
        %parallel_loop3A_289 = vector.broadcast %parallel_loop3A_288 : i32 to vector<16xi32>
        %parallel_loop3A_290 = arith.muli %parallel_loop3A_287, %parallel_loop3A_289 : vector<16xi32>
        %parallel_loop3A_291 = arith.constant 256 : i32
        %parallel_loop3A_292 = arith.muli %parallel_loop3A_191, %parallel_loop3A_291 : i32
        %parallel_loop3A_293 = arith.constant 8 : i32
        %parallel_loop3A_294 = arith.addi %parallel_loop3A_292, %parallel_loop3A_293 : i32
        %parallel_loop3A_295 = vector.broadcast %parallel_loop3A_294 : i32 to vector<16xi32>
        %parallel_loop3A_296 = arith.addi %parallel_loop3A_290, %parallel_loop3A_295 : vector<16xi32>
        %parallel_loop3A_297 = tpu.vector_load_idx %arg15[%parallel_loop3A_296] : memref<5376xf32, #tpu.memory_space<vmem>>[vector<16xi32>], vector<16xf32>,
        %parallel_loop3A_298 = arith.addf %parallel_loop3A_286, %parallel_loop3A_297 : vector<16xf32>
        %parallel_loop3A_299 = tpu.iota {dimensions = array<i32: 0>} : vector<16xi32>
        %parallel_loop3A_300 = arith.constant 16 : i32
        %parallel_loop3A_301 = vector.broadcast %parallel_loop3A_300 : i32 to vector<16xi32>
        %parallel_loop3A_302 = arith.muli %parallel_loop3A_299, %parallel_loop3A_301 : vector<16xi32>
        %parallel_loop3A_303 = arith.constant 256 : i32
        %parallel_loop3A_304 = arith.muli %parallel_loop3A_191, %parallel_loop3A_303 : i32
        %parallel_loop3A_305 = arith.constant 9 : i32
        %parallel_loop3A_306 = arith.addi %parallel_loop3A_304, %parallel_loop3A_305 : i32
        %parallel_loop3A_307 = vector.broadcast %parallel_loop3A_306 : i32 to vector<16xi32>
        %parallel_loop3A_308 = arith.addi %parallel_loop3A_302, %parallel_loop3A_307 : vector<16xi32>
        %parallel_loop3A_309 = tpu.vector_load_idx %arg15[%parallel_loop3A_308] : memref<5376xf32, #tpu.memory_space<vmem>>[vector<16xi32>], vector<16xf32>,
        %parallel_loop3A_310 = arith.addf %parallel_loop3A_298, %parallel_loop3A_309 : vector<16xf32>
        %parallel_loop3A_311 = tpu.iota {dimensions = array<i32: 0>} : vector<16xi32>
        %parallel_loop3A_312 = arith.constant 16 : i32
        %parallel_loop3A_313 = vector.broadcast %parallel_loop3A_312 : i32 to vector<16xi32>
        %parallel_loop3A_314 = arith.muli %parallel_loop3A_311, %parallel_loop3A_313 : vector<16xi32>
        %parallel_loop3A_315 = arith.constant 256 : i32
        %parallel_loop3A_316 = arith.muli %parallel_loop3A_191, %parallel_loop3A_315 : i32
        %parallel_loop3A_317 = arith.constant 10 : i32
        %parallel_loop3A_318 = arith.addi %parallel_loop3A_316, %parallel_loop3A_317 : i32
        %parallel_loop3A_319 = vector.broadcast %parallel_loop3A_318 : i32 to vector<16xi32>
        %parallel_loop3A_320 = arith.addi %parallel_loop3A_314, %parallel_loop3A_319 : vector<16xi32>
        %parallel_loop3A_321 = tpu.vector_load_idx %arg15[%parallel_loop3A_320] : memref<5376xf32, #tpu.memory_space<vmem>>[vector<16xi32>], vector<16xf32>,
        %parallel_loop3A_322 = arith.addf %parallel_loop3A_310, %parallel_loop3A_321 : vector<16xf32>
        %parallel_loop3A_323 = tpu.iota {dimensions = array<i32: 0>} : vector<16xi32>
        %parallel_loop3A_324 = arith.constant 16 : i32
        %parallel_loop3A_325 = vector.broadcast %parallel_loop3A_324 : i32 to vector<16xi32>
        %parallel_loop3A_326 = arith.muli %parallel_loop3A_323, %parallel_loop3A_325 : vector<16xi32>
        %parallel_loop3A_327 = arith.constant 256 : i32
        %parallel_loop3A_328 = arith.muli %parallel_loop3A_191, %parallel_loop3A_327 : i32
        %parallel_loop3A_329 = arith.constant 11 : i32
        %parallel_loop3A_330 = arith.addi %parallel_loop3A_328, %parallel_loop3A_329 : i32
        %parallel_loop3A_331 = vector.broadcast %parallel_loop3A_330 : i32 to vector<16xi32>
        %parallel_loop3A_332 = arith.addi %parallel_loop3A_326, %parallel_loop3A_331 : vector<16xi32>
        %parallel_loop3A_333 = tpu.vector_load_idx %arg15[%parallel_loop3A_332] : memref<5376xf32, #tpu.memory_space<vmem>>[vector<16xi32>], vector<16xf32>,
        %parallel_loop3A_334 = arith.addf %parallel_loop3A_322, %parallel_loop3A_333 : vector<16xf32>
        %parallel_loop3A_335 = tpu.iota {dimensions = array<i32: 0>} : vector<16xi32>
        %parallel_loop3A_336 = arith.constant 16 : i32
        %parallel_loop3A_337 = vector.broadcast %parallel_loop3A_336 : i32 to vector<16xi32>
        %parallel_loop3A_338 = arith.muli %parallel_loop3A_335, %parallel_loop3A_337 : vector<16xi32>
        %parallel_loop3A_339 = arith.constant 256 : i32
        %parallel_loop3A_340 = arith.muli %parallel_loop3A_191, %parallel_loop3A_339 : i32
        %parallel_loop3A_341 = arith.constant 12 : i32
        %parallel_loop3A_342 = arith.addi %parallel_loop3A_340, %parallel_loop3A_341 : i32
        %parallel_loop3A_343 = vector.broadcast %parallel_loop3A_342 : i32 to vector<16xi32>
        %parallel_loop3A_344 = arith.addi %parallel_loop3A_338, %parallel_loop3A_343 : vector<16xi32>
        %parallel_loop3A_345 = tpu.vector_load_idx %arg15[%parallel_loop3A_344] : memref<5376xf32, #tpu.memory_space<vmem>>[vector<16xi32>], vector<16xf32>,
        %parallel_loop3A_346 = arith.addf %parallel_loop3A_334, %parallel_loop3A_345 : vector<16xf32>
        %parallel_loop3A_347 = tpu.iota {dimensions = array<i32: 0>} : vector<16xi32>
        %parallel_loop3A_348 = arith.constant 16 : i32
        %parallel_loop3A_349 = vector.broadcast %parallel_loop3A_348 : i32 to vector<16xi32>
        %parallel_loop3A_350 = arith.muli %parallel_loop3A_347, %parallel_loop3A_349 : vector<16xi32>
        %parallel_loop3A_351 = arith.constant 256 : i32
        %parallel_loop3A_352 = arith.muli %parallel_loop3A_191, %parallel_loop3A_351 : i32
        %parallel_loop3A_353 = arith.constant 13 : i32
        %parallel_loop3A_354 = arith.addi %parallel_loop3A_352, %parallel_loop3A_353 : i32
        %parallel_loop3A_355 = vector.broadcast %parallel_loop3A_354 : i32 to vector<16xi32>
        %parallel_loop3A_356 = arith.addi %parallel_loop3A_350, %parallel_loop3A_355 : vector<16xi32>
        %parallel_loop3A_357 = tpu.vector_load_idx %arg15[%parallel_loop3A_356] : memref<5376xf32, #tpu.memory_space<vmem>>[vector<16xi32>], vector<16xf32>,
        %parallel_loop3A_358 = arith.addf %parallel_loop3A_346, %parallel_loop3A_357 : vector<16xf32>
        %parallel_loop3A_359 = tpu.iota {dimensions = array<i32: 0>} : vector<16xi32>
        %parallel_loop3A_360 = arith.constant 16 : i32
        %parallel_loop3A_361 = vector.broadcast %parallel_loop3A_360 : i32 to vector<16xi32>
        %parallel_loop3A_362 = arith.muli %parallel_loop3A_359, %parallel_loop3A_361 : vector<16xi32>
        %parallel_loop3A_363 = arith.constant 256 : i32
        %parallel_loop3A_364 = arith.muli %parallel_loop3A_191, %parallel_loop3A_363 : i32
        %parallel_loop3A_365 = arith.constant 14 : i32
        %parallel_loop3A_366 = arith.addi %parallel_loop3A_364, %parallel_loop3A_365 : i32
        %parallel_loop3A_367 = vector.broadcast %parallel_loop3A_366 : i32 to vector<16xi32>
        %parallel_loop3A_368 = arith.addi %parallel_loop3A_362, %parallel_loop3A_367 : vector<16xi32>
        %parallel_loop3A_369 = tpu.vector_load_idx %arg15[%parallel_loop3A_368] : memref<5376xf32, #tpu.memory_space<vmem>>[vector<16xi32>], vector<16xf32>,
        %parallel_loop3A_370 = arith.addf %parallel_loop3A_358, %parallel_loop3A_369 : vector<16xf32>
        %parallel_loop3A_371 = tpu.iota {dimensions = array<i32: 0>} : vector<16xi32>
        %parallel_loop3A_372 = arith.constant 16 : i32
        %parallel_loop3A_373 = vector.broadcast %parallel_loop3A_372 : i32 to vector<16xi32>
        %parallel_loop3A_374 = arith.muli %parallel_loop3A_371, %parallel_loop3A_373 : vector<16xi32>
        %parallel_loop3A_375 = arith.constant 256 : i32
        %parallel_loop3A_376 = arith.muli %parallel_loop3A_191, %parallel_loop3A_375 : i32
        %parallel_loop3A_377 = arith.constant 15 : i32
        %parallel_loop3A_378 = arith.addi %parallel_loop3A_376, %parallel_loop3A_377 : i32
        %parallel_loop3A_379 = vector.broadcast %parallel_loop3A_378 : i32 to vector<16xi32>
        %parallel_loop3A_380 = arith.addi %parallel_loop3A_374, %parallel_loop3A_379 : vector<16xi32>
        %parallel_loop3A_381 = tpu.vector_load_idx %arg15[%parallel_loop3A_380] : memref<5376xf32, #tpu.memory_space<vmem>>[vector<16xi32>], vector<16xf32>,
        %parallel_loop3A_382 = arith.addf %parallel_loop3A_370, %parallel_loop3A_381 : vector<16xf32>
        %parallel_loop3A_383 = arith.constant 16 : i32
        %parallel_loop3A_384 = arith.muli %parallel_loop3A_191, %parallel_loop3A_383 : i32
        %parallel_loop3A_385 = arith.index_cast %parallel_loop3A_384 : i32 to index
        %parallel_loop3A_386 = tpu.vector_load %arg17[%parallel_loop3A_385] {strides = array<i32>} : memref<336xf32, #tpu.memory_space<vmem>>, vector<16xf32>,
        tpu.vector_store %arg17[%parallel_loop3A_385], %parallel_loop3A_382 {strides = array<i32>} : memref<336xf32, #tpu.memory_space<vmem>>, vector<16xf32>,
      } {sc.loop_unroll_factor = 2 : i64, sc.parallel_access}
      %mul3A_187 = arith.constant 21 : i32
      %mul3A_188 = arith.muli %add3A_175, %mul3A_187 : i32
      %dma_start3A_189 = tpu.memref_slice %arg6[%mul3A_188] : memref<344064xf32, #tpu.memory_space<hbm>> -> memref<336xf32, #tpu.memory_space<hbm>>
      %dma_start3A_190 = tpu.memref_slice %arg6[%mul3A_188] : memref<344064xf32, #tpu.memory_space<hbm>> -> memref<336xf32, #tpu.memory_space<hbm>>
      tpu.enqueue_dma source(%arg17 : memref<336xf32, #tpu.memory_space<vmem>>) target(%dma_start3A_190 : memref<336xf32, #tpu.memory_space<hbm>>) target_semaphore(%arg23 : memref<!tpu.dma_semaphore, #tpu.memory_space<semaphore_mem>>)
    }
    %scan3A_36 = arith.constant 16 : i32
    %mul3A_37 = arith.constant 512 : i32
    %mul3A_38 = arith.muli %add3A, %mul3A_37 : i32
    %add3A_39 = arith.constant 480 : i32
    %add3A_40 = arith.addi %mul3A_38, %add3A_39 : i32
    %mul3A_41 = arith.constant 21 : i32
    %mul3A_42 = arith.muli %add3A_40, %mul3A_41 : i32
    %dma_wait3A = tpu.memref_slice %arg6[%mul3A_42] : memref<344064xf32, #tpu.memory_space<hbm>> -> memref<336xf32, #tpu.memory_space<hbm>>
    %dma_wait3A_43 = tpu.memref_slice %arg6[%mul3A_42] : memref<344064xf32, #tpu.memory_space<hbm>> -> memref<336xf32, #tpu.memory_space<hbm>>
    tpu.wait_dma2 semaphore(%arg22 : memref<!tpu.dma_semaphore, #tpu.memory_space<semaphore_mem>>) src(%arg16 : memref<336xf32, #tpu.memory_space<vmem>>) dst(%dma_wait3A_43 : memref<336xf32, #tpu.memory_space<hbm>>)
    %mul3A_44 = arith.constant 512 : i32
    %mul3A_45 = arith.muli %add3A, %mul3A_44 : i32
    %add3A_46 = arith.constant 496 : i32
    %add3A_47 = arith.addi %mul3A_45, %add3A_46 : i32
    %mul3A_48 = arith.constant 21 : i32
    %mul3A_49 = arith.muli %add3A_47, %mul3A_48 : i32
    %dma_wait3A_50 = tpu.memref_slice %arg6[%mul3A_49] : memref<344064xf32, #tpu.memory_space<hbm>> -> memref<336xf32, #tpu.memory_space<hbm>>
    %dma_wait3A_51 = tpu.memref_slice %arg6[%mul3A_49] : memref<344064xf32, #tpu.memory_space<hbm>> -> memref<336xf32, #tpu.memory_space<hbm>>
    tpu.wait_dma2 semaphore(%arg23 : memref<!tpu.dma_semaphore, #tpu.memory_space<semaphore_mem>>) src(%arg17 : memref<336xf32, #tpu.memory_space<vmem>>) dst(%dma_wait3A_51 : memref<336xf32, #tpu.memory_space<hbm>>)
    return
  }
}

module attributes {stable_mosaic.version = 14 : i64} {
  func.func @_tc_loss_body(%arg0: memref<2688x128xf32, #tpu.memory_space<vmem>>, %arg1: memref<1x1xf32, #tpu.memory_space<smem>>) attributes {dimension_semantics = [], scalar_prefetch = 0 : i64, scratch_operands = 0 : i64, tpu.core_type = #tpu.core_type<tc>} {
    %get3A = arith.constant 0 : index
    %get3A_0 = arith.constant 0 : index
    %get3A_1 = vector.load %arg0[%get3A, %get3A_0] : memref<2688x128xf32, #tpu.memory_space<vmem>>, vector<2688x128xf32>
    %iota3A = tpu.iota {dimensions = array<i32: 0>} : vector<2688x128xi32>
    %iota3A_2 = tpu.iota {dimensions = array<i32: 1>} : vector<2688x128xi32>
    %mul3A = arith.constant 128 : i32
    %mul3A_3 = vector.broadcast %mul3A : i32 to vector<2688x128xi32>
    %mul3A_4 = arith.muli %iota3A, %mul3A_3 : vector<2688x128xi32>
    %add3A = arith.addi %mul3A_4, %iota3A_2 : vector<2688x128xi32>
    %jit3A = arith.constant 21 : i32
    %eq3A = arith.constant 0 : i32
    %eq3A_5 = arith.cmpi eq, %jit3A, %eq3A : i32
    %jit3A_6 = arith.constant 1 : i32
    %select_n3A = arith.select %eq3A_5, %jit3A_6, %jit3A : i32
    %rem3A = vector.broadcast %select_n3A : i32 to vector<2688x128xi32>
    %rem3A_7 = arith.remsi %add3A, %rem3A : vector<2688x128xi32>
    %ne3A = arith.constant 0 : i32
    %ne3A_8 = vector.broadcast %ne3A : i32 to vector<2688x128xi32>
    %ne3A_9 = arith.cmpi ne, %rem3A_7, %ne3A_8 : vector<2688x128xi32>
    %lt3A = arith.constant 0 : i32
    %lt3A_10 = vector.broadcast %lt3A : i32 to vector<2688x128xi32>
    %lt3A_11 = arith.cmpi slt, %rem3A_7, %lt3A_10 : vector<2688x128xi32>
    %lt3A_12 = arith.constant 0 : i32
    %lt3A_13 = arith.cmpi slt, %select_n3A, %lt3A_12 : i32
    %ne3A_14 = vector.broadcast %lt3A_13 : i1 to vector<2688x128xi1>
    %ne3A_15 = vector.broadcast %ne3A_14 : vector<2688x128xi1> to vector<2688x128xi1>
    %ne3A_16 = arith.xori %lt3A_11, %ne3A_15 : vector<2688x128xi1>
    %and3A = arith.andi %ne3A_16, %ne3A_9 : vector<2688x128xi1>
    %add3A_17 = vector.broadcast %select_n3A : i32 to vector<2688x128xi32>
    %add3A_18 = arith.addi %rem3A_7, %add3A_17 : vector<2688x128xi32>
    %select_n3A_19 = arith.select %and3A, %add3A_18, %rem3A_7 : vector<2688x128xi1>, vector<2688x128xi32>
    %eq3A_20 = arith.constant 0 : i32
    %eq3A_21 = vector.broadcast %eq3A_20 : i32 to vector<2688x128xi32>
    %eq3A_22 = arith.cmpi eq, %select_n3A_19, %eq3A_21 : vector<2688x128xi32>
    %neg3A = arith.constant 0.000000e+00 : f32
    %neg3A_23 = vector.broadcast %neg3A : f32 to vector<2688x128xf32>
    %neg3A_24 = arith.subf %neg3A_23, %get3A_1 : vector<2688x128xf32>
    %select_n3A_25 = arith.select %eq3A_22, %get3A_1, %neg3A_24 : vector<2688x128xi1>, vector<2688x128xf32>
    %logistic3A = arith.negf %select_n3A_25 : vector<2688x128xf32>
    %logistic3A_26 = math.exp %logistic3A : vector<2688x128xf32>
    %logistic3A_27 = arith.constant 1.000000e+00 : f32
    %logistic3A_28 = vector.broadcast %logistic3A_27 : f32 to vector<2688x128xf32>
    %logistic3A_29 = arith.addf %logistic3A_28, %logistic3A_26 : vector<2688x128xf32>
    %logistic3A_30 = arith.divf %logistic3A_28, %logistic3A_29 : vector<2688x128xf32>
    %add3A_31 = arith.constant 1.000000e-10 : f32
    %add3A_32 = vector.broadcast %add3A_31 : f32 to vector<2688x128xf32>
    %add3A_33 = arith.addf %logistic3A_30, %add3A_32 : vector<2688x128xf32>
    %log3A = math.log %add3A_33 : vector<2688x128xf32>
    %reduce_sum3A = vector.shape_cast %log3A : vector<2688x128xf32> to vector<1x2688x128xf32>
    %reduce_sum3A_34 = arith.constant dense<0.000000e+00> : vector<1xf32>
    %reduce_sum3A_35 = vector.multi_reduction <add>, %reduce_sum3A, %reduce_sum3A_34 [1, 2] : vector<1x2688x128xf32> to vector<1xf32>
    %reduce_sum3A_36 = vector.shape_cast %reduce_sum3A_35 : vector<1xf32> to vector<1x1x1xf32>
    %reduce_sum3A_37 = vector.extract %reduce_sum3A_36[0, 0, 0] : f32 from vector<1x1x1xf32>
    %neg3A_38 = arith.constant 0.000000e+00 : f32
    %neg3A_39 = arith.subf %neg3A_38, %reduce_sum3A_37 : f32
    %div3A = arith.constant 1.638400e+04 : f32
    %div3A_40 = arith.divf %neg3A_39, %div3A : f32
    %swap3A = arith.constant 0 : index
    %swap3A_41 = arith.constant 0 : index
    %swap3A_42 = memref.load %arg1[%swap3A, %swap3A_41] : memref<1x1xf32, #tpu.memory_space<smem>>
    memref.store %div3A_40, %arg1[%swap3A, %swap3A_41] : memref<1x1xf32, #tpu.memory_space<smem>>
    return
  }
}

</mosaic_0001>

<sc_bundles>
// kernel: kernel.4.cloned.1.call-start
scs
__scs_entry_jumppad:
0x0: {  	(pc) =	sbr.rel $0x88, $3  }
0x1: {  	(tag) =	ssettag $0x0;
	lr =	simm.s32 $0x1  }
0x2: {  	[smem:$0x3F9C] =	sst lr;
	_ =	strace $0xD0000000  }
0x3: {  	_ = 	snop  }
0x4: {  	_ = 	snop  }
0x5: {  	_ = 	snop  }
0x6: {  	_ = 	snop  }
0x7: {  	_ = 	snop  }
__scs_overlays_trampoline_lowered:
0x8: {  	[smem:$0x3FAB] =	sst s0  }
0x9: {  	[smem:$0x3FAC] =	sst s1  }
0xa: {  	[smem:$0x3FAD] =	sst s2  }
0xb: {  	[smem:$0x3FAE] =	sst s3  }
0xc: {  	[smem:$0x3FAF] =	sst s4  }
0xd: {  	[smem:$0x3FB0] =	sst s5  }
0xe: {  	[smem:$0x3FB1] =	sst s6  }
0xf: {  	[smem:$0x3FB2] =	sst s7  }
0x10: {  	[smem:$0x3FB3] =	sst s8  }
0x11: {  	[smem:$0x3FB4] =	sst s9;
	s0 =	simm.s32 @!p0 $0x0  }
0x12: {  	s1 =	sld [smem:$0x3F9A];
	s0 =	simm.s32 @p0 $0x1  }
0x13: {  	[smem:$0x3FB5] =	sst s0;
	s0 =	simm.s32 @!p1 $0x0  }
0x14: {  	s2 =	sld [smem:$0x3F99];
	s0 =	simm.s32 @p1 $0x1  }
0x15: {  	[smem:$0x3FB6] =	sst s0;
	s0 =	simm.s32 @!p2 $0x0  }
0x16: {  	s3 =	sld [smem:$0x3FDB];
	s0 =	simm.s32 @p2 $0x1  }
0x17: {  	s4 =	simm.s32 $0x1BF5;
	[smem:$0x3FB8] =	sst s0  }
0x18: {  	s0 =	sld [smem:$0x3F9B];
	_ =	swait.ge [sflag:s4], $0x0  }
0x19: {  	s7 =	sld [smem:$0x3F9C]  }
0x1a: {  	s8 =	sadd.s32 $0xFFFFE003, lr  }
0x1b: {  	s9 =	sadd.s32 $0xFFFFFEF7, lr;
	s5 =	simm.s32 $0xFFFFFFFF;
	p2 =	slt.u32 s8, $0xFFFFF086  }
0x1c: {  	p1 =	slt.u32 s9, $0xF7A;
	s5 =	simm.s32 @!p2 $0x0  }
0x1d: {  	s5 =	simm.s32 @p1 $0x1;
	p0 =	seq.s32 s7, s2  }
0x1e: {  	s7 =	smul.u32 @!p0 $0xF7A, s2;
	p2 =	seq.s32 @!p0 s5, $0x0  }
0x1f: {  	s9 =	smul.u32 $0xF7A, s1;
	s8 =	simm.s32 @!p0 $0x1BF5;
	p2 =	por !p2, p0  }
0x20: {  	[sflag:s8] =	ssyncset.s32 @!p0 $0xFFFFF086;
	s6 =	sadd.s32 @!p0 s3, s7;
	s7 =	simm.s32 @!p0 $0x108  }
0x21: {  	s3 =	sadd.s32 s3, s9;
	s6 =	sadd.s32 @!p0 $0x88, s6;
	s7 =	simm.s32 @p2 $0x1082  }
0x22: {  	[simem:s7], [sflag:s8] =	dma.local @!p0 [hbm:s6], $0xF7A  }
0x23: {  	s9 =	sor.u32 $0xD0000000, s2;
	s6 =	simm.s32 $0x108;
	_ =	swait.ge @!p0 [sflag:s8], $0x0  }
0x24: {  	s3 =	sadd.s32 $0x88, s3;
	s6 =	simm.s32 @!p1 $0x1082;
	[sflag:s4] =	ssyncset.s32 $0xFFFFF086  }
0x25: {  	[simem:s6], [sflag:s4] =	dma.local [hbm:s3], $0xF7A  }
0x26: {  	[smem:$0x3F9C] =	sst s1;
	(tag) =	ssettag s2;
	_ =	strace s9  }
0x27: {  	s1 =	sld [smem:$0x3FAC]  }
0x28: {  	s2 =	sld [smem:$0x3FAD]  }
0x29: {  	s4 =	sld [smem:$0x3FAF]  }
0x2a: {  	p0 =	seq.s32 s5, $0x0;
	s5 =	sld [smem:$0x3FB0]  }
0x2b: {  	s6 =	sld [smem:$0x3FB1]  }
0x2c: {  	s7 =	sld [smem:$0x3FB2]  }
0x2d: {  	s3 =	simm.s32 $0x108;
	s8 =	sld [smem:$0x3FB3]  }
0x2e: {  	s3 =	simm.s32 @!p0 $0x1082;
	s9 =	sld [smem:$0x3FB4]  }
0x2f: {  	lr =	sadd.s32 s0, s3;
	s0 =	sld [smem:$0x3FAB]  }
0x30: {  	s3 =	sld [smem:$0x3FAE]  }
0x31: {  	[smem:$0x3FB7] =	sst s10  }
0x32: {  	s10 =	sld [smem:$0x3FB5];
	_ =	sdelay $0x3  }
0x33: {  	p0 =	seq.s32 s10, $0x1;
	s10 =	sld [smem:$0x3FB7];
	_ =	sdelay $0x3  }
0x34: {  	[smem:$0x3FB7] =	sst s10  }
0x35: {  	s10 =	sld [smem:$0x3FB6];
	_ =	sdelay $0x3  }
0x36: {  	p1 =	seq.s32 s10, $0x1;
	s10 =	sld [smem:$0x3FB7];
	_ =	sdelay $0x3  }
0x37: {  	[smem:$0x3FB7] =	sst s10  }
0x38: {  	s10 =	sld [smem:$0x3FB8]  }
0x39: {  	_ = 	snop;
	(pc) =	sbr.ind lr, $3  }
0x3a: {  	_ = 	snop  }
0x3b: {  	_ = 	snop  }
0x3c: {  	p2 =	seq.s32 s10, $0x1;
	s10 =	sld [smem:$0x3FB7]  }
0x3d: {  	_ =	shalt  }
0x3e: {  	_ =	shalt  }
0x3f: {  	_ =	shalt  }
0x40: {  	_ =	shalt  }
0x41: {  	_ =	shalt  }
0x42: {  	_ =	shalt  }
0x43: {  	_ =	shalt  }
0x44: {  	_ =	shalt  }
0x45: {  	_ =	shalt  }
0x46: {  	_ =	shalt  }
0x47: {  	_ =	shalt  }
0x48: {  	_ =	shalt  }
0x49: {  	_ =	shalt  }
0x4a: {  	_ =	shalt  }
0x4b: {  	_ =	shalt  }
0x4c: {  	_ =	shalt  }
0x4d: {  	_ =	shalt  }
0x4e: {  	_ =	shalt  }
0x4f: {  	_ =	shalt  }
0x50: {  	_ =	shalt  }
0x51: {  	_ =	shalt  }
0x52: {  	_ =	shalt  }
0x53: {  	_ =	shalt  }
0x54: {  	_ =	shalt  }
0x55: {  	_ =	shalt  }
0x56: {  	_ =	shalt  }
0x57: {  	_ =	shalt  }
0x58: {  	_ =	shalt  }
0x59: {  	_ =	shalt  }
0x5a: {  	_ =	shalt  }
0x5b: {  	_ =	shalt  }
0x5c: {  	_ =	shalt  }
0x5d: {  	_ =	shalt  }
0x5e: {  	_ =	shalt  }
0x5f: {  	_ =	shalt  }
0x60: {  	_ =	shalt  }
0x61: {  	_ =	shalt  }
0x62: {  	_ =	shalt  }
0x63: {  	_ =	shalt  }
0x64: {  	_ =	shalt  }
0x65: {  	_ =	shalt  }
0x66: {  	_ =	shalt  }
0x67: {  	_ =	shalt  }
0x68: {  	_ =	shalt  }
0x69: {  	_ =	shalt  }
0x6a: {  	_ =	shalt  }
0x6b: {  	_ =	shalt  }
0x6c: {  	_ =	shalt  }
0x6d: {  	_ =	shalt  }
0x6e: {  	_ =	shalt  }
0x6f: {  	_ =	shalt  }
0x70: {  	_ =	shalt  }
0x71: {  	_ =	shalt  }
0x72: {  	_ =	shalt  }
0x73: {  	_ =	shalt  }
0x74: {  	_ =	shalt  }
0x75: {  	_ =	shalt  }
0x76: {  	_ =	shalt  }
0x77: {  	_ =	shalt  }
0x78: {  	_ =	shalt  }
0x79: {  	_ =	shalt  }
0x7a: {  	_ =	shalt  }
0x7b: {  	_ =	shalt  }
0x7c: {  	_ =	shalt  }
0x7d: {  	_ =	shalt  }
0x7e: {  	_ =	shalt  }
0x7f: {  	_ =	shalt  }
0x80: {  	_ =	shalt  }
0x81: {  	_ =	shalt  }
0x82: {  	_ =	shalt  }
0x83: {  	_ =	shalt  }
0x84: {  	_ =	shalt  }
0x85: {  	_ =	shalt  }
0x86: {  	_ =	shalt  }
0x87: {  	_ =	shalt  }
.Lfunc_end0:
.L_simem_size_0:
called_computation_lowered:
.L_overlay_start_0:
0x88: {  	s2 =	sld [smem:$0x3FD9]  }
0x89: {  	s3 =	sld [smem:$0x3FFE];
	_ =	sdelay $0x1  }
0x8a: {  	s1 =	srdreg.scid  }
0x8b: {  	s0 =	sand.u32 $0x1, s1  }
0x8c: {  	s17 =	sshll.u32 s0, $0xA;
	s2 =	sadd.s32 s3, s2  }
0x8d: {  	s2 =	sadd.s32 s2, s17  }
0x8e: {  	[smem:$0x3FC3] =	sst s2  }
0x8f: {  	_ = 	snop  }
0x90: {  	s2 =	sld [smem:$0x3FC9]  }
0x91: {  	s18 =	sld [smem:$0x3FC6]  }
0x92: {  	s4 =	sld [smem:$0x3FC5];
	(tm) =	ssettm $0x1  }
0x93: {  	s5 =	sld [smem:$0x3FFB];
	_ =	sdelay $0x3  }
0x94: {  	_ =	strace s5  }
0x95: {  	s5 =	sld [smem:$0x3FFC];
	_ =	sdelay $0x3  }
0x96: {  	_ =	strace s5  }
0x97: {  	s5 =	sld [smem:$0x3FFD];
	_ =	sdelay $0x3  }
0x98: {  	_ =	strace s5  }
0x99: {  	_ =	strace $0x8FFFFFFF  }
0x9a: {  	s19 =	sld [smem:$0x3FDB];
	_ =	sdelay $0x1  }
0x9b: {  	s6 =	simm.s32 $_scs_section_size  }
0x9c: {  	s7 =	simm.s32 $_size__tile_overlayer_lowered;
	s8 =	simm.s32 $_tile_overlayer_lowered  }
0x9d: {  	s22 =	simm.s32 $0x1BFF;
	s21 =	sshll.u32 s8, $0x1;
	s5 =	sadd.s32 s6, s19  }
0x9e: {  	s9 =	simm.s32 $0x0;
	s20 =	sshll.u32 s7, $0x1;
	s7 =	sadd.s32 s21, s5  }
0x9f: {  	[timem:s9], [sflag:s22] =	dma.local [hbm:s7], s20  }
0xa0: {  	_ =	swait.ge [sflag:s22], s20  }
0xa1: {  	s6 =	ssub.s32 $0x0, s20;
	[sflag:s22] =	ssyncset.done $0x0  }
0xa2: {  	[sflag:s22] =	ssyncadd.s32 s6;
	_ =	sdelay $0x1  }
0xa3: {  	s23 =	simm.s32 $0x1B8B  }
0xa4: {  	_ =	swait.ge [sflag:s23], $0x1  }
0xa5: {  	[sflag:s23] =	ssyncset.done $0x0  }
0xa6: {  	s25 =	simm.s32 $0x1B8E;
	s24 =	sld [smem:$0x3FFE];
	[sflag:s23] =	ssyncadd.s32 $0xFFFFFFFF  }
0xa7: {  	s26 =	simm.s32 $execute0_lowered;
	[smem:$0x3FD2] =	sst s25  }
0xa8: {  	s7 =	sshll.u32 s26, $0x1;
	_ =	strace $0x80000046;
	[dreg:$0x1] =	wrdreg $0xFFFFFFFF  }
0xa9: {  	s28 =	simm.s32 $_size_execute0_lowered;
	s5 =	sadd.s32 s5, s7;
	[dreg:$0x0] =	wrdreg $0x0  }
0xaa: {  	s7 =	sshll.u32 s28, $0x1;
	[dreg:$0x2] =	wrdreg s5  }
0xab: {  	[dreg:$0x3] =	wrdreg s7  }
0xac: {  	[dreg:$0x4] =	wrdreg $0xC0  }
0xad: {  	_ =	task [dreg:s9], $0x5FFFF  }
0xae: {  	[dreg:$0x1] =	wrdreg $0xFFFFFFFF  }
0xaf: {  	[dreg:$0x0] =	wrdreg $0x60  }
0xb0: {  	[dreg:$0x2] =	wrdreg s18  }
0xb1: {  	[dreg:$0x3] =	wrdreg s4  }
0xb2: {  	[dreg:$0x4] =	wrdreg s2  }
0xb3: {  	[dreg:$0x5] =	wrdreg s24  }
0xb4: {  	[dreg:$0x6] =	wrdreg $0x9  }
0xb5: {  	_ =	task.clear_ibuf [dreg:s9], $0x7FFFF;
	_ =	strace $0x90000046  }
0xb6: {  	s29 =	simm.s32 $0x9;
	_ =	strace $0x80000048  }
0xb7: {  	_ =	swait.ge [sflag:s29], $0x1  }
0xb8: {  	[sflag:s29] =	ssyncadd.s32 $0xFFFFFFFF  }
0xb9: {  	_ =	strace $0x90000048  }
0xba: {  	_ =	sfence  }
0xbb: {  	s30 =	sld [smem:$0x0];
	_ =	sdelay $0x2  }
0xbc: {  	s31 =	sshll.u32 s1, $0xD;
	s1 =	sshrl.u32 s1, $0x2  }
0xbd: {  	s3 =	sand.u32 $0x4000, s31;
	s1 =	sadd.s32 s1, s30  }
0xbe: {  	s0 =	sor.u32 s3, s0;
	s1 =	sshll.u32 s1, $0x11  }
0xbf: {  	s0 =	sor.u32 s1, s0  }
0xc0: {  	s0 =	sadd.s32 $0x8F2B, s0  }
0xc1: {  	[sflag:s0] =	ssyncadd.remote.s32 $0x1  }
0xc2: {  	_ =	sfence.sel $0xFFFF  }
0xc3: {  	[dreg:$0x0] =	wrdreg $0xFFFFFFFF;
	(pc) =	sbr.abs _section_cstart, $3  }
0xc4: {  	[dreg:$0x1] =	wrdreg $0xFFFFFFFF  }
0xc5: {  	_ =	task.clear_ibuf [dreg:s9], $0x2FFFF;
	_ =	strace $0x9FFFFFFF  }
0xc6: {  	(tm) =	ssettm $0x7FFFFFFF  }
0xc7: {  	_ =	shalt  }
tec
execute0_lowered:
.L_overlay_start_1:
0x0: {  	(tag) =	ssettag $0x1  }
0x1: {  	s1 =	rddreg [dreg:$0x0]  }
0x2: {  	s2 =	rddreg [dreg:$0x1]  }
0x3: {  	s30 =	rddreg [dreg:$0x2]  }
0x4: {  	s0 =	rddreg [dreg:$0x3];
	s5 =	simm.s32 $0x0;
	s4 =	srdreg.scid  }
0x5: {  	s3 =	stileid.u32;
	v0 =	vlaneseq.u32;
	s14 =	simm.s32 $0x7;
	s16 =	simm.s32 $0x10  }
0x6: {  	s18 =	simm.s32 $0x80;
	s25 =	simm.s32 $0x170;
	s17 =	simm.s32 $0x3;
	v0 =	vmul.u32 $0x10, v0  }
0x7: {  	s19 =	simm.s32 $0x162C0;
	s4 =	sand.u32 $0x1, s4;
	s7 =	sshll.u32 s3, $0x1  }
0x8: {  	s6 =	sadd.s32 $0x600, s0;
	s8 =	ssub.s32 $0x2, s4;
	s4 =	sor.u32 s4, s7;
	v1 =	vor.u32 $0x1, v0;
	v2 =	vor.u32 $0x2, v0  }
0x9: {  	s7 =	sadd.s32 $0xAE00, s0;
	s26 =	sshrl.u32 s8, $0x1;
	s9 =	smul.u32 $0x540, s4;
	v3 =	vor.u32 $0x3, v0;
	v4 =	vor.u32 $0x4, v0;
	v5 =	vor.u32 $0x5, v0  }
0xa: {  	v6 =	vor.u32 $0x6, v0;
	v7 =	vor.u32 $0x7, v0;
	v8 =	vor.u32 $0x1400, v0;
	s0 =	ssub.s32 s8, s26;
	s8 =	sshll.u32 s4, $0x9;
	s4 =	sshll.u32 s4, $0x6  }
0xb: {  	s21 =	simm.s32 $0x2;
	[smem:$0x7FF] =	sst s5;
	v9 =	vor.u32 $0x1401, v0;
	v10 =	vor.u32 $0x1402, v0;
	v11 =	vor.u32 $0x1403, v0;
	s28 =	sadd.s32 s30, s4  }
0xc: {  	_ =	strace $0x80000047;
	v12 =	vor.u32 $0x1404, v0;
	v13 =	vor.u32 $0x1405, v0;
	v14 =	vor.u32 $0x1406, v0;
	s29 =	sadd.s32 s6, s9;
	[dreg:$0x5] =	wrdreg s28  }
0xd: {  	s23 =	simm.s32 $0x4;
	v15 =	vor.u32 $0x1407, v0;
	v16 =	vor.u32 $0x1408, v0;
	v17 =	vor.u32 $0x1409, v0;
	s31 =	sor.u32 $0x20, s8;
	[dreg:$0x6] =	wrdreg s29  }
0xe: {  	v18 =	vor.u32 $0x140A, v0;
	v19 =	vor.u32 $0x140B, v0;
	v20 =	vor.u32 $0x140C, v0;
	s0 =	smax.u32 s0, $0x1;
	s13 =	sor.u32 $0x10, s8;
	[dreg:$0x7] =	wrdreg s31  }
0xf: {  	v21 =	vor.u32 $0x140D, v0;
	v22 =	vor.u32 $0x140E, v0;
	v23 =	vor.u32 $0x140F, v0;
	s4 =	simm.s32 $0x1;
	s9 =	simm.s32 $0x0;
	[dreg:$0x8] =	wrdreg s0  }
.LBB2_1:
0x10: {  	[dreg:$0x9] =	wrdreg s9  }
0x11: {  	s0 =	rddreg [dreg:$0x5]  }
0x12: {  	[tilespmem:s5], [sflag:$0x7] =	stream.linear.gather [hbm4b:s0+s5], $0x10, $0x38;
	[tilespmem:$0x17A60] =	vst v63  }
0x13: {  	_ =	swait.ge [sflag:s14], $0x10  }
0x14: {  	[sflag:s14] =	ssyncset.done $0x0  }
0x15: {  	s3 =	simm.s32 $0x20;
	s15 =	rddreg [dreg:$0x6];
	[sflag:s14] =	ssyncadd.s32 $0xFFFFFFF0  }
0x16: {  	[tilespmem:s3], [sflag:$0x7] =	stream.linear.gather [hbm4b:s15+s5], $0x150, $0x38;
	[tilespmem:$0x17A60] =	vst v63  }
0x17: {  	_ =	swait.ge [sflag:s14], $0x150  }
0x18: {  	[sflag:s14] =	ssyncset.done $0x0  }
0x19: {  	s20 =	simm.s32 $0x2C0;
	[sflag:s14] =	ssyncadd.s32 $0xFFFFFEB0  }
0x1a: {  	[tilespmem:s20], [sflag:$0x1] =	stream.indirect.gather [hbm4b:s1+s16], $0x80, s5, s16, $0xb8;
	[tilespmem:$0x17A60] =	vst v63  }
0x1b: {  	s22 =	simm.s32 $0x12C0  }
0x1c: {  	[tilespmem:s22], [sflag:$0x3] =	stream.indirect.gather [hbm4b:s2+s18], $0x80, s3, s18, $0xb8;
	[tilespmem:$0x17A60] =	vst v63  }
0x1d: {  	s24 =	simm.s32 $0xA0;
	s26 =	simm.s32 $0x52C0;
	s28 =	simm.s32 $0x50  }
0x1e: {  	[tilespmem:s26], [sflag:$0x3] =	stream.indirect.gather [hbm4b:s2+s18], $0x80, s24, s18, $0xb8;
	[tilespmem:$0x17A60] =	vst v63  }
0x1f: {  	s29 =	simm.s32 $0x120;
	s31 =	simm.s32 $0x92C0;
	s12 =	simm.s32 $0x0  }
0x20: {  	[tilespmem:s31], [sflag:$0x3] =	stream.indirect.gather [hbm4b:s2+s28], $0x80, s29, s28, $0xb8;
	[tilespmem:$0x17A60] =	vst v63  }
.LBB2_2:
0x21: {  	s9 =	sshll.u32 s12, $0x5  }
0x22: {  	s15 =	sor.u32 s13, s9  }
0x23: {  	s10 =	sshrl.u32 s15, $0x3  }
0x24: {  	s15 =	smul.u32 $0x15, s15;
	s26 =	sadd.s32 s30, s10;
	s10 =	simm.s32 $0x0  }
0x25: {  	[tilespmem:s16], [sflag:$0x7] =	stream.linear.gather [hbm4b:s26+s10], $0x10, $0x38;
	[tilespmem:$0x17A60] =	vst v63  }
0x26: {  	_ =	swait.ge [sflag:s14], $0x10  }
0x27: {  	s15 =	sshrl.u32 s15, $0x3;
	[sflag:s14] =	ssyncset.done $0x0  }
0x28: {  	s24 =	sadd.s32 s6, s15;
	[sflag:s14] =	ssyncadd.s32 $0xFFFFFFF0  }
0x29: {  	[tilespmem:s25], [sflag:$0x7] =	stream.linear.gather [hbm4b:s24+s10], $0x150, $0x38;
	[tilespmem:$0x17A60] =	vst v63  }
0x2a: {  	_ =	swait.ge [sflag:s14], $0x150  }
0x2b: {  	[sflag:s14] =	ssyncset.done $0x0  }
0x2c: {  	s0 =	simm.s32 $0xAC0;
	[sflag:s14] =	ssyncadd.s32 $0xFFFFFEB0  }
0x2d: {  	[tilespmem:s0], [sflag:$0x2] =	stream.indirect.gather [hbm4b:s1+s16], $0x80, s16, s16, $0xb8;
	[tilespmem:$0x17A60] =	vst v63  }
0x2e: {  	s28 =	simm.s32 $0xBAC0  }
0x2f: {  	[tilespmem:s28], [sflag:$0x4] =	stream.indirect.gather [hbm4b:s2+s18], $0x80, s25, s18, $0xb8;
	[tilespmem:$0x17A60] =	vst v63  }
0x30: {  	s11 =	smov.u32 s30;
	s29 =	simm.s32 $0x1F0;
	s3 =	simm.s32 $0xFAC0  }
0x31: {  	[tilespmem:s3], [sflag:$0x4] =	stream.indirect.gather [hbm4b:s2+s18], $0x80, s29, s18, $0xb8;
	[tilespmem:$0x17A60] =	vst v63  }
0x32: {  	s31 =	simm.s32 $0x270;
	s20 =	simm.s32 $0x13AC0;
	s30 =	simm.s32 $0x50  }
0x33: {  	[tilespmem:s20], [sflag:$0x4] =	stream.indirect.gather [hbm4b:s2+s30], $0x80, s31, s30, $0xb8;
	[tilespmem:$0x17A60] =	vst v63  }
0x34: {  	_ =	swait.ge [sflag:s4], $0x800  }
0x35: {  	[sflag:s4] =	ssyncset.done $0x0  }
0x36: {  	[sflag:s4] =	ssyncadd.s32 $0xFFFFF800  }
0x37: {  	_ =	swait.ge [sflag:s17], $0x4000  }
0x38: {  	[sflag:s17] =	ssyncset.done $0x0  }
0x39: {  	[sflag:s17] =	ssyncadd.s32 $0xFFFFC000  }
0x3a: {  	_ =	swait.ge [sflag:s17], $0x4000  }
0x3b: {  	[sflag:s17] =	ssyncset.done $0x0  }
0x3c: {  	[sflag:s17] =	ssyncadd.s32 $0xFFFFC000  }
0x3d: {  	_ =	swait.ge [sflag:s17], $0x2800  }
0x3e: {  	[sflag:s17] =	ssyncset.done $0x0  }
0x3f: {  	[sflag:s17] =	ssyncadd.s32 $0xFFFFD800  }
.LBB2_3:
0x40: {  	s26 =	sshll.u32 s10, $0x7  }
0x41: {  	s26 =	sand.u32 $0x3FFFFF80, s26  }
0x42: {  	v30 =	vld [tilespmem:s26+$0x2C0]  }
0x43: {  	v31 =	vld [tilespmem:s26+$0x2D0]  }
0x44: {  	v29 =	vld [tilespmem:s26+$0x2E0]  }
0x45: {  	v28 =	vld [tilespmem:s26+$0x2F0]  }
0x46: {  	v27 =	vld [tilespmem:s26+$0x300]  }
0x47: {  	s28 =	smul.u32 $0x2A00, s10;
	v26 =	vld [tilespmem:s26+$0x310]  }
0x48: {  	v25 =	vld [tilespmem:s26+$0x320]  }
0x49: {  	v24 =	vld [tilespmem:s26+$0x330];
	s31 =	sshra.s32 s28, $0x2  }
0x4a: {  	v32 =	vld [tilespmem:s31+$0x12C0]  }
0x4b: {  	v33 =	vld [tilespmem:s31+$0x12D0]  }
0x4c: {  	v35 =	vld [tilespmem:s31+$0x12E0]  }
0x4d: {  	v37 =	vld [tilespmem:s31+$0x12F0]  }
0x4e: {  	v40 =	vld [tilespmem:s31+$0x1300]  }
0x4f: {  	s29 =	sor.u32 $0x1, s10;
	v41 =	vld [tilespmem:s31+$0x1310]  }
0x50: {  	s0 =	sshll.u32 s29, $0x7;
	v42 =	vld [tilespmem:s31+$0x1320]  }
0x51: {  	s20 =	smul.u32 $0x2A00, s29;
	s3 =	sand.u32 $0x3FFFFF80, s0;
	v43 =	vld [tilespmem:s31+$0x1330]  }
0x52: {  	v38 =	vld [tilespmem:s3+$0x2C0]  }
0x53: {  	v39 =	vld [tilespmem:s3+$0x2D0];
	s28 =	sshra.s32 s20, $0x2  }
0x54: {  	v44 =	vld [tilespmem:s28+$0x12C0]  }
0x55: {  	v45 =	vld [tilespmem:s28+$0x12D0]  }
0x56: {  	v36 =	vld [tilespmem:s3+$0x2E0]  }
0x57: {  	v46 =	vld [tilespmem:s28+$0x12E0];
	v32 =	vmul.f32 v32, v30;
	v33 =	vmul.f32 v33, v31  }
0x58: {  	v34 =	vld [tilespmem:s3+$0x2F0]  }
0x59: {  	v47 =	vld [tilespmem:s28+$0x12F0];
	v35 =	vmul.f32 v35, v29;
	v33 =	vadd.f32 v33, v32  }
0x5a: {  	v48 =	vld [tilespmem:s28+$0x1300];
	v44 =	vmul.f32 v44, v38;
	v45 =	vmul.f32 v45, v39  }
0x5b: {  	v37 =	vmul.f32 v37, v28;
	v32 =	vld [tilespmem:s3+$0x300];
	v35 =	vadd.f32 v35, v33  }
0x5c: {  	v61 =	vld [tilespmem:s28+$0x1310];
	v60 =	vmul.f32 v46, v36;
	v44 =	vadd.f32 v45, v44  }
0x5d: {  	v40 =	vmul.f32 v40, v27;
	v33 =	vld [tilespmem:s3+$0x310];
	v37 =	vadd.f32 v37, v35  }
0x5e: {  	v63 =	vld [tilespmem:s28+$0x1320];
	v62 =	vmul.f32 v47, v34;
	v44 =	vadd.f32 v60, v44  }
0x5f: {  	v41 =	vmul.f32 v41, v26;
	v35 =	vld [tilespmem:s3+$0x320];
	v40 =	vadd.f32 v40, v37  }
0x60: {  	v50 =	vld [tilespmem:s28+$0x1330];
	v44 =	vadd.f32 v62, v44;
	v48 =	vmul.f32 v48, v32  }
0x61: {  	v49 =	vmul.f32 v42, v25;
	v37 =	vld [tilespmem:s3+$0x330];
	v40 =	vadd.f32 v41, v40  }
0x62: {  	v44 =	vadd.f32 v48, v44;
	v51 =	vmul.f32 v61, v33  }
0x63: {  	s26 =	smul.u32 $0x15, s10;
	v52 =	vmul.f32 v43, v24;
	v40 =	vadd.f32 v49, v40  }
0x64: {  	s22 =	smul.u32 $0x540, s10;
	v53 =	vadd.f32 v51, v44;
	v54 =	vmul.f32 v63, v35  }
0x65: {  	s30 =	sor.u32 $0x1, s26;
	v40 =	vadd.f32 v52, v40  }
0x66: {  	s31 =	sshra.s32 s22, $0x2;
	s28 =	smul.u32 $0x15, s29;
	s0 =	sshll.u32 s30, $0x7;
	v55 =	vadd.f32 v54, v53;
	v42 =	vmul.f32 v50, v37  }
0x67: {  	s29 =	smul.u32 $0x540, s29;
	s0 =	sand.u32 $0x3FFFFF80, s0;
	[tilespmem:s31+$0x162C0] =	vst v40  }
0x68: {  	s24 =	sadd.s32 $0x1, s28;
	v41 =	vadd.f32 v42, v55;
	v40 =	vld [tilespmem:s0+$0x12C0]  }
0x69: {  	s29 =	sshra.s32 s29, $0x2;
	s20 =	sshll.u32 s24, $0x7;
	v56 =	vld [tilespmem:s0+$0x12D0]  }
0x6a: {  	s20 =	sand.u32 $0x3FFFFF00, s20;
	v57 =	vld [tilespmem:s0+$0x12E0];
	[tilespmem:s29+$0x162C0] =	vst v41  }
0x6b: {  	v41 =	vld [tilespmem:s20+$0x12C0]  }
0x6c: {  	v58 =	vld [tilespmem:s20+$0x12D0]  }
0x6d: {  	v59 =	vld [tilespmem:s0+$0x12F0]  }
0x6e: {  	v60 =	vld [tilespmem:s20+$0x12E0];
	v40 =	vmul.f32 v40, v30;
	v42 =	vmul.f32 v56, v31  }
0x6f: {  	v61 =	vld [tilespmem:s0+$0x1300]  }
0x70: {  	v63 =	vld [tilespmem:s20+$0x12F0];
	v62 =	vmul.f32 v57, v29;
	v40 =	vadd.f32 v42, v40  }
0x71: {  	v52 =	vld [tilespmem:s0+$0x1310];
	v41 =	vmul.f32 v41, v38;
	v44 =	vmul.f32 v58, v39  }
0x72: {  	v54 =	vld [tilespmem:s20+$0x1300];
	v53 =	vmul.f32 v59, v28;
	v40 =	vadd.f32 v62, v40  }
0x73: {  	v49 =	vld [tilespmem:s0+$0x1320];
	v55 =	vmul.f32 v60, v36;
	v41 =	vadd.f32 v44, v41  }
0x74: {  	v56 =	vmul.f32 v61, v27;
	v57 =	vld [tilespmem:s20+$0x1310];
	v40 =	vadd.f32 v53, v40  }
0x75: {  	v58 =	vld [tilespmem:s0+$0x1330];
	v43 =	vmul.f32 v63, v34;
	v41 =	vadd.f32 v55, v41  }
0x76: {  	v59 =	vmul.f32 v52, v26;
	v60 =	vld [tilespmem:s20+$0x1320];
	v40 =	vadd.f32 v56, v40  }
0x77: {  	v61 =	vmul.f32 v54, v32;
	v41 =	vadd.f32 v43, v41  }
0x78: {  	v63 =	vld [tilespmem:s20+$0x1330];
	v62 =	vmul.f32 v49, v25;
	v40 =	vadd.f32 v59, v40  }
0x79: {  	v46 =	vmul.f32 v57, v33;
	v41 =	vadd.f32 v61, v41  }
0x7a: {  	v47 =	vmul.f32 v58, v24;
	v40 =	vadd.f32 v62, v40  }
0x7b: {  	v48 =	vmul.f32 v60, v35;
	v41 =	vadd.f32 v46, v41  }
0x7c: {  	s29 =	sshll.u32 s30, $0x4;
	s20 =	sadd.s32 $0x2, s26;
	v40 =	vadd.f32 v47, v40  }
0x7d: {  	s0 =	sand.u32 $0x3FFFFFF0, s29;
	s30 =	sshll.u32 s20, $0x7;
	v49 =	vmul.f32 v63, v37;
	v41 =	vadd.f32 v48, v41  }
0x7e: {  	[tilespmem:s0+$0x162C0] =	vst v40;
	s0 =	sand.u32 $0x3FFFFF80, s30  }
0x7f: {  	s3 =	sshll.u32 s24, $0x4;
	v41 =	vadd.f32 v49, v41;
	s30 =	sadd.s32 $0x2, s28;
	v40 =	vld [tilespmem:s0+$0x12C0]  }
0x80: {  	s29 =	sand.u32 $0x3FFFFFE0, s3;
	v50 =	vld [tilespmem:s0+$0x12D0];
	s22 =	sshll.u32 s30, $0x7  }
0x81: {  	v51 =	vld [tilespmem:s0+$0x12E0];
	[tilespmem:s29+$0x162C0] =	vst v41;
	s24 =	sand.u32 $0x3FFFFF80, s22  }
0x82: {  	v41 =	vld [tilespmem:s24+$0x12C0]  }
0x83: {  	v52 =	vld [tilespmem:s24+$0x12D0]  }
0x84: {  	v53 =	vld [tilespmem:s0+$0x12F0]  }
0x85: {  	v54 =	vld [tilespmem:s24+$0x12E0];
	v40 =	vmul.f32 v40, v30;
	v42 =	vmul.f32 v50, v31  }
0x86: {  	v55 =	vld [tilespmem:s0+$0x1300]  }
0x87: {  	v57 =	vld [tilespmem:s24+$0x12F0];
	v56 =	vmul.f32 v51, v29;
	v40 =	vadd.f32 v42, v40  }
0x88: {  	v58 =	vld [tilespmem:s0+$0x1310];
	v41 =	vmul.f32 v41, v38;
	v44 =	vmul.f32 v52, v39  }
0x89: {  	v60 =	vld [tilespmem:s24+$0x1300];
	v59 =	vmul.f32 v53, v28;
	v40 =	vadd.f32 v56, v40  }
0x8a: {  	v61 =	vld [tilespmem:s0+$0x1320];
	v62 =	vmul.f32 v54, v36;
	v41 =	vadd.f32 v44, v41  }
0x8b: {  	v63 =	vmul.f32 v55, v27;
	v50 =	vld [tilespmem:s24+$0x1310];
	v40 =	vadd.f32 v59, v40  }
0x8c: {  	v51 =	vld [tilespmem:s0+$0x1330];
	v43 =	vmul.f32 v57, v34;
	v41 =	vadd.f32 v62, v41  }
0x8d: {  	v53 =	vld [tilespmem:s24+$0x1320];
	v52 =	vmul.f32 v58, v26;
	v40 =	vadd.f32 v63, v40  }
0x8e: {  	v54 =	vmul.f32 v60, v32;
	v41 =	vadd.f32 v43, v41  }
0x8f: {  	v55 =	vmul.f32 v61, v25;
	v56 =	vld [tilespmem:s24+$0x1330];
	v40 =	vadd.f32 v52, v40  }
0x90: {  	v57 =	vmul.f32 v50, v33;
	v41 =	vadd.f32 v54, v41  }
0x91: {  	v58 =	vmul.f32 v51, v24;
	v40 =	vadd.f32 v55, v40  }
0x92: {  	v59 =	vmul.f32 v53, v35;
	v41 =	vadd.f32 v57, v41  }
0x93: {  	s31 =	sshll.u32 s20, $0x4;
	s20 =	sadd.s32 $0x3, s26;
	v40 =	vadd.f32 v58, v40  }
0x94: {  	s3 =	sshll.u32 s20, $0x7;
	s0 =	sand.u32 $0x3FFFFFF0, s31;
	v60 =	vmul.f32 v56, v37;
	v41 =	vadd.f32 v59, v41  }
0x95: {  	[tilespmem:s0+$0x162C0] =	vst v40;
	s0 =	sand.u32 $0x3FFFFF80, s3  }
0x96: {  	s22 =	sshll.u32 s30, $0x4;
	s30 =	sadd.s32 $0x3, s28;
	v41 =	vadd.f32 v60, v41;
	v40 =	vld [tilespmem:s0+$0x12C0]  }
0x97: {  	s29 =	sand.u32 $0x3FFFFFF0, s22;
	s24 =	sshll.u32 s30, $0x7;
	v61 =	vld [tilespmem:s0+$0x12D0]  }
0x98: {  	s3 =	sand.u32 $0x3FFFFF00, s24;
	v62 =	vld [tilespmem:s0+$0x12E0];
	[tilespmem:s29+$0x162C0] =	vst v41  }
0x99: {  	v41 =	vld [tilespmem:s3+$0x12C0]  }
0x9a: {  	v63 =	vld [tilespmem:s3+$0x12D0]  }
0x9b: {  	v52 =	vld [tilespmem:s0+$0x12F0]  }
0x9c: {  	v53 =	vld [tilespmem:s3+$0x12E0];
	v40 =	vmul.f32 v40, v30;
	v42 =	vmul.f32 v61, v31  }
0x9d: {  	v54 =	vld [tilespmem:s0+$0x1300]  }
0x9e: {  	v56 =	vld [tilespmem:s3+$0x12F0];
	v55 =	vmul.f32 v62, v29;
	v40 =	vadd.f32 v42, v40  }
0x9f: {  	v57 =	vld [tilespmem:s0+$0x1310];
	v41 =	vmul.f32 v41, v38;
	v44 =	vmul.f32 v63, v39  }
0xa0: {  	v59 =	vld [tilespmem:s3+$0x1300];
	v58 =	vmul.f32 v52, v28;
	v40 =	vadd.f32 v55, v40  }
0xa1: {  	v60 =	vld [tilespmem:s0+$0x1320];
	v61 =	vmul.f32 v53, v36;
	v41 =	vadd.f32 v44, v41  }
0xa2: {  	v62 =	vmul.f32 v54, v27;
	v63 =	vld [tilespmem:s3+$0x1310];
	v40 =	vadd.f32 v58, v40  }
0xa3: {  	v50 =	vld [tilespmem:s0+$0x1330];
	v43 =	vmul.f32 v56, v34;
	v41 =	vadd.f32 v61, v41  }
0xa4: {  	v51 =	vmul.f32 v57, v26;
	v52 =	vld [tilespmem:s3+$0x1320];
	v40 =	vadd.f32 v62, v40  }
0xa5: {  	v53 =	vmul.f32 v59, v32;
	v41 =	vadd.f32 v43, v41  }
0xa6: {  	v54 =	vmul.f32 v60, v25;
	v55 =	vld [tilespmem:s3+$0x1330];
	v40 =	vadd.f32 v51, v40  }
0xa7: {  	v56 =	vmul.f32 v63, v33;
	v41 =	vadd.f32 v53, v41  }
0xa8: {  	v57 =	vmul.f32 v50, v24;
	v40 =	vadd.f32 v54, v40  }
0xa9: {  	v58 =	vmul.f32 v52, v35;
	v41 =	vadd.f32 v56, v41  }
0xaa: {  	s22 =	sshll.u32 s20, $0x4;
	s20 =	sadd.s32 $0x4, s26;
	v40 =	vadd.f32 v57, v40  }
0xab: {  	s24 =	sshll.u32 s20, $0x7;
	s0 =	sand.u32 $0x3FFFFFF0, s22;
	v59 =	vmul.f32 v55, v37;
	v41 =	vadd.f32 v58, v41  }
0xac: {  	[tilespmem:s0+$0x162C0] =	vst v40;
	s0 =	sand.u32 $0x3FFFFF80, s24  }
0xad: {  	s31 =	sshll.u32 s30, $0x4;
	s3 =	sadd.s32 $0x4, s28;
	v41 =	vadd.f32 v59, v41;
	v40 =	vld [tilespmem:s0+$0x12C0]  }
0xae: {  	s29 =	sand.u32 $0x3FFFFFE0, s31;
	s22 =	sshll.u32 s3, $0x7;
	v60 =	vld [tilespmem:s0+$0x12D0]  }
0xaf: {  	s24 =	sand.u32 $0x3FFFFF80, s22;
	v61 =	vld [tilespmem:s0+$0x12E0];
	[tilespmem:s29+$0x162C0] =	vst v41  }
0xb0: {  	v41 =	vld [tilespmem:s24+$0x12C0]  }
0xb1: {  	v62 =	vld [tilespmem:s24+$0x12D0]  }
0xb2: {  	v63 =	vld [tilespmem:s0+$0x12F0]  }
0xb3: {  	v52 =	vld [tilespmem:s24+$0x12E0];
	v40 =	vmul.f32 v40, v30;
	v42 =	vmul.f32 v60, v31  }
0xb4: {  	v53 =	vld [tilespmem:s0+$0x1300]  }
0xb5: {  	v55 =	vld [tilespmem:s24+$0x12F0];
	v54 =	vmul.f32 v61, v29;
	v40 =	vadd.f32 v42, v40  }
0xb6: {  	v56 =	vld [tilespmem:s0+$0x1310];
	v41 =	vmul.f32 v41, v38;
	v44 =	vmul.f32 v62, v39  }
0xb7: {  	v58 =	vld [tilespmem:s24+$0x1300];
	v57 =	vmul.f32 v63, v28;
	v40 =	vadd.f32 v54, v40  }
0xb8: {  	v59 =	vld [tilespmem:s0+$0x1320];
	v60 =	vmul.f32 v52, v36;
	v41 =	vadd.f32 v44, v41  }
0xb9: {  	v61 =	vmul.f32 v53, v27;
	v62 =	vld [tilespmem:s24+$0x1310];
	v40 =	vadd.f32 v57, v40  }
0xba: {  	v63 =	vld [tilespmem:s0+$0x1330];
	v43 =	vmul.f32 v55, v34;
	v41 =	vadd.f32 v60, v41  }
0xbb: {  	v50 =	vld [tilespmem:s24+$0x1320];
	v48 =	vmul.f32 v56, v26;
	v40 =	vadd.f32 v61, v40  }
0xbc: {  	v51 =	vmul.f32 v58, v32;
	v41 =	vadd.f32 v43, v41  }
0xbd: {  	v53 =	vld [tilespmem:s24+$0x1330];
	v52 =	vmul.f32 v59, v25;
	v40 =	vadd.f32 v48, v40  }
0xbe: {  	v54 =	vmul.f32 v62, v33;
	v41 =	vadd.f32 v51, v41  }
0xbf: {  	v55 =	vmul.f32 v63, v24;
	v40 =	vadd.f32 v52, v40  }
0xc0: {  	v56 =	vmul.f32 v50, v35;
	v41 =	vadd.f32 v54, v41  }
0xc1: {  	s29 =	sshll.u32 s20, $0x4;
	s20 =	sadd.s32 $0x5, s26;
	v40 =	vadd.f32 v55, v40  }
0xc2: {  	s31 =	sshll.u32 s20, $0x7;
	s0 =	sand.u32 $0x3FFFFFF0, s29;
	v57 =	vmul.f32 v53, v37;
	v41 =	vadd.f32 v56, v41  }
0xc3: {  	[tilespmem:s0+$0x162C0] =	vst v40;
	s0 =	sand.u32 $0x3FFFFF80, s31  }
0xc4: {  	s30 =	sadd.s32 $0x5, s28;
	s3 =	sshll.u32 s3, $0x4;
	v41 =	vadd.f32 v57, v41;
	v40 =	vld [tilespmem:s0+$0x12C0]  }
0xc5: {  	s22 =	sshll.u32 s30, $0x7;
	s29 =	sand.u32 $0x3FFFFFF0, s3;
	v58 =	vld [tilespmem:s0+$0x12D0]  }
0xc6: {  	s24 =	sand.u32 $0x3FFFFF00, s22;
	v59 =	vld [tilespmem:s0+$0x12E0];
	[tilespmem:s29+$0x162C0] =	vst v41  }
0xc7: {  	v41 =	vld [tilespmem:s24+$0x12C0]  }
0xc8: {  	v60 =	vld [tilespmem:s24+$0x12D0]  }
0xc9: {  	v61 =	vld [tilespmem:s0+$0x12F0]  }
0xca: {  	v62 =	vld [tilespmem:s24+$0x12E0];
	v40 =	vmul.f32 v40, v30;
	v42 =	vmul.f32 v58, v31  }
0xcb: {  	v63 =	vld [tilespmem:s0+$0x1300]  }
0xcc: {  	v53 =	vld [tilespmem:s24+$0x12F0];
	v52 =	vmul.f32 v59, v29;
	v40 =	vadd.f32 v42, v40  }
0xcd: {  	v54 =	vld [tilespmem:s0+$0x1310];
	v41 =	vmul.f32 v41, v38;
	v44 =	vmul.f32 v60, v39  }
0xce: {  	v56 =	vld [tilespmem:s24+$0x1300];
	v55 =	vmul.f32 v61, v28;
	v40 =	vadd.f32 v52, v40  }
0xcf: {  	v57 =	vld [tilespmem:s0+$0x1320];
	v58 =	vmul.f32 v62, v36;
	v41 =	vadd.f32 v44, v41  }
0xd0: {  	v59 =	vmul.f32 v63, v27;
	v60 =	vld [tilespmem:s24+$0x1310];
	v40 =	vadd.f32 v55, v40  }
0xd1: {  	v61 =	vld [tilespmem:s0+$0x1330];
	v43 =	vmul.f32 v53, v34;
	v41 =	vadd.f32 v58, v41  }
0xd2: {  	v63 =	vld [tilespmem:s24+$0x1320];
	v62 =	vmul.f32 v54, v26;
	v40 =	vadd.f32 v59, v40  }
0xd3: {  	v48 =	vmul.f32 v56, v32;
	v41 =	vadd.f32 v43, v41  }
0xd4: {  	v50 =	vld [tilespmem:s24+$0x1330];
	v49 =	vmul.f32 v57, v25;
	v40 =	vadd.f32 v62, v40  }
0xd5: {  	v51 =	vmul.f32 v60, v33;
	v41 =	vadd.f32 v48, v41  }
0xd6: {  	v52 =	vmul.f32 v61, v24;
	v40 =	vadd.f32 v49, v40  }
0xd7: {  	v53 =	vmul.f32 v63, v35;
	v41 =	vadd.f32 v51, v41  }
0xd8: {  	s31 =	sshll.u32 s20, $0x4;
	s20 =	sadd.s32 $0x6, s26;
	v40 =	vadd.f32 v52, v40  }
0xd9: {  	s3 =	sshll.u32 s20, $0x7;
	s0 =	sand.u32 $0x3FFFFFF0, s31;
	v54 =	vmul.f32 v50, v37;
	v41 =	vadd.f32 v53, v41  }
0xda: {  	[tilespmem:s0+$0x162C0] =	vst v40;
	s0 =	sand.u32 $0x3FFFFF80, s3  }
0xdb: {  	s22 =	sshll.u32 s30, $0x4;
	s30 =	sadd.s32 $0x6, s28;
	v41 =	vadd.f32 v54, v41;
	v40 =	vld [tilespmem:s0+$0x12C0]  }
0xdc: {  	s29 =	sand.u32 $0x3FFFFFE0, s22;
	s24 =	sshll.u32 s30, $0x7;
	v55 =	vld [tilespmem:s0+$0x12D0]  }
0xdd: {  	s3 =	sand.u32 $0x3FFFFF80, s24;
	v56 =	vld [tilespmem:s0+$0x12E0];
	[tilespmem:s29+$0x162C0] =	vst v41  }
0xde: {  	v41 =	vld [tilespmem:s3+$0x12C0]  }
0xdf: {  	v57 =	vld [tilespmem:s3+$0x12D0]  }
0xe0: {  	v58 =	vld [tilespmem:s0+$0x12F0]  }
0xe1: {  	v59 =	vld [tilespmem:s3+$0x12E0];
	v40 =	vmul.f32 v40, v30;
	v42 =	vmul.f32 v55, v31  }
0xe2: {  	v60 =	vld [tilespmem:s0+$0x1300]  }
0xe3: {  	v62 =	vld [tilespmem:s3+$0x12F0];
	v61 =	vmul.f32 v56, v29;
	v40 =	vadd.f32 v42, v40  }
0xe4: {  	v63 =	vld [tilespmem:s0+$0x1310];
	v41 =	vmul.f32 v41, v38;
	v44 =	vmul.f32 v57, v39  }
0xe5: {  	v53 =	vld [tilespmem:s3+$0x1300];
	v52 =	vmul.f32 v58, v28;
	v40 =	vadd.f32 v61, v40  }
0xe6: {  	v54 =	vld [tilespmem:s0+$0x1320];
	v55 =	vmul.f32 v59, v36;
	v41 =	vadd.f32 v44, v41  }
0xe7: {  	v56 =	vmul.f32 v60, v27;
	v57 =	vld [tilespmem:s3+$0x1310];
	v40 =	vadd.f32 v52, v40  }
0xe8: {  	v58 =	vld [tilespmem:s0+$0x1330];
	v43 =	vmul.f32 v62, v34;
	v41 =	vadd.f32 v55, v41  }
0xe9: {  	v60 =	vld [tilespmem:s3+$0x1320];
	v59 =	vmul.f32 v63, v26;
	v40 =	vadd.f32 v56, v40  }
0xea: {  	v61 =	vmul.f32 v53, v32;
	v41 =	vadd.f32 v43, v41  }
0xeb: {  	v62 =	vmul.f32 v54, v25;
	v63 =	vld [tilespmem:s3+$0x1330];
	v40 =	vadd.f32 v59, v40  }
0xec: {  	v46 =	vmul.f32 v57, v33;
	v41 =	vadd.f32 v61, v41  }
0xed: {  	v47 =	vmul.f32 v58, v24;
	v40 =	vadd.f32 v62, v40  }
0xee: {  	v48 =	vmul.f32 v60, v35;
	v41 =	vadd.f32 v46, v41  }
0xef: {  	s22 =	sshll.u32 s20, $0x4;
	s20 =	sadd.s32 $0x7, s26;
	v40 =	vadd.f32 v47, v40  }
0xf0: {  	s24 =	sshll.u32 s20, $0x7;
	s0 =	sand.u32 $0x3FFFFFF0, s22;
	v49 =	vmul.f32 v63, v37;
	v41 =	vadd.f32 v48, v41  }
0xf1: {  	[tilespmem:s0+$0x162C0] =	vst v40;
	s0 =	sand.u32 $0x3FFFFF80, s24  }
0xf2: {  	s31 =	sshll.u32 s30, $0x4;
	s3 =	sadd.s32 $0x7, s28;
	v41 =	vadd.f32 v49, v41;
	v40 =	vld [tilespmem:s0+$0x12C0]  }
0xf3: {  	s29 =	sand.u32 $0x3FFFFFF0, s31;
	s22 =	sshll.u32 s3, $0x7;
	v50 =	vld [tilespmem:s0+$0x12D0]  }
0xf4: {  	s24 =	sand.u32 $0x3FFFFF00, s22;
	v51 =	vld [tilespmem:s0+$0x12E0];
	[tilespmem:s29+$0x162C0] =	vst v41  }
0xf5: {  	v41 =	vld [tilespmem:s24+$0x12C0]  }
0xf6: {  	v52 =	vld [tilespmem:s24+$0x12D0]  }
0xf7: {  	v53 =	vld [tilespmem:s0+$0x12F0]  }
0xf8: {  	v54 =	vld [tilespmem:s24+$0x12E0];
	v40 =	vmul.f32 v40, v30;
	v42 =	vmul.f32 v50, v31  }
0xf9: {  	v55 =	vld [tilespmem:s0+$0x1300]  }
0xfa: {  	v57 =	vld [tilespmem:s24+$0x12F0];
	v56 =	vmul.f32 v51, v29;
	v40 =	vadd.f32 v42, v40  }
0xfb: {  	v58 =	vld [tilespmem:s0+$0x1310];
	v41 =	vmul.f32 v41, v38;
	v44 =	vmul.f32 v52, v39  }
0xfc: {  	v60 =	vld [tilespmem:s24+$0x1300];
	v59 =	vmul.f32 v53, v28;
	v40 =	vadd.f32 v56, v40  }
0xfd: {  	v61 =	vld [tilespmem:s0+$0x1320];
	v62 =	vmul.f32 v54, v36;
	v41 =	vadd.f32 v44, v41  }
0xfe: {  	v63 =	vmul.f32 v55, v27;
	v50 =	vld [tilespmem:s24+$0x1310];
	v40 =	vadd.f32 v59, v40  }
0xff: {  	v51 =	vld [tilespmem:s0+$0x1330];
	v43 =	vmul.f32 v57, v34;
	v41 =	vadd.f32 v62, v41  }
0x100: {  	v53 =	vld [tilespmem:s24+$0x1320];
	v52 =	vmul.f32 v58, v26;
	v40 =	vadd.f32 v63, v40  }
0x101: {  	v54 =	vmul.f32 v60, v32;
	v41 =	vadd.f32 v43, v41  }
0x102: {  	v55 =	vmul.f32 v61, v25;
	v56 =	vld [tilespmem:s24+$0x1330];
	v40 =	vadd.f32 v52, v40  }
0x103: {  	v57 =	vmul.f32 v50, v33;
	v41 =	vadd.f32 v54, v41  }
0x104: {  	v58 =	vmul.f32 v51, v24;
	v40 =	vadd.f32 v55, v40  }
0x105: {  	v59 =	vmul.f32 v53, v35;
	v41 =	vadd.f32 v57, v41  }
0x106: {  	s29 =	sshll.u32 s20, $0x4;
	s20 =	sadd.s32 $0x8, s26;
	v40 =	vadd.f32 v58, v40  }
0x107: {  	s31 =	sshll.u32 s20, $0x7;
	s0 =	sand.u32 $0x3FFFFFF0, s29;
	v60 =	vmul.f32 v56, v37;
	v41 =	vadd.f32 v59, v41  }
0x108: {  	[tilespmem:s0+$0x162C0] =	vst v40;
	s0 =	sand.u32 $0x3FFFFF80, s31  }
0x109: {  	s30 =	sadd.s32 $0x8, s28;
	s3 =	sshll.u32 s3, $0x4;
	v41 =	vadd.f32 v60, v41;
	v40 =	vld [tilespmem:s0+$0x12C0]  }
0x10a: {  	s22 =	sshll.u32 s30, $0x7;
	s29 =	sand.u32 $0x3FFFFFE0, s3;
	v61 =	vld [tilespmem:s0+$0x12D0]  }
0x10b: {  	s24 =	sand.u32 $0x3FFFFF80, s22;
	v62 =	vld [tilespmem:s0+$0x12E0];
	[tilespmem:s29+$0x162C0] =	vst v41  }
0x10c: {  	v41 =	vld [tilespmem:s24+$0x12C0]  }
0x10d: {  	v63 =	vld [tilespmem:s24+$0x12D0]  }
0x10e: {  	v52 =	vld [tilespmem:s0+$0x12F0]  }
0x10f: {  	v53 =	vld [tilespmem:s24+$0x12E0];
	v40 =	vmul.f32 v40, v30;
	v42 =	vmul.f32 v61, v31  }
0x110: {  	v54 =	vld [tilespmem:s0+$0x1300]  }
0x111: {  	v56 =	vld [tilespmem:s24+$0x12F0];
	v55 =	vmul.f32 v62, v29;
	v40 =	vadd.f32 v42, v40  }
0x112: {  	v57 =	vld [tilespmem:s0+$0x1310];
	v41 =	vmul.f32 v41, v38;
	v44 =	vmul.f32 v63, v39  }
0x113: {  	v59 =	vld [tilespmem:s24+$0x1300];
	v58 =	vmul.f32 v52, v28;
	v40 =	vadd.f32 v55, v40  }
0x114: {  	v60 =	vld [tilespmem:s0+$0x1320];
	v61 =	vmul.f32 v53, v36;
	v41 =	vadd.f32 v44, v41  }
0x115: {  	v62 =	vmul.f32 v54, v27;
	v63 =	vld [tilespmem:s24+$0x1310];
	v40 =	vadd.f32 v58, v40  }
0x116: {  	v50 =	vld [tilespmem:s0+$0x1330];
	v43 =	vmul.f32 v56, v34;
	v41 =	vadd.f32 v61, v41  }
0x117: {  	v51 =	vmul.f32 v57, v26;
	v52 =	vld [tilespmem:s24+$0x1320];
	v40 =	vadd.f32 v62, v40  }
0x118: {  	v53 =	vmul.f32 v59, v32;
	v41 =	vadd.f32 v43, v41  }
0x119: {  	v54 =	vmul.f32 v60, v25;
	v55 =	vld [tilespmem:s24+$0x1330];
	v40 =	vadd.f32 v51, v40  }
0x11a: {  	v56 =	vmul.f32 v63, v33;
	v41 =	vadd.f32 v53, v41  }
0x11b: {  	v57 =	vmul.f32 v50, v24;
	v40 =	vadd.f32 v54, v40  }
0x11c: {  	v58 =	vmul.f32 v52, v35;
	v41 =	vadd.f32 v56, v41  }
0x11d: {  	s31 =	sshll.u32 s20, $0x4;
	s20 =	sadd.s32 $0x9, s26;
	v40 =	vadd.f32 v57, v40  }
0x11e: {  	s0 =	sand.u32 $0x3FFFFFF0, s31;
	s3 =	sshll.u32 s20, $0x7;
	v59 =	vmul.f32 v55, v37;
	v41 =	vadd.f32 v58, v41  }
0x11f: {  	[tilespmem:s0+$0x162C0] =	vst v40;
	s0 =	sand.u32 $0x3FFFFF80, s3  }
0x120: {  	s22 =	sshll.u32 s30, $0x4;
	s30 =	sadd.s32 $0x9, s28;
	v41 =	vadd.f32 v59, v41;
	v40 =	vld [tilespmem:s0+$0x12C0]  }
0x121: {  	s29 =	sand.u32 $0x3FFFFFF0, s22;
	s24 =	sshll.u32 s30, $0x7;
	v60 =	vld [tilespmem:s0+$0x12D0]  }
0x122: {  	s3 =	sand.u32 $0x3FFFFF00, s24;
	v61 =	vld [tilespmem:s0+$0x12E0];
	[tilespmem:s29+$0x162C0] =	vst v41  }
0x123: {  	v41 =	vld [tilespmem:s3+$0x12C0]  }
0x124: {  	v62 =	vld [tilespmem:s3+$0x12D0]  }
0x125: {  	v63 =	vld [tilespmem:s0+$0x12F0]  }
0x126: {  	v52 =	vld [tilespmem:s3+$0x12E0];
	v40 =	vmul.f32 v40, v30;
	v42 =	vmul.f32 v60, v31  }
0x127: {  	v53 =	vld [tilespmem:s0+$0x1300]  }
0x128: {  	v55 =	vld [tilespmem:s3+$0x12F0];
	v54 =	vmul.f32 v61, v29;
	v40 =	vadd.f32 v42, v40  }
0x129: {  	v56 =	vld [tilespmem:s0+$0x1310];
	v41 =	vmul.f32 v41, v38;
	v44 =	vmul.f32 v62, v39  }
0x12a: {  	v58 =	vld [tilespmem:s3+$0x1300];
	v57 =	vmul.f32 v63, v28;
	v40 =	vadd.f32 v54, v40  }
0x12b: {  	v59 =	vld [tilespmem:s0+$0x1320];
	v60 =	vmul.f32 v52, v36;
	v41 =	vadd.f32 v44, v41  }
0x12c: {  	v61 =	vmul.f32 v53, v27;
	v62 =	vld [tilespmem:s3+$0x1310];
	v40 =	vadd.f32 v57, v40  }
0x12d: {  	v63 =	vld [tilespmem:s0+$0x1330];
	v43 =	vmul.f32 v55, v34;
	v41 =	vadd.f32 v60, v41  }
0x12e: {  	v50 =	vld [tilespmem:s3+$0x1320];
	v48 =	vmul.f32 v56, v26;
	v40 =	vadd.f32 v61, v40  }
0x12f: {  	v51 =	vmul.f32 v58, v32;
	v41 =	vadd.f32 v43, v41  }
0x130: {  	v53 =	vld [tilespmem:s3+$0x1330];
	v52 =	vmul.f32 v59, v25;
	v40 =	vadd.f32 v48, v40  }
0x131: {  	v54 =	vmul.f32 v62, v33;
	v41 =	vadd.f32 v51, v41  }
0x132: {  	v55 =	vmul.f32 v63, v24;
	v40 =	vadd.f32 v52, v40  }
0x133: {  	v56 =	vmul.f32 v50, v35;
	v41 =	vadd.f32 v54, v41  }
0x134: {  	s22 =	sshll.u32 s20, $0x4;
	s20 =	sadd.s32 $0xA, s26;
	v40 =	vadd.f32 v55, v40  }
0x135: {  	s24 =	sshll.u32 s20, $0x7;
	s0 =	sand.u32 $0x3FFFFFF0, s22;
	v57 =	vmul.f32 v53, v37;
	v41 =	vadd.f32 v56, v41  }
0x136: {  	[tilespmem:s0+$0x162C0] =	vst v40;
	s0 =	sand.u32 $0x3FFFFF80, s24  }
0x137: {  	s31 =	sshll.u32 s30, $0x4;
	s3 =	sadd.s32 $0xA, s28;
	v41 =	vadd.f32 v57, v41;
	v40 =	vld [tilespmem:s0+$0x12C0]  }
0x138: {  	s29 =	sand.u32 $0x3FFFFFE0, s31;
	s22 =	sshll.u32 s3, $0x7;
	v58 =	vld [tilespmem:s0+$0x12D0]  }
0x139: {  	s24 =	sand.u32 $0x3FFFFF80, s22;
	v59 =	vld [tilespmem:s0+$0x12E0];
	[tilespmem:s29+$0x162C0] =	vst v41  }
0x13a: {  	v41 =	vld [tilespmem:s24+$0x12C0]  }
0x13b: {  	v60 =	vld [tilespmem:s24+$0x12D0]  }
0x13c: {  	v61 =	vld [tilespmem:s0+$0x12F0]  }
0x13d: {  	v62 =	vld [tilespmem:s24+$0x12E0];
	v40 =	vmul.f32 v40, v30;
	v42 =	vmul.f32 v58, v31  }
0x13e: {  	v63 =	vld [tilespmem:s0+$0x1300]  }
0x13f: {  	v53 =	vld [tilespmem:s24+$0x12F0];
	v52 =	vmul.f32 v59, v29;
	v40 =	vadd.f32 v42, v40  }
0x140: {  	v54 =	vld [tilespmem:s0+$0x1310];
	v41 =	vmul.f32 v41, v38;
	v44 =	vmul.f32 v60, v39  }
0x141: {  	v56 =	vld [tilespmem:s24+$0x1300];
	v55 =	vmul.f32 v61, v28;
	v40 =	vadd.f32 v52, v40  }
0x142: {  	v57 =	vld [tilespmem:s0+$0x1320];
	v58 =	vmul.f32 v62, v36;
	v41 =	vadd.f32 v44, v41  }
0x143: {  	v59 =	vmul.f32 v63, v27;
	v60 =	vld [tilespmem:s24+$0x1310];
	v40 =	vadd.f32 v55, v40  }
0x144: {  	v61 =	vld [tilespmem:s0+$0x1330];
	v43 =	vmul.f32 v53, v34;
	v41 =	vadd.f32 v58, v41  }
0x145: {  	v63 =	vld [tilespmem:s24+$0x1320];
	v62 =	vmul.f32 v54, v26;
	v40 =	vadd.f32 v59, v40  }
0x146: {  	v48 =	vmul.f32 v56, v32;
	v41 =	vadd.f32 v43, v41  }
0x147: {  	v50 =	vld [tilespmem:s24+$0x1330];
	v49 =	vmul.f32 v57, v25;
	v40 =	vadd.f32 v62, v40  }
0x148: {  	v51 =	vmul.f32 v60, v33;
	v41 =	vadd.f32 v48, v41  }
0x149: {  	v52 =	vmul.f32 v61, v24;
	v40 =	vadd.f32 v49, v40  }
0x14a: {  	v53 =	vmul.f32 v63, v35;
	v41 =	vadd.f32 v51, v41  }
0x14b: {  	s29 =	sshll.u32 s20, $0x4;
	s20 =	sadd.s32 $0xB, s26;
	v40 =	vadd.f32 v52, v40  }
0x14c: {  	s31 =	sshll.u32 s20, $0x7;
	s0 =	sand.u32 $0x3FFFFFF0, s29;
	v54 =	vmul.f32 v50, v37;
	v41 =	vadd.f32 v53, v41  }
0x14d: {  	[tilespmem:s0+$0x162C0] =	vst v40;
	s0 =	sand.u32 $0x3FFFFF80, s31  }
0x14e: {  	s30 =	sadd.s32 $0xB, s28;
	s3 =	sshll.u32 s3, $0x4;
	v41 =	vadd.f32 v54, v41;
	v40 =	vld [tilespmem:s0+$0x12C0]  }
0x14f: {  	s22 =	sshll.u32 s30, $0x7;
	s29 =	sand.u32 $0x3FFFFFF0, s3;
	v55 =	vld [tilespmem:s0+$0x12D0]  }
0x150: {  	s24 =	sand.u32 $0x3FFFFF00, s22;
	v56 =	vld [tilespmem:s0+$0x12E0];
	[tilespmem:s29+$0x162C0] =	vst v41  }
0x151: {  	v41 =	vld [tilespmem:s24+$0x12C0]  }
0x152: {  	v57 =	vld [tilespmem:s24+$0x12D0]  }
0x153: {  	v58 =	vld [tilespmem:s0+$0x12F0]  }
0x154: {  	v59 =	vld [tilespmem:s24+$0x12E0];
	v40 =	vmul.f32 v40, v30;
	v42 =	vmul.f32 v55, v31  }
0x155: {  	v60 =	vld [tilespmem:s0+$0x1300]  }
0x156: {  	v62 =	vld [tilespmem:s24+$0x12F0];
	v61 =	vmul.f32 v56, v29;
	v40 =	vadd.f32 v42, v40  }
0x157: {  	v63 =	vld [tilespmem:s0+$0x1310];
	v41 =	vmul.f32 v41, v38;
	v44 =	vmul.f32 v57, v39  }
0x158: {  	v53 =	vld [tilespmem:s24+$0x1300];
	v52 =	vmul.f32 v58, v28;
	v40 =	vadd.f32 v61, v40  }
0x159: {  	v54 =	vld [tilespmem:s0+$0x1320];
	v55 =	vmul.f32 v59, v36;
	v41 =	vadd.f32 v44, v41  }
0x15a: {  	v56 =	vmul.f32 v60, v27;
	v57 =	vld [tilespmem:s24+$0x1310];
	v40 =	vadd.f32 v52, v40  }
0x15b: {  	v58 =	vld [tilespmem:s0+$0x1330];
	v43 =	vmul.f32 v62, v34;
	v41 =	vadd.f32 v55, v41  }
0x15c: {  	v60 =	vld [tilespmem:s24+$0x1320];
	v59 =	vmul.f32 v63, v26;
	v40 =	vadd.f32 v56, v40  }
0x15d: {  	v61 =	vmul.f32 v53, v32;
	v41 =	vadd.f32 v43, v41  }
0x15e: {  	v62 =	vmul.f32 v54, v25;
	v63 =	vld [tilespmem:s24+$0x1330];
	v40 =	vadd.f32 v59, v40  }
0x15f: {  	v46 =	vmul.f32 v57, v33;
	v41 =	vadd.f32 v61, v41  }
0x160: {  	v47 =	vmul.f32 v58, v24;
	v40 =	vadd.f32 v62, v40  }
0x161: {  	v48 =	vmul.f32 v60, v35;
	v41 =	vadd.f32 v46, v41  }
0x162: {  	s31 =	sshll.u32 s20, $0x4;
	s20 =	sadd.s32 $0xC, s26;
	v40 =	vadd.f32 v47, v40  }
0x163: {  	s3 =	sshll.u32 s20, $0x7;
	s0 =	sand.u32 $0x3FFFFFF0, s31;
	v49 =	vmul.f32 v63, v37;
	v41 =	vadd.f32 v48, v41  }
0x164: {  	[tilespmem:s0+$0x162C0] =	vst v40;
	s0 =	sand.u32 $0x3FFFFF80, s3  }
0x165: {  	s22 =	sshll.u32 s30, $0x4;
	s30 =	sadd.s32 $0xC, s28;
	v41 =	vadd.f32 v49, v41;
	v40 =	vld [tilespmem:s0+$0x12C0]  }
0x166: {  	s29 =	sand.u32 $0x3FFFFFE0, s22;
	s24 =	sshll.u32 s30, $0x7;
	v50 =	vld [tilespmem:s0+$0x12D0]  }
0x167: {  	s3 =	sand.u32 $0x3FFFFF80, s24;
	v51 =	vld [tilespmem:s0+$0x12E0];
	[tilespmem:s29+$0x162C0] =	vst v41  }
0x168: {  	v41 =	vld [tilespmem:s3+$0x12C0]  }
0x169: {  	v52 =	vld [tilespmem:s3+$0x12D0]  }
0x16a: {  	v53 =	vld [tilespmem:s0+$0x12F0]  }
0x16b: {  	v54 =	vld [tilespmem:s3+$0x12E0];
	v40 =	vmul.f32 v40, v30;
	v42 =	vmul.f32 v50, v31  }
0x16c: {  	v55 =	vld [tilespmem:s0+$0x1300]  }
0x16d: {  	v57 =	vld [tilespmem:s3+$0x12F0];
	v56 =	vmul.f32 v51, v29;
	v40 =	vadd.f32 v42, v40  }
0x16e: {  	v58 =	vld [tilespmem:s0+$0x1310];
	v41 =	vmul.f32 v41, v38;
	v44 =	vmul.f32 v52, v39  }
0x16f: {  	v60 =	vld [tilespmem:s3+$0x1300];
	v59 =	vmul.f32 v53, v28;
	v40 =	vadd.f32 v56, v40  }
0x170: {  	v61 =	vld [tilespmem:s0+$0x1320];
	v62 =	vmul.f32 v54, v36;
	v41 =	vadd.f32 v44, v41  }
0x171: {  	v63 =	vmul.f32 v55, v27;
	v50 =	vld [tilespmem:s3+$0x1310];
	v40 =	vadd.f32 v59, v40  }
0x172: {  	v51 =	vld [tilespmem:s0+$0x1330];
	v43 =	vmul.f32 v57, v34;
	v41 =	vadd.f32 v62, v41  }
0x173: {  	v53 =	vld [tilespmem:s3+$0x1320];
	v52 =	vmul.f32 v58, v26;
	v40 =	vadd.f32 v63, v40  }
0x174: {  	v54 =	vmul.f32 v60, v32;
	v41 =	vadd.f32 v43, v41  }
0x175: {  	v55 =	vmul.f32 v61, v25;
	v56 =	vld [tilespmem:s3+$0x1330];
	v40 =	vadd.f32 v52, v40  }
0x176: {  	v57 =	vmul.f32 v50, v33;
	v41 =	vadd.f32 v54, v41  }
0x177: {  	v58 =	vmul.f32 v51, v24;
	v40 =	vadd.f32 v55, v40  }
0x178: {  	v59 =	vmul.f32 v53, v35;
	v41 =	vadd.f32 v57, v41  }
0x179: {  	s22 =	sshll.u32 s20, $0x4;
	s20 =	sadd.s32 $0xD, s26;
	v40 =	vadd.f32 v58, v40  }
0x17a: {  	s24 =	sshll.u32 s20, $0x7;
	s0 =	sand.u32 $0x3FFFFFF0, s22;
	v60 =	vmul.f32 v56, v37;
	v41 =	vadd.f32 v59, v41  }
0x17b: {  	[tilespmem:s0+$0x162C0] =	vst v40;
	s0 =	sand.u32 $0x3FFFFF80, s24  }
0x17c: {  	s31 =	sshll.u32 s30, $0x4;
	s3 =	sadd.s32 $0xD, s28;
	v41 =	vadd.f32 v60, v41;
	v40 =	vld [tilespmem:s0+$0x12C0]  }
0x17d: {  	s29 =	sand.u32 $0x3FFFFFF0, s31;
	s22 =	sshll.u32 s3, $0x7;
	v61 =	vld [tilespmem:s0+$0x12D0]  }
0x17e: {  	s24 =	sand.u32 $0x3FFFFF00, s22;
	v62 =	vld [tilespmem:s0+$0x12E0];
	[tilespmem:s29+$0x162C0] =	vst v41  }
0x17f: {  	v41 =	vld [tilespmem:s24+$0x12C0]  }
0x180: {  	v63 =	vld [tilespmem:s24+$0x12D0]  }
0x181: {  	v52 =	vld [tilespmem:s0+$0x12F0]  }
0x182: {  	v53 =	vld [tilespmem:s24+$0x12E0];
	v40 =	vmul.f32 v40, v30;
	v42 =	vmul.f32 v61, v31  }
0x183: {  	v54 =	vld [tilespmem:s0+$0x1300]  }
0x184: {  	v56 =	vld [tilespmem:s24+$0x12F0];
	v55 =	vmul.f32 v62, v29;
	v40 =	vadd.f32 v42, v40  }
0x185: {  	v57 =	vld [tilespmem:s0+$0x1310];
	v41 =	vmul.f32 v41, v38;
	v44 =	vmul.f32 v63, v39  }
0x186: {  	v59 =	vld [tilespmem:s24+$0x1300];
	v58 =	vmul.f32 v52, v28;
	v40 =	vadd.f32 v55, v40  }
0x187: {  	v60 =	vld [tilespmem:s0+$0x1320];
	v61 =	vmul.f32 v53, v36;
	v41 =	vadd.f32 v44, v41  }
0x188: {  	v62 =	vmul.f32 v54, v27;
	v63 =	vld [tilespmem:s24+$0x1310];
	v40 =	vadd.f32 v58, v40  }
0x189: {  	v50 =	vld [tilespmem:s0+$0x1330];
	v43 =	vmul.f32 v56, v34;
	v41 =	vadd.f32 v61, v41  }
0x18a: {  	v51 =	vmul.f32 v57, v26;
	v52 =	vld [tilespmem:s24+$0x1320];
	v40 =	vadd.f32 v62, v40  }
0x18b: {  	v53 =	vmul.f32 v59, v32;
	v41 =	vadd.f32 v43, v41  }
0x18c: {  	v54 =	vmul.f32 v60, v25;
	v55 =	vld [tilespmem:s24+$0x1330];
	v40 =	vadd.f32 v51, v40  }
0x18d: {  	v56 =	vmul.f32 v63, v33;
	v41 =	vadd.f32 v53, v41  }
0x18e: {  	v57 =	vmul.f32 v50, v24;
	v40 =	vadd.f32 v54, v40  }
0x18f: {  	v58 =	vmul.f32 v52, v35;
	v41 =	vadd.f32 v56, v41  }
0x190: {  	s29 =	sshll.u32 s20, $0x4;
	s20 =	sadd.s32 $0xE, s26;
	v40 =	vadd.f32 v57, v40  }
0x191: {  	s0 =	sand.u32 $0x3FFFFFF0, s29;
	s31 =	sshll.u32 s20, $0x7;
	v59 =	vmul.f32 v55, v37;
	v41 =	vadd.f32 v58, v41  }
0x192: {  	[tilespmem:s0+$0x162C0] =	vst v40;
	s0 =	sand.u32 $0x3FFFFF80, s31  }
0x193: {  	s30 =	sadd.s32 $0xE, s28;
	s3 =	sshll.u32 s3, $0x4;
	v41 =	vadd.f32 v59, v41;
	v40 =	vld [tilespmem:s0+$0x12C0]  }
0x194: {  	s22 =	sshll.u32 s30, $0x7;
	s29 =	sand.u32 $0x3FFFFFE0, s3;
	v60 =	vld [tilespmem:s0+$0x12D0]  }
0x195: {  	s24 =	sand.u32 $0x3FFFFF80, s22;
	v61 =	vld [tilespmem:s0+$0x12E0];
	[tilespmem:s29+$0x162C0] =	vst v41  }
0x196: {  	v41 =	vld [tilespmem:s24+$0x12C0]  }
0x197: {  	v62 =	vld [tilespmem:s24+$0x12D0]  }
0x198: {  	v63 =	vld [tilespmem:s0+$0x12F0]  }
0x199: {  	v52 =	vld [tilespmem:s24+$0x12E0];
	v40 =	vmul.f32 v40, v30;
	v42 =	vmul.f32 v60, v31  }
0x19a: {  	v53 =	vld [tilespmem:s0+$0x1300]  }
0x19b: {  	v55 =	vld [tilespmem:s24+$0x12F0];
	v54 =	vmul.f32 v61, v29;
	v40 =	vadd.f32 v42, v40  }
0x19c: {  	v56 =	vld [tilespmem:s0+$0x1310];
	v41 =	vmul.f32 v41, v38;
	v44 =	vmul.f32 v62, v39  }
0x19d: {  	v58 =	vld [tilespmem:s24+$0x1300];
	v57 =	vmul.f32 v63, v28;
	v40 =	vadd.f32 v54, v40  }
0x19e: {  	v59 =	vld [tilespmem:s0+$0x1320];
	v60 =	vmul.f32 v52, v36;
	v41 =	vadd.f32 v44, v41  }
0x19f: {  	v61 =	vmul.f32 v53, v27;
	v62 =	vld [tilespmem:s24+$0x1310];
	v40 =	vadd.f32 v57, v40  }
0x1a0: {  	v63 =	vld [tilespmem:s0+$0x1330];
	v43 =	vmul.f32 v55, v34;
	v41 =	vadd.f32 v60, v41  }
0x1a1: {  	v50 =	vld [tilespmem:s24+$0x1320];
	v48 =	vmul.f32 v56, v26;
	v40 =	vadd.f32 v61, v40  }
0x1a2: {  	v51 =	vmul.f32 v58, v32;
	v41 =	vadd.f32 v43, v41  }
0x1a3: {  	v53 =	vld [tilespmem:s24+$0x1330];
	v52 =	vmul.f32 v59, v25;
	v40 =	vadd.f32 v48, v40  }
0x1a4: {  	v54 =	vmul.f32 v62, v33;
	v41 =	vadd.f32 v51, v41  }
0x1a5: {  	v55 =	vmul.f32 v63, v24;
	v40 =	vadd.f32 v52, v40  }
0x1a6: {  	v56 =	vmul.f32 v50, v35;
	v41 =	vadd.f32 v54, v41  }
0x1a7: {  	s31 =	sshll.u32 s20, $0x4;
	s20 =	sadd.s32 $0xF, s26;
	v40 =	vadd.f32 v55, v40  }
0x1a8: {  	s3 =	sshll.u32 s20, $0x7;
	s0 =	sand.u32 $0x3FFFFFF0, s31;
	v57 =	vmul.f32 v53, v37;
	v41 =	vadd.f32 v56, v41  }
0x1a9: {  	[tilespmem:s0+$0x162C0] =	vst v40;
	s0 =	sand.u32 $0x3FFFFF80, s3  }
0x1aa: {  	s22 =	sshll.u32 s30, $0x4;
	s30 =	sadd.s32 $0xF, s28;
	v41 =	vadd.f32 v57, v41;
	v40 =	vld [tilespmem:s0+$0x12C0]  }
0x1ab: {  	s29 =	sand.u32 $0x3FFFFFF0, s22;
	s24 =	sshll.u32 s30, $0x7;
	v58 =	vld [tilespmem:s0+$0x12D0]  }
0x1ac: {  	s3 =	sand.u32 $0x3FFFFF00, s24;
	v59 =	vld [tilespmem:s0+$0x12E0];
	[tilespmem:s29+$0x162C0] =	vst v41  }
0x1ad: {  	v41 =	vld [tilespmem:s3+$0x12C0]  }
0x1ae: {  	v60 =	vld [tilespmem:s3+$0x12D0]  }
0x1af: {  	v61 =	vld [tilespmem:s0+$0x12F0]  }
0x1b0: {  	v62 =	vld [tilespmem:s3+$0x12E0];
	v40 =	vmul.f32 v40, v30;
	v42 =	vmul.f32 v58, v31  }
0x1b1: {  	v63 =	vld [tilespmem:s0+$0x1300]  }
0x1b2: {  	v53 =	vld [tilespmem:s3+$0x12F0];
	v52 =	vmul.f32 v59, v29;
	v40 =	vadd.f32 v42, v40  }
0x1b3: {  	v54 =	vld [tilespmem:s0+$0x1310];
	v41 =	vmul.f32 v41, v38;
	v44 =	vmul.f32 v60, v39  }
0x1b4: {  	v56 =	vld [tilespmem:s3+$0x1300];
	v55 =	vmul.f32 v61, v28;
	v40 =	vadd.f32 v52, v40  }
0x1b5: {  	v57 =	vld [tilespmem:s0+$0x1320];
	v58 =	vmul.f32 v62, v36;
	v41 =	vadd.f32 v44, v41  }
0x1b6: {  	v59 =	vmul.f32 v63, v27;
	v60 =	vld [tilespmem:s3+$0x1310];
	v40 =	vadd.f32 v55, v40  }
0x1b7: {  	v61 =	vld [tilespmem:s0+$0x1330];
	v43 =	vmul.f32 v53, v34;
	v41 =	vadd.f32 v58, v41  }
0x1b8: {  	v63 =	vld [tilespmem:s3+$0x1320];
	v62 =	vmul.f32 v54, v26;
	v40 =	vadd.f32 v59, v40  }
0x1b9: {  	v48 =	vmul.f32 v56, v32;
	v41 =	vadd.f32 v43, v41  }
0x1ba: {  	v50 =	vld [tilespmem:s3+$0x1330];
	v49 =	vmul.f32 v57, v25;
	v40 =	vadd.f32 v62, v40  }
0x1bb: {  	v51 =	vmul.f32 v60, v33;
	v41 =	vadd.f32 v48, v41  }
0x1bc: {  	v52 =	vmul.f32 v61, v24;
	v40 =	vadd.f32 v49, v40  }
0x1bd: {  	v53 =	vmul.f32 v63, v35;
	v41 =	vadd.f32 v51, v41  }
0x1be: {  	s22 =	sshll.u32 s20, $0x4;
	s20 =	sadd.s32 $0x10, s26;
	v40 =	vadd.f32 v52, v40  }
0x1bf: {  	s24 =	sshll.u32 s20, $0x7;
	s0 =	sand.u32 $0x3FFFFFF0, s22;
	v54 =	vmul.f32 v50, v37;
	v41 =	vadd.f32 v53, v41  }
0x1c0: {  	[tilespmem:s0+$0x162C0] =	vst v40;
	s0 =	sand.u32 $0x3FFFFF80, s24  }
0x1c1: {  	s31 =	sshll.u32 s30, $0x4;
	s3 =	sadd.s32 $0x10, s28;
	v41 =	vadd.f32 v54, v41;
	v40 =	vld [tilespmem:s0+$0x12C0]  }
0x1c2: {  	s29 =	sand.u32 $0x3FFFFFE0, s31;
	s22 =	sshll.u32 s3, $0x7;
	v55 =	vld [tilespmem:s0+$0x12D0]  }
0x1c3: {  	s24 =	sand.u32 $0x3FFFFF80, s22;
	v56 =	vld [tilespmem:s0+$0x12E0];
	[tilespmem:s29+$0x162C0] =	vst v41  }
0x1c4: {  	v41 =	vld [tilespmem:s24+$0x12C0]  }
0x1c5: {  	v57 =	vld [tilespmem:s24+$0x12D0]  }
0x1c6: {  	v58 =	vld [tilespmem:s0+$0x12F0]  }
0x1c7: {  	v59 =	vld [tilespmem:s24+$0x12E0];
	v40 =	vmul.f32 v40, v30;
	v42 =	vmul.f32 v55, v31  }
0x1c8: {  	v60 =	vld [tilespmem:s0+$0x1300]  }
0x1c9: {  	v62 =	vld [tilespmem:s24+$0x12F0];
	v61 =	vmul.f32 v56, v29;
	v40 =	vadd.f32 v42, v40  }
0x1ca: {  	v63 =	vld [tilespmem:s0+$0x1310];
	v41 =	vmul.f32 v41, v38;
	v44 =	vmul.f32 v57, v39  }
0x1cb: {  	v53 =	vld [tilespmem:s24+$0x1300];
	v52 =	vmul.f32 v58, v28;
	v40 =	vadd.f32 v61, v40  }
0x1cc: {  	v54 =	vld [tilespmem:s0+$0x1320];
	v55 =	vmul.f32 v59, v36;
	v41 =	vadd.f32 v44, v41  }
0x1cd: {  	v56 =	vmul.f32 v60, v27;
	v57 =	vld [tilespmem:s24+$0x1310];
	v40 =	vadd.f32 v52, v40  }
0x1ce: {  	v58 =	vld [tilespmem:s0+$0x1330];
	v43 =	vmul.f32 v62, v34;
	v41 =	vadd.f32 v55, v41  }
0x1cf: {  	v60 =	vld [tilespmem:s24+$0x1320];
	v59 =	vmul.f32 v63, v26;
	v40 =	vadd.f32 v56, v40  }
0x1d0: {  	v61 =	vmul.f32 v53, v32;
	v41 =	vadd.f32 v43, v41  }
0x1d1: {  	v62 =	vmul.f32 v54, v25;
	v63 =	vld [tilespmem:s24+$0x1330];
	v40 =	vadd.f32 v59, v40  }
0x1d2: {  	v46 =	vmul.f32 v57, v33;
	v41 =	vadd.f32 v61, v41  }
0x1d3: {  	v47 =	vmul.f32 v58, v24;
	v40 =	vadd.f32 v62, v40  }
0x1d4: {  	v48 =	vmul.f32 v60, v35;
	v41 =	vadd.f32 v46, v41  }
0x1d5: {  	s29 =	sshll.u32 s20, $0x4;
	s20 =	sadd.s32 $0x11, s26;
	v40 =	vadd.f32 v47, v40  }
0x1d6: {  	s31 =	sshll.u32 s20, $0x7;
	s0 =	sand.u32 $0x3FFFFFF0, s29;
	v49 =	vmul.f32 v63, v37;
	v41 =	vadd.f32 v48, v41  }
0x1d7: {  	[tilespmem:s0+$0x162C0] =	vst v40;
	s0 =	sand.u32 $0x3FFFFF80, s31  }
0x1d8: {  	s30 =	sadd.s32 $0x11, s28;
	s3 =	sshll.u32 s3, $0x4;
	v41 =	vadd.f32 v49, v41;
	v40 =	vld [tilespmem:s0+$0x12C0]  }
0x1d9: {  	s22 =	sshll.u32 s30, $0x7;
	s29 =	sand.u32 $0x3FFFFFF0, s3;
	v50 =	vld [tilespmem:s0+$0x12D0]  }
0x1da: {  	s24 =	sand.u32 $0x3FFFFF00, s22;
	v51 =	vld [tilespmem:s0+$0x12E0];
	[tilespmem:s29+$0x162C0] =	vst v41  }
0x1db: {  	v41 =	vld [tilespmem:s24+$0x12C0]  }
0x1dc: {  	v52 =	vld [tilespmem:s24+$0x12D0]  }
0x1dd: {  	v53 =	vld [tilespmem:s0+$0x12F0]  }
0x1de: {  	v54 =	vld [tilespmem:s24+$0x12E0];
	v40 =	vmul.f32 v40, v30;
	v42 =	vmul.f32 v50, v31  }
0x1df: {  	v55 =	vld [tilespmem:s0+$0x1300]  }
0x1e0: {  	v57 =	vld [tilespmem:s24+$0x12F0];
	v56 =	vmul.f32 v51, v29;
	v40 =	vadd.f32 v42, v40  }
0x1e1: {  	v58 =	vld [tilespmem:s0+$0x1310];
	v41 =	vmul.f32 v41, v38;
	v44 =	vmul.f32 v52, v39  }
0x1e2: {  	v60 =	vld [tilespmem:s24+$0x1300];
	v59 =	vmul.f32 v53, v28;
	v40 =	vadd.f32 v56, v40  }
0x1e3: {  	v61 =	vld [tilespmem:s0+$0x1320];
	v62 =	vmul.f32 v54, v36;
	v41 =	vadd.f32 v44, v41  }
0x1e4: {  	v63 =	vmul.f32 v55, v27;
	v50 =	vld [tilespmem:s24+$0x1310];
	v40 =	vadd.f32 v59, v40  }
0x1e5: {  	v51 =	vld [tilespmem:s0+$0x1330];
	v43 =	vmul.f32 v57, v34;
	v41 =	vadd.f32 v62, v41  }
0x1e6: {  	v53 =	vld [tilespmem:s24+$0x1320];
	v52 =	vmul.f32 v58, v26;
	v40 =	vadd.f32 v63, v40  }
0x1e7: {  	v54 =	vmul.f32 v60, v32;
	v41 =	vadd.f32 v43, v41  }
0x1e8: {  	v55 =	vmul.f32 v61, v25;
	v56 =	vld [tilespmem:s24+$0x1330];
	v40 =	vadd.f32 v52, v40  }
0x1e9: {  	v57 =	vmul.f32 v50, v33;
	v41 =	vadd.f32 v54, v41  }
0x1ea: {  	v58 =	vmul.f32 v51, v24;
	v40 =	vadd.f32 v55, v40  }
0x1eb: {  	v59 =	vmul.f32 v53, v35;
	v41 =	vadd.f32 v57, v41  }
0x1ec: {  	s31 =	sshll.u32 s20, $0x4;
	s20 =	sadd.s32 $0x12, s26;
	v40 =	vadd.f32 v58, v40  }
0x1ed: {  	s3 =	sshll.u32 s20, $0x7;
	s0 =	sand.u32 $0x3FFFFFF0, s31;
	v60 =	vmul.f32 v56, v37;
	v41 =	vadd.f32 v59, v41  }
0x1ee: {  	[tilespmem:s0+$0x162C0] =	vst v40;
	s0 =	sand.u32 $0x3FFFFF80, s3  }
0x1ef: {  	s22 =	sshll.u32 s30, $0x4;
	s30 =	sadd.s32 $0x12, s28;
	v41 =	vadd.f32 v60, v41;
	v40 =	vld [tilespmem:s0+$0x12C0]  }
0x1f0: {  	s29 =	sand.u32 $0x3FFFFFE0, s22;
	s24 =	sshll.u32 s30, $0x7;
	v61 =	vld [tilespmem:s0+$0x12D0]  }
0x1f1: {  	s3 =	sand.u32 $0x3FFFFF80, s24;
	v62 =	vld [tilespmem:s0+$0x12E0];
	[tilespmem:s29+$0x162C0] =	vst v41  }
0x1f2: {  	v41 =	vld [tilespmem:s3+$0x12C0]  }
0x1f3: {  	v63 =	vld [tilespmem:s3+$0x12D0]  }
0x1f4: {  	v52 =	vld [tilespmem:s0+$0x12F0]  }
0x1f5: {  	v53 =	vld [tilespmem:s3+$0x12E0];
	v40 =	vmul.f32 v40, v30;
	v42 =	vmul.f32 v61, v31  }
0x1f6: {  	v54 =	vld [tilespmem:s0+$0x1300]  }
0x1f7: {  	v56 =	vld [tilespmem:s3+$0x12F0];
	v55 =	vmul.f32 v62, v29;
	v40 =	vadd.f32 v42, v40  }
0x1f8: {  	v57 =	vld [tilespmem:s0+$0x1310];
	v41 =	vmul.f32 v41, v38;
	v44 =	vmul.f32 v63, v39  }
0x1f9: {  	v59 =	vld [tilespmem:s3+$0x1300];
	v58 =	vmul.f32 v52, v28;
	v40 =	vadd.f32 v55, v40  }
0x1fa: {  	v60 =	vld [tilespmem:s0+$0x1320];
	v61 =	vmul.f32 v53, v36;
	v41 =	vadd.f32 v44, v41  }
0x1fb: {  	v62 =	vmul.f32 v54, v27;
	v63 =	vld [tilespmem:s3+$0x1310];
	v40 =	vadd.f32 v58, v40  }
0x1fc: {  	v50 =	vld [tilespmem:s0+$0x1330];
	v43 =	vmul.f32 v56, v34;
	v41 =	vadd.f32 v61, v41  }
0x1fd: {  	v51 =	vmul.f32 v57, v26;
	v52 =	vld [tilespmem:s3+$0x1320];
	v40 =	vadd.f32 v62, v40  }
0x1fe: {  	v53 =	vmul.f32 v59, v32;
	v41 =	vadd.f32 v43, v41  }
0x1ff: {  	v54 =	vmul.f32 v60, v25;
	v55 =	vld [tilespmem:s3+$0x1330];
	v40 =	vadd.f32 v51, v40  }
0x200: {  	v56 =	vmul.f32 v63, v33;
	v41 =	vadd.f32 v53, v41  }
0x201: {  	v57 =	vmul.f32 v50, v24;
	v40 =	vadd.f32 v54, v40  }
0x202: {  	v58 =	vmul.f32 v52, v35;
	v41 =	vadd.f32 v56, v41  }
0x203: {  	s22 =	sshll.u32 s20, $0x4;
	s20 =	sadd.s32 $0x13, s26;
	v40 =	vadd.f32 v57, v40  }
0x204: {  	s24 =	sshll.u32 s20, $0x7;
	s0 =	sand.u32 $0x3FFFFFF0, s22;
	v59 =	vmul.f32 v55, v37;
	v41 =	vadd.f32 v58, v41  }
0x205: {  	[tilespmem:s0+$0x162C0] =	vst v40;
	s0 =	sand.u32 $0x3FFFFF80, s24  }
0x206: {  	s31 =	sshll.u32 s30, $0x4;
	s3 =	sadd.s32 $0x13, s28;
	v41 =	vadd.f32 v59, v41;
	v40 =	vld [tilespmem:s0+$0x12C0]  }
0x207: {  	s29 =	sand.u32 $0x3FFFFFF0, s31;
	s22 =	sshll.u32 s3, $0x7;
	v60 =	vld [tilespmem:s0+$0x12D0]  }
0x208: {  	s24 =	sand.u32 $0x3FFFFF00, s22;
	v61 =	vld [tilespmem:s0+$0x12E0];
	[tilespmem:s29+$0x162C0] =	vst v41  }
0x209: {  	v62 =	vld [tilespmem:s24+$0x12C0]  }
0x20a: {  	v63 =	vld [tilespmem:s24+$0x12D0]  }
0x20b: {  	v52 =	vld [tilespmem:s0+$0x12F0]  }
0x20c: {  	v53 =	vld [tilespmem:s24+$0x12E0]  }
0x20d: {  	v54 =	vld [tilespmem:s0+$0x1300];
	v40 =	vmul.f32 v40, v30;
	v42 =	vmul.f32 v60, v31  }
0x20e: {  	v55 =	vld [tilespmem:s24+$0x12F0];
	v41 =	vmul.f32 v61, v29  }
0x20f: {  	v56 =	vld [tilespmem:s0+$0x1310];
	v40 =	vadd.f32 v42, v40;
	v43 =	vmul.f32 v62, v38;
	v44 =	vmul.f32 v63, v39  }
0x210: {  	v58 =	vld [tilespmem:s24+$0x1300];
	v57 =	vmul.f32 v52, v28  }
0x211: {  	v59 =	vld [tilespmem:s0+$0x1320];
	v60 =	vmul.f32 v53, v36;
	v40 =	vadd.f32 v41, v40;
	v43 =	vadd.f32 v44, v43  }
0x212: {  	v61 =	vmul.f32 v54, v27;
	v62 =	vld [tilespmem:s24+$0x1310]  }
0x213: {  	v50 =	vld [tilespmem:s24+$0x1320];
	v42 =	vmul.f32 v55, v34;
	v40 =	vadd.f32 v57, v40;
	v43 =	vadd.f32 v60, v43  }
0x214: {  	v48 =	vmul.f32 v56, v26;
	v63 =	vld [tilespmem:s0+$0x1330]  }
0x215: {  	v51 =	vmul.f32 v58, v32;
	v40 =	vadd.f32 v61, v40;
	v42 =	vadd.f32 v42, v43  }
0x216: {  	v52 =	vmul.f32 v59, v25;
	v53 =	vld [tilespmem:s24+$0x1330]  }
0x217: {  	v54 =	vmul.f32 v62, v33;
	v40 =	vadd.f32 v48, v40;
	v42 =	vadd.f32 v51, v42  }
0x218: {  	v56 =	vmul.f32 v50, v35  }
0x219: {  	v55 =	vmul.f32 v63, v24;
	v40 =	vadd.f32 v52, v40;
	v42 =	vadd.f32 v54, v42;
	_ =	sdelay $0x1  }
0x21a: {  	s29 =	sshll.u32 s20, $0x4;
	s20 =	sadd.s32 $0x14, s26;
	v58 =	vmul.f32 v53, v37;
	v40 =	vadd.f32 v55, v40;
	v57 =	vadd.f32 v56, v42  }
0x21b: {  	s26 =	sshll.u32 s20, $0x7;
	s0 =	sand.u32 $0x3FFFFFF0, s29  }
0x21c: {  	s28 =	sadd.s32 $0x14, s28;
	s3 =	sshll.u32 s3, $0x4;
	s31 =	sand.u32 $0x3FFFFF80, s26;
	[tilespmem:s0+$0x162C0] =	vst v40;
	v59 =	vadd.f32 v58, v57  }
0x21d: {  	s22 =	sshll.u32 s28, $0x7;
	s26 =	sand.u32 $0x3FFFFFE0, s3;
	v60 =	vld [tilespmem:s31+$0x12C0]  }
0x21e: {  	s24 =	sand.u32 $0x3FFFFF80, s22;
	v61 =	vld [tilespmem:s31+$0x12D0];
	[tilespmem:s26+$0x162C0] =	vst v59  }
0x21f: {  	v62 =	vld [tilespmem:s24+$0x12C0]  }
0x220: {  	v63 =	vld [tilespmem:s24+$0x12D0]  }
0x221: {  	v48 =	vld [tilespmem:s31+$0x12E0]  }
0x222: {  	v49 =	vld [tilespmem:s24+$0x12E0]  }
0x223: {  	v50 =	vld [tilespmem:s31+$0x12F0]  }
0x224: {  	v51 =	vld [tilespmem:s24+$0x12F0];
	v30 =	vmul.f32 v60, v30;
	v31 =	vmul.f32 v61, v31  }
0x225: {  	v52 =	vld [tilespmem:s31+$0x1300];
	v38 =	vmul.f32 v62, v38;
	v39 =	vmul.f32 v63, v39  }
0x226: {  	v53 =	vld [tilespmem:s24+$0x1300];
	v29 =	vmul.f32 v48, v29;
	v30 =	vadd.f32 v31, v30  }
0x227: {  	v54 =	vld [tilespmem:s31+$0x1310];
	v36 =	vmul.f32 v49, v36;
	v38 =	vadd.f32 v39, v38  }
0x228: {  	v55 =	vld [tilespmem:s24+$0x1310];
	v28 =	vmul.f32 v50, v28;
	v29 =	vadd.f32 v29, v30  }
0x229: {  	v56 =	vld [tilespmem:s31+$0x1320];
	v34 =	vmul.f32 v51, v34;
	v36 =	vadd.f32 v36, v38  }
0x22a: {  	v57 =	vld [tilespmem:s24+$0x1320];
	v27 =	vmul.f32 v52, v27;
	v28 =	vadd.f32 v28, v29  }
0x22b: {  	v58 =	vld [tilespmem:s31+$0x1330];
	v31 =	vmul.f32 v53, v32;
	v34 =	vadd.f32 v34, v36  }
0x22c: {  	v59 =	vld [tilespmem:s24+$0x1330];
	v26 =	vmul.f32 v54, v26;
	v27 =	vadd.f32 v27, v28  }
0x22d: {  	v30 =	vmul.f32 v55, v33;
	v31 =	vadd.f32 v31, v34  }
0x22e: {  	v25 =	vmul.f32 v56, v25;
	v26 =	vadd.f32 v26, v27  }
0x22f: {  	v29 =	vmul.f32 v57, v35;
	v60 =	vadd.f32 v30, v31  }
0x230: {  	p0 =	slt.u32 s10, $0xE;
	v24 =	vmul.f32 v58, v24;
	v25 =	vadd.f32 v25, v26  }
.Ltmp0:
0x231: {  	v62 =	vmul.f32 v59, v37;
	v61 =	vadd.f32 v29, v60;
	(pc) =	sbr.rel @p0 .LBB2_3-.Ltmp0, $4  }
0x232: {  	s26 =	sshll.u32 s20, $0x4;
	v24 =	vadd.f32 v24, v25  }
0x233: {  	s29 =	sshll.u32 s28, $0x4;
	s0 =	sand.u32 $0x3FFFFFF0, s26;
	v63 =	vadd.f32 v62, v61  }
0x234: {  	s30 =	sand.u32 $0x3FFFFFF0, s29;
	s31 =	sadd.s32 $0x2, s10;
	[tilespmem:s0+$0x162C0] =	vst v24  }
0x235: {  	s10 =	smov.u32 s31;
	[tilespmem:s30+$0x162C0] =	vst v63  }
0x236: {  	s0 =	simm.s32 $0x100  }
0x237: {  	p0 =	seq.s32 s12, $0x0;
	v24 =	vor.u32 s0, v0  }
0x238: {  	s20 =	simm.s32 $0x0;
	s10 =	simm.s32 @!p0 $0x5;
	v25 =	vor.u32 s0, v1  }
0x239: {  	v26 =	vor.u32 s20, v0;
	_ =	swait.ge @!p0 [sflag:s10], $0x150  }
0x23a: {  	s24 =	simm.s32 $0x1;
	v27 =	vor.u32 s0, v2;
	[sflag:s10] =	ssyncset.done @!p0 $0x0  }
0x23b: {  	v28 =	vor.u32 s24, v0;
	[sflag:s10] =	ssyncadd.s32 @!p0 $0xFFFFFEB0  }
0x23c: {  	s26 =	simm.s32 $0x2;
	v29 =	vor.u32 s0, v3;
	v24 =	vld.idx.msk [tilespmem:v24+s19+$0x0], $0xffff  }
0x23d: {  	v30 =	vor.u32 s26, v0;
	v25 =	vld.idx.msk [tilespmem:v25+s19+$0x0], $0xffff  }
0x23e: {  	s30 =	simm.s32 $0x3;
	v31 =	vor.u32 s0, v4;
	v26 =	vld.idx.msk [tilespmem:v26+s19+$0x0], $0xffff  }
0x23f: {  	v32 =	vor.u32 s30, v0;
	v27 =	vld.idx.msk [tilespmem:v27+s19+$0x0], $0xffff  }
0x240: {  	s31 =	simm.s32 $0x4;
	v33 =	vor.u32 s0, v5;
	v28 =	vld.idx.msk [tilespmem:v28+s19+$0x0], $0xffff  }
0x241: {  	v34 =	vor.u32 s31, v0;
	v29 =	vld.idx.msk [tilespmem:v29+s19+$0x0], $0xffff  }
0x242: {  	s3 =	simm.s32 $0x5;
	v35 =	vor.u32 s0, v6;
	v30 =	vld.idx.msk [tilespmem:v30+s19+$0x0], $0xffff  }
0x243: {  	v36 =	vor.u32 s3, v0;
	v31 =	vld.idx.msk [tilespmem:v31+s19+$0x0], $0xffff  }
0x244: {  	s22 =	simm.s32 $0x108;
	v37 =	vor.u32 s0, v7;
	v32 =	vld.idx.msk [tilespmem:v32+s19+$0x0], $0xffff  }
0x245: {  	s20 =	simm.s32 $0x6;
	v39 =	vor.u32 s22, v0;
	v33 =	vld.idx.msk [tilespmem:v33+s19+$0x0], $0xffff  }
0x246: {  	s24 =	simm.s32 $0x7;
	v38 =	vor.u32 s20, v0;
	v34 =	vld.idx.msk [tilespmem:v34+s19+$0x0], $0xffff  }
0x247: {  	s26 =	simm.s32 $0x109;
	v40 =	vor.u32 s24, v0;
	v35 =	vld.idx.msk [tilespmem:v35+s19+$0x0], $0xffff  }
0x248: {  	s30 =	simm.s32 $0x8;
	v41 =	vor.u32 s26, v1;
	v36 =	vld.idx.msk [tilespmem:v36+s19+$0x0], $0xffff  }
0x249: {  	s31 =	simm.s32 $0x10A;
	v42 =	vor.u32 s30, v0;
	v37 =	vld.idx.msk [tilespmem:v37+s19+$0x0], $0xffff  }
0x24a: {  	s3 =	simm.s32 $0x9;
	v43 =	vor.u32 s31, v2;
	v39 =	vld.idx.msk [tilespmem:v39+s19+$0x0], $0xffff  }
0x24b: {  	s22 =	simm.s32 $0x10C;
	v44 =	vor.u32 s3, v0;
	v38 =	vld.idx.msk [tilespmem:v38+s19+$0x0], $0xffff  }
0x24c: {  	s20 =	simm.s32 $0xA;
	v47 =	vor.u32 s22, v4;
	v40 =	vld.idx.msk [tilespmem:v40+s19+$0x0], $0xffff  }
0x24d: {  	s24 =	simm.s32 $0xB;
	v46 =	vor.u32 s20, v0;
	v41 =	vld.idx.msk [tilespmem:v41+s19+$0x0], $0xffff  }
0x24e: {  	s26 =	simm.s32 $0x10D;
	v48 =	vor.u32 s24, v0;
	v42 =	vld.idx.msk [tilespmem:v42+s19+$0x0], $0xffff  }
0x24f: {  	s31 =	simm.s32 $0x10E;
	v49 =	vor.u32 s26, v5;
	v43 =	vld.idx.msk [tilespmem:v43+s19+$0x0], $0xffff  }
0x250: {  	s3 =	simm.s32 $0xD;
	v51 =	vor.u32 s31, v6;
	s20 =	simm.s32 $0x10F;
	v44 =	vld.idx.msk [tilespmem:v44+s19+$0x0], $0xffff  }
0x251: {  	v52 =	vor.u32 s3, v0;
	s3 =	simm.s32 $0x203;
	v53 =	vor.u32 s20, v7;
	v47 =	vld.idx.msk [tilespmem:v47+s19+$0x0], $0xffff  }
0x252: {  	s10 =	simm.s32 $0x10B;
	v60 =	vor.u32 s3, v0;
	v46 =	vld.idx.msk [tilespmem:v46+s19+$0x0], $0xffff  }
0x253: {  	s30 =	simm.s32 $0xC;
	v45 =	vor.u32 s10, v3;
	v48 =	vld.idx.msk [tilespmem:v48+s19+$0x0], $0xffff  }
0x254: {  	v50 =	vor.u32 s30, v0;
	v49 =	vld.idx.msk [tilespmem:v49+s19+$0x0], $0xffff  }
0x255: {  	s22 =	simm.s32 $0xE;
	v51 =	vld.idx.msk [tilespmem:v51+s19+$0x0], $0xffff  }
0x256: {  	s0 =	simm.s32 $0x300;
	v54 =	vor.u32 s22, v0;
	v53 =	vld.idx.msk [tilespmem:v53+s19+$0x0], $0xffff;
	v24 =	vadd.f32 v25, v24;
	v26 =	vadd.f32 v28, v26  }
0x257: {  	v61 =	vor.u32 s0, v0;
	s30 =	simm.s32 $0x201;
	v56 =	vld.idx.msk [tilespmem:v60+s19+$0x0], $0xffff  }
0x258: {  	v63 =	vor.u32 s30, v0;
	v45 =	vld.idx.msk [tilespmem:v45+s19+$0x0], $0xffff;
	v24 =	vadd.f32 v27, v24;
	v26 =	vadd.f32 v30, v26  }
0x259: {  	s26 =	simm.s32 $0x200;
	v28 =	vld.idx.msk [tilespmem:v50+s19+$0x0], $0xffff;
	v27 =	vor.u32 s0, v1  }
0x25a: {  	v62 =	vor.u32 s26, v0;
	v30 =	vld.idx.msk [tilespmem:v52+s19+$0x0], $0xffff;
	v24 =	vadd.f32 v29, v24;
	v26 =	vadd.f32 v32, v26  }
0x25b: {  	v29 =	vor.u32 s0, v2;
	v32 =	vld.idx.msk [tilespmem:v54+s19+$0x0], $0xffff  }
0x25c: {  	v57 =	vor.u32 s0, v3;
	s31 =	simm.s32 $0x202;
	v24 =	vadd.f32 v31, v24;
	v26 =	vadd.f32 v34, v26;
	v31 =	vld.idx.msk [tilespmem:v61+s19+$0x0], $0xffff  }
0x25d: {  	v58 =	vor.u32 s31, v0;
	v61 =	vld.idx.msk [tilespmem:v63+s19+$0x0], $0xffff  }
0x25e: {  	v59 =	vor.u32 s0, v4;
	s24 =	simm.s32 $0xF;
	v27 =	vld.idx.msk [tilespmem:v27+s19+$0x0], $0xffff;
	v24 =	vadd.f32 v33, v24;
	v26 =	vadd.f32 v36, v26  }
0x25f: {  	s20 =	simm.s32 $0x204;
	v25 =	vor.u32 s24, v0;
	v33 =	vld.idx.msk [tilespmem:v62+s19+$0x0], $0xffff  }
0x260: {  	v63 =	vor.u32 s20, v0;
	v29 =	vld.idx.msk [tilespmem:v29+s19+$0x0], $0xffff;
	v24 =	vadd.f32 v35, v24;
	v26 =	vadd.f32 v38, v26  }
0x261: {  	v34 =	vld.idx.msk [tilespmem:v57+s19+$0x0], $0xffff;
	v62 =	vor.u32 s0, v5  }
0x262: {  	v55 =	vor.u32 s0, v6;
	s26 =	simm.s32 $0x308;
	v24 =	vadd.f32 v37, v24;
	v26 =	vadd.f32 v40, v26;
	v37 =	vld.idx.msk [tilespmem:v58+s19+$0x0], $0xffff  }
0x263: {  	s22 =	simm.s32 $0x205;
	v36 =	vld.idx.msk [tilespmem:v59+s19+$0x0], $0xffff;
	v59 =	vor.u32 s26, v0;
	v27 =	vadd.f32 v27, v31  }
0x264: {  	v25 =	vld.idx.msk [tilespmem:v25+s19+$0x0], $0xffff;
	v31 =	vor.u32 s22, v0;
	v24 =	vadd.f32 v39, v24;
	v26 =	vadd.f32 v42, v26  }
0x265: {  	s24 =	simm.s32 $0x206;
	v57 =	vor.u32 s0, v7;
	v58 =	vld.idx.msk [tilespmem:v63+s19+$0x0], $0xffff;
	v33 =	vadd.f32 v61, v33;
	v27 =	vadd.f32 v29, v27  }
0x266: {  	s30 =	simm.s32 $0x207;
	v38 =	vld.idx.msk [tilespmem:v62+s19+$0x0], $0xffff;
	v29 =	vor.u32 s24, v0;
	v24 =	vadd.f32 v41, v24;
	v26 =	vadd.f32 v44, v26  }
0x267: {  	s31 =	simm.s32 $0x309;
	v60 =	vor.u32 s30, v0;
	v61 =	vld.idx.msk [tilespmem:v55+s19+$0x0], $0xffff;
	v27 =	vadd.f32 v34, v27;
	v33 =	vadd.f32 v37, v33  }
0x268: {  	s20 =	simm.s32 $0x209;
	v62 =	vor.u32 s31, v1;
	v54 =	vld.idx.msk [tilespmem:v59+s19+$0x0], $0xffff;
	v24 =	vadd.f32 v43, v24;
	v26 =	vadd.f32 v46, v26  }
0x269: {  	s3 =	simm.s32 $0x208;
	v52 =	vor.u32 s20, v0;
	v31 =	vld.idx.msk [tilespmem:v31+s19+$0x0], $0xffff;
	v27 =	vadd.f32 v36, v27;
	v33 =	vadd.f32 v56, v33  }
0x26a: {  	s10 =	simm.s32 $0x30A;
	v63 =	vor.u32 s3, v0;
	v46 =	vld.idx.msk [tilespmem:v57+s19+$0x0], $0xffff;
	v24 =	vadd.f32 v45, v24;
	v26 =	vadd.f32 v48, v26  }
0x26b: {  	s22 =	simm.s32 $0x30B;
	v29 =	vld.idx.msk [tilespmem:v29+s19+$0x0], $0xffff;
	v48 =	vor.u32 s10, v2;
	v27 =	vadd.f32 v38, v27;
	v33 =	vadd.f32 v58, v33  }
0x26c: {  	v55 =	vld.idx.msk [tilespmem:v60+s19+$0x0], $0xffff;
	s24 =	simm.s32 $0x20A;
	v24 =	vadd.f32 v47, v24;
	v26 =	vadd.f32 v28, v26;
	v28 =	vor.u32 s22, v3  }
0x26d: {  	s30 =	simm.s32 $0x20B;
	v57 =	vld.idx.msk [tilespmem:v62+s19+$0x0], $0xffff;
	v56 =	vor.u32 s24, v0;
	v27 =	vadd.f32 v61, v27  }
0x26e: {  	s26 =	simm.s32 $0x30C;
	v59 =	vor.u32 s30, v0;
	v31 =	vadd.f32 v31, v33;
	v33 =	vld.idx.msk [tilespmem:v52+s19+$0x0], $0xffff;
	v24 =	vadd.f32 v49, v24  }
0x26f: {  	s31 =	simm.s32 $0x30D;
	v58 =	vor.u32 s26, v4;
	v26 =	vadd.f32 v30, v26;
	v30 =	vld.idx.msk [tilespmem:v63+s19+$0x0], $0xffff;
	v36 =	vadd.f32 v46, v27  }
0x270: {  	s3 =	simm.s32 $0x20C;
	v61 =	vor.u32 s31, v5;
	v60 =	vld.idx.msk [tilespmem:v48+s19+$0x0], $0xffff;
	v29 =	vadd.f32 v29, v31;
	v24 =	vadd.f32 v51, v24  }
0x271: {  	s30 =	simm.s32 $0x30E;
	v27 =	vor.u32 s3, v0;
	v32 =	vadd.f32 v32, v26;
	v36 =	vadd.f32 v54, v36;
	v31 =	vld.idx.msk [tilespmem:v28+s19+$0x0], $0xffff  }
0x272: {  	s20 =	simm.s32 $0x20D;
	v35 =	vor.u32 s30, v6;
	v28 =	vld.idx.msk [tilespmem:v56+s19+$0x0], $0xffff;
	v39 =	vadd.f32 v55, v29;
	v62 =	vadd.f32 v53, v24  }
0x273: {  	s26 =	simm.s32 $0x177D0;
	s31 =	simm.s32 $0x30F;
	v26 =	vor.u32 s20, v0;
	v29 =	vld.idx.msk [tilespmem:v59+s19+$0x0], $0xffff;
	v63 =	vadd.f32 v25, v32;
	v36 =	vadd.f32 v57, v36  }
0x274: {  	s24 =	simm.s32 $0x20F;
	s22 =	simm.s32 $0x20E;
	v34 =	vor.u32 s31, v7;
	v32 =	vld.idx.msk [tilespmem:v58+s19+$0x0], $0xffff;
	v37 =	vadd.f32 v30, v39;
	[tilespmem:s26+$0x0] =	vst v62  }
0x275: {  	s28 =	simm.s32 $0x2;
	s29 =	simm.s32 $0x50F;
	s10 =	sadd.s32 s8, s9;
	v25 =	vor.u32 s22, v0;
	v24 =	vor.u32 s24, v0;
	v30 =	vld.idx.msk [tilespmem:v61+s19+$0x0], $0xffff;
	[tilespmem:s26+$0xFFFFFFF0] =	vst v63;
	v36 =	vadd.f32 v60, v36  }
.LBB2_5:
0x276: {  	s0 =	sadd.s32 $0xFFFFFEF1, s29;
	s20 =	sadd.s32 $0xFFFFFEF2, s29;
	s30 =	sadd.s32 $0xFFFFFFF1, s29;
	v33 =	vadd.f32 v33, v37;
	v37 =	vld.idx.msk [tilespmem:v27+s19+$0x0], $0xffff  }
0x277: {  	s31 =	sadd.s32 $0xFFFFFEF4, s29;
	s28 =	sadd.s32 $0x2, s28;
	v38 =	vor.u32 s0, v0;
	s0 =	sadd.s32 $0xFFFFFEF3, s29;
	v27 =	vor.u32 s30, v0;
	v31 =	vadd.f32 v31, v36;
	v35 =	vld.idx.msk [tilespmem:v35+s19+$0x0], $0xffff  }
0x278: {  	v36 =	vor.u32 s20, v0;
	s20 =	sadd.s32 $0xFFFFFEF6, s29;
	v40 =	vor.u32 s30, v1;
	p1 =	slt.u32 s28, $0x12;
	v39 =	vor.u32 s0, v0;
	s0 =	sadd.s32 $0xFFFFFEF5, s29;
	v41 =	vld.idx.msk [tilespmem:v26+s19+$0x0], $0xffff  }
0x279: {  	s24 =	sadd.s32 $0xFFFFFEF9, s29;
	v42 =	vor.u32 s31, v0;
	s31 =	sadd.s32 $0xFFFFFEF8, s29;
	v43 =	vor.u32 s0, v0;
	s0 =	sadd.s32 $0xFFFFFEF7, s29;
	v26 =	vadd.f32 v32, v31;
	v31 =	vld.idx.msk [tilespmem:v34+s19+$0x0], $0xffff  }
0x27a: {  	s22 =	sadd.s32 $0xFFFFFEFC, s29;
	v44 =	vor.u32 s30, v2;
	v32 =	vor.u32 s20, v0;
	s20 =	sadd.s32 $0xFFFFFEFB, s29;
	v34 =	vor.u32 s0, v0;
	s0 =	sadd.s32 $0xFFFFFEFA, s29;
	v45 =	vld.idx.msk [tilespmem:v25+s19+$0x0], $0xffff  }
0x27b: {  	s3 =	sadd.s32 $0xFFFFFEFF, s29;
	v47 =	vor.u32 s24, v0;
	s24 =	sadd.s32 $0xFFFFFEFD, s29;
	v46 =	vor.u32 s31, v0;
	s31 =	sadd.s32 $0xFFFFFEFE, s29;
	v48 =	vld.idx.msk [tilespmem:v24+s19+$0x0], $0xffff;
	v24 =	vadd.f32 v30, v26  }
0x27c: {  	v51 =	vor.u32 s30, v3;
	v49 =	vor.u32 s20, v0;
	v30 =	vor.u32 s0, v0;
	s0 =	sadd.s32 $0xFFFFFF00, s29;
	v50 =	vld.idx.msk [tilespmem:v27+s19+$0x0], $0xffff  }
0x27d: {  	v52 =	vor.u32 s22, v0;
	v27 =	vor.u32 s24, v0;
	v40 =	vld.idx.msk [tilespmem:v40+s19+$0x0], $0xffff;
	v35 =	vadd.f32 v35, v24  }
0x27e: {  	v53 =	vor.u32 s30, v4;
	v28 =	vadd.f32 v28, v33;
	v26 =	vor.u32 s31, v0;
	v38 =	vld.idx.msk [tilespmem:v38+s19+$0x0], $0xffff  }
0x27f: {  	v25 =	vor.u32 s3, v0;
	v24 =	vor.u32 s0, v0;
	v33 =	vld.idx.msk [tilespmem:v44+s19+$0x0], $0xffff;
	v31 =	vadd.f32 v31, v35  }
0x280: {  	s26 =	sadd.s32 $0x20, s26;
	v28 =	vadd.f32 v29, v28;
	v35 =	vld.idx.msk [tilespmem:v36+s19+$0x0], $0xffff;
	v36 =	vor.u32 s30, v5  }
0x281: {  	v29 =	vld.idx.msk [tilespmem:v51+s19+$0x0], $0xffff;
	[tilespmem:s26+$0x0] =	vst v31  }
0x282: {  	v28 =	vadd.f32 v37, v28;
	v31 =	vld.idx.msk [tilespmem:v39+s19+$0x0], $0xffff;
	v39 =	vor.u32 s30, v6  }
0x283: {  	v37 =	vadd.f32 v40, v50;
	v40 =	vld.idx.msk [tilespmem:v53+s19+$0x0], $0xffff  }
0x284: {  	v28 =	vadd.f32 v41, v28;
	v44 =	vor.u32 s30, v7;
	v42 =	vld.idx.msk [tilespmem:v42+s19+$0x0], $0xffff  }
0x285: {  	s0 =	sadd.s32 $0xFFFFFFF9, s29;
	v33 =	vadd.f32 v33, v37;
	v36 =	vld.idx.msk [tilespmem:v36+s19+$0x0], $0xffff  }
0x286: {  	v28 =	vadd.f32 v45, v28;
	v35 =	vadd.f32 v35, v38;
	v38 =	vor.u32 s0, v0;
	v37 =	vld.idx.msk [tilespmem:v43+s19+$0x0], $0xffff  }
0x287: {  	s0 =	sadd.s32 $0xFFFFFFFA, s29;
	v29 =	vadd.f32 v29, v33;
	v33 =	vld.idx.msk [tilespmem:v39+s19+$0x0], $0xffff  }
0x288: {  	v28 =	vadd.f32 v48, v28;
	v31 =	vadd.f32 v31, v35;
	v35 =	vor.u32 s0, v1;
	v32 =	vld.idx.msk [tilespmem:v32+s19+$0x0], $0xffff  }
0x289: {  	s0 =	sadd.s32 $0xFFFFFFFB, s29;
	v29 =	vadd.f32 v40, v29;
	v39 =	vld.idx.msk [tilespmem:v44+s19+$0x0], $0xffff  }
0x28a: {  	v40 =	vor.u32 s0, v2;
	v31 =	vadd.f32 v42, v31;
	v34 =	vld.idx.msk [tilespmem:v34+s19+$0x0], $0xffff;
	[tilespmem:s26+$0xFFFFFFF0] =	vst v28  }
0x28b: {  	s0 =	sadd.s32 $0xFFFFFFFC, s29;
	v28 =	vadd.f32 v36, v29;
	v29 =	vld.idx.msk [tilespmem:v38+s19+$0x0], $0xffff  }
0x28c: {  	v31 =	vadd.f32 v37, v31;
	v37 =	vor.u32 s0, v3;
	v36 =	vld.idx.msk [tilespmem:v46+s19+$0x0], $0xffff  }
0x28d: {  	s0 =	sadd.s32 $0xFFFFFFFD, s29;
	v28 =	vadd.f32 v33, v28;
	v38 =	vld.idx.msk [tilespmem:v35+s19+$0x0], $0xffff  }
0x28e: {  	v31 =	vadd.f32 v32, v31;
	v32 =	vor.u32 s0, v4;
	v41 =	vld.idx.msk [tilespmem:v47+s19+$0x0], $0xffff  }
0x28f: {  	s0 =	sadd.s32 $0xFFFFFFFE, s29;
	v28 =	vadd.f32 v39, v28;
	v39 =	vld.idx.msk [tilespmem:v40+s19+$0x0], $0xffff  }
0x290: {  	v34 =	vadd.f32 v34, v31;
	v33 =	vld.idx.msk [tilespmem:v30+s19+$0x0], $0xffff;
	v30 =	vor.u32 s0, v5  }
.Ltmp1:
0x291: {  	v29 =	vadd.f32 v29, v28;
	s0 =	sadd.s32 $0xFFFFFFFF, s29;
	v31 =	vld.idx.msk [tilespmem:v37+s19+$0x0], $0xffff;
	(pc) =	sbr.rel @p1 .LBB2_5-.Ltmp1, $4  }
0x292: {  	v34 =	vadd.f32 v36, v34;
	v35 =	vor.u32 s0, v6;
	v28 =	vld.idx.msk [tilespmem:v49+s19+$0x0], $0xffff  }
0x293: {  	v36 =	vadd.f32 v38, v29;
	v32 =	vld.idx.msk [tilespmem:v32+s19+$0x0], $0xffff  }
0x294: {  	v37 =	vadd.f32 v41, v34;
	v34 =	vor.u32 s29, v7;
	v29 =	vld.idx.msk [tilespmem:v52+s19+$0x0], $0xffff  }
0x295: {  	s29 =	sadd.s32 $0x200, s29;
	v36 =	vadd.f32 v39, v36;
	v30 =	vld.idx.msk [tilespmem:v30+s19+$0x0], $0xffff  }
0x296: {  	_ =	sdelay $0x2  }
0x297: {  	v33 =	vadd.f32 v33, v37  }
0x298: {  	v27 =	vld.idx.msk [tilespmem:v27+s19+$0x0], $0xffff  }
0x299: {  	v28 =	vadd.f32 v28, v33  }
0x29a: {  	v26 =	vld.idx.msk [tilespmem:v26+s19+$0x0], $0xffff;
	v31 =	vadd.f32 v31, v36  }
0x29b: {  	v44 =	vld.idx.msk [tilespmem:v35+s19+$0x0], $0xffff;
	v28 =	vadd.f32 v29, v28  }
0x29c: {  	v25 =	vld.idx.msk [tilespmem:v25+s19+$0x0], $0xffff;
	v45 =	vadd.f32 v32, v31  }
0x29d: {  	v46 =	vld.idx.msk [tilespmem:v34+s19+$0x0], $0xffff;
	v27 =	vadd.f32 v27, v28  }
0x29e: {  	v24 =	vld.idx.msk [tilespmem:v24+s19+$0x0], $0xffff;
	v47 =	vadd.f32 v30, v45  }
0x29f: {  	v26 =	vadd.f32 v26, v27  }
0x2a0: {  	v48 =	vadd.f32 v44, v47  }
0x2a1: {  	v25 =	vadd.f32 v25, v26  }
0x2a2: {  	v49 =	vadd.f32 v46, v48  }
0x2a3: {  	s0 =	sadd.s32 $0x20, s26;
	v24 =	vadd.f32 v24, v25  }
0x2a4: {  	[tilespmem:s0+$0x0] =	vst v49  }
0x2a5: {  	[tilespmem:s0+$0xFFFFFFF0] =	vst v24  }
0x2a6: {  	v24 =	vld.idx.msk [tilespmem:v8+s19+$0x0], $0xffff  }
0x2a7: {  	v50 =	vld.idx.msk [tilespmem:v9+s19+$0x0], $0xffff;
	_ =	sdelay $0x1  }
0x2a8: {  	v26 =	vld.idx.msk [tilespmem:v10+s19+$0x0], $0xffff;
	_ =	sdelay $0x1  }
0x2a9: {  	v51 =	vld.idx.msk [tilespmem:v11+s19+$0x0], $0xffff  }
0x2aa: {  	v24 =	vadd.f32 v50, v24  }
0x2ab: {  	v52 =	vld.idx.msk [tilespmem:v12+s19+$0x0], $0xffff  }
0x2ac: {  	v24 =	vadd.f32 v26, v24  }
0x2ad: {  	v53 =	vld.idx.msk [tilespmem:v13+s19+$0x0], $0xffff  }
0x2ae: {  	v24 =	vadd.f32 v51, v24  }
0x2af: {  	v54 =	vld.idx.msk [tilespmem:v14+s19+$0x0], $0xffff  }
0x2b0: {  	v24 =	vadd.f32 v52, v24  }
0x2b1: {  	v55 =	vld.idx.msk [tilespmem:v15+s19+$0x0], $0xffff  }
0x2b2: {  	v24 =	vadd.f32 v53, v24  }
0x2b3: {  	v56 =	vld.idx.msk [tilespmem:v16+s19+$0x0], $0xffff  }
0x2b4: {  	v24 =	vadd.f32 v54, v24  }
0x2b5: {  	v57 =	vld.idx.msk [tilespmem:v17+s19+$0x0], $0xffff  }
0x2b6: {  	v24 =	vadd.f32 v55, v24  }
0x2b7: {  	v58 =	vld.idx.msk [tilespmem:v18+s19+$0x0], $0xffff  }
0x2b8: {  	v24 =	vadd.f32 v56, v24  }
0x2b9: {  	v59 =	vld.idx.msk [tilespmem:v19+s19+$0x0], $0xffff  }
0x2ba: {  	v24 =	vadd.f32 v57, v24  }
0x2bb: {  	v60 =	vld.idx.msk [tilespmem:v20+s19+$0x0], $0xffff  }
0x2bc: {  	v24 =	vadd.f32 v58, v24  }
0x2bd: {  	v61 =	vld.idx.msk [tilespmem:v21+s19+$0x0], $0xffff  }
0x2be: {  	v24 =	vadd.f32 v59, v24  }
0x2bf: {  	v62 =	vld.idx.msk [tilespmem:v22+s19+$0x0], $0xffff  }
0x2c0: {  	v24 =	vadd.f32 v60, v24  }
0x2c1: {  	v63 =	vld.idx.msk [tilespmem:v23+s19+$0x0], $0xffff  }
0x2c2: {  	v24 =	vadd.f32 v61, v24;
	_ =	sdelay $0x1  }
0x2c3: {  	v24 =	vadd.f32 v62, v24  }
0x2c4: {  	s31 =	smul.u32 $0x15, s10  }
0x2c5: {  	v24 =	vadd.f32 v63, v24  }
0x2c6: {  	s0 =	sshrl.u32 s31, $0x3  }
0x2c7: {  	s3 =	simm.s32 $0x177C0;
	s0 =	sadd.s32 s7, s0;
	[tilespmem:$0x17900] =	vst v24  }
0x2c8: {  	[hbm4b:s0+s5] =	stream.linear.scatter [tilespmem:s3], [sflag:$0x5], $0x150, $0x38;
	[tilespmem:$0x17A60] =	vst v63  }
0x2c9: {  	p1 =	seq.s32 s12, $0xF;
	s0 =	rddreg [dreg:$0x7]  }
0x2ca: {  	s0 =	sadd.s32 @!p1 s9, s0  }
0x2cb: {  	s3 =	sshrl.u32 @!p1 s0, $0x3  }
0x2cc: {  	s9 =	simm.s32 @!p1 $0x0;
	s3 =	sadd.s32 @!p1 s11, s3  }
0x2cd: {  	[tilespmem:s9], [sflag:$0x7] =	stream.linear.gather @!p1 [hbm4b:s3+s9], $0x10, $0x38;
	[tilespmem:$0x17A60] =	vst v63  }
0x2ce: {  	s0 =	smul.u32 @!p1 $0x15, s0;
	s3 =	simm.s32 @!p1 $0x7  }
0x2cf: {  	_ =	swait.ge @!p1 [sflag:s3], $0x10  }
0x2d0: {  	s0 =	sshrl.u32 @!p1 s0, $0x3;
	[sflag:s3] =	ssyncset.done @!p1 $0x0  }
0x2d1: {  	s10 =	simm.s32 @!p1 $0x20;
	s0 =	sadd.s32 @!p1 s6, s0;
	[sflag:s3] =	ssyncadd.s32 @!p1 $0xFFFFFFF0  }
0x2d2: {  	[tilespmem:s10], [sflag:$0x7] =	stream.linear.gather @!p1 [hbm4b:s0+s9], $0x150, $0x38;
	[tilespmem:$0x17A60] =	vst v63  }
0x2d3: {  	_ =	swait.ge @!p1 [sflag:s3], $0x150  }
0x2d4: {  	[sflag:s3] =	ssyncset.done @!p1 $0x0  }
0x2d5: {  	s0 =	simm.s32 @!p1 $0x10;
	[sflag:s3] =	ssyncadd.s32 @!p1 $0xFFFFFEB0;
	s3 =	simm.s32 @!p1 $0x2C0  }
0x2d6: {  	[tilespmem:s3], [sflag:$0x1] =	stream.indirect.gather @!p1 [hbm4b:s1+s0], $0x80, s9, s0, $0xb8;
	[tilespmem:$0x17A60] =	vst v63  }
0x2d7: {  	s0 =	simm.s32 @!p1 $0x80;
	s3 =	simm.s32 @!p1 $0x12C0  }
0x2d8: {  	[tilespmem:s3], [sflag:$0x3] =	stream.indirect.gather @!p1 [hbm4b:s2+s0], $0x80, s10, s0, $0xb8;
	[tilespmem:$0x17A60] =	vst v63  }
0x2d9: {  	s9 =	simm.s32 @!p1 $0x52C0;
	s3 =	simm.s32 @!p1 $0xA0  }
0x2da: {  	[tilespmem:s9], [sflag:$0x3] =	stream.indirect.gather @!p1 [hbm4b:s2+s0], $0x80, s3, s0, $0xb8;
	[tilespmem:$0x17A60] =	vst v63  }
0x2db: {  	s0 =	simm.s32 @!p1 $0x50;
	s3 =	simm.s32 @!p1 $0x120;
	s9 =	simm.s32 @!p1 $0x92C0  }
0x2dc: {  	[tilespmem:s9], [sflag:$0x3] =	stream.indirect.gather @!p1 [hbm4b:s2+s0], $0x80, s3, s0, $0xb8;
	[tilespmem:$0x17A60] =	vst v63  }
0x2dd: {  	_ =	swait.ge [sflag:s21], $0x800  }
0x2de: {  	[sflag:s21] =	ssyncset.done $0x0  }
0x2df: {  	[sflag:s21] =	ssyncadd.s32 $0xFFFFF800  }
0x2e0: {  	_ =	swait.ge [sflag:s23], $0x4000  }
0x2e1: {  	[sflag:s23] =	ssyncset.done $0x0  }
0x2e2: {  	[sflag:s23] =	ssyncadd.s32 $0xFFFFC000  }
0x2e3: {  	_ =	swait.ge [sflag:s23], $0x4000  }
0x2e4: {  	[sflag:s23] =	ssyncset.done $0x0  }
0x2e5: {  	[sflag:s23] =	ssyncadd.s32 $0xFFFFC000  }
0x2e6: {  	_ =	swait.ge [sflag:s23], $0x2800  }
0x2e7: {  	[sflag:s23] =	ssyncset.done $0x0  }
0x2e8: {  	s30 =	smov.u32 s11;
	s9 =	simm.s32 $0x0;
	[sflag:s23] =	ssyncadd.s32 $0xFFFFD800  }
.LBB2_7:
0x2e9: {  	s0 =	sshll.u32 s9, $0x7  }
0x2ea: {  	s0 =	sand.u32 $0x3FFFFF80, s0  }
0x2eb: {  	v30 =	vld [tilespmem:s0+$0xAC0]  }
0x2ec: {  	v31 =	vld [tilespmem:s0+$0xAD0]  }
0x2ed: {  	v29 =	vld [tilespmem:s0+$0xAE0]  }
0x2ee: {  	v28 =	vld [tilespmem:s0+$0xAF0]  }
0x2ef: {  	v27 =	vld [tilespmem:s0+$0xB00]  }
0x2f0: {  	s3 =	smul.u32 $0x2A00, s9;
	v26 =	vld [tilespmem:s0+$0xB10]  }
0x2f1: {  	v25 =	vld [tilespmem:s0+$0xB20]  }
0x2f2: {  	v24 =	vld [tilespmem:s0+$0xB30];
	s3 =	sshra.s32 s3, $0x2  }
0x2f3: {  	v32 =	vld [tilespmem:s3+$0xBAC0]  }
0x2f4: {  	v33 =	vld [tilespmem:s3+$0xBAD0]  }
0x2f5: {  	v35 =	vld [tilespmem:s3+$0xBAE0]  }
0x2f6: {  	v37 =	vld [tilespmem:s3+$0xBAF0]  }
0x2f7: {  	v40 =	vld [tilespmem:s3+$0xBB00]  }
0x2f8: {  	s11 =	sor.u32 $0x1, s9;
	v41 =	vld [tilespmem:s3+$0xBB10]  }
0x2f9: {  	s10 =	sshll.u32 s11, $0x7;
	v42 =	vld [tilespmem:s3+$0xBB20]  }
0x2fa: {  	s26 =	smul.u32 $0x2A00, s11;
	s24 =	sand.u32 $0x3FFFFF80, s10;
	v43 =	vld [tilespmem:s3+$0xBB30]  }
0x2fb: {  	v38 =	vld [tilespmem:s24+$0xAC0]  }
0x2fc: {  	v39 =	vld [tilespmem:s24+$0xAD0];
	s10 =	sshra.s32 s26, $0x2  }
0x2fd: {  	v44 =	vld [tilespmem:s10+$0xBAC0]  }
0x2fe: {  	v45 =	vld [tilespmem:s10+$0xBAD0]  }
0x2ff: {  	v36 =	vld [tilespmem:s24+$0xAE0]  }
0x300: {  	v46 =	vld [tilespmem:s10+$0xBAE0];
	v32 =	vmul.f32 v32, v30;
	v33 =	vmul.f32 v33, v31  }
0x301: {  	v34 =	vld [tilespmem:s24+$0xAF0]  }
0x302: {  	v47 =	vld [tilespmem:s10+$0xBAF0];
	v35 =	vmul.f32 v35, v29;
	v33 =	vadd.f32 v33, v32  }
0x303: {  	v48 =	vld [tilespmem:s10+$0xBB00];
	v44 =	vmul.f32 v44, v38;
	v45 =	vmul.f32 v45, v39  }
0x304: {  	v37 =	vmul.f32 v37, v28;
	v32 =	vld [tilespmem:s24+$0xB00];
	v35 =	vadd.f32 v35, v33  }
0x305: {  	v61 =	vld [tilespmem:s10+$0xBB10];
	v60 =	vmul.f32 v46, v36;
	v44 =	vadd.f32 v45, v44  }
0x306: {  	v40 =	vmul.f32 v40, v27;
	v33 =	vld [tilespmem:s24+$0xB10];
	v37 =	vadd.f32 v37, v35  }
0x307: {  	v63 =	vld [tilespmem:s10+$0xBB20];
	v62 =	vmul.f32 v47, v34;
	v44 =	vadd.f32 v60, v44  }
0x308: {  	v41 =	vmul.f32 v41, v26;
	v35 =	vld [tilespmem:s24+$0xB20];
	v40 =	vadd.f32 v40, v37  }
0x309: {  	v50 =	vld [tilespmem:s10+$0xBB30];
	v44 =	vadd.f32 v62, v44;
	v48 =	vmul.f32 v48, v32  }
0x30a: {  	v49 =	vmul.f32 v42, v25;
	v37 =	vld [tilespmem:s24+$0xB30];
	v40 =	vadd.f32 v41, v40  }
0x30b: {  	v44 =	vadd.f32 v48, v44;
	v51 =	vmul.f32 v61, v33  }
0x30c: {  	s10 =	smul.u32 $0x15, s9;
	v52 =	vmul.f32 v43, v24;
	v40 =	vadd.f32 v49, v40  }
0x30d: {  	s28 =	smul.u32 $0x540, s9;
	v53 =	vadd.f32 v51, v44;
	v54 =	vmul.f32 v63, v35  }
0x30e: {  	s20 =	sor.u32 $0x1, s10;
	v40 =	vadd.f32 v52, v40  }
0x30f: {  	s0 =	sshra.s32 s28, $0x2;
	s26 =	smul.u32 $0x15, s11;
	s22 =	sshll.u32 s20, $0x7;
	v55 =	vadd.f32 v54, v53;
	v42 =	vmul.f32 v50, v37  }
0x310: {  	s3 =	smul.u32 $0x540, s11;
	s29 =	sand.u32 $0x3FFFFF80, s22;
	[tilespmem:s0+$0x162C0] =	vst v40  }
0x311: {  	s31 =	sadd.s32 $0x1, s26;
	v41 =	vadd.f32 v42, v55;
	v40 =	vld [tilespmem:s29+$0xBAC0]  }
0x312: {  	s3 =	sshra.s32 s3, $0x2;
	s24 =	sshll.u32 s31, $0x7;
	v56 =	vld [tilespmem:s29+$0xBAD0]  }
0x313: {  	s11 =	sand.u32 $0x3FFFFF00, s24;
	v57 =	vld [tilespmem:s29+$0xBAE0];
	[tilespmem:s3+$0x162C0] =	vst v41  }
0x314: {  	v41 =	vld [tilespmem:s11+$0xBAC0]  }
0x315: {  	v58 =	vld [tilespmem:s11+$0xBAD0]  }
0x316: {  	v59 =	vld [tilespmem:s29+$0xBAF0]  }
0x317: {  	v60 =	vld [tilespmem:s11+$0xBAE0];
	v40 =	vmul.f32 v40, v30;
	v42 =	vmul.f32 v56, v31  }
0x318: {  	v61 =	vld [tilespmem:s29+$0xBB00]  }
0x319: {  	v63 =	vld [tilespmem:s11+$0xBAF0];
	v62 =	vmul.f32 v57, v29;
	v40 =	vadd.f32 v42, v40  }
0x31a: {  	v52 =	vld [tilespmem:s29+$0xBB10];
	v41 =	vmul.f32 v41, v38;
	v44 =	vmul.f32 v58, v39  }
0x31b: {  	v54 =	vld [tilespmem:s11+$0xBB00];
	v53 =	vmul.f32 v59, v28;
	v40 =	vadd.f32 v62, v40  }
0x31c: {  	v49 =	vld [tilespmem:s29+$0xBB20];
	v55 =	vmul.f32 v60, v36;
	v41 =	vadd.f32 v44, v41  }
0x31d: {  	v56 =	vmul.f32 v61, v27;
	v57 =	vld [tilespmem:s11+$0xBB10];
	v40 =	vadd.f32 v53, v40  }
0x31e: {  	v58 =	vld [tilespmem:s29+$0xBB30];
	v43 =	vmul.f32 v63, v34;
	v41 =	vadd.f32 v55, v41  }
0x31f: {  	v59 =	vmul.f32 v52, v26;
	v60 =	vld [tilespmem:s11+$0xBB20];
	v40 =	vadd.f32 v56, v40  }
0x320: {  	v61 =	vmul.f32 v54, v32;
	v41 =	vadd.f32 v43, v41  }
0x321: {  	v63 =	vld [tilespmem:s11+$0xBB30];
	v62 =	vmul.f32 v49, v25;
	v40 =	vadd.f32 v59, v40  }
0x322: {  	v46 =	vmul.f32 v57, v33;
	v41 =	vadd.f32 v61, v41  }
0x323: {  	v47 =	vmul.f32 v58, v24;
	v40 =	vadd.f32 v62, v40  }
0x324: {  	v48 =	vmul.f32 v60, v35;
	v41 =	vadd.f32 v46, v41  }
0x325: {  	s20 =	sshll.u32 s20, $0x4;
	s3 =	sadd.s32 $0x2, s10;
	v40 =	vadd.f32 v47, v40  }
0x326: {  	s0 =	sand.u32 $0x3FFFFFF0, s20;
	s24 =	sshll.u32 s3, $0x7;
	v49 =	vmul.f32 v63, v37;
	v41 =	vadd.f32 v48, v41  }
0x327: {  	[tilespmem:s0+$0x162C0] =	vst v40;
	s0 =	sand.u32 $0x3FFFFF80, s24  }
0x328: {  	s28 =	sshll.u32 s31, $0x4;
	s29 =	sadd.s32 $0x2, s26;
	v41 =	vadd.f32 v49, v41;
	v40 =	vld [tilespmem:s0+$0xBAC0]  }
0x329: {  	s20 =	sand.u32 $0x3FFFFFE0, s28;
	s31 =	sshll.u32 s29, $0x7;
	v50 =	vld [tilespmem:s0+$0xBAD0]  }
0x32a: {  	s11 =	sand.u32 $0x3FFFFF80, s31;
	v51 =	vld [tilespmem:s0+$0xBAE0];
	[tilespmem:s20+$0x162C0] =	vst v41  }
0x32b: {  	v41 =	vld [tilespmem:s11+$0xBAC0]  }
0x32c: {  	v52 =	vld [tilespmem:s11+$0xBAD0]  }
0x32d: {  	v53 =	vld [tilespmem:s0+$0xBAF0]  }
0x32e: {  	v54 =	vld [tilespmem:s11+$0xBAE0];
	v40 =	vmul.f32 v40, v30;
	v42 =	vmul.f32 v50, v31  }
0x32f: {  	v55 =	vld [tilespmem:s0+$0xBB00]  }
0x330: {  	v57 =	vld [tilespmem:s11+$0xBAF0];
	v56 =	vmul.f32 v51, v29;
	v40 =	vadd.f32 v42, v40  }
0x331: {  	v58 =	vld [tilespmem:s0+$0xBB10];
	v41 =	vmul.f32 v41, v38;
	v44 =	vmul.f32 v52, v39  }
0x332: {  	v60 =	vld [tilespmem:s11+$0xBB00];
	v59 =	vmul.f32 v53, v28;
	v40 =	vadd.f32 v56, v40  }
0x333: {  	v61 =	vld [tilespmem:s0+$0xBB20];
	v62 =	vmul.f32 v54, v36;
	v41 =	vadd.f32 v44, v41  }
0x334: {  	v63 =	vmul.f32 v55, v27;
	v50 =	vld [tilespmem:s11+$0xBB10];
	v40 =	vadd.f32 v59, v40  }
0x335: {  	v51 =	vld [tilespmem:s0+$0xBB30];
	v43 =	vmul.f32 v57, v34;
	v41 =	vadd.f32 v62, v41  }
0x336: {  	v53 =	vld [tilespmem:s11+$0xBB20];
	v52 =	vmul.f32 v58, v26;
	v40 =	vadd.f32 v63, v40  }
0x337: {  	v54 =	vmul.f32 v60, v32;
	v41 =	vadd.f32 v43, v41  }
0x338: {  	v55 =	vmul.f32 v61, v25;
	v56 =	vld [tilespmem:s11+$0xBB30];
	v40 =	vadd.f32 v52, v40  }
0x339: {  	v57 =	vmul.f32 v50, v33;
	v41 =	vadd.f32 v54, v41  }
0x33a: {  	v58 =	vmul.f32 v51, v24;
	v40 =	vadd.f32 v55, v40  }
0x33b: {  	v59 =	vmul.f32 v53, v35;
	v41 =	vadd.f32 v57, v41  }
0x33c: {  	s20 =	sshll.u32 s3, $0x4;
	s3 =	sadd.s32 $0x3, s10;
	v40 =	vadd.f32 v58, v40  }
0x33d: {  	s24 =	sshll.u32 s3, $0x7;
	s0 =	sand.u32 $0x3FFFFFF0, s20;
	v60 =	vmul.f32 v56, v37;
	v41 =	vadd.f32 v59, v41  }
0x33e: {  	[tilespmem:s0+$0x162C0] =	vst v40;
	s0 =	sand.u32 $0x3FFFFF80, s24  }
0x33f: {  	s28 =	sshll.u32 s29, $0x4;
	s29 =	sadd.s32 $0x3, s26;
	v41 =	vadd.f32 v60, v41;
	v40 =	vld [tilespmem:s0+$0xBAC0]  }
0x340: {  	s31 =	sshll.u32 s29, $0x7;
	s20 =	sand.u32 $0x3FFFFFF0, s28;
	v61 =	vld [tilespmem:s0+$0xBAD0]  }
0x341: {  	s11 =	sand.u32 $0x3FFFFF00, s31;
	v62 =	vld [tilespmem:s0+$0xBAE0];
	[tilespmem:s20+$0x162C0] =	vst v41  }
0x342: {  	v41 =	vld [tilespmem:s11+$0xBAC0]  }
0x343: {  	v63 =	vld [tilespmem:s11+$0xBAD0]  }
0x344: {  	v52 =	vld [tilespmem:s0+$0xBAF0]  }
0x345: {  	v53 =	vld [tilespmem:s11+$0xBAE0];
	v40 =	vmul.f32 v40, v30;
	v42 =	vmul.f32 v61, v31  }
0x346: {  	v54 =	vld [tilespmem:s0+$0xBB00]  }
0x347: {  	v56 =	vld [tilespmem:s11+$0xBAF0];
	v55 =	vmul.f32 v62, v29;
	v40 =	vadd.f32 v42, v40  }
0x348: {  	v57 =	vld [tilespmem:s0+$0xBB10];
	v41 =	vmul.f32 v41, v38;
	v44 =	vmul.f32 v63, v39  }
0x349: {  	v59 =	vld [tilespmem:s11+$0xBB00];
	v58 =	vmul.f32 v52, v28;
	v40 =	vadd.f32 v55, v40  }
0x34a: {  	v60 =	vld [tilespmem:s0+$0xBB20];
	v61 =	vmul.f32 v53, v36;
	v41 =	vadd.f32 v44, v41  }
0x34b: {  	v62 =	vmul.f32 v54, v27;
	v63 =	vld [tilespmem:s11+$0xBB10];
	v40 =	vadd.f32 v58, v40  }
0x34c: {  	v50 =	vld [tilespmem:s0+$0xBB30];
	v43 =	vmul.f32 v56, v34;
	v41 =	vadd.f32 v61, v41  }
0x34d: {  	v51 =	vmul.f32 v57, v26;
	v52 =	vld [tilespmem:s11+$0xBB20];
	v40 =	vadd.f32 v62, v40  }
0x34e: {  	v53 =	vmul.f32 v59, v32;
	v41 =	vadd.f32 v43, v41  }
0x34f: {  	v54 =	vmul.f32 v60, v25;
	v55 =	vld [tilespmem:s11+$0xBB30];
	v40 =	vadd.f32 v51, v40  }
0x350: {  	v56 =	vmul.f32 v63, v33;
	v41 =	vadd.f32 v53, v41  }
0x351: {  	v57 =	vmul.f32 v50, v24;
	v40 =	vadd.f32 v54, v40  }
0x352: {  	v58 =	vmul.f32 v52, v35;
	v41 =	vadd.f32 v56, v41  }
0x353: {  	s20 =	sshll.u32 s3, $0x4;
	s3 =	sadd.s32 $0x4, s10;
	v40 =	vadd.f32 v57, v40  }
0x354: {  	s0 =	sand.u32 $0x3FFFFFF0, s20;
	s24 =	sshll.u32 s3, $0x7;
	v59 =	vmul.f32 v55, v37;
	v41 =	vadd.f32 v58, v41  }
0x355: {  	[tilespmem:s0+$0x162C0] =	vst v40;
	s0 =	sand.u32 $0x3FFFFF80, s24  }
0x356: {  	s28 =	sshll.u32 s29, $0x4;
	s29 =	sadd.s32 $0x4, s26;
	v41 =	vadd.f32 v59, v41;
	v40 =	vld [tilespmem:s0+$0xBAC0]  }
0x357: {  	s31 =	sshll.u32 s29, $0x7;
	s20 =	sand.u32 $0x3FFFFFE0, s28;
	v60 =	vld [tilespmem:s0+$0xBAD0]  }
0x358: {  	s11 =	sand.u32 $0x3FFFFF80, s31;
	v61 =	vld [tilespmem:s0+$0xBAE0];
	[tilespmem:s20+$0x162C0] =	vst v41  }
0x359: {  	v41 =	vld [tilespmem:s11+$0xBAC0]  }
0x35a: {  	v62 =	vld [tilespmem:s11+$0xBAD0]  }
0x35b: {  	v63 =	vld [tilespmem:s0+$0xBAF0]  }
0x35c: {  	v52 =	vld [tilespmem:s11+$0xBAE0];
	v40 =	vmul.f32 v40, v30;
	v42 =	vmul.f32 v60, v31  }
0x35d: {  	v53 =	vld [tilespmem:s0+$0xBB00]  }
0x35e: {  	v55 =	vld [tilespmem:s11+$0xBAF0];
	v54 =	vmul.f32 v61, v29;
	v40 =	vadd.f32 v42, v40  }
0x35f: {  	v56 =	vld [tilespmem:s0+$0xBB10];
	v41 =	vmul.f32 v41, v38;
	v44 =	vmul.f32 v62, v39  }
0x360: {  	v58 =	vld [tilespmem:s11+$0xBB00];
	v57 =	vmul.f32 v63, v28;
	v40 =	vadd.f32 v54, v40  }
0x361: {  	v59 =	vld [tilespmem:s0+$0xBB20];
	v60 =	vmul.f32 v52, v36;
	v41 =	vadd.f32 v44, v41  }
0x362: {  	v61 =	vmul.f32 v53, v27;
	v62 =	vld [tilespmem:s11+$0xBB10];
	v40 =	vadd.f32 v57, v40  }
0x363: {  	v63 =	vld [tilespmem:s0+$0xBB30];
	v43 =	vmul.f32 v55, v34;
	v41 =	vadd.f32 v60, v41  }
0x364: {  	v50 =	vld [tilespmem:s11+$0xBB20];
	v48 =	vmul.f32 v56, v26;
	v40 =	vadd.f32 v61, v40  }
0x365: {  	v51 =	vmul.f32 v58, v32;
	v41 =	vadd.f32 v43, v41  }
0x366: {  	v53 =	vld [tilespmem:s11+$0xBB30];
	v52 =	vmul.f32 v59, v25;
	v40 =	vadd.f32 v48, v40  }
0x367: {  	v54 =	vmul.f32 v62, v33;
	v41 =	vadd.f32 v51, v41  }
0x368: {  	v55 =	vmul.f32 v63, v24;
	v40 =	vadd.f32 v52, v40  }
0x369: {  	v56 =	vmul.f32 v50, v35;
	v41 =	vadd.f32 v54, v41  }
0x36a: {  	s20 =	sshll.u32 s3, $0x4;
	s3 =	sadd.s32 $0x5, s10;
	v40 =	vadd.f32 v55, v40  }
0x36b: {  	s24 =	sshll.u32 s3, $0x7;
	s0 =	sand.u32 $0x3FFFFFF0, s20;
	v57 =	vmul.f32 v53, v37;
	v41 =	vadd.f32 v56, v41  }
0x36c: {  	[tilespmem:s0+$0x162C0] =	vst v40;
	s0 =	sand.u32 $0x3FFFFF80, s24  }
0x36d: {  	s28 =	sshll.u32 s29, $0x4;
	s29 =	sadd.s32 $0x5, s26;
	v41 =	vadd.f32 v57, v41;
	v40 =	vld [tilespmem:s0+$0xBAC0]  }
0x36e: {  	s31 =	sshll.u32 s29, $0x7;
	s20 =	sand.u32 $0x3FFFFFF0, s28;
	v58 =	vld [tilespmem:s0+$0xBAD0]  }
0x36f: {  	s11 =	sand.u32 $0x3FFFFF00, s31;
	v59 =	vld [tilespmem:s0+$0xBAE0];
	[tilespmem:s20+$0x162C0] =	vst v41  }
0x370: {  	v41 =	vld [tilespmem:s11+$0xBAC0]  }
0x371: {  	v60 =	vld [tilespmem:s11+$0xBAD0]  }
0x372: {  	v61 =	vld [tilespmem:s0+$0xBAF0]  }
0x373: {  	v62 =	vld [tilespmem:s11+$0xBAE0];
	v40 =	vmul.f32 v40, v30;
	v42 =	vmul.f32 v58, v31  }
0x374: {  	v63 =	vld [tilespmem:s0+$0xBB00]  }
0x375: {  	v53 =	vld [tilespmem:s11+$0xBAF0];
	v52 =	vmul.f32 v59, v29;
	v40 =	vadd.f32 v42, v40  }
0x376: {  	v54 =	vld [tilespmem:s0+$0xBB10];
	v41 =	vmul.f32 v41, v38;
	v44 =	vmul.f32 v60, v39  }
0x377: {  	v56 =	vld [tilespmem:s11+$0xBB00];
	v55 =	vmul.f32 v61, v28;
	v40 =	vadd.f32 v52, v40  }
0x378: {  	v57 =	vld [tilespmem:s0+$0xBB20];
	v58 =	vmul.f32 v62, v36;
	v41 =	vadd.f32 v44, v41  }
0x379: {  	v59 =	vmul.f32 v63, v27;
	v60 =	vld [tilespmem:s11+$0xBB10];
	v40 =	vadd.f32 v55, v40  }
0x37a: {  	v61 =	vld [tilespmem:s0+$0xBB30];
	v43 =	vmul.f32 v53, v34;
	v41 =	vadd.f32 v58, v41  }
0x37b: {  	v63 =	vld [tilespmem:s11+$0xBB20];
	v62 =	vmul.f32 v54, v26;
	v40 =	vadd.f32 v59, v40  }
0x37c: {  	v48 =	vmul.f32 v56, v32;
	v41 =	vadd.f32 v43, v41  }
0x37d: {  	v50 =	vld [tilespmem:s11+$0xBB30];
	v49 =	vmul.f32 v57, v25;
	v40 =	vadd.f32 v62, v40  }
0x37e: {  	v51 =	vmul.f32 v60, v33;
	v41 =	vadd.f32 v48, v41  }
0x37f: {  	v52 =	vmul.f32 v61, v24;
	v40 =	vadd.f32 v49, v40  }
0x380: {  	v53 =	vmul.f32 v63, v35;
	v41 =	vadd.f32 v51, v41  }
0x381: {  	s20 =	sshll.u32 s3, $0x4;
	s3 =	sadd.s32 $0x6, s10;
	v40 =	vadd.f32 v52, v40  }
0x382: {  	s24 =	sshll.u32 s3, $0x7;
	s0 =	sand.u32 $0x3FFFFFF0, s20;
	v54 =	vmul.f32 v50, v37;
	v41 =	vadd.f32 v53, v41  }
0x383: {  	[tilespmem:s0+$0x162C0] =	vst v40;
	s0 =	sand.u32 $0x3FFFFF80, s24  }
0x384: {  	s28 =	sshll.u32 s29, $0x4;
	s29 =	sadd.s32 $0x6, s26;
	v41 =	vadd.f32 v54, v41;
	v40 =	vld [tilespmem:s0+$0xBAC0]  }
0x385: {  	s31 =	sshll.u32 s29, $0x7;
	s20 =	sand.u32 $0x3FFFFFE0, s28;
	v55 =	vld [tilespmem:s0+$0xBAD0]  }
0x386: {  	s11 =	sand.u32 $0x3FFFFF80, s31;
	v56 =	vld [tilespmem:s0+$0xBAE0];
	[tilespmem:s20+$0x162C0] =	vst v41  }
0x387: {  	v41 =	vld [tilespmem:s11+$0xBAC0]  }
0x388: {  	v57 =	vld [tilespmem:s11+$0xBAD0]  }
0x389: {  	v58 =	vld [tilespmem:s0+$0xBAF0]  }
0x38a: {  	v59 =	vld [tilespmem:s11+$0xBAE0];
	v40 =	vmul.f32 v40, v30;
	v42 =	vmul.f32 v55, v31  }
0x38b: {  	v60 =	vld [tilespmem:s0+$0xBB00]  }
0x38c: {  	v62 =	vld [tilespmem:s11+$0xBAF0];
	v61 =	vmul.f32 v56, v29;
	v40 =	vadd.f32 v42, v40  }
0x38d: {  	v63 =	vld [tilespmem:s0+$0xBB10];
	v41 =	vmul.f32 v41, v38;
	v44 =	vmul.f32 v57, v39  }
0x38e: {  	v53 =	vld [tilespmem:s11+$0xBB00];
	v52 =	vmul.f32 v58, v28;
	v40 =	vadd.f32 v61, v40  }
0x38f: {  	v54 =	vld [tilespmem:s0+$0xBB20];
	v55 =	vmul.f32 v59, v36;
	v41 =	vadd.f32 v44, v41  }
0x390: {  	v56 =	vmul.f32 v60, v27;
	v57 =	vld [tilespmem:s11+$0xBB10];
	v40 =	vadd.f32 v52, v40  }
0x391: {  	v58 =	vld [tilespmem:s0+$0xBB30];
	v43 =	vmul.f32 v62, v34;
	v41 =	vadd.f32 v55, v41  }
0x392: {  	v60 =	vld [tilespmem:s11+$0xBB20];
	v59 =	vmul.f32 v63, v26;
	v40 =	vadd.f32 v56, v40  }
0x393: {  	v61 =	vmul.f32 v53, v32;
	v41 =	vadd.f32 v43, v41  }
0x394: {  	v62 =	vmul.f32 v54, v25;
	v63 =	vld [tilespmem:s11+$0xBB30];
	v40 =	vadd.f32 v59, v40  }
0x395: {  	v46 =	vmul.f32 v57, v33;
	v41 =	vadd.f32 v61, v41  }
0x396: {  	v47 =	vmul.f32 v58, v24;
	v40 =	vadd.f32 v62, v40  }
0x397: {  	v48 =	vmul.f32 v60, v35;
	v41 =	vadd.f32 v46, v41  }
0x398: {  	s20 =	sshll.u32 s3, $0x4;
	s3 =	sadd.s32 $0x7, s10;
	v40 =	vadd.f32 v47, v40  }
0x399: {  	s24 =	sshll.u32 s3, $0x7;
	s0 =	sand.u32 $0x3FFFFFF0, s20;
	v49 =	vmul.f32 v63, v37;
	v41 =	vadd.f32 v48, v41  }
0x39a: {  	[tilespmem:s0+$0x162C0] =	vst v40;
	s0 =	sand.u32 $0x3FFFFF80, s24  }
0x39b: {  	s28 =	sshll.u32 s29, $0x4;
	s29 =	sadd.s32 $0x7, s26;
	v41 =	vadd.f32 v49, v41;
	v40 =	vld [tilespmem:s0+$0xBAC0]  }
0x39c: {  	s31 =	sshll.u32 s29, $0x7;
	s20 =	sand.u32 $0x3FFFFFF0, s28;
	v50 =	vld [tilespmem:s0+$0xBAD0]  }
0x39d: {  	s11 =	sand.u32 $0x3FFFFF00, s31;
	v51 =	vld [tilespmem:s0+$0xBAE0];
	[tilespmem:s20+$0x162C0] =	vst v41  }
0x39e: {  	v41 =	vld [tilespmem:s11+$0xBAC0]  }
0x39f: {  	v52 =	vld [tilespmem:s11+$0xBAD0]  }
0x3a0: {  	v53 =	vld [tilespmem:s0+$0xBAF0]  }
0x3a1: {  	v54 =	vld [tilespmem:s11+$0xBAE0];
	v40 =	vmul.f32 v40, v30;
	v42 =	vmul.f32 v50, v31  }
0x3a2: {  	v55 =	vld [tilespmem:s0+$0xBB00]  }
0x3a3: {  	v57 =	vld [tilespmem:s11+$0xBAF0];
	v56 =	vmul.f32 v51, v29;
	v40 =	vadd.f32 v42, v40  }
0x3a4: {  	v58 =	vld [tilespmem:s0+$0xBB10];
	v41 =	vmul.f32 v41, v38;
	v44 =	vmul.f32 v52, v39  }
0x3a5: {  	v60 =	vld [tilespmem:s11+$0xBB00];
	v59 =	vmul.f32 v53, v28;
	v40 =	vadd.f32 v56, v40  }
0x3a6: {  	v61 =	vld [tilespmem:s0+$0xBB20];
	v62 =	vmul.f32 v54, v36;
	v41 =	vadd.f32 v44, v41  }
0x3a7: {  	v63 =	vmul.f32 v55, v27;
	v50 =	vld [tilespmem:s11+$0xBB10];
	v40 =	vadd.f32 v59, v40  }
0x3a8: {  	v51 =	vld [tilespmem:s0+$0xBB30];
	v43 =	vmul.f32 v57, v34;
	v41 =	vadd.f32 v62, v41  }
0x3a9: {  	v53 =	vld [tilespmem:s11+$0xBB20];
	v52 =	vmul.f32 v58, v26;
	v40 =	vadd.f32 v63, v40  }
0x3aa: {  	v54 =	vmul.f32 v60, v32;
	v41 =	vadd.f32 v43, v41  }
0x3ab: {  	v55 =	vmul.f32 v61, v25;
	v56 =	vld [tilespmem:s11+$0xBB30];
	v40 =	vadd.f32 v52, v40  }
0x3ac: {  	v57 =	vmul.f32 v50, v33;
	v41 =	vadd.f32 v54, v41  }
0x3ad: {  	v58 =	vmul.f32 v51, v24;
	v40 =	vadd.f32 v55, v40  }
0x3ae: {  	v59 =	vmul.f32 v53, v35;
	v41 =	vadd.f32 v57, v41  }
0x3af: {  	s20 =	sshll.u32 s3, $0x4;
	s3 =	sadd.s32 $0x8, s10;
	v40 =	vadd.f32 v58, v40  }
0x3b0: {  	s24 =	sshll.u32 s3, $0x7;
	s0 =	sand.u32 $0x3FFFFFF0, s20;
	v60 =	vmul.f32 v56, v37;
	v41 =	vadd.f32 v59, v41  }
0x3b1: {  	[tilespmem:s0+$0x162C0] =	vst v40;
	s0 =	sand.u32 $0x3FFFFF80, s24  }
0x3b2: {  	s28 =	sshll.u32 s29, $0x4;
	s29 =	sadd.s32 $0x8, s26;
	v41 =	vadd.f32 v60, v41;
	v40 =	vld [tilespmem:s0+$0xBAC0]  }
0x3b3: {  	s31 =	sshll.u32 s29, $0x7;
	s20 =	sand.u32 $0x3FFFFFE0, s28;
	v61 =	vld [tilespmem:s0+$0xBAD0]  }
0x3b4: {  	s11 =	sand.u32 $0x3FFFFF80, s31;
	v62 =	vld [tilespmem:s0+$0xBAE0];
	[tilespmem:s20+$0x162C0] =	vst v41  }
0x3b5: {  	v41 =	vld [tilespmem:s11+$0xBAC0]  }
0x3b6: {  	v63 =	vld [tilespmem:s11+$0xBAD0]  }
0x3b7: {  	v52 =	vld [tilespmem:s0+$0xBAF0]  }
0x3b8: {  	v53 =	vld [tilespmem:s11+$0xBAE0];
	v40 =	vmul.f32 v40, v30;
	v42 =	vmul.f32 v61, v31  }
0x3b9: {  	v54 =	vld [tilespmem:s0+$0xBB00]  }
0x3ba: {  	v56 =	vld [tilespmem:s11+$0xBAF0];
	v55 =	vmul.f32 v62, v29;
	v40 =	vadd.f32 v42, v40  }
0x3bb: {  	v57 =	vld [tilespmem:s0+$0xBB10];
	v41 =	vmul.f32 v41, v38;
	v44 =	vmul.f32 v63, v39  }
0x3bc: {  	v59 =	vld [tilespmem:s11+$0xBB00];
	v58 =	vmul.f32 v52, v28;
	v40 =	vadd.f32 v55, v40  }
0x3bd: {  	v60 =	vld [tilespmem:s0+$0xBB20];
	v61 =	vmul.f32 v53, v36;
	v41 =	vadd.f32 v44, v41  }
0x3be: {  	v62 =	vmul.f32 v54, v27;
	v63 =	vld [tilespmem:s11+$0xBB10];
	v40 =	vadd.f32 v58, v40  }
0x3bf: {  	v50 =	vld [tilespmem:s0+$0xBB30];
	v43 =	vmul.f32 v56, v34;
	v41 =	vadd.f32 v61, v41  }
0x3c0: {  	v51 =	vmul.f32 v57, v26;
	v52 =	vld [tilespmem:s11+$0xBB20];
	v40 =	vadd.f32 v62, v40  }
0x3c1: {  	v53 =	vmul.f32 v59, v32;
	v41 =	vadd.f32 v43, v41  }
0x3c2: {  	v54 =	vmul.f32 v60, v25;
	v55 =	vld [tilespmem:s11+$0xBB30];
	v40 =	vadd.f32 v51, v40  }
0x3c3: {  	v56 =	vmul.f32 v63, v33;
	v41 =	vadd.f32 v53, v41  }
0x3c4: {  	v57 =	vmul.f32 v50, v24;
	v40 =	vadd.f32 v54, v40  }
0x3c5: {  	v58 =	vmul.f32 v52, v35;
	v41 =	vadd.f32 v56, v41  }
0x3c6: {  	s20 =	sshll.u32 s3, $0x4;
	s3 =	sadd.s32 $0x9, s10;
	v40 =	vadd.f32 v57, v40  }
0x3c7: {  	s0 =	sand.u32 $0x3FFFFFF0, s20;
	s24 =	sshll.u32 s3, $0x7;
	v59 =	vmul.f32 v55, v37;
	v41 =	vadd.f32 v58, v41  }
0x3c8: {  	[tilespmem:s0+$0x162C0] =	vst v40;
	s0 =	sand.u32 $0x3FFFFF80, s24  }
0x3c9: {  	s28 =	sshll.u32 s29, $0x4;
	s29 =	sadd.s32 $0x9, s26;
	v41 =	vadd.f32 v59, v41;
	v40 =	vld [tilespmem:s0+$0xBAC0]  }
0x3ca: {  	s31 =	sshll.u32 s29, $0x7;
	s20 =	sand.u32 $0x3FFFFFF0, s28;
	v60 =	vld [tilespmem:s0+$0xBAD0]  }
0x3cb: {  	s11 =	sand.u32 $0x3FFFFF00, s31;
	v61 =	vld [tilespmem:s0+$0xBAE0];
	[tilespmem:s20+$0x162C0] =	vst v41  }
0x3cc: {  	v41 =	vld [tilespmem:s11+$0xBAC0]  }
0x3cd: {  	v62 =	vld [tilespmem:s11+$0xBAD0]  }
0x3ce: {  	v63 =	vld [tilespmem:s0+$0xBAF0]  }
0x3cf: {  	v52 =	vld [tilespmem:s11+$0xBAE0];
	v40 =	vmul.f32 v40, v30;
	v42 =	vmul.f32 v60, v31  }
0x3d0: {  	v53 =	vld [tilespmem:s0+$0xBB00]  }
0x3d1: {  	v55 =	vld [tilespmem:s11+$0xBAF0];
	v54 =	vmul.f32 v61, v29;
	v40 =	vadd.f32 v42, v40  }
0x3d2: {  	v56 =	vld [tilespmem:s0+$0xBB10];
	v41 =	vmul.f32 v41, v38;
	v44 =	vmul.f32 v62, v39  }
0x3d3: {  	v58 =	vld [tilespmem:s11+$0xBB00];
	v57 =	vmul.f32 v63, v28;
	v40 =	vadd.f32 v54, v40  }
0x3d4: {  	v59 =	vld [tilespmem:s0+$0xBB20];
	v60 =	vmul.f32 v52, v36;
	v41 =	vadd.f32 v44, v41  }
0x3d5: {  	v61 =	vmul.f32 v53, v27;
	v62 =	vld [tilespmem:s11+$0xBB10];
	v40 =	vadd.f32 v57, v40  }
0x3d6: {  	v63 =	vld [tilespmem:s0+$0xBB30];
	v43 =	vmul.f32 v55, v34;
	v41 =	vadd.f32 v60, v41  }
0x3d7: {  	v50 =	vld [tilespmem:s11+$0xBB20];
	v48 =	vmul.f32 v56, v26;
	v40 =	vadd.f32 v61, v40  }
0x3d8: {  	v51 =	vmul.f32 v58, v32;
	v41 =	vadd.f32 v43, v41  }
0x3d9: {  	v53 =	vld [tilespmem:s11+$0xBB30];
	v52 =	vmul.f32 v59, v25;
	v40 =	vadd.f32 v48, v40  }
0x3da: {  	v54 =	vmul.f32 v62, v33;
	v41 =	vadd.f32 v51, v41  }
0x3db: {  	v55 =	vmul.f32 v63, v24;
	v40 =	vadd.f32 v52, v40  }
0x3dc: {  	v56 =	vmul.f32 v50, v35;
	v41 =	vadd.f32 v54, v41  }
0x3dd: {  	s20 =	sshll.u32 s3, $0x4;
	s3 =	sadd.s32 $0xA, s10;
	v40 =	vadd.f32 v55, v40  }
0x3de: {  	s24 =	sshll.u32 s3, $0x7;
	s0 =	sand.u32 $0x3FFFFFF0, s20;
	v57 =	vmul.f32 v53, v37;
	v41 =	vadd.f32 v56, v41  }
0x3df: {  	[tilespmem:s0+$0x162C0] =	vst v40;
	s0 =	sand.u32 $0x3FFFFF80, s24  }
0x3e0: {  	s28 =	sshll.u32 s29, $0x4;
	s29 =	sadd.s32 $0xA, s26;
	v41 =	vadd.f32 v57, v41;
	v40 =	vld [tilespmem:s0+$0xBAC0]  }
0x3e1: {  	s31 =	sshll.u32 s29, $0x7;
	s20 =	sand.u32 $0x3FFFFFE0, s28;
	v58 =	vld [tilespmem:s0+$0xBAD0]  }
0x3e2: {  	s11 =	sand.u32 $0x3FFFFF80, s31;
	v59 =	vld [tilespmem:s0+$0xBAE0];
	[tilespmem:s20+$0x162C0] =	vst v41  }
0x3e3: {  	v41 =	vld [tilespmem:s11+$0xBAC0]  }
0x3e4: {  	v60 =	vld [tilespmem:s11+$0xBAD0]  }
0x3e5: {  	v61 =	vld [tilespmem:s0+$0xBAF0]  }
0x3e6: {  	v62 =	vld [tilespmem:s11+$0xBAE0];
	v40 =	vmul.f32 v40, v30;
	v42 =	vmul.f32 v58, v31  }
0x3e7: {  	v63 =	vld [tilespmem:s0+$0xBB00]  }
0x3e8: {  	v53 =	vld [tilespmem:s11+$0xBAF0];
	v52 =	vmul.f32 v59, v29;
	v40 =	vadd.f32 v42, v40  }
0x3e9: {  	v54 =	vld [tilespmem:s0+$0xBB10];
	v41 =	vmul.f32 v41, v38;
	v44 =	vmul.f32 v60, v39  }
0x3ea: {  	v56 =	vld [tilespmem:s11+$0xBB00];
	v55 =	vmul.f32 v61, v28;
	v40 =	vadd.f32 v52, v40  }
0x3eb: {  	v57 =	vld [tilespmem:s0+$0xBB20];
	v58 =	vmul.f32 v62, v36;
	v41 =	vadd.f32 v44, v41  }
0x3ec: {  	v59 =	vmul.f32 v63, v27;
	v60 =	vld [tilespmem:s11+$0xBB10];
	v40 =	vadd.f32 v55, v40  }
0x3ed: {  	v61 =	vld [tilespmem:s0+$0xBB30];
	v43 =	vmul.f32 v53, v34;
	v41 =	vadd.f32 v58, v41  }
0x3ee: {  	v63 =	vld [tilespmem:s11+$0xBB20];
	v62 =	vmul.f32 v54, v26;
	v40 =	vadd.f32 v59, v40  }
0x3ef: {  	v48 =	vmul.f32 v56, v32;
	v41 =	vadd.f32 v43, v41  }
0x3f0: {  	v50 =	vld [tilespmem:s11+$0xBB30];
	v49 =	vmul.f32 v57, v25;
	v40 =	vadd.f32 v62, v40  }
0x3f1: {  	v51 =	vmul.f32 v60, v33;
	v41 =	vadd.f32 v48, v41  }
0x3f2: {  	v52 =	vmul.f32 v61, v24;
	v40 =	vadd.f32 v49, v40  }
0x3f3: {  	v53 =	vmul.f32 v63, v35;
	v41 =	vadd.f32 v51, v41  }
0x3f4: {  	s20 =	sshll.u32 s3, $0x4;
	s3 =	sadd.s32 $0xB, s10;
	v40 =	vadd.f32 v52, v40  }
0x3f5: {  	s24 =	sshll.u32 s3, $0x7;
	s0 =	sand.u32 $0x3FFFFFF0, s20;
	v54 =	vmul.f32 v50, v37;
	v41 =	vadd.f32 v53, v41  }
0x3f6: {  	[tilespmem:s0+$0x162C0] =	vst v40;
	s0 =	sand.u32 $0x3FFFFF80, s24  }
0x3f7: {  	s28 =	sshll.u32 s29, $0x4;
	s29 =	sadd.s32 $0xB, s26;
	v41 =	vadd.f32 v54, v41;
	v40 =	vld [tilespmem:s0+$0xBAC0]  }
0x3f8: {  	s31 =	sshll.u32 s29, $0x7;
	s20 =	sand.u32 $0x3FFFFFF0, s28;
	v55 =	vld [tilespmem:s0+$0xBAD0]  }
0x3f9: {  	s11 =	sand.u32 $0x3FFFFF00, s31;
	v56 =	vld [tilespmem:s0+$0xBAE0];
	[tilespmem:s20+$0x162C0] =	vst v41  }
0x3fa: {  	v41 =	vld [tilespmem:s11+$0xBAC0]  }
0x3fb: {  	v57 =	vld [tilespmem:s11+$0xBAD0]  }
0x3fc: {  	v58 =	vld [tilespmem:s0+$0xBAF0]  }
0x3fd: {  	v59 =	vld [tilespmem:s11+$0xBAE0];
	v40 =	vmul.f32 v40, v30;
	v42 =	vmul.f32 v55, v31  }
0x3fe: {  	v60 =	vld [tilespmem:s0+$0xBB00]  }
0x3ff: {  	v62 =	vld [tilespmem:s11+$0xBAF0];
	v61 =	vmul.f32 v56, v29;
	v40 =	vadd.f32 v42, v40  }
0x400: {  	v63 =	vld [tilespmem:s0+$0xBB10];
	v41 =	vmul.f32 v41, v38;
	v44 =	vmul.f32 v57, v39  }
0x401: {  	v53 =	vld [tilespmem:s11+$0xBB00];
	v52 =	vmul.f32 v58, v28;
	v40 =	vadd.f32 v61, v40  }
0x402: {  	v54 =	vld [tilespmem:s0+$0xBB20];
	v55 =	vmul.f32 v59, v36;
	v41 =	vadd.f32 v44, v41  }
0x403: {  	v56 =	vmul.f32 v60, v27;
	v57 =	vld [tilespmem:s11+$0xBB10];
	v40 =	vadd.f32 v52, v40  }
0x404: {  	v58 =	vld [tilespmem:s0+$0xBB30];
	v43 =	vmul.f32 v62, v34;
	v41 =	vadd.f32 v55, v41  }
0x405: {  	v60 =	vld [tilespmem:s11+$0xBB20];
	v59 =	vmul.f32 v63, v26;
	v40 =	vadd.f32 v56, v40  }
0x406: {  	v61 =	vmul.f32 v53, v32;
	v41 =	vadd.f32 v43, v41  }
0x407: {  	v62 =	vmul.f32 v54, v25;
	v63 =	vld [tilespmem:s11+$0xBB30];
	v40 =	vadd.f32 v59, v40  }
0x408: {  	v46 =	vmul.f32 v57, v33;
	v41 =	vadd.f32 v61, v41  }
0x409: {  	v47 =	vmul.f32 v58, v24;
	v40 =	vadd.f32 v62, v40  }
0x40a: {  	v48 =	vmul.f32 v60, v35;
	v41 =	vadd.f32 v46, v41  }
0x40b: {  	s20 =	sshll.u32 s3, $0x4;
	s3 =	sadd.s32 $0xC, s10;
	v40 =	vadd.f32 v47, v40  }
0x40c: {  	s24 =	sshll.u32 s3, $0x7;
	s0 =	sand.u32 $0x3FFFFFF0, s20;
	v49 =	vmul.f32 v63, v37;
	v41 =	vadd.f32 v48, v41  }
0x40d: {  	[tilespmem:s0+$0x162C0] =	vst v40;
	s0 =	sand.u32 $0x3FFFFF80, s24  }
0x40e: {  	s28 =	sshll.u32 s29, $0x4;
	s29 =	sadd.s32 $0xC, s26;
	v41 =	vadd.f32 v49, v41;
	v40 =	vld [tilespmem:s0+$0xBAC0]  }
0x40f: {  	s31 =	sshll.u32 s29, $0x7;
	s20 =	sand.u32 $0x3FFFFFE0, s28;
	v50 =	vld [tilespmem:s0+$0xBAD0]  }
0x410: {  	s11 =	sand.u32 $0x3FFFFF80, s31;
	v51 =	vld [tilespmem:s0+$0xBAE0];
	[tilespmem:s20+$0x162C0] =	vst v41  }
0x411: {  	v41 =	vld [tilespmem:s11+$0xBAC0]  }
0x412: {  	v52 =	vld [tilespmem:s11+$0xBAD0]  }
0x413: {  	v53 =	vld [tilespmem:s0+$0xBAF0]  }
0x414: {  	v54 =	vld [tilespmem:s11+$0xBAE0];
	v40 =	vmul.f32 v40, v30;
	v42 =	vmul.f32 v50, v31  }
0x415: {  	v55 =	vld [tilespmem:s0+$0xBB00]  }
0x416: {  	v57 =	vld [tilespmem:s11+$0xBAF0];
	v56 =	vmul.f32 v51, v29;
	v40 =	vadd.f32 v42, v40  }
0x417: {  	v58 =	vld [tilespmem:s0+$0xBB10];
	v41 =	vmul.f32 v41, v38;
	v44 =	vmul.f32 v52, v39  }
0x418: {  	v60 =	vld [tilespmem:s11+$0xBB00];
	v59 =	vmul.f32 v53, v28;
	v40 =	vadd.f32 v56, v40  }
0x419: {  	v61 =	vld [tilespmem:s0+$0xBB20];
	v62 =	vmul.f32 v54, v36;
	v41 =	vadd.f32 v44, v41  }
0x41a: {  	v63 =	vmul.f32 v55, v27;
	v50 =	vld [tilespmem:s11+$0xBB10];
	v40 =	vadd.f32 v59, v40  }
0x41b: {  	v51 =	vld [tilespmem:s0+$0xBB30];
	v43 =	vmul.f32 v57, v34;
	v41 =	vadd.f32 v62, v41  }
0x41c: {  	v53 =	vld [tilespmem:s11+$0xBB20];
	v52 =	vmul.f32 v58, v26;
	v40 =	vadd.f32 v63, v40  }
0x41d: {  	v54 =	vmul.f32 v60, v32;
	v41 =	vadd.f32 v43, v41  }
0x41e: {  	v55 =	vmul.f32 v61, v25;
	v56 =	vld [tilespmem:s11+$0xBB30];
	v40 =	vadd.f32 v52, v40  }
0x41f: {  	v57 =	vmul.f32 v50, v33;
	v41 =	vadd.f32 v54, v41  }
0x420: {  	v58 =	vmul.f32 v51, v24;
	v40 =	vadd.f32 v55, v40  }
0x421: {  	v59 =	vmul.f32 v53, v35;
	v41 =	vadd.f32 v57, v41  }
0x422: {  	s20 =	sshll.u32 s3, $0x4;
	s3 =	sadd.s32 $0xD, s10;
	v40 =	vadd.f32 v58, v40  }
0x423: {  	s24 =	sshll.u32 s3, $0x7;
	s0 =	sand.u32 $0x3FFFFFF0, s20;
	v60 =	vmul.f32 v56, v37;
	v41 =	vadd.f32 v59, v41  }
0x424: {  	[tilespmem:s0+$0x162C0] =	vst v40;
	s0 =	sand.u32 $0x3FFFFF80, s24  }
0x425: {  	s28 =	sshll.u32 s29, $0x4;
	s29 =	sadd.s32 $0xD, s26;
	v41 =	vadd.f32 v60, v41;
	v40 =	vld [tilespmem:s0+$0xBAC0]  }
0x426: {  	s31 =	sshll.u32 s29, $0x7;
	s20 =	sand.u32 $0x3FFFFFF0, s28;
	v61 =	vld [tilespmem:s0+$0xBAD0]  }
0x427: {  	s11 =	sand.u32 $0x3FFFFF00, s31;
	v62 =	vld [tilespmem:s0+$0xBAE0];
	[tilespmem:s20+$0x162C0] =	vst v41  }
0x428: {  	v41 =	vld [tilespmem:s11+$0xBAC0]  }
0x429: {  	v63 =	vld [tilespmem:s11+$0xBAD0]  }
0x42a: {  	v52 =	vld [tilespmem:s0+$0xBAF0]  }
0x42b: {  	v53 =	vld [tilespmem:s11+$0xBAE0];
	v40 =	vmul.f32 v40, v30;
	v42 =	vmul.f32 v61, v31  }
0x42c: {  	v54 =	vld [tilespmem:s0+$0xBB00]  }
0x42d: {  	v56 =	vld [tilespmem:s11+$0xBAF0];
	v55 =	vmul.f32 v62, v29;
	v40 =	vadd.f32 v42, v40  }
0x42e: {  	v57 =	vld [tilespmem:s0+$0xBB10];
	v41 =	vmul.f32 v41, v38;
	v44 =	vmul.f32 v63, v39  }
0x42f: {  	v59 =	vld [tilespmem:s11+$0xBB00];
	v58 =	vmul.f32 v52, v28;
	v40 =	vadd.f32 v55, v40  }
0x430: {  	v60 =	vld [tilespmem:s0+$0xBB20];
	v61 =	vmul.f32 v53, v36;
	v41 =	vadd.f32 v44, v41  }
0x431: {  	v62 =	vmul.f32 v54, v27;
	v63 =	vld [tilespmem:s11+$0xBB10];
	v40 =	vadd.f32 v58, v40  }
0x432: {  	v50 =	vld [tilespmem:s0+$0xBB30];
	v43 =	vmul.f32 v56, v34;
	v41 =	vadd.f32 v61, v41  }
0x433: {  	v51 =	vmul.f32 v57, v26;
	v52 =	vld [tilespmem:s11+$0xBB20];
	v40 =	vadd.f32 v62, v40  }
0x434: {  	v53 =	vmul.f32 v59, v32;
	v41 =	vadd.f32 v43, v41  }
0x435: {  	v54 =	vmul.f32 v60, v25;
	v55 =	vld [tilespmem:s11+$0xBB30];
	v40 =	vadd.f32 v51, v40  }
0x436: {  	v56 =	vmul.f32 v63, v33;
	v41 =	vadd.f32 v53, v41  }
0x437: {  	v57 =	vmul.f32 v50, v24;
	v40 =	vadd.f32 v54, v40  }
0x438: {  	v58 =	vmul.f32 v52, v35;
	v41 =	vadd.f32 v56, v41  }
0x439: {  	s20 =	sshll.u32 s3, $0x4;
	s3 =	sadd.s32 $0xE, s10;
	v40 =	vadd.f32 v57, v40  }
0x43a: {  	s0 =	sand.u32 $0x3FFFFFF0, s20;
	s24 =	sshll.u32 s3, $0x7;
	v59 =	vmul.f32 v55, v37;
	v41 =	vadd.f32 v58, v41  }
0x43b: {  	[tilespmem:s0+$0x162C0] =	vst v40;
	s0 =	sand.u32 $0x3FFFFF80, s24  }
0x43c: {  	s28 =	sshll.u32 s29, $0x4;
	s29 =	sadd.s32 $0xE, s26;
	v41 =	vadd.f32 v59, v41;
	v40 =	vld [tilespmem:s0+$0xBAC0]  }
0x43d: {  	s31 =	sshll.u32 s29, $0x7;
	s20 =	sand.u32 $0x3FFFFFE0, s28;
	v60 =	vld [tilespmem:s0+$0xBAD0]  }
0x43e: {  	s11 =	sand.u32 $0x3FFFFF80, s31;
	v61 =	vld [tilespmem:s0+$0xBAE0];
	[tilespmem:s20+$0x162C0] =	vst v41  }
0x43f: {  	v41 =	vld [tilespmem:s11+$0xBAC0]  }
0x440: {  	v62 =	vld [tilespmem:s11+$0xBAD0]  }
0x441: {  	v63 =	vld [tilespmem:s0+$0xBAF0]  }
0x442: {  	v52 =	vld [tilespmem:s11+$0xBAE0];
	v40 =	vmul.f32 v40, v30;
	v42 =	vmul.f32 v60, v31  }
0x443: {  	v53 =	vld [tilespmem:s0+$0xBB00]  }
0x444: {  	v55 =	vld [tilespmem:s11+$0xBAF0];
	v54 =	vmul.f32 v61, v29;
	v40 =	vadd.f32 v42, v40  }
0x445: {  	v56 =	vld [tilespmem:s0+$0xBB10];
	v41 =	vmul.f32 v41, v38;
	v44 =	vmul.f32 v62, v39  }
0x446: {  	v58 =	vld [tilespmem:s11+$0xBB00];
	v57 =	vmul.f32 v63, v28;
	v40 =	vadd.f32 v54, v40  }
0x447: {  	v59 =	vld [tilespmem:s0+$0xBB20];
	v60 =	vmul.f32 v52, v36;
	v41 =	vadd.f32 v44, v41  }
0x448: {  	v61 =	vmul.f32 v53, v27;
	v62 =	vld [tilespmem:s11+$0xBB10];
	v40 =	vadd.f32 v57, v40  }
0x449: {  	v63 =	vld [tilespmem:s0+$0xBB30];
	v43 =	vmul.f32 v55, v34;
	v41 =	vadd.f32 v60, v41  }
0x44a: {  	v50 =	vld [tilespmem:s11+$0xBB20];
	v48 =	vmul.f32 v56, v26;
	v40 =	vadd.f32 v61, v40  }
0x44b: {  	v51 =	vmul.f32 v58, v32;
	v41 =	vadd.f32 v43, v41  }
0x44c: {  	v53 =	vld [tilespmem:s11+$0xBB30];
	v52 =	vmul.f32 v59, v25;
	v40 =	vadd.f32 v48, v40  }
0x44d: {  	v54 =	vmul.f32 v62, v33;
	v41 =	vadd.f32 v51, v41  }
0x44e: {  	v55 =	vmul.f32 v63, v24;
	v40 =	vadd.f32 v52, v40  }
0x44f: {  	v56 =	vmul.f32 v50, v35;
	v41 =	vadd.f32 v54, v41  }
0x450: {  	s20 =	sshll.u32 s3, $0x4;
	s3 =	sadd.s32 $0xF, s10;
	v40 =	vadd.f32 v55, v40  }
0x451: {  	s24 =	sshll.u32 s3, $0x7;
	s0 =	sand.u32 $0x3FFFFFF0, s20;
	v57 =	vmul.f32 v53, v37;
	v41 =	vadd.f32 v56, v41  }
0x452: {  	[tilespmem:s0+$0x162C0] =	vst v40;
	s0 =	sand.u32 $0x3FFFFF80, s24  }
0x453: {  	s28 =	sshll.u32 s29, $0x4;
	s29 =	sadd.s32 $0xF, s26;
	v41 =	vadd.f32 v57, v41;
	v40 =	vld [tilespmem:s0+$0xBAC0]  }
0x454: {  	s31 =	sshll.u32 s29, $0x7;
	s20 =	sand.u32 $0x3FFFFFF0, s28;
	v58 =	vld [tilespmem:s0+$0xBAD0]  }
0x455: {  	s11 =	sand.u32 $0x3FFFFF00, s31;
	v59 =	vld [tilespmem:s0+$0xBAE0];
	[tilespmem:s20+$0x162C0] =	vst v41  }
0x456: {  	v41 =	vld [tilespmem:s11+$0xBAC0]  }
0x457: {  	v60 =	vld [tilespmem:s11+$0xBAD0]  }
0x458: {  	v61 =	vld [tilespmem:s0+$0xBAF0]  }
0x459: {  	v62 =	vld [tilespmem:s11+$0xBAE0];
	v40 =	vmul.f32 v40, v30;
	v42 =	vmul.f32 v58, v31  }
0x45a: {  	v63 =	vld [tilespmem:s0+$0xBB00]  }
0x45b: {  	v53 =	vld [tilespmem:s11+$0xBAF0];
	v52 =	vmul.f32 v59, v29;
	v40 =	vadd.f32 v42, v40  }
0x45c: {  	v54 =	vld [tilespmem:s0+$0xBB10];
	v41 =	vmul.f32 v41, v38;
	v44 =	vmul.f32 v60, v39  }
0x45d: {  	v56 =	vld [tilespmem:s11+$0xBB00];
	v55 =	vmul.f32 v61, v28;
	v40 =	vadd.f32 v52, v40  }
0x45e: {  	v57 =	vld [tilespmem:s0+$0xBB20];
	v58 =	vmul.f32 v62, v36;
	v41 =	vadd.f32 v44, v41  }
0x45f: {  	v59 =	vmul.f32 v63, v27;
	v60 =	vld [tilespmem:s11+$0xBB10];
	v40 =	vadd.f32 v55, v40  }
0x460: {  	v61 =	vld [tilespmem:s0+$0xBB30];
	v43 =	vmul.f32 v53, v34;
	v41 =	vadd.f32 v58, v41  }
0x461: {  	v63 =	vld [tilespmem:s11+$0xBB20];
	v62 =	vmul.f32 v54, v26;
	v40 =	vadd.f32 v59, v40  }
0x462: {  	v48 =	vmul.f32 v56, v32;
	v41 =	vadd.f32 v43, v41  }
0x463: {  	v50 =	vld [tilespmem:s11+$0xBB30];
	v49 =	vmul.f32 v57, v25;
	v40 =	vadd.f32 v62, v40  }
0x464: {  	v51 =	vmul.f32 v60, v33;
	v41 =	vadd.f32 v48, v41  }
0x465: {  	v52 =	vmul.f32 v61, v24;
	v40 =	vadd.f32 v49, v40  }
0x466: {  	v53 =	vmul.f32 v63, v35;
	v41 =	vadd.f32 v51, v41  }
0x467: {  	s20 =	sshll.u32 s3, $0x4;
	s3 =	sadd.s32 $0x10, s10;
	v40 =	vadd.f32 v52, v40  }
0x468: {  	s24 =	sshll.u32 s3, $0x7;
	s0 =	sand.u32 $0x3FFFFFF0, s20;
	v54 =	vmul.f32 v50, v37;
	v41 =	vadd.f32 v53, v41  }
0x469: {  	[tilespmem:s0+$0x162C0] =	vst v40;
	s0 =	sand.u32 $0x3FFFFF80, s24  }
0x46a: {  	s28 =	sshll.u32 s29, $0x4;
	s29 =	sadd.s32 $0x10, s26;
	v41 =	vadd.f32 v54, v41;
	v40 =	vld [tilespmem:s0+$0xBAC0]  }
0x46b: {  	s31 =	sshll.u32 s29, $0x7;
	s20 =	sand.u32 $0x3FFFFFE0, s28;
	v55 =	vld [tilespmem:s0+$0xBAD0]  }
0x46c: {  	s11 =	sand.u32 $0x3FFFFF80, s31;
	v56 =	vld [tilespmem:s0+$0xBAE0];
	[tilespmem:s20+$0x162C0] =	vst v41  }
0x46d: {  	v41 =	vld [tilespmem:s11+$0xBAC0]  }
0x46e: {  	v57 =	vld [tilespmem:s11+$0xBAD0]  }
0x46f: {  	v58 =	vld [tilespmem:s0+$0xBAF0]  }
0x470: {  	v59 =	vld [tilespmem:s11+$0xBAE0];
	v40 =	vmul.f32 v40, v30;
	v42 =	vmul.f32 v55, v31  }
0x471: {  	v60 =	vld [tilespmem:s0+$0xBB00]  }
0x472: {  	v62 =	vld [tilespmem:s11+$0xBAF0];
	v61 =	vmul.f32 v56, v29;
	v40 =	vadd.f32 v42, v40  }
0x473: {  	v63 =	vld [tilespmem:s0+$0xBB10];
	v41 =	vmul.f32 v41, v38;
	v44 =	vmul.f32 v57, v39  }
0x474: {  	v53 =	vld [tilespmem:s11+$0xBB00];
	v52 =	vmul.f32 v58, v28;
	v40 =	vadd.f32 v61, v40  }
0x475: {  	v54 =	vld [tilespmem:s0+$0xBB20];
	v55 =	vmul.f32 v59, v36;
	v41 =	vadd.f32 v44, v41  }
0x476: {  	v56 =	vmul.f32 v60, v27;
	v57 =	vld [tilespmem:s11+$0xBB10];
	v40 =	vadd.f32 v52, v40  }
0x477: {  	v58 =	vld [tilespmem:s0+$0xBB30];
	v43 =	vmul.f32 v62, v34;
	v41 =	vadd.f32 v55, v41  }
0x478: {  	v60 =	vld [tilespmem:s11+$0xBB20];
	v59 =	vmul.f32 v63, v26;
	v40 =	vadd.f32 v56, v40  }
0x479: {  	v61 =	vmul.f32 v53, v32;
	v41 =	vadd.f32 v43, v41  }
0x47a: {  	v62 =	vmul.f32 v54, v25;
	v63 =	vld [tilespmem:s11+$0xBB30];
	v40 =	vadd.f32 v59, v40  }
0x47b: {  	v46 =	vmul.f32 v57, v33;
	v41 =	vadd.f32 v61, v41  }
0x47c: {  	v47 =	vmul.f32 v58, v24;
	v40 =	vadd.f32 v62, v40  }
0x47d: {  	v48 =	vmul.f32 v60, v35;
	v41 =	vadd.f32 v46, v41  }
0x47e: {  	s20 =	sshll.u32 s3, $0x4;
	s3 =	sadd.s32 $0x11, s10;
	v40 =	vadd.f32 v47, v40  }
0x47f: {  	s24 =	sshll.u32 s3, $0x7;
	s0 =	sand.u32 $0x3FFFFFF0, s20;
	v49 =	vmul.f32 v63, v37;
	v41 =	vadd.f32 v48, v41  }
0x480: {  	s28 =	sand.u32 $0x3FFFFF80, s24;
	[tilespmem:s0+$0x162C0] =	vst v40  }
0x481: {  	s22 =	sadd.s32 $0x11, s26;
	s29 =	sshll.u32 s29, $0x4;
	v41 =	vadd.f32 v49, v41;
	v40 =	vld [tilespmem:s28+$0xBAC0]  }
0x482: {  	s31 =	sshll.u32 s22, $0x7;
	s20 =	sand.u32 $0x3FFFFFF0, s29;
	v50 =	vld [tilespmem:s28+$0xBAD0]  }
0x483: {  	s11 =	sand.u32 $0x3FFFFF00, s31;
	v51 =	vld [tilespmem:s28+$0xBAE0];
	[tilespmem:s20+$0x162C0] =	vst v41  }
0x484: {  	v41 =	vld [tilespmem:s11+$0xBAC0]  }
0x485: {  	v52 =	vld [tilespmem:s11+$0xBAD0]  }
0x486: {  	v53 =	vld [tilespmem:s28+$0xBAF0]  }
0x487: {  	v54 =	vld [tilespmem:s11+$0xBAE0];
	v40 =	vmul.f32 v40, v30;
	v42 =	vmul.f32 v50, v31  }
0x488: {  	v55 =	vld [tilespmem:s28+$0xBB00]  }
0x489: {  	v57 =	vld [tilespmem:s11+$0xBAF0];
	v56 =	vmul.f32 v51, v29;
	v40 =	vadd.f32 v42, v40  }
0x48a: {  	v58 =	vld [tilespmem:s28+$0xBB10];
	v41 =	vmul.f32 v41, v38;
	v44 =	vmul.f32 v52, v39  }
0x48b: {  	v60 =	vld [tilespmem:s11+$0xBB00];
	v59 =	vmul.f32 v53, v28;
	v40 =	vadd.f32 v56, v40  }
0x48c: {  	v61 =	vld [tilespmem:s28+$0xBB20];
	v62 =	vmul.f32 v54, v36;
	v41 =	vadd.f32 v44, v41  }
0x48d: {  	v63 =	vmul.f32 v55, v27;
	v50 =	vld [tilespmem:s11+$0xBB10];
	v40 =	vadd.f32 v59, v40  }
0x48e: {  	v51 =	vld [tilespmem:s28+$0xBB30];
	v43 =	vmul.f32 v57, v34;
	v41 =	vadd.f32 v62, v41  }
0x48f: {  	v53 =	vld [tilespmem:s11+$0xBB20];
	v52 =	vmul.f32 v58, v26;
	v40 =	vadd.f32 v63, v40  }
0x490: {  	v54 =	vmul.f32 v60, v32;
	v41 =	vadd.f32 v43, v41  }
0x491: {  	v55 =	vmul.f32 v61, v25;
	v56 =	vld [tilespmem:s11+$0xBB30];
	v40 =	vadd.f32 v52, v40  }
0x492: {  	v57 =	vmul.f32 v50, v33;
	v41 =	vadd.f32 v54, v41  }
0x493: {  	v58 =	vmul.f32 v51, v24;
	v40 =	vadd.f32 v55, v40  }
0x494: {  	v59 =	vmul.f32 v53, v35;
	v41 =	vadd.f32 v57, v41  }
0x495: {  	s24 =	sshll.u32 s3, $0x4;
	s3 =	sadd.s32 $0x12, s10;
	v40 =	vadd.f32 v58, v40  }
0x496: {  	s0 =	sand.u32 $0x3FFFFFF0, s24;
	s28 =	sshll.u32 s3, $0x7;
	v60 =	vmul.f32 v56, v37;
	v41 =	vadd.f32 v59, v41  }
0x497: {  	s29 =	sand.u32 $0x3FFFFF80, s28;
	[tilespmem:s0+$0x162C0] =	vst v40  }
0x498: {  	s31 =	sshll.u32 s22, $0x4;
	s22 =	sadd.s32 $0x12, s26;
	v41 =	vadd.f32 v60, v41;
	v40 =	vld [tilespmem:s29+$0xBAC0]  }
0x499: {  	s20 =	sand.u32 $0x3FFFFFE0, s31;
	s11 =	sshll.u32 s22, $0x7;
	v61 =	vld [tilespmem:s29+$0xBAD0]  }
0x49a: {  	s28 =	sand.u32 $0x3FFFFF80, s11;
	v62 =	vld [tilespmem:s29+$0xBAE0];
	[tilespmem:s20+$0x162C0] =	vst v41  }
0x49b: {  	v41 =	vld [tilespmem:s28+$0xBAC0]  }
0x49c: {  	v63 =	vld [tilespmem:s28+$0xBAD0]  }
0x49d: {  	v52 =	vld [tilespmem:s29+$0xBAF0]  }
0x49e: {  	v53 =	vld [tilespmem:s28+$0xBAE0];
	v40 =	vmul.f32 v40, v30;
	v42 =	vmul.f32 v61, v31  }
0x49f: {  	v54 =	vld [tilespmem:s29+$0xBB00]  }
0x4a0: {  	v56 =	vld [tilespmem:s28+$0xBAF0];
	v55 =	vmul.f32 v62, v29;
	v40 =	vadd.f32 v42, v40  }
0x4a1: {  	v57 =	vld [tilespmem:s29+$0xBB10];
	v41 =	vmul.f32 v41, v38;
	v44 =	vmul.f32 v63, v39  }
0x4a2: {  	v59 =	vld [tilespmem:s28+$0xBB00];
	v58 =	vmul.f32 v52, v28;
	v40 =	vadd.f32 v55, v40  }
0x4a3: {  	v60 =	vld [tilespmem:s29+$0xBB20];
	v61 =	vmul.f32 v53, v36;
	v41 =	vadd.f32 v44, v41  }
0x4a4: {  	v62 =	vmul.f32 v54, v27;
	v63 =	vld [tilespmem:s28+$0xBB10];
	v40 =	vadd.f32 v58, v40  }
0x4a5: {  	v50 =	vld [tilespmem:s29+$0xBB30];
	v43 =	vmul.f32 v56, v34;
	v41 =	vadd.f32 v61, v41  }
0x4a6: {  	v51 =	vmul.f32 v57, v26;
	v52 =	vld [tilespmem:s28+$0xBB20];
	v40 =	vadd.f32 v62, v40  }
0x4a7: {  	v53 =	vmul.f32 v59, v32;
	v41 =	vadd.f32 v43, v41  }
0x4a8: {  	v54 =	vmul.f32 v60, v25;
	v55 =	vld [tilespmem:s28+$0xBB30];
	v40 =	vadd.f32 v51, v40  }
0x4a9: {  	v56 =	vmul.f32 v63, v33;
	v41 =	vadd.f32 v53, v41  }
0x4aa: {  	v57 =	vmul.f32 v50, v24;
	v40 =	vadd.f32 v54, v40  }
0x4ab: {  	v58 =	vmul.f32 v52, v35;
	v41 =	vadd.f32 v56, v41  }
0x4ac: {  	s29 =	sshll.u32 s3, $0x4;
	s3 =	sadd.s32 $0x13, s10;
	v40 =	vadd.f32 v57, v40  }
0x4ad: {  	s0 =	sand.u32 $0x3FFFFFF0, s29;
	s31 =	sshll.u32 s3, $0x7;
	v59 =	vmul.f32 v55, v37;
	v41 =	vadd.f32 v58, v41  }
0x4ae: {  	s11 =	sand.u32 $0x3FFFFF80, s31;
	[tilespmem:s0+$0x162C0] =	vst v40  }
0x4af: {  	s28 =	sshll.u32 s22, $0x4;
	s22 =	sadd.s32 $0x13, s26;
	v41 =	vadd.f32 v59, v41;
	v40 =	vld [tilespmem:s11+$0xBAC0]  }
0x4b0: {  	s20 =	sand.u32 $0x3FFFFFF0, s28;
	s29 =	sshll.u32 s22, $0x7;
	v60 =	vld [tilespmem:s11+$0xBAD0]  }
0x4b1: {  	s31 =	sand.u32 $0x3FFFFF00, s29;
	[tilespmem:s20+$0x162C0] =	vst v41;
	v61 =	vld [tilespmem:s11+$0xBAE0]  }
0x4b2: {  	v62 =	vld [tilespmem:s31+$0xBAC0]  }
0x4b3: {  	v63 =	vld [tilespmem:s31+$0xBAD0]  }
0x4b4: {  	v52 =	vld [tilespmem:s11+$0xBAF0]  }
0x4b5: {  	v53 =	vld [tilespmem:s31+$0xBAE0]  }
0x4b6: {  	v54 =	vld [tilespmem:s11+$0xBB00];
	v40 =	vmul.f32 v40, v30;
	v42 =	vmul.f32 v60, v31  }
0x4b7: {  	v55 =	vld [tilespmem:s31+$0xBAF0];
	v41 =	vmul.f32 v61, v29  }
0x4b8: {  	v56 =	vld [tilespmem:s11+$0xBB10];
	v43 =	vmul.f32 v62, v38;
	v44 =	vmul.f32 v63, v39;
	v40 =	vadd.f32 v42, v40  }
0x4b9: {  	v58 =	vld [tilespmem:s31+$0xBB00];
	v57 =	vmul.f32 v52, v28  }
0x4ba: {  	v59 =	vld [tilespmem:s11+$0xBB20];
	v60 =	vmul.f32 v53, v36;
	v43 =	vadd.f32 v44, v43;
	v40 =	vadd.f32 v41, v40  }
0x4bb: {  	v61 =	vmul.f32 v54, v27;
	v62 =	vld [tilespmem:s31+$0xBB10]  }
0x4bc: {  	v50 =	vld [tilespmem:s31+$0xBB20];
	v42 =	vmul.f32 v55, v34;
	v43 =	vadd.f32 v60, v43;
	v40 =	vadd.f32 v57, v40  }
0x4bd: {  	v48 =	vmul.f32 v56, v26;
	v63 =	vld [tilespmem:s11+$0xBB30]  }
0x4be: {  	v51 =	vmul.f32 v58, v32;
	v42 =	vadd.f32 v42, v43;
	v40 =	vadd.f32 v61, v40  }
0x4bf: {  	v52 =	vmul.f32 v59, v25;
	v53 =	vld [tilespmem:s31+$0xBB30]  }
0x4c0: {  	v54 =	vmul.f32 v62, v33;
	v42 =	vadd.f32 v51, v42;
	v40 =	vadd.f32 v48, v40  }
0x4c1: {  	v56 =	vmul.f32 v50, v35  }
0x4c2: {  	v55 =	vmul.f32 v63, v24;
	v42 =	vadd.f32 v54, v42;
	v40 =	vadd.f32 v52, v40;
	_ =	sdelay $0x1  }
0x4c3: {  	s20 =	sadd.s32 $0x14, s10;
	s11 =	sshll.u32 s3, $0x4;
	v58 =	vmul.f32 v53, v37;
	v57 =	vadd.f32 v56, v42;
	v40 =	vadd.f32 v55, v40  }
0x4c4: {  	s10 =	sshll.u32 s20, $0x7;
	s0 =	sand.u32 $0x3FFFFFF0, s11  }
0x4c5: {  	s29 =	sshll.u32 s22, $0x4;
	s28 =	sand.u32 $0x3FFFFF80, s10;
	s31 =	sadd.s32 $0x14, s26;
	v59 =	vadd.f32 v58, v57;
	[tilespmem:s0+$0x162C0] =	vst v40  }
0x4c6: {  	s10 =	sand.u32 $0x3FFFFFE0, s29;
	s11 =	sshll.u32 s31, $0x7;
	v60 =	vld [tilespmem:s28+$0xBAC0]  }
0x4c7: {  	s24 =	sand.u32 $0x3FFFFF80, s11;
	[tilespmem:s10+$0x162C0] =	vst v59;
	v61 =	vld [tilespmem:s28+$0xBAD0]  }
0x4c8: {  	v62 =	vld [tilespmem:s24+$0xBAC0]  }
0x4c9: {  	v63 =	vld [tilespmem:s24+$0xBAD0]  }
0x4ca: {  	v48 =	vld [tilespmem:s28+$0xBAE0]  }
0x4cb: {  	v49 =	vld [tilespmem:s24+$0xBAE0]  }
0x4cc: {  	v50 =	vld [tilespmem:s28+$0xBAF0]  }
0x4cd: {  	v51 =	vld [tilespmem:s24+$0xBAF0];
	v30 =	vmul.f32 v60, v30;
	v31 =	vmul.f32 v61, v31  }
0x4ce: {  	v52 =	vld [tilespmem:s28+$0xBB00];
	v38 =	vmul.f32 v62, v38;
	v39 =	vmul.f32 v63, v39  }
0x4cf: {  	v53 =	vld [tilespmem:s24+$0xBB00];
	v29 =	vmul.f32 v48, v29;
	v30 =	vadd.f32 v31, v30  }
0x4d0: {  	v54 =	vld [tilespmem:s28+$0xBB10];
	v36 =	vmul.f32 v49, v36;
	v38 =	vadd.f32 v39, v38  }
0x4d1: {  	v55 =	vld [tilespmem:s24+$0xBB10];
	v28 =	vmul.f32 v50, v28;
	v29 =	vadd.f32 v29, v30  }
0x4d2: {  	v56 =	vld [tilespmem:s28+$0xBB20];
	v34 =	vmul.f32 v51, v34;
	v36 =	vadd.f32 v36, v38  }
0x4d3: {  	v57 =	vld [tilespmem:s24+$0xBB20];
	v27 =	vmul.f32 v52, v27;
	v28 =	vadd.f32 v28, v29  }
0x4d4: {  	v58 =	vld [tilespmem:s28+$0xBB30];
	v31 =	vmul.f32 v53, v32;
	v34 =	vadd.f32 v34, v36  }
0x4d5: {  	v59 =	vld [tilespmem:s24+$0xBB30];
	v26 =	vmul.f32 v54, v26;
	v27 =	vadd.f32 v27, v28  }
0x4d6: {  	v30 =	vmul.f32 v55, v33;
	v31 =	vadd.f32 v31, v34  }
0x4d7: {  	v25 =	vmul.f32 v56, v25;
	v26 =	vadd.f32 v26, v27  }
0x4d8: {  	v29 =	vmul.f32 v57, v35;
	v60 =	vadd.f32 v30, v31  }
0x4d9: {  	p1 =	slt.u32 s9, $0xE;
	v24 =	vmul.f32 v58, v24;
	v25 =	vadd.f32 v25, v26  }
.Ltmp2:
0x4da: {  	v62 =	vmul.f32 v59, v37;
	v61 =	vadd.f32 v29, v60;
	(pc) =	sbr.rel @p1 .LBB2_7-.Ltmp2, $4  }
0x4db: {  	s26 =	sshll.u32 s20, $0x4;
	v24 =	vadd.f32 v24, v25  }
0x4dc: {  	s0 =	sand.u32 $0x3FFFFFF0, s26;
	s28 =	sshll.u32 s31, $0x4;
	v63 =	vadd.f32 v62, v61  }
0x4dd: {  	s31 =	sadd.s32 $0x2, s9;
	s29 =	sand.u32 $0x3FFFFFF0, s28;
	[tilespmem:s0+$0x162C0] =	vst v24  }
0x4de: {  	s9 =	smov.u32 s31;
	[tilespmem:s29+$0x162C0] =	vst v63  }
0x4df: {  	s0 =	simm.s32 $0x100  }
0x4e0: {  	v24 =	vor.u32 s0, v0  }
0x4e1: {  	s3 =	simm.s32 @!p0 $0x6;
	s9 =	simm.s32 $0x0;
	v25 =	vor.u32 s0, v1  }
0x4e2: {  	_ =	swait.ge @!p0 [sflag:s3], $0x150;
	v26 =	vor.u32 s9, v0  }
0x4e3: {  	s22 =	simm.s32 $0x1;
	v27 =	vor.u32 s0, v2;
	[sflag:s3] =	ssyncset.done @!p0 $0x0  }
0x4e4: {  	v28 =	vor.u32 s22, v0;
	[sflag:s3] =	ssyncadd.s32 @!p0 $0xFFFFFEB0  }
0x4e5: {  	s24 =	simm.s32 $0x2;
	v29 =	vor.u32 s0, v3;
	v24 =	vld.idx.msk [tilespmem:v24+s19+$0x0], $0xffff  }
0x4e6: {  	v30 =	vor.u32 s24, v0;
	v25 =	vld.idx.msk [tilespmem:v25+s19+$0x0], $0xffff  }
0x4e7: {  	s26 =	simm.s32 $0x3;
	v31 =	vor.u32 s0, v4;
	v26 =	vld.idx.msk [tilespmem:v26+s19+$0x0], $0xffff  }
0x4e8: {  	v32 =	vor.u32 s26, v0;
	v27 =	vld.idx.msk [tilespmem:v27+s19+$0x0], $0xffff  }
0x4e9: {  	s28 =	simm.s32 $0x4;
	v33 =	vor.u32 s0, v5;
	v28 =	vld.idx.msk [tilespmem:v28+s19+$0x0], $0xffff  }
0x4ea: {  	v34 =	vor.u32 s28, v0;
	v29 =	vld.idx.msk [tilespmem:v29+s19+$0x0], $0xffff  }
0x4eb: {  	s29 =	simm.s32 $0x5;
	v35 =	vor.u32 s0, v6;
	v30 =	vld.idx.msk [tilespmem:v30+s19+$0x0], $0xffff  }
0x4ec: {  	v36 =	vor.u32 s29, v0;
	v31 =	vld.idx.msk [tilespmem:v31+s19+$0x0], $0xffff  }
0x4ed: {  	s31 =	simm.s32 $0x6;
	v37 =	vor.u32 s0, v7;
	v32 =	vld.idx.msk [tilespmem:v32+s19+$0x0], $0xffff  }
0x4ee: {  	s10 =	simm.s32 $0x7;
	v38 =	vor.u32 s31, v0;
	v33 =	vld.idx.msk [tilespmem:v33+s19+$0x0], $0xffff  }
0x4ef: {  	s11 =	simm.s32 $0x109;
	v40 =	vor.u32 s10, v0;
	v34 =	vld.idx.msk [tilespmem:v34+s19+$0x0], $0xffff  }
0x4f0: {  	s20 =	simm.s32 $0x8;
	v41 =	vor.u32 s11, v1;
	v35 =	vld.idx.msk [tilespmem:v35+s19+$0x0], $0xffff  }
0x4f1: {  	s9 =	simm.s32 $0x108;
	v42 =	vor.u32 s20, v0;
	v36 =	vld.idx.msk [tilespmem:v36+s19+$0x0], $0xffff  }
0x4f2: {  	s22 =	simm.s32 $0x10A;
	v39 =	vor.u32 s9, v0;
	v37 =	vld.idx.msk [tilespmem:v37+s19+$0x0], $0xffff  }
0x4f3: {  	s24 =	simm.s32 $0x9;
	v43 =	vor.u32 s22, v2;
	v38 =	vld.idx.msk [tilespmem:v38+s19+$0x0], $0xffff  }
0x4f4: {  	s26 =	simm.s32 $0x10B;
	v44 =	vor.u32 s24, v0;
	v40 =	vld.idx.msk [tilespmem:v40+s19+$0x0], $0xffff  }
0x4f5: {  	s28 =	simm.s32 $0xA;
	v45 =	vor.u32 s26, v3;
	v41 =	vld.idx.msk [tilespmem:v41+s19+$0x0], $0xffff  }
0x4f6: {  	s29 =	simm.s32 $0x10C;
	v46 =	vor.u32 s28, v0;
	v42 =	vld.idx.msk [tilespmem:v42+s19+$0x0], $0xffff  }
0x4f7: {  	s31 =	simm.s32 $0xB;
	v47 =	vor.u32 s29, v4;
	v39 =	vld.idx.msk [tilespmem:v39+s19+$0x0], $0xffff  }
0x4f8: {  	s10 =	simm.s32 $0x10E;
	v48 =	vor.u32 s31, v0;
	v43 =	vld.idx.msk [tilespmem:v43+s19+$0x0], $0xffff  }
0x4f9: {  	s20 =	simm.s32 $0x10F;
	v51 =	vor.u32 s10, v6;
	v44 =	vld.idx.msk [tilespmem:v44+s19+$0x0], $0xffff  }
0x4fa: {  	s9 =	simm.s32 $0xC;
	v53 =	vor.u32 s20, v7;
	s3 =	simm.s32 $0x10D;
	v45 =	vld.idx.msk [tilespmem:v45+s19+$0x0], $0xffff  }
0x4fb: {  	v50 =	vor.u32 s9, v0;
	s9 =	simm.s32 $0x203;
	v49 =	vor.u32 s3, v5;
	v46 =	vld.idx.msk [tilespmem:v46+s19+$0x0], $0xffff  }
0x4fc: {  	v60 =	vor.u32 s9, v0;
	v47 =	vld.idx.msk [tilespmem:v47+s19+$0x0], $0xffff  }
0x4fd: {  	s11 =	simm.s32 $0xD;
	v48 =	vld.idx.msk [tilespmem:v48+s19+$0x0], $0xffff  }
0x4fe: {  	v52 =	vor.u32 s11, v0;
	s22 =	simm.s32 $0xE;
	v51 =	vld.idx.msk [tilespmem:v51+s19+$0x0], $0xffff  }
0x4ff: {  	s26 =	simm.s32 $0x300;
	v54 =	vor.u32 s22, v0;
	v53 =	vld.idx.msk [tilespmem:v53+s19+$0x0], $0xffff;
	v24 =	vadd.f32 v25, v24;
	v26 =	vadd.f32 v28, v26  }
0x500: {  	s29 =	simm.s32 $0x201;
	v61 =	vor.u32 s26, v0;
	v49 =	vld.idx.msk [tilespmem:v49+s19+$0x0], $0xffff  }
0x501: {  	v63 =	vor.u32 s29, v0;
	v56 =	vld.idx.msk [tilespmem:v60+s19+$0x0], $0xffff;
	v24 =	vadd.f32 v27, v24;
	v26 =	vadd.f32 v30, v26  }
0x502: {  	s28 =	simm.s32 $0x200;
	v28 =	vld.idx.msk [tilespmem:v50+s19+$0x0], $0xffff;
	v27 =	vor.u32 s26, v1  }
0x503: {  	v62 =	vor.u32 s28, v0;
	v30 =	vld.idx.msk [tilespmem:v52+s19+$0x0], $0xffff;
	v24 =	vadd.f32 v29, v24;
	v26 =	vadd.f32 v32, v26  }
0x504: {  	v29 =	vor.u32 s26, v2;
	v32 =	vld.idx.msk [tilespmem:v54+s19+$0x0], $0xffff  }
0x505: {  	s31 =	simm.s32 $0x202;
	v57 =	vor.u32 s26, v3;
	v24 =	vadd.f32 v31, v24;
	v26 =	vadd.f32 v34, v26;
	v31 =	vld.idx.msk [tilespmem:v61+s19+$0x0], $0xffff  }
0x506: {  	v58 =	vor.u32 s31, v0;
	v61 =	vld.idx.msk [tilespmem:v63+s19+$0x0], $0xffff  }
0x507: {  	s24 =	simm.s32 $0xF;
	v59 =	vor.u32 s26, v4;
	v27 =	vld.idx.msk [tilespmem:v27+s19+$0x0], $0xffff;
	v24 =	vadd.f32 v33, v24;
	v26 =	vadd.f32 v36, v26  }
0x508: {  	s10 =	simm.s32 $0x204;
	v25 =	vor.u32 s24, v0;
	v33 =	vld.idx.msk [tilespmem:v62+s19+$0x0], $0xffff  }
0x509: {  	v63 =	vor.u32 s10, v0;
	v29 =	vld.idx.msk [tilespmem:v29+s19+$0x0], $0xffff;
	v24 =	vadd.f32 v35, v24;
	v26 =	vadd.f32 v38, v26  }
0x50a: {  	v34 =	vld.idx.msk [tilespmem:v57+s19+$0x0], $0xffff;
	v62 =	vor.u32 s26, v5  }
0x50b: {  	v55 =	vor.u32 s26, v6;
	s22 =	simm.s32 $0x308;
	v24 =	vadd.f32 v37, v24;
	v26 =	vadd.f32 v40, v26;
	v37 =	vld.idx.msk [tilespmem:v58+s19+$0x0], $0xffff  }
0x50c: {  	s11 =	simm.s32 $0x205;
	v36 =	vld.idx.msk [tilespmem:v59+s19+$0x0], $0xffff;
	v59 =	vor.u32 s22, v0;
	v27 =	vadd.f32 v27, v31  }
0x50d: {  	v25 =	vld.idx.msk [tilespmem:v25+s19+$0x0], $0xffff;
	v31 =	vor.u32 s11, v0;
	v24 =	vadd.f32 v39, v24;
	v26 =	vadd.f32 v42, v26  }
0x50e: {  	s20 =	simm.s32 $0x206;
	v57 =	vor.u32 s26, v7;
	v58 =	vld.idx.msk [tilespmem:v63+s19+$0x0], $0xffff;
	v33 =	vadd.f32 v61, v33;
	v27 =	vadd.f32 v29, v27  }
0x50f: {  	s24 =	simm.s32 $0x207;
	v38 =	vld.idx.msk [tilespmem:v62+s19+$0x0], $0xffff;
	v29 =	vor.u32 s20, v0;
	v24 =	vadd.f32 v41, v24;
	v26 =	vadd.f32 v44, v26  }
0x510: {  	v60 =	vor.u32 s24, v0;
	s26 =	simm.s32 $0x309;
	v61 =	vld.idx.msk [tilespmem:v55+s19+$0x0], $0xffff;
	v27 =	vadd.f32 v34, v27;
	v33 =	vadd.f32 v37, v33  }
0x511: {  	s31 =	simm.s32 $0x209;
	v62 =	vor.u32 s26, v1;
	v54 =	vld.idx.msk [tilespmem:v59+s19+$0x0], $0xffff;
	v24 =	vadd.f32 v43, v24;
	v26 =	vadd.f32 v46, v26  }
0x512: {  	s28 =	simm.s32 $0x208;
	v52 =	vor.u32 s31, v0;
	v31 =	vld.idx.msk [tilespmem:v31+s19+$0x0], $0xffff;
	v27 =	vadd.f32 v36, v27;
	v33 =	vadd.f32 v56, v33  }
0x513: {  	s29 =	simm.s32 $0x30A;
	v63 =	vor.u32 s28, v0;
	v46 =	vld.idx.msk [tilespmem:v57+s19+$0x0], $0xffff;
	v24 =	vadd.f32 v45, v24;
	v26 =	vadd.f32 v48, v26  }
0x514: {  	s9 =	simm.s32 $0x30B;
	v29 =	vld.idx.msk [tilespmem:v29+s19+$0x0], $0xffff;
	v48 =	vor.u32 s29, v2;
	v27 =	vadd.f32 v38, v27;
	v33 =	vadd.f32 v58, v33  }
0x515: {  	s10 =	simm.s32 $0x20A;
	v55 =	vld.idx.msk [tilespmem:v60+s19+$0x0], $0xffff;
	v24 =	vadd.f32 v47, v24;
	v26 =	vadd.f32 v28, v26;
	v28 =	vor.u32 s9, v3  }
0x516: {  	s20 =	simm.s32 $0x20B;
	v57 =	vld.idx.msk [tilespmem:v62+s19+$0x0], $0xffff;
	v56 =	vor.u32 s10, v0;
	v27 =	vadd.f32 v61, v27  }
0x517: {  	s11 =	simm.s32 $0x30C;
	v59 =	vor.u32 s20, v0;
	v31 =	vadd.f32 v31, v33;
	v33 =	vld.idx.msk [tilespmem:v52+s19+$0x0], $0xffff;
	v24 =	vadd.f32 v49, v24  }
0x518: {  	s22 =	simm.s32 $0x30D;
	v58 =	vor.u32 s11, v4;
	v26 =	vadd.f32 v30, v26;
	v30 =	vld.idx.msk [tilespmem:v63+s19+$0x0], $0xffff;
	v36 =	vadd.f32 v46, v27  }
0x519: {  	s24 =	simm.s32 $0x20C;
	v61 =	vor.u32 s22, v5;
	v60 =	vld.idx.msk [tilespmem:v48+s19+$0x0], $0xffff;
	v29 =	vadd.f32 v29, v31;
	v24 =	vadd.f32 v51, v24  }
0x51a: {  	s31 =	simm.s32 $0x30E;
	v27 =	vor.u32 s24, v0;
	v32 =	vadd.f32 v32, v26;
	v36 =	vadd.f32 v54, v36;
	v31 =	vld.idx.msk [tilespmem:v28+s19+$0x0], $0xffff  }
0x51b: {  	v35 =	vor.u32 s31, v6;
	s26 =	simm.s32 $0x20D;
	v28 =	vld.idx.msk [tilespmem:v56+s19+$0x0], $0xffff;
	v39 =	vadd.f32 v55, v29;
	v62 =	vadd.f32 v53, v24  }
0x51c: {  	s20 =	simm.s32 $0x30F;
	s9 =	simm.s32 $0x17920;
	v26 =	vor.u32 s26, v0;
	v29 =	vld.idx.msk [tilespmem:v59+s19+$0x0], $0xffff;
	v63 =	vadd.f32 v25, v32;
	v36 =	vadd.f32 v57, v36  }
0x51d: {  	s28 =	simm.s32 $0x20E;
	v34 =	vor.u32 s20, v7;
	s29 =	simm.s32 $0x20F;
	v32 =	vld.idx.msk [tilespmem:v58+s19+$0x0], $0xffff;
	v37 =	vadd.f32 v30, v39;
	[tilespmem:s9+$0x0] =	vst v62  }
0x51e: {  	s10 =	simm.s32 $0x2;
	s26 =	simm.s32 $0x50F;
	v25 =	vor.u32 s28, v0;
	v24 =	vor.u32 s29, v0;
	v30 =	vld.idx.msk [tilespmem:v61+s19+$0x0], $0xffff;
	[tilespmem:s9+$0xFFFFFFF0] =	vst v63;
	v36 =	vadd.f32 v60, v36  }
.LBB2_9:
0x51f: {  	s0 =	sadd.s32 $0xFFFFFEF1, s26;
	s3 =	sadd.s32 $0xFFFFFEF2, s26;
	s28 =	sadd.s32 $0xFFFFFFF1, s26;
	v33 =	vadd.f32 v33, v37;
	v37 =	vld.idx.msk [tilespmem:v27+s19+$0x0], $0xffff  }
0x520: {  	s20 =	sadd.s32 $0xFFFFFEF4, s26;
	s10 =	sadd.s32 $0x2, s10;
	v38 =	vor.u32 s0, v0;
	s0 =	sadd.s32 $0xFFFFFEF3, s26;
	v27 =	vor.u32 s28, v0;
	v31 =	vadd.f32 v31, v36;
	v35 =	vld.idx.msk [tilespmem:v35+s19+$0x0], $0xffff  }
0x521: {  	v36 =	vor.u32 s3, v0;
	s3 =	sadd.s32 $0xFFFFFEF6, s26;
	v40 =	vor.u32 s28, v1;
	p0 =	slt.u32 s10, $0x12;
	v39 =	vor.u32 s0, v0;
	s0 =	sadd.s32 $0xFFFFFEF5, s26;
	v41 =	vld.idx.msk [tilespmem:v26+s19+$0x0], $0xffff  }
0x522: {  	s22 =	sadd.s32 $0xFFFFFEF9, s26;
	v42 =	vor.u32 s20, v0;
	s20 =	sadd.s32 $0xFFFFFEF8, s26;
	v43 =	vor.u32 s0, v0;
	s0 =	sadd.s32 $0xFFFFFEF7, s26;
	v26 =	vadd.f32 v32, v31;
	v31 =	vld.idx.msk [tilespmem:v34+s19+$0x0], $0xffff  }
0x523: {  	s24 =	sadd.s32 $0xFFFFFEFC, s26;
	v44 =	vor.u32 s28, v2;
	v32 =	vor.u32 s3, v0;
	s3 =	sadd.s32 $0xFFFFFEFB, s26;
	v34 =	vor.u32 s0, v0;
	s0 =	sadd.s32 $0xFFFFFEFA, s26;
	v45 =	vld.idx.msk [tilespmem:v25+s19+$0x0], $0xffff  }
0x524: {  	s29 =	sadd.s32 $0xFFFFFEFF, s26;
	v47 =	vor.u32 s22, v0;
	s22 =	sadd.s32 $0xFFFFFEFE, s26;
	v46 =	vor.u32 s20, v0;
	s20 =	sadd.s32 $0xFFFFFEFD, s26;
	v48 =	vld.idx.msk [tilespmem:v24+s19+$0x0], $0xffff;
	v24 =	vadd.f32 v30, v26  }
0x525: {  	v51 =	vor.u32 s28, v3;
	v49 =	vor.u32 s3, v0;
	v30 =	vor.u32 s0, v0;
	s0 =	sadd.s32 $0xFFFFFF00, s26;
	v50 =	vld.idx.msk [tilespmem:v27+s19+$0x0], $0xffff  }
0x526: {  	v52 =	vor.u32 s24, v0;
	v27 =	vor.u32 s20, v0;
	v40 =	vld.idx.msk [tilespmem:v40+s19+$0x0], $0xffff;
	v35 =	vadd.f32 v35, v24  }
0x527: {  	v53 =	vor.u32 s28, v4;
	v28 =	vadd.f32 v28, v33;
	v26 =	vor.u32 s22, v0;
	v38 =	vld.idx.msk [tilespmem:v38+s19+$0x0], $0xffff  }
0x528: {  	v25 =	vor.u32 s29, v0;
	v24 =	vor.u32 s0, v0;
	v33 =	vld.idx.msk [tilespmem:v44+s19+$0x0], $0xffff;
	v31 =	vadd.f32 v31, v35  }
0x529: {  	s9 =	sadd.s32 $0x20, s9;
	v28 =	vadd.f32 v29, v28;
	v35 =	vld.idx.msk [tilespmem:v36+s19+$0x0], $0xffff;
	v36 =	vor.u32 s28, v5  }
0x52a: {  	v29 =	vld.idx.msk [tilespmem:v51+s19+$0x0], $0xffff;
	[tilespmem:s9+$0x0] =	vst v31  }
0x52b: {  	v28 =	vadd.f32 v37, v28;
	v31 =	vld.idx.msk [tilespmem:v39+s19+$0x0], $0xffff;
	v39 =	vor.u32 s28, v6  }
0x52c: {  	v37 =	vadd.f32 v40, v50;
	v40 =	vld.idx.msk [tilespmem:v53+s19+$0x0], $0xffff  }
0x52d: {  	v28 =	vadd.f32 v41, v28;
	v44 =	vor.u32 s28, v7;
	v42 =	vld.idx.msk [tilespmem:v42+s19+$0x0], $0xffff  }
0x52e: {  	s0 =	sadd.s32 $0xFFFFFFF9, s26;
	v33 =	vadd.f32 v33, v37;
	v36 =	vld.idx.msk [tilespmem:v36+s19+$0x0], $0xffff  }
0x52f: {  	v28 =	vadd.f32 v45, v28;
	v35 =	vadd.f32 v35, v38;
	v38 =	vor.u32 s0, v0;
	v37 =	vld.idx.msk [tilespmem:v43+s19+$0x0], $0xffff  }
0x530: {  	s0 =	sadd.s32 $0xFFFFFFFA, s26;
	v29 =	vadd.f32 v29, v33;
	v33 =	vld.idx.msk [tilespmem:v39+s19+$0x0], $0xffff  }
0x531: {  	v28 =	vadd.f32 v48, v28;
	v31 =	vadd.f32 v31, v35;
	v35 =	vor.u32 s0, v1;
	v32 =	vld.idx.msk [tilespmem:v32+s19+$0x0], $0xffff  }
0x532: {  	s0 =	sadd.s32 $0xFFFFFFFB, s26;
	v29 =	vadd.f32 v40, v29;
	v39 =	vld.idx.msk [tilespmem:v44+s19+$0x0], $0xffff  }
0x533: {  	v40 =	vor.u32 s0, v2;
	v31 =	vadd.f32 v42, v31;
	v34 =	vld.idx.msk [tilespmem:v34+s19+$0x0], $0xffff;
	[tilespmem:s9+$0xFFFFFFF0] =	vst v28  }
0x534: {  	s0 =	sadd.s32 $0xFFFFFFFC, s26;
	v28 =	vadd.f32 v36, v29;
	v29 =	vld.idx.msk [tilespmem:v38+s19+$0x0], $0xffff  }
0x535: {  	v31 =	vadd.f32 v37, v31;
	v37 =	vor.u32 s0, v3;
	v36 =	vld.idx.msk [tilespmem:v46+s19+$0x0], $0xffff  }
0x536: {  	s0 =	sadd.s32 $0xFFFFFFFD, s26;
	v28 =	vadd.f32 v33, v28;
	v38 =	vld.idx.msk [tilespmem:v35+s19+$0x0], $0xffff  }
0x537: {  	v31 =	vadd.f32 v32, v31;
	v32 =	vor.u32 s0, v4;
	v41 =	vld.idx.msk [tilespmem:v47+s19+$0x0], $0xffff  }
0x538: {  	s0 =	sadd.s32 $0xFFFFFFFE, s26;
	v28 =	vadd.f32 v39, v28;
	v39 =	vld.idx.msk [tilespmem:v40+s19+$0x0], $0xffff  }
0x539: {  	v34 =	vadd.f32 v34, v31;
	v33 =	vld.idx.msk [tilespmem:v30+s19+$0x0], $0xffff;
	v30 =	vor.u32 s0, v5  }
.Ltmp3:
0x53a: {  	v29 =	vadd.f32 v29, v28;
	s0 =	sadd.s32 $0xFFFFFFFF, s26;
	v31 =	vld.idx.msk [tilespmem:v37+s19+$0x0], $0xffff;
	(pc) =	sbr.rel @p0 .LBB2_9-.Ltmp3, $4  }
0x53b: {  	v34 =	vadd.f32 v36, v34;
	v35 =	vor.u32 s0, v6;
	v28 =	vld.idx.msk [tilespmem:v49+s19+$0x0], $0xffff  }
0x53c: {  	v36 =	vadd.f32 v38, v29;
	v32 =	vld.idx.msk [tilespmem:v32+s19+$0x0], $0xffff  }
0x53d: {  	v37 =	vadd.f32 v41, v34;
	v34 =	vor.u32 s26, v7;
	v29 =	vld.idx.msk [tilespmem:v52+s19+$0x0], $0xffff  }
0x53e: {  	s26 =	sadd.s32 $0x200, s26;
	v36 =	vadd.f32 v39, v36;
	v30 =	vld.idx.msk [tilespmem:v30+s19+$0x0], $0xffff  }
0x53f: {  	_ =	sdelay $0x2  }
0x540: {  	v33 =	vadd.f32 v33, v37  }
0x541: {  	v27 =	vld.idx.msk [tilespmem:v27+s19+$0x0], $0xffff  }
0x542: {  	v28 =	vadd.f32 v28, v33  }
0x543: {  	v26 =	vld.idx.msk [tilespmem:v26+s19+$0x0], $0xffff;
	v31 =	vadd.f32 v31, v36  }
0x544: {  	v44 =	vld.idx.msk [tilespmem:v35+s19+$0x0], $0xffff;
	v28 =	vadd.f32 v29, v28  }
0x545: {  	v25 =	vld.idx.msk [tilespmem:v25+s19+$0x0], $0xffff;
	v45 =	vadd.f32 v32, v31  }
0x546: {  	v46 =	vld.idx.msk [tilespmem:v34+s19+$0x0], $0xffff;
	v27 =	vadd.f32 v27, v28  }
0x547: {  	v24 =	vld.idx.msk [tilespmem:v24+s19+$0x0], $0xffff;
	v47 =	vadd.f32 v30, v45  }
0x548: {  	v26 =	vadd.f32 v26, v27  }
0x549: {  	v48 =	vadd.f32 v44, v47  }
0x54a: {  	v25 =	vadd.f32 v25, v26  }
0x54b: {  	v49 =	vadd.f32 v46, v48  }
0x54c: {  	s0 =	sadd.s32 $0x20, s9;
	v24 =	vadd.f32 v24, v25  }
0x54d: {  	[tilespmem:s0+$0x0] =	vst v49  }
0x54e: {  	[tilespmem:s0+$0xFFFFFFF0] =	vst v24  }
0x54f: {  	v24 =	vld.idx.msk [tilespmem:v8+s19+$0x0], $0xffff  }
0x550: {  	v50 =	vld.idx.msk [tilespmem:v9+s19+$0x0], $0xffff;
	_ =	sdelay $0x1  }
0x551: {  	v26 =	vld.idx.msk [tilespmem:v10+s19+$0x0], $0xffff;
	_ =	sdelay $0x1  }
0x552: {  	v51 =	vld.idx.msk [tilespmem:v11+s19+$0x0], $0xffff  }
0x553: {  	v24 =	vadd.f32 v50, v24  }
0x554: {  	v52 =	vld.idx.msk [tilespmem:v12+s19+$0x0], $0xffff  }
0x555: {  	v24 =	vadd.f32 v26, v24  }
0x556: {  	v53 =	vld.idx.msk [tilespmem:v13+s19+$0x0], $0xffff  }
0x557: {  	v24 =	vadd.f32 v51, v24  }
0x558: {  	v54 =	vld.idx.msk [tilespmem:v14+s19+$0x0], $0xffff  }
0x559: {  	v24 =	vadd.f32 v52, v24  }
0x55a: {  	v55 =	vld.idx.msk [tilespmem:v15+s19+$0x0], $0xffff  }
0x55b: {  	v24 =	vadd.f32 v53, v24  }
0x55c: {  	v56 =	vld.idx.msk [tilespmem:v16+s19+$0x0], $0xffff  }
0x55d: {  	v24 =	vadd.f32 v54, v24  }
0x55e: {  	v57 =	vld.idx.msk [tilespmem:v17+s19+$0x0], $0xffff  }
0x55f: {  	v24 =	vadd.f32 v55, v24  }
0x560: {  	v58 =	vld.idx.msk [tilespmem:v18+s19+$0x0], $0xffff  }
0x561: {  	v24 =	vadd.f32 v56, v24  }
0x562: {  	v59 =	vld.idx.msk [tilespmem:v19+s19+$0x0], $0xffff  }
0x563: {  	v24 =	vadd.f32 v57, v24  }
0x564: {  	v60 =	vld.idx.msk [tilespmem:v20+s19+$0x0], $0xffff  }
0x565: {  	v24 =	vadd.f32 v58, v24  }
0x566: {  	v61 =	vld.idx.msk [tilespmem:v21+s19+$0x0], $0xffff  }
0x567: {  	v24 =	vadd.f32 v59, v24  }
0x568: {  	v62 =	vld.idx.msk [tilespmem:v22+s19+$0x0], $0xffff  }
0x569: {  	v24 =	vadd.f32 v60, v24  }
0x56a: {  	v63 =	vld.idx.msk [tilespmem:v23+s19+$0x0], $0xffff  }
0x56b: {  	v24 =	vadd.f32 v61, v24  }
0x56c: {  	s12 =	sadd.s32 $0x1, s12  }
0x56d: {  	p0 =	sne.s32 s12, $0x10;
	v24 =	vadd.f32 v62, v24  }
.Ltmp4:
0x56e: {  	_ = 	snop;
	(pc) =	sbr.rel @p0 .LBB2_2-.Ltmp4, $3  }
0x56f: {  	v24 =	vadd.f32 v63, v24;
	_ =	sdelay $0x1  }
0x570: {  	s31 =	sadd.s32 s7, s15;
	s3 =	simm.s32 $0x17910;
	[tilespmem:$0x17A50] =	vst v24  }
0x571: {  	[hbm4b:s31+s5] =	stream.linear.scatter [tilespmem:s3], [sflag:$0x6], $0x150, $0x38;
	[tilespmem:$0x17A60] =	vst v63  }
0x572: {  	s0 =	simm.s32 $0x5  }
0x573: {  	_ =	swait.ge [sflag:s0], $0x150  }
0x574: {  	[sflag:s0] =	ssyncset.done $0x0  }
0x575: {  	s3 =	simm.s32 $0x6;
	[sflag:s0] =	ssyncadd.s32 $0xFFFFFEB0  }
0x576: {  	_ =	swait.ge [sflag:s3], $0x150  }
0x577: {  	s9 =	rddreg [dreg:$0x9]  }
0x578: {  	s31 =	rddreg [dreg:$0x8];
	s9 =	sadd.s32 $0x1, s9  }
0x579: {  	p0 =	sne.s32 s9, s31  }
.Ltmp5:
0x57a: {  	_ = 	snop;
	(pc) =	sbr.rel @p0 .LBB2_1-.Ltmp5, $3  }
0x57b: {  	_ =	sdelay $0x1  }
0x57c: {  	[sflag:s3] =	ssyncset.done $0x0  }
0x57d: {  	[sflag:s3] =	ssyncadd.s32 $0xFFFFFEB0  }
0x57e: {  	_ =	sfence.sel $0x180000  }
0x57f: {  	[bflag:$0x0] =	sbarrier.arrive $0xFFFF  }
0x580: {  	_ =	strace $0x90000047  }
0x581: {  	s0 =	stileid.u32;
	[bflag:$0x2] =	sbarrier.arrive $0xFFFF  }
0x582: {  	p0 =	sne.s32 s0, $0x0;
	s0 =	rddreg [dreg:$0x4]  }
0x583: {  	s0 =	sadd.s32 @!p0 $0x100000, s0  }
0x584: {  	[sflag:s0] =	ssyncadd.tile.s32 @!p0 $0x1;
	_ =	shalt  }
.Lfunc_end2:
_tile_overlayer_lowered:
.L_overlay_start_2:
0x585: {  	(tag) =	ssettag $0x2  }
0x586: {  	s0 =	rddreg [dreg:$0x0];
	s2 =	stileid.u32  }
0x587: {  	s1 =	rddreg [dreg:$0x1];
	p0 =	sne.s32 s2, $0x0  }
0x588: {  	s3 =	rddreg [dreg:$0x2];
	[bflag:$0x3] =	sbarrier.arrive $0xFFFF;
	s2 =	simm.s32 @!p0 $0x1C07  }
0x589: {  	[timem:s3], [sflag:s2] =	dma.local @!p0 [hbm:s0], s1  }
0x58a: {  	s0 =	simm.s32 @!p0 $0x7  }
0x58b: {  	_ =	swait.ge @!p0 [sflag:s0], s1  }
0x58c: {  	s1 =	ssub.s32 @!p0 $0x0, s1;
	[sflag:s0] =	ssyncset.done @!p0 $0x0  }
0x58d: {  	[sflag:s0] =	ssyncadd.s32 @!p0 s1  }
0x58e: {  	[bflag:$0x3] =	sbarrier.arrive $0xFFFF  }
0x58f: {  	_ =	shalt  }

</sc_bundles>
